<compile_context>
chip_gen: v7x
topology: tpu7x:2x2x1
jax: 0.10.2.dev20260603
libtpu: 0.0.44.dev20260713+nightly
codegen_flags: <defaults>
</compile_context>

<pallas_src>
import functools

import jax
import jax.numpy as jnp
from jax import lax
from jax.experimental import pallas as pl
from jax.experimental.pallas import tpu as pltpu
from jax.experimental.pallas import tpu_sc as plsc

NC, NS, L = 2, 16, 16
NW = NC * NS
E = 320000
EB = 128
NBLK = E // EB
NFULL = NBLK // NW
NEXTRA = NBLK - NFULL * NW
N_PAD = 10240
SCN = 1600
NCH = E // SCN
NEG = -3.0e38

_mesh = plsc.VectorSubcoreMesh(core_axis_name="c", subcore_axis_name="s",
                               num_cores=NC, num_subcores=NS)


def _wid():
    return lax.axis_index("s") * NC + lax.axis_index("c")


def _nblocks(w):
    return NFULL + jnp.where(w < NEXTRA, 1, 0).astype(jnp.int32)


def _splat(v):
    return jnp.full((L,), v, jnp.int32)



def _tc0a_body(x_ref, w_ref, o_ref):
    o_ref[...] = jnp.dot(x_ref[...], w_ref[...], preferred_element_type=jnp.float32)


def _tc0b_body(x_ref, wr_ref, wq_ref, bqr_ref, ar_ref, aq_ref, nr_ref):
    x = x_ref[...]
    ar_ref[...] = jnp.dot(x, wr_ref[...], preferred_element_type=jnp.float32)
    aq_ref[...] = jnp.dot(x, wq_ref[...], preferred_element_type=jnp.float32) + bqr_ref[0, :]
    nr_ref[...] = -x


def _tc1_body(t_ref, u_ref, wa_ref, ba_ref, m_ref):
    t = jnp.maximum(t_ref[...], 0.0)
    a = jnp.dot(t, wa_ref[...], preferred_element_type=jnp.float32) + ba_ref[0, 0]
    alpha = jax.nn.sigmoid(a)
    m_ref[...] = jnp.transpose(alpha * u_ref[...])


def _tc2_body(p_ref, wh_ref, w1_ref, w2_ref, bb_ref, wn_ref, wnb_ref,
              s1_ref, s2_ref, h2_ref):
    p = p_ref[...]
    a = jnp.maximum(p[0], p[1])
    a = jnp.where(a > -1.0e37, a, 0.0)
    agg = jnp.transpose(jnp.reshape(a, (128, a.shape[2])))
    hn = jnp.dot(agg, wh_ref[...], preferred_element_type=jnp.float32)
    s1 = jnp.dot(hn, w1_ref[...], preferred_element_type=jnp.float32) + bb_ref[0, 0]
    s2 = jnp.dot(hn, w2_ref[...], preferred_element_type=jnp.float32)
    s1_ref[...] = jnp.reshape(s1, (s1.shape[0],))
    s2_ref[...] = jnp.reshape(s2, (s2.shape[0],))
    h2_ref[...] = jnp.dot(hn, wn_ref[...], preferred_element_type=jnp.float32) + wnb_ref[0, :]


def _tc3_body(p_ref, o_ref):
    o_ref[...] = p_ref[0] + p_ref[1]


def _tc0a(hidden, ws):
    blk = 2000
    return pl.pallas_call(
        _tc0a_body,
        grid=(hidden.shape[0] // blk,),
        in_specs=[pl.BlockSpec((blk, 128), lambda i: (i, 0)),
                  pl.BlockSpec((128, 128), lambda i: (0, 0))],
        out_specs=pl.BlockSpec((blk, 128), lambda i: (i, 0)),
        out_shape=jax.ShapeDtypeStruct((hidden.shape[0], 128), jnp.float32),
    )(hidden, ws)


def _tc0b(rp, wr, wq, bqr):
    blk = 2048
    return pl.pallas_call(
        _tc0b_body,
        grid=(N_PAD // blk,),
        in_specs=[pl.BlockSpec((blk, 128), lambda i: (i, 0)),
                  pl.BlockSpec((128, 128), lambda i: (0, 0)),
                  pl.BlockSpec((128, 128), lambda i: (0, 0)),
                  pl.BlockSpec((1, 128), lambda i: (0, 0))],
        out_specs=[pl.BlockSpec((blk, 128), lambda i: (i, 0))] * 3,
        out_shape=[jax.ShapeDtypeStruct((N_PAD, 128), jnp.float32)] * 3,
    )(rp, wr, wq, bqr.reshape(1, 128))


def _tc1(T, U, w_alpha, b_alpha):
    blk = 2560
    return pl.pallas_call(
        _tc1_body,
        grid=(E // blk,),
        in_specs=[pl.BlockSpec((blk, 128), lambda i: (i, 0)),
                  pl.BlockSpec((blk, 128), lambda i: (i, 0)),
                  pl.BlockSpec((128, 1), lambda i: (0, 0)),
                  pl.BlockSpec((1, 1), lambda i: (0, 0))],
        out_specs=pl.BlockSpec((128, blk), lambda i: (0, i)),
        out_shape=jax.ShapeDtypeStruct((128, E), jnp.float32),
    )(T, U, w_alpha, b_alpha.reshape(1, 1))


def _tc2(agg, wh, w1, w2, bb, wn, wnb):
    blk = 2048
    return pl.pallas_call(
        _tc2_body,
        grid=(N_PAD // blk,),
        in_specs=[pl.BlockSpec((2, 16, 8, blk), lambda i: (0, 0, 0, i)),
                  pl.BlockSpec((128, 128), lambda i: (0, 0)),
                  pl.BlockSpec((128, 1), lambda i: (0, 0)),
                  pl.BlockSpec((128, 1), lambda i: (0, 0)),
                  pl.BlockSpec((1, 1), lambda i: (0, 0)),
                  pl.BlockSpec((128, 128), lambda i: (0, 0)),
                  pl.BlockSpec((1, 128), lambda i: (0, 0))],
        out_specs=[pl.BlockSpec((blk,), lambda i: (i,)),
                   pl.BlockSpec((blk,), lambda i: (i,)),
                   pl.BlockSpec((blk, 128), lambda i: (i, 0))],
        out_shape=[jax.ShapeDtypeStruct((N_PAD,), jnp.float32),
                   jax.ShapeDtypeStruct((N_PAD,), jnp.float32),
                   jax.ShapeDtypeStruct((N_PAD, 128), jnp.float32)],
    )(agg, wh, w1, w2, bb.reshape(1, 1), wn, wnb.reshape(1, 128))


def _tc3(parts):
    blk = 2048
    return pl.pallas_call(
        _tc3_body,
        grid=(N_PAD // blk,),
        in_specs=[pl.BlockSpec((2, blk, 128), lambda i: (0, i, 0))],
        out_specs=pl.BlockSpec((blk, 128), lambda i: (i, 0)),
        out_shape=jax.ShapeDtypeStruct((N_PAD, 128), jnp.float32),
    )(parts)



def _sc_a_body(edges, qrel, a_s, a_r, a_q, hid, nrel,
               t_out, u_out, subc, objc,
               edg_v, qrl_v, sub_v, rel_v, q_v, obj_v, rs_v, rr_v, rq_v):
    w = _wid()
    iot = lax.iota(jnp.int32, L)
    pltpu.sync_copy(qrel, qrl_v)
    nb = _nblocks(w)

    def blk_body(j, carry):
        b = w + j * NW
        base = b * EB
        pltpu.sync_copy(edges.at[pl.ds(base * 6, EB * 6)], edg_v)

        def grp(g, c):
            rows = (g * L + iot) * 6
            c0 = plsc.load_gather(edg_v, [rows])
            c2 = plsc.load_gather(edg_v, [rows + 2])
            c4 = plsc.load_gather(edg_v, [rows + 4])
            c5 = plsc.load_gather(edg_v, [rows + 5])
            q = plsc.load_gather(qrl_v, [c0])
            sub_v[pl.ds(g * L, L)] = c4
            rel_v[pl.ds(g * L, L)] = c2
            q_v[pl.ds(g * L, L)] = q
            obj_v[pl.ds(g * L, L)] = c5
            return c

        lax.fori_loop(0, EB // L, grp, 0)
        pltpu.sync_copy(a_s.at[sub_v], rs_v)
        pltpu.sync_copy(a_r.at[rel_v], rr_v)
        pltpu.sync_copy(a_q.at[q_v], rq_v)

        def addt(e, c):
            for k in range(8):
                sl = pl.ds(k * L, L)
                rs_v[e, sl] = rs_v[e, sl] + rr_v[e, sl] + rq_v[e, sl]
            return c

        lax.fori_loop(0, EB, addt, 0)
        pltpu.sync_copy(rs_v, t_out.at[pl.ds(base, EB), :])
        pltpu.sync_copy(hid.at[sub_v], rr_v)
        pltpu.sync_copy(nrel.at[rel_v], rq_v)

        def addu(e, c):
            for k in range(8):
                sl = pl.ds(k * L, L)
                rr_v[e, sl] = rr_v[e, sl] + rq_v[e, sl]
            return c

        lax.fori_loop(0, EB, addu, 0)
        pltpu.sync_copy(rr_v, u_out.at[pl.ds(base, EB), :])
        pltpu.sync_copy(sub_v, subc.at[pl.ds(base, EB)])
        pltpu.sync_copy(obj_v, objc.at[pl.ds(base, EB)])
        return carry

    lax.fori_loop(0, nb, blk_body, 0)


def _sc_a(edges, q_rel, a_s, a_r, a_q, hidden, nrel):
    f = pl.kernel(
        _sc_a_body,
        out_type=[jax.ShapeDtypeStruct((E, 128), jnp.float32),
                  jax.ShapeDtypeStruct((E, 128), jnp.float32),
                  jax.ShapeDtypeStruct((E,), jnp.int32),
                  jax.ShapeDtypeStruct((E,), jnp.int32)],
        mesh=_mesh,
        compiler_params=pltpu.CompilerParams(needs_layout_passes=False),
        scratch_types=[pltpu.VMEM((EB * 6,), jnp.int32),
                       pltpu.VMEM((10000,), jnp.int32),
                       pltpu.VMEM((EB,), jnp.int32),
                       pltpu.VMEM((EB,), jnp.int32),
                       pltpu.VMEM((EB,), jnp.int32),
                       pltpu.VMEM((EB,), jnp.int32),
                       pltpu.VMEM((EB, 128), jnp.float32),
                       pltpu.VMEM((EB, 128), jnp.float32),
                       pltpu.VMEM((EB, 128), jnp.float32)],
    )
    return f(edges, q_rel, a_s, a_r, a_q, hidden, nrel)


CH2 = 1280
EHALF = E // NC
NCH2 = EHALF // CH2


def _sc_b_body(objc, m_in, part_out, obj_v, ms_v, agg_v):
    h = lax.axis_index("c")
    s = lax.axis_index("s")
    f0 = s * 8
    iot = lax.iota(jnp.int32, L)
    lane_f = iot & 7
    half = lax.shift_right_logical(iot, 3)
    negv = jnp.full((L,), NEG, jnp.float32)

    def ini(i, c):
        plsc.store_scatter(agg_v, [lane_f, i * 2 + half], negv)
        return c

    lax.fori_loop(0, N_PAD // 2, ini, 0)

    def chunk(c, carry):
        ebase = h * EHALF + c * CH2
        pltpu.sync_copy(objc.at[pl.ds(ebase, CH2)], obj_v)
        pltpu.sync_copy(m_in.at[pl.ds(f0, 8), pl.ds(ebase, CH2)], ms_v)

        def vec(g, cc):
            erow = g * 2 + half
            orep = plsc.load_gather(obj_v, [erow])
            mv = plsc.load_gather(ms_v, [lane_f, erow])
            rot8 = (iot + 8) & 15
            orot = orep.at[rot8].get(mode="promise_in_bounds")
            mrot = mv.at[rot8].get(mode="promise_in_bounds")
            mv = jnp.where(orep == orot, jnp.maximum(mv, mrot), mv)
            av = plsc.load_gather(agg_v, [lane_f, orep])
            plsc.store_scatter(agg_v, [lane_f, orep], jnp.maximum(av, mv))
            return cc

        lax.fori_loop(0, CH2 // 2, vec, 0)
        return carry

    lax.fori_loop(0, NCH2, chunk, 0)
    pltpu.sync_copy(agg_v, part_out.at[h, s])


def _sc_b(objc, m_in):
    f = pl.kernel(
        _sc_b_body,
        out_type=jax.ShapeDtypeStruct((NC, NS, 8, N_PAD), jnp.float32),
        mesh=_mesh,
        compiler_params=pltpu.CompilerParams(needs_layout_passes=False),
        scratch_types=[pltpu.VMEM((CH2,), jnp.int32),
                       pltpu.VMEM((8, CH2), jnp.float32),
                       pltpu.VMEM((8, N_PAD), jnp.float32)],
    )
    return f(objc, m_in)


def _sc_c1_body(subc, objc, s1, s2, scores_out, stats_out,
                sub_v, obj_v, s1_v, s2_v, sc_v, st_v):
    w = _wid()
    iot = lax.iota(jnp.int32, L)
    nb = _nblocks(w)
    m0 = jnp.full((L,), NEG, jnp.float32)
    s0 = jnp.zeros((L,), jnp.float32)

    def blk(j, MS):
        b = w + j * NW
        base = b * EB
        pltpu.sync_copy(subc.at[pl.ds(base, EB)], sub_v)
        pltpu.sync_copy(objc.at[pl.ds(base, EB)], obj_v)
        pltpu.sync_copy(s1.at[sub_v], s1_v)
        pltpu.sync_copy(s2.at[obj_v], s2_v)

        def grp(g, MS2):
            M, S = MS2
            x = s1_v[pl.ds(g * L, L)] + s2_v[pl.ds(g * L, L)]
            x = jnp.maximum(x, 0.2 * x)
            sc_v[pl.ds(g * L, L)] = x
            mn = jnp.maximum(M, x)
            S = S * jnp.exp(M - mn) + jnp.exp(x - mn)
            return (mn, S)

        MS = lax.fori_loop(0, EB // L, grp, MS)
        pltpu.sync_copy(sc_v, scores_out.at[pl.ds(base, EB)])
        return MS

    M, S = lax.fori_loop(0, nb, blk, (m0, s0))
    plsc.store_scatter(st_v, [_splat(0), iot], M)
    plsc.store_scatter(st_v, [_splat(1), iot], S)
    pltpu.sync_copy(st_v, stats_out.at[w])


def _sc_c1(subc, objc, s1, s2):
    f = pl.kernel(
        _sc_c1_body,
        out_type=[jax.ShapeDtypeStruct((E,), jnp.float32),
                  jax.ShapeDtypeStruct((NW, 2, L), jnp.float32)],
        mesh=_mesh,
        compiler_params=pltpu.CompilerParams(needs_layout_passes=False),
        scratch_types=[pltpu.VMEM((EB,), jnp.int32),
                       pltpu.VMEM((EB,), jnp.int32),
                       pltpu.VMEM((EB,), jnp.float32),
                       pltpu.VMEM((EB,), jnp.float32),
                       pltpu.VMEM((EB,), jnp.float32),
                       pltpu.VMEM((2, L), jnp.float32)],
    )
    return f(subc, objc, s1, s2)


def _sc_c2_body(subc, objc, scores, stats, h2, out_p,
                sub_v, obj_v, sc_v, w_v, h2r_v, z_v, st_v, osh):
    w = _wid()
    sid = lax.axis_index("s")
    cid = lax.axis_index("c")
    iot = lax.iota(jnp.int32, L)
    pltpu.sync_copy(stats, st_v)

    def comb(t, MS):
        M, S = MS
        mv = plsc.load_gather(st_v, [_splat(t), _splat(0), iot])
        sv = plsc.load_gather(st_v, [_splat(t), _splat(1), iot])
        mn = jnp.maximum(M, mv)
        S = S * jnp.exp(M - mn) + sv * jnp.exp(mv - mn)
        return (mn, S)

    M, S = lax.fori_loop(0, NW, comb,
                         (jnp.full((L,), NEG, jnp.float32),
                          jnp.zeros((L,), jnp.float32)))
    ms = lax.reduce_max(M, (0,))
    zs = lax.reduce_sum(S * jnp.exp(M - ms), (0,))
    inv = jnp.ones((L,), jnp.float32) / jnp.broadcast_to(zs, (L,))

    def z(i, c):
        for k in range(8):
            z_v[i, pl.ds(k * L, L)] = jnp.zeros((L,), jnp.float32)
        return c

    lax.fori_loop(0, EB, z, 0)
    for r in range(5):
        pltpu.sync_copy(z_v, osh.at[pl.ds(sid * 640 + r * EB, EB), :])
    plsc.subcore_barrier()

    nb = _nblocks(w)

    def blk(j, carry):
        b = w + j * NW
        base = b * EB
        pltpu.sync_copy(subc.at[pl.ds(base, EB)], sub_v)
        pltpu.sync_copy(objc.at[pl.ds(base, EB)], obj_v)
        pltpu.sync_copy(scores.at[pl.ds(base, EB)], sc_v)
        pltpu.sync_copy(h2.at[obj_v], h2r_v)

        def grp(g, c):
            x = sc_v[pl.ds(g * L, L)]
            w_v[pl.ds(g * L, L)] = jnp.exp(x - ms) * inv
            return c

        lax.fori_loop(0, EB // L, grp, 0)

        def scale(i, c):
            wv = plsc.load_gather(w_v, [_splat(i)])
            for k in range(8):
                sl = pl.ds(k * L, L)
                h2r_v[i, sl] = h2r_v[i, sl] * wv
            return c

        lax.fori_loop(0, EB, scale, 0)
        pltpu.sync_copy(h2r_v, osh.at[sub_v], add=True)
        return carry

    lax.fori_loop(0, nb, blk, 0)
    plsc.subcore_barrier()
    for r in range(5):
        pltpu.sync_copy(osh.at[pl.ds(sid * 640 + r * EB, EB), :],
                        out_p.at[cid, pl.ds(sid * 640 + r * EB, EB), :])


def _sc_c2(subc, objc, scores, stats, h2):
    f = pl.kernel(
        _sc_c2_body,
        out_type=jax.ShapeDtypeStruct((NC, N_PAD, 128), jnp.float32),
        mesh=_mesh,
        compiler_params=pltpu.CompilerParams(needs_layout_passes=False),
        scratch_types=[pltpu.VMEM((EB,), jnp.int32),
                       pltpu.VMEM((EB,), jnp.int32),
                       pltpu.VMEM((EB,), jnp.float32),
                       pltpu.VMEM((EB,), jnp.float32),
                       pltpu.VMEM((EB, 128), jnp.float32),
                       pltpu.VMEM((EB, 128), jnp.float32),
                       pltpu.VMEM((NW, 2, L), jnp.float32),
                       pltpu.VMEM_SHARED((N_PAD, 128), jnp.float32)],
    )
    return f(subc, objc, scores, stats, h2)



def kernel(q_sub, q_rel, hidden, edges, nodes, old_nodes_new_idx, batchsize,
           rela_embed, Ws_attn, Wr_attn, Wqr_attn, bqr, w_alpha, b_alpha, W_h,
           attn_fc_w, attn_fc_b, W_node_w, W_node_b):
    rp = jnp.pad(rela_embed, ((0, N_PAD - rela_embed.shape[0]), (0, 0)))
    edges = edges.astype(jnp.int32)
    q_rel = q_rel.astype(jnp.int32)

    a_s = _tc0a(hidden, Ws_attn)
    a_r, a_q, nrel = _tc0b(rp, Wr_attn, Wqr_attn, bqr)
    T, U, subc, objc = _sc_a(edges.reshape(-1), q_rel, a_s, a_r, a_q, hidden, nrel)
    M = _tc1(T, U, w_alpha, b_alpha)
    agg = _sc_b(objc, M)
    s1, s2, h2 = _tc2(agg, W_h, attn_fc_w[:128], attn_fc_w[128:],
                      attn_fc_b, W_node_w, W_node_b)
    scores, stats = _sc_c1(subc, objc, s1, s2)
    parts = _sc_c2(subc, objc, scores, stats, h2)
    out = _tc3(parts)
    return out[:10000]

# --- scband reference (transcript-rebuilt; emitter-appended) ---
"""Pipeline reference for scband-gnnlayer-7756710937144 (READ-ONLY COPY).

The authoritative reference and input builder live on the scoring server;
editing this copy changes nothing except your own understanding.
"""

import jax, jax.numpy as jnp
import numpy as np

IN_DIM = 128
OUT_DIM = 128
ATTN_DIM = 128
N_REL = 5000
N_NODE = 10000
N_EDGE = 320000
B = 10000
N_VOCAB = 2 * N_REL + 1


def setup_inputs(seed: int = 0) -> dict:
    key = jax.random.key(seed)
    ks = jax.random.split(key, 20)
    s = 0.05
    inp = {
        "q_sub": jax.random.randint(ks[0], (B,), 0, N_NODE),
        "q_rel": jax.random.randint(ks[1], (B,), 0, N_VOCAB),
        "hidden": jax.random.normal(ks[2], (N_NODE, IN_DIM), dtype=jnp.float32),
        "edges": jax.random.randint(ks[3], (N_EDGE, 6), 0, N_NODE),
        "nodes": jax.random.randint(ks[4], (N_NODE, 2), 0, N_NODE),
        "old_nodes_new_idx": jax.random.randint(ks[5], (5000,), 0, N_NODE),
        "batchsize": B,
        "rela_embed": jax.random.normal(ks[6], (N_VOCAB, IN_DIM), dtype=jnp.float32) * s,
        "Ws_attn": jax.random.normal(ks[7], (IN_DIM, ATTN_DIM), dtype=jnp.float32) * s,
        "Wr_attn": jax.random.normal(ks[8], (IN_DIM, ATTN_DIM), dtype=jnp.float32) * s,
        "Wqr_attn": jax.random.normal(ks[9], (IN_DIM, ATTN_DIM), dtype=jnp.float32) * s,
        "bqr": jnp.zeros((ATTN_DIM,), dtype=jnp.float32),
        "w_alpha": jax.random.normal(ks[10], (ATTN_DIM, 1), dtype=jnp.float32) * s,
        "b_alpha": jnp.zeros((1,), dtype=jnp.float32),
        "W_h": jax.random.normal(ks[11], (IN_DIM, OUT_DIM), dtype=jnp.float32) * s,
        "attn_fc_w": jax.random.normal(ks[12], (2 * OUT_DIM, 1), dtype=jnp.float32) * s,
        "attn_fc_b": jnp.zeros((1,), dtype=jnp.float32),
        "W_node_w": jax.random.normal(ks[13], (OUT_DIM, OUT_DIM), dtype=jnp.float32) * s,
        "W_node_b": jnp.zeros((OUT_DIM,), dtype=jnp.float32),
    }
    return inp


def reference(q_sub, q_rel, hidden, edges, nodes, old_nodes_new_idx, batchsize,
              rela_embed, Ws_attn, Wr_attn, Wqr_attn, bqr, w_alpha, b_alpha, W_h,
              attn_fc_w, attn_fc_b, W_node_w, W_node_b):
    sub = edges[:, 4]
    rel = edges[:, 2]
    obj = edges[:, 5]
    r_idx = edges[:, 0]
    n_node = nodes.shape[0]
    hs = jnp.take(hidden, sub, axis=0)
    hr = jnp.take(rela_embed, rel, axis=0)
    h_qr = jnp.take(jnp.take(rela_embed, q_rel, axis=0), r_idx, axis=0)
    message = hs - hr
    attn_h = jax.nn.relu(hs @ Ws_attn + hr @ Wr_attn + h_qr @ Wqr_attn + bqr)
    alpha = jax.nn.sigmoid(attn_h @ w_alpha + b_alpha)
    message = alpha * message
    agg = jax.ops.segment_max(message, obj, num_segments=n_node)
    # torch_scatter scatter(reduce='max') fills empty segments with 0
    agg = jnp.where(jnp.isfinite(agg), agg, 0.0)
    hidden_new = agg @ W_h  # act = identity (default)
    cat = jnp.concatenate([jnp.take(hidden_new, sub, axis=0), jnp.take(hidden_new, obj, axis=0)], axis=-1)
    scores = jax.nn.leaky_relu((cat @ attn_fc_w + attn_fc_b).squeeze(-1), negative_slope=0.2)
    # eval-mode softmax over the edge dimension (scatter_softmax result is discarded in the original)
    weights = jax.nn.softmax(scores)
    vals = weights[:, None] * (jnp.take(hidden_new, obj, axis=0) @ W_node_w + W_node_b)
    out = jax.ops.segment_sum(vals, sub, num_segments=n_node)
    return out

if __name__ == "__main__":
    import jax
    _d = setup_inputs()
    print(jax.jit(kernel)(*tuple(_d.values())))

</pallas_src>

<mosaic_0001>
#map = affine_map<(d0, d1) -> (0)>
#map1 = affine_map<(d0, d1) -> (0, 0)>
#map2 = affine_map<(d0, d1) -> (0, 0, 0, 0)>
module attributes {stable_mosaic.version = 14 : i64} {
  func.func @_sc_b_body(%arg0: i32, %arg1: i32, %arg2: memref<320000xi32, #tpu.memory_space<hbm>>, %arg3: memref<128x320000xf32, #tpu.memory_space<hbm>>, %arg4: memref<2x16x8x10240xf32, #tpu.memory_space<hbm>>, %arg5: memref<1280xi32, #tpu.memory_space<vmem>>, %arg6: memref<8x1280xf32, #tpu.memory_space<vmem>>, %arg7: memref<8x10240xf32, #tpu.memory_space<vmem>>) attributes {dimension_semantics = [#tpu.dimension_semantics<core_parallel>, #tpu.dimension_semantics<subcore_parallel>], iteration_bounds = array<i64: 2, 16>, scalar_prefetch = 0 : i64, scratch_operands = 3 : i64, tpu.core_type = #tpu.core_type<sc_vector_subcore>, window_params = [{transform_indices = #map}, {transform_indices = #map1}, {transform_indices = #map2}]} {
    %mul3A = arith.constant 8 : i32
    %mul3A_0 = arith.muli %arg1, %mul3A : i32
    %iota3A = tpu.iota {dimensions = array<i32: 0>} : vector<16xi32>
    %and3A = arith.constant 7 : i32
    %and3A_1 = vector.broadcast %and3A : i32 to vector<16xi32>
    %and3A_2 = arith.andi %iota3A, %and3A_1 : vector<16xi32>
    %shift_right_logical3A = arith.constant 3 : i32
    %shift_right_logical3A_3 = vector.broadcast %shift_right_logical3A : i32 to vector<16xi32>
    %shift_right_logical3A_4 = arith.shrui %iota3A, %shift_right_logical3A_3 : vector<16xi32>
    %broadcast_in_dim3A = arith.constant -3.000000e+38 : f32
    %broadcast_in_dim3A_5 = vector.broadcast %broadcast_in_dim3A : f32 to vector<16xf32>
    %scan3A = arith.constant 0 : i32
    %scan3A_6 = arith.constant 0 : i32
    %scan3A_7 = arith.constant 5120 : i32
    %scan3A_8 = arith.addi %scan3A_6, %scan3A_7 : i32
    %scan3A_9 = arith.constant 1 : i32
    scf.for %scan3A_17 = %scan3A_6 to %scan3A_8 step %scan3A_9  : i32 {
      %mul3A_18 = arith.constant 2 : i32
      %mul3A_19 = arith.muli %scan3A_17, %mul3A_18 : i32
      %add3A = vector.broadcast %mul3A_19 : i32 to vector<16xi32>
      %add3A_20 = arith.addi %add3A, %shift_right_logical3A_4 : vector<16xi32>
      tpu.vector_store_idx %arg7[%and3A_2, %add3A_20], %broadcast_in_dim3A_5 : memref<8x10240xf32, #tpu.memory_space<vmem>>[vector<16xi32>, vector<16xi32>], vector<16xf32>,
    }
    %scan3A_10 = arith.constant 5120 : i32
    %scan3A_11 = arith.constant 0 : i32
    %scan3A_12 = arith.constant 0 : i32
    %scan3A_13 = arith.constant 125 : i32
    %scan3A_14 = arith.addi %scan3A_12, %scan3A_13 : i32
    %scan3A_15 = arith.constant 1 : i32
    scf.for %scan3A_17 = %scan3A_12 to %scan3A_14 step %scan3A_15  : i32 {
      %mul3A_18 = arith.constant 160000 : i32
      %mul3A_19 = arith.muli %arg0, %mul3A_18 : i32
      %mul3A_20 = arith.constant 1280 : i32
      %mul3A_21 = arith.muli %scan3A_17, %mul3A_20 : i32
      %add3A = arith.addi %mul3A_19, %mul3A_21 : i32
      "tpu.region"() ({
        %run_scoped3A = tpu.sem_alloc : memref<!tpu.dma_semaphore, #tpu.memory_space<semaphore_mem>>
        %dma_start3A = tpu.memref_slice %arg2[%add3A] : memref<320000xi32, #tpu.memory_space<hbm>> -> memref<1280xi32, #tpu.memory_space<hbm>>
        %dma_start3A_28 = tpu.memref_slice %arg2[%add3A] : memref<320000xi32, #tpu.memory_space<hbm>> -> memref<1280xi32, #tpu.memory_space<hbm>>
        tpu.enqueue_dma source(%dma_start3A_28 : memref<1280xi32, #tpu.memory_space<hbm>>) target(%arg5 : memref<1280xi32, #tpu.memory_space<vmem>>) target_semaphore(%run_scoped3A : memref<!tpu.dma_semaphore, #tpu.memory_space<semaphore_mem>>)
        %dma_wait3A = tpu.memref_slice %arg2[%add3A] : memref<320000xi32, #tpu.memory_space<hbm>> -> memref<1280xi32, #tpu.memory_space<hbm>>
        %dma_wait3A_29 = tpu.memref_slice %arg2[%add3A] : memref<320000xi32, #tpu.memory_space<hbm>> -> memref<1280xi32, #tpu.memory_space<hbm>>
        tpu.wait_dma2 semaphore(%run_scoped3A : memref<!tpu.dma_semaphore, #tpu.memory_space<semaphore_mem>>) src(%dma_wait3A_29 : memref<1280xi32, #tpu.memory_space<hbm>>) dst(%arg5 : memref<1280xi32, #tpu.memory_space<vmem>>)
        tpu.yield
      }) : () -> ()
      "tpu.region"() ({
        %run_scoped3A = tpu.sem_alloc : memref<!tpu.dma_semaphore, #tpu.memory_space<semaphore_mem>>
        %dma_start3A = tpu.memref_slice %arg3[%mul3A_0, %add3A] : memref<128x320000xf32, #tpu.memory_space<hbm>> -> memref<8x1280xf32, #tpu.memory_space<hbm>>
        %dma_start3A_28 = tpu.memref_slice %arg3[%mul3A_0, %add3A] : memref<128x320000xf32, #tpu.memory_space<hbm>> -> memref<8x1280xf32, #tpu.memory_space<hbm>>
        tpu.enqueue_dma source(%dma_start3A_28 : memref<8x1280xf32, #tpu.memory_space<hbm>>) target(%arg6 : memref<8x1280xf32, #tpu.memory_space<vmem>>) target_semaphore(%run_scoped3A : memref<!tpu.dma_semaphore, #tpu.memory_space<semaphore_mem>>)
        %dma_wait3A = tpu.memref_slice %arg3[%mul3A_0, %add3A] : memref<128x320000xf32, #tpu.memory_space<hbm>> -> memref<8x1280xf32, #tpu.memory_space<hbm>>
        %dma_wait3A_29 = tpu.memref_slice %arg3[%mul3A_0, %add3A] : memref<128x320000xf32, #tpu.memory_space<hbm>> -> memref<8x1280xf32, #tpu.memory_space<hbm>>
        tpu.wait_dma2 semaphore(%run_scoped3A : memref<!tpu.dma_semaphore, #tpu.memory_space<semaphore_mem>>) src(%dma_wait3A_29 : memref<8x1280xf32, #tpu.memory_space<hbm>>) dst(%arg6 : memref<8x1280xf32, #tpu.memory_space<vmem>>)
        tpu.yield
      }) : () -> ()
      %scan3A_22 = arith.constant 0 : i32
      %scan3A_23 = arith.constant 0 : i32
      %scan3A_24 = arith.constant 640 : i32
      %scan3A_25 = arith.addi %scan3A_23, %scan3A_24 : i32
      %scan3A_26 = arith.constant 1 : i32
      scf.for %scan3A_28 = %scan3A_23 to %scan3A_25 step %scan3A_26  : i32 {
        %mul3A_29 = arith.constant 2 : i32
        %mul3A_30 = arith.muli %scan3A_28, %mul3A_29 : i32
        %add3A_31 = vector.broadcast %mul3A_30 : i32 to vector<16xi32>
        %add3A_32 = arith.addi %add3A_31, %shift_right_logical3A_4 : vector<16xi32>
        %gather3A = tpu.vector_load_idx %arg5[%add3A_32] : memref<1280xi32, #tpu.memory_space<vmem>>[vector<16xi32>], vector<16xi32>,
        %gather3A_33 = tpu.vector_load_idx %arg6[%and3A_2, %add3A_32] : memref<8x1280xf32, #tpu.memory_space<vmem>>[vector<16xi32>, vector<16xi32>], vector<16xf32>,
        %add3A_34 = arith.constant 8 : i32
        %add3A_35 = vector.broadcast %add3A_34 : i32 to vector<16xi32>
        %add3A_36 = arith.addi %iota3A, %add3A_35 : vector<16xi32>
        %and3A_37 = arith.constant 15 : i32
        %and3A_38 = vector.broadcast %and3A_37 : i32 to vector<16xi32>
        %and3A_39 = arith.andi %add3A_36, %and3A_38 : vector<16xi32>
        %lt3A = arith.constant 0 : i32
        %lt3A_40 = vector.broadcast %lt3A : i32 to vector<16xi32>
        %lt3A_41 = arith.cmpi slt, %and3A_39, %lt3A_40 : vector<16xi32>
        %add3A_42 = arith.constant 16 : i32
        %add3A_43 = vector.broadcast %add3A_42 : i32 to vector<16xi32>
        %add3A_44 = arith.addi %and3A_39, %add3A_43 : vector<16xi32>
        %select_n3A = arith.select %lt3A_41, %add3A_44, %and3A_39 : vector<16xi1>, vector<16xi32>
        %broadcast_in_dim3A_45 = vector.shape_cast %select_n3A : vector<16xi32> to vector<16x1xi32>
        %gather3A_46 = vector.shape_cast %broadcast_in_dim3A_45 : vector<16x1xi32> to vector<16xi32>
        %gather3A_47 = tpu.dynamic_gather %gather3A[%gather3A_46] in [0] : vector<16xi32>, vector<16xi32> -> vector<16xi32>
        %lt3A_48 = arith.constant 0 : i32
        %lt3A_49 = vector.broadcast %lt3A_48 : i32 to vector<16xi32>
        %lt3A_50 = arith.cmpi slt, %and3A_39, %lt3A_49 : vector<16xi32>
        %add3A_51 = arith.constant 16 : i32
        %add3A_52 = vector.broadcast %add3A_51 : i32 to vector<16xi32>
        %add3A_53 = arith.addi %and3A_39, %add3A_52 : vector<16xi32>
        %select_n3A_54 = arith.select %lt3A_50, %add3A_53, %and3A_39 : vector<16xi1>, vector<16xi32>
        %broadcast_in_dim3A_55 = vector.shape_cast %select_n3A_54 : vector<16xi32> to vector<16x1xi32>
        %gather3A_56 = vector.shape_cast %broadcast_in_dim3A_55 : vector<16x1xi32> to vector<16xi32>
        %gather3A_57 = tpu.dynamic_gather %gather3A_33[%gather3A_56] in [0] : vector<16xf32>, vector<16xi32> -> vector<16xf32>
        %eq3A = arith.cmpi eq, %gather3A, %gather3A_47 : vector<16xi32>
        %max3A = arith.maximumf %gather3A_33, %gather3A_57 : vector<16xf32>
        %select_n3A_58 = arith.select %eq3A, %max3A, %gather3A_33 : vector<16xi1>, vector<16xf32>
        %gather3A_59 = tpu.vector_load_idx %arg7[%and3A_2, %gather3A] : memref<8x10240xf32, #tpu.memory_space<vmem>>[vector<16xi32>, vector<16xi32>], vector<16xf32>,
        %max3A_60 = arith.maximumf %gather3A_59, %select_n3A_58 : vector<16xf32>
        tpu.vector_store_idx %arg7[%and3A_2, %gather3A], %max3A_60 : memref<8x10240xf32, #tpu.memory_space<vmem>>[vector<16xi32>, vector<16xi32>], vector<16xf32>,
      }
      %scan3A_27 = arith.constant 640 : i32
    }
    %scan3A_16 = arith.constant 125 : i32
    "tpu.region"() ({
      %run_scoped3A = tpu.sem_alloc : memref<!tpu.dma_semaphore, #tpu.memory_space<semaphore_mem>>
      %dma_start3A = arith.constant 0 : i32
      %dma_start3A_17 = arith.constant 0 : i32
      %dma_start3A_18 = tpu.memref_slice %arg4[%arg0, %arg1, %dma_start3A, %dma_start3A_17] : memref<2x16x8x10240xf32, #tpu.memory_space<hbm>> -> memref<1x1x8x10240xf32, #tpu.memory_space<hbm>>
      %dma_start3A_19 = tpu.memref_squeeze %dma_start3A_18 : memref<1x1x8x10240xf32, #tpu.memory_space<hbm>> -> memref<8x10240xf32, #tpu.memory_space<hbm>>
      %dma_start3A_20 = arith.constant 0 : i32
      %dma_start3A_21 = arith.constant 0 : i32
      %dma_start3A_22 = tpu.memref_slice %arg4[%arg0, %arg1, %dma_start3A_20, %dma_start3A_21] : memref<2x16x8x10240xf32, #tpu.memory_space<hbm>> -> memref<1x1x8x10240xf32, #tpu.memory_space<hbm>>
      %dma_start3A_23 = tpu.memref_squeeze %dma_start3A_22 : memref<1x1x8x10240xf32, #tpu.memory_space<hbm>> -> memref<8x10240xf32, #tpu.memory_space<hbm>>
      tpu.enqueue_dma source(%arg7 : memref<8x10240xf32, #tpu.memory_space<vmem>>) target(%dma_start3A_23 : memref<8x10240xf32, #tpu.memory_space<hbm>>) target_semaphore(%run_scoped3A : memref<!tpu.dma_semaphore, #tpu.memory_space<semaphore_mem>>)
      %dma_wait3A = arith.constant 0 : i32
      %dma_wait3A_24 = arith.constant 0 : i32
      %dma_wait3A_25 = tpu.memref_slice %arg4[%arg0, %arg1, %dma_wait3A, %dma_wait3A_24] : memref<2x16x8x10240xf32, #tpu.memory_space<hbm>> -> memref<1x1x8x10240xf32, #tpu.memory_space<hbm>>
      %dma_wait3A_26 = tpu.memref_squeeze %dma_wait3A_25 : memref<1x1x8x10240xf32, #tpu.memory_space<hbm>> -> memref<8x10240xf32, #tpu.memory_space<hbm>>
      %dma_wait3A_27 = arith.constant 0 : i32
      %dma_wait3A_28 = arith.constant 0 : i32
      %dma_wait3A_29 = tpu.memref_slice %arg4[%arg0, %arg1, %dma_wait3A_27, %dma_wait3A_28] : memref<2x16x8x10240xf32, #tpu.memory_space<hbm>> -> memref<1x1x8x10240xf32, #tpu.memory_space<hbm>>
      %dma_wait3A_30 = tpu.memref_squeeze %dma_wait3A_29 : memref<1x1x8x10240xf32, #tpu.memory_space<hbm>> -> memref<8x10240xf32, #tpu.memory_space<hbm>>
      tpu.wait_dma2 semaphore(%run_scoped3A : memref<!tpu.dma_semaphore, #tpu.memory_space<semaphore_mem>>) src(%arg7 : memref<8x10240xf32, #tpu.memory_space<vmem>>) dst(%dma_wait3A_30 : memref<8x10240xf32, #tpu.memory_space<hbm>>)
      tpu.yield
    }) : () -> ()
    return
  }
}

#map = affine_map<(d0, d1) -> (0)>
#map1 = affine_map<(d0, d1) -> (0, 0, 0)>
module attributes {stable_mosaic.version = 14 : i64} {
  func.func @_sc_c1_body(%arg0: i32, %arg1: i32, %arg2: memref<320000xi32, #tpu.memory_space<hbm>>, %arg3: memref<320000xi32, #tpu.memory_space<hbm>>, %arg4: memref<10240xf32, #tpu.memory_space<hbm>>, %arg5: memref<10240xf32, #tpu.memory_space<hbm>>, %arg6: memref<320000xf32, #tpu.memory_space<hbm>>, %arg7: memref<32x2x16xf32, #tpu.memory_space<hbm>>, %arg8: memref<128xi32, #tpu.memory_space<vmem>>, %arg9: memref<128xi32, #tpu.memory_space<vmem>>, %arg10: memref<128xf32, #tpu.memory_space<vmem>>, %arg11: memref<128xf32, #tpu.memory_space<vmem>>, %arg12: memref<128xf32, #tpu.memory_space<vmem>>, %arg13: memref<2x16xf32, #tpu.memory_space<vmem>>) attributes {dimension_semantics = [#tpu.dimension_semantics<core_parallel>, #tpu.dimension_semantics<subcore_parallel>], iteration_bounds = array<i64: 2, 16>, scalar_prefetch = 0 : i64, scratch_operands = 6 : i64, tpu.core_type = #tpu.core_type<sc_vector_subcore>, window_params = [{transform_indices = #map}, {transform_indices = #map}, {transform_indices = #map}, {transform_indices = #map}, {transform_indices = #map}, {transform_indices = #map1}]} {
    %mul3A = arith.constant 2 : i32
    %mul3A_0 = arith.muli %arg1, %mul3A : i32
    %add3A = arith.addi %mul3A_0, %arg0 : i32
    %iota3A = tpu.iota {dimensions = array<i32: 0>} : vector<16xi32>
    %lt3A = arith.constant 4 : i32
    %lt3A_1 = arith.cmpi slt, %add3A, %lt3A : i32
    %jit3A = arith.constant 1 : i32
    %jit3A_2 = arith.constant 0 : i32
    %select_n3A = arith.select %lt3A_1, %jit3A, %jit3A_2 : i32
    %add3A_3 = arith.constant 78 : i32
    %add3A_4 = arith.addi %add3A_3, %select_n3A : i32
    %broadcast_in_dim3A = arith.constant -3.000000e+38 : f32
    %broadcast_in_dim3A_5 = vector.broadcast %broadcast_in_dim3A : f32 to vector<16xf32>
    %broadcast_in_dim3A_6 = arith.constant 0.000000e+00 : f32
    %broadcast_in_dim3A_7 = vector.broadcast %broadcast_in_dim3A_6 : f32 to vector<16xf32>
    %while3A = arith.constant 0 : i32
    %while3A_8 = arith.subi %add3A_4, %while3A : i32
    %while3A_9 = arith.addi %while3A, %while3A_8 : i32
    %while3A_10 = arith.constant 1 : i32
    %while3A_11 = arith.divsi %while3A_8, %while3A_10 : i32
    %while3A_12 = arith.muli %while3A_11, %while3A_10 : i32
    %while3A_13 = arith.addi %while3A, %while3A_12 : i32
    %while3A_14 = arith.constant 1 : i32
    %while3A_15:2 = scf.for %while3A_22 = %while3A to %while3A_13 step %while3A_14 iter_args(%while3A_23 = %broadcast_in_dim3A_5, %while3A_24 = %broadcast_in_dim3A_7) -> (vector<16xf32>, vector<16xf32>)  : i32 {
      %mul3A_25 = arith.constant 32 : i32
      %mul3A_26 = arith.muli %while3A_22, %mul3A_25 : i32
      %add3A_27 = arith.addi %add3A, %mul3A_26 : i32
      %mul3A_28 = arith.constant 128 : i32
      %mul3A_29 = arith.muli %add3A_27, %mul3A_28 : i32
      "tpu.region"() ({
        %run_scoped3A = tpu.sem_alloc : memref<!tpu.dma_semaphore, #tpu.memory_space<semaphore_mem>>
        %dma_start3A = tpu.memref_slice %arg2[%mul3A_29] : memref<320000xi32, #tpu.memory_space<hbm>> -> memref<128xi32, #tpu.memory_space<hbm>>
        %dma_start3A_35 = tpu.memref_slice %arg2[%mul3A_29] : memref<320000xi32, #tpu.memory_space<hbm>> -> memref<128xi32, #tpu.memory_space<hbm>>
        tpu.enqueue_dma source(%dma_start3A_35 : memref<128xi32, #tpu.memory_space<hbm>>) target(%arg8 : memref<128xi32, #tpu.memory_space<vmem>>) target_semaphore(%run_scoped3A : memref<!tpu.dma_semaphore, #tpu.memory_space<semaphore_mem>>)
        %dma_wait3A = tpu.memref_slice %arg2[%mul3A_29] : memref<320000xi32, #tpu.memory_space<hbm>> -> memref<128xi32, #tpu.memory_space<hbm>>
        %dma_wait3A_36 = tpu.memref_slice %arg2[%mul3A_29] : memref<320000xi32, #tpu.memory_space<hbm>> -> memref<128xi32, #tpu.memory_space<hbm>>
        tpu.wait_dma2 semaphore(%run_scoped3A : memref<!tpu.dma_semaphore, #tpu.memory_space<semaphore_mem>>) src(%dma_wait3A_36 : memref<128xi32, #tpu.memory_space<hbm>>) dst(%arg8 : memref<128xi32, #tpu.memory_space<vmem>>)
        tpu.yield
      }) : () -> ()
      "tpu.region"() ({
        %run_scoped3A = tpu.sem_alloc : memref<!tpu.dma_semaphore, #tpu.memory_space<semaphore_mem>>
        %dma_start3A = tpu.memref_slice %arg3[%mul3A_29] : memref<320000xi32, #tpu.memory_space<hbm>> -> memref<128xi32, #tpu.memory_space<hbm>>
        %dma_start3A_35 = tpu.memref_slice %arg3[%mul3A_29] : memref<320000xi32, #tpu.memory_space<hbm>> -> memref<128xi32, #tpu.memory_space<hbm>>
        tpu.enqueue_dma source(%dma_start3A_35 : memref<128xi32, #tpu.memory_space<hbm>>) target(%arg9 : memref<128xi32, #tpu.memory_space<vmem>>) target_semaphore(%run_scoped3A : memref<!tpu.dma_semaphore, #tpu.memory_space<semaphore_mem>>)
        %dma_wait3A = tpu.memref_slice %arg3[%mul3A_29] : memref<320000xi32, #tpu.memory_space<hbm>> -> memref<128xi32, #tpu.memory_space<hbm>>
        %dma_wait3A_36 = tpu.memref_slice %arg3[%mul3A_29] : memref<320000xi32, #tpu.memory_space<hbm>> -> memref<128xi32, #tpu.memory_space<hbm>>
        tpu.wait_dma2 semaphore(%run_scoped3A : memref<!tpu.dma_semaphore, #tpu.memory_space<semaphore_mem>>) src(%dma_wait3A_36 : memref<128xi32, #tpu.memory_space<hbm>>) dst(%arg9 : memref<128xi32, #tpu.memory_space<vmem>>)
        tpu.yield
      }) : () -> ()
      "tpu.region"() ({
        %run_scoped3A = tpu.sem_alloc : memref<!tpu.dma_semaphore, #tpu.memory_space<semaphore_mem>>
        %dma_start3A = arith.constant 0 : i32
        %dma_start3A_35 = tpu.memref_slice %arg4[%dma_start3A] : memref<10240xf32, #tpu.memory_space<hbm>> -> memref<10240xf32, #tpu.memory_space<hbm>>
        tpu.enqueue_indirect_dma source(%dma_start3A_35 : memref<10240xf32, #tpu.memory_space<hbm>>) target(%arg10 : memref<128xf32, #tpu.memory_space<vmem>>) offsets(%arg8 : memref<128xi32, #tpu.memory_space<vmem>>) semaphore(%run_scoped3A : memref<!tpu.dma_semaphore, #tpu.memory_space<semaphore_mem>>)
        %dma_wait3A = arith.constant 0 : i32
        %dma_wait3A_36 = tpu.memref_slice %arg4[%dma_wait3A] : memref<10240xf32, #tpu.memory_space<hbm>> -> memref<10240xf32, #tpu.memory_space<hbm>>
        tpu.wait_indirect_dma semaphore(%run_scoped3A : memref<!tpu.dma_semaphore, #tpu.memory_space<semaphore_mem>>) src(%dma_wait3A_36 : memref<10240xf32, #tpu.memory_space<hbm>>) dst(%arg10 : memref<128xf32, #tpu.memory_space<vmem>>)
        tpu.yield
      }) : () -> ()
      "tpu.region"() ({
        %run_scoped3A = tpu.sem_alloc : memref<!tpu.dma_semaphore, #tpu.memory_space<semaphore_mem>>
        %dma_start3A = arith.constant 0 : i32
        %dma_start3A_35 = tpu.memref_slice %arg5[%dma_start3A] : memref<10240xf32, #tpu.memory_space<hbm>> -> memref<10240xf32, #tpu.memory_space<hbm>>
        tpu.enqueue_indirect_dma source(%dma_start3A_35 : memref<10240xf32, #tpu.memory_space<hbm>>) target(%arg11 : memref<128xf32, #tpu.memory_space<vmem>>) offsets(%arg9 : memref<128xi32, #tpu.memory_space<vmem>>) semaphore(%run_scoped3A : memref<!tpu.dma_semaphore, #tpu.memory_space<semaphore_mem>>)
        %dma_wait3A = arith.constant 0 : i32
        %dma_wait3A_36 = tpu.memref_slice %arg5[%dma_wait3A] : memref<10240xf32, #tpu.memory_space<hbm>> -> memref<10240xf32, #tpu.memory_space<hbm>>
        tpu.wait_indirect_dma semaphore(%run_scoped3A : memref<!tpu.dma_semaphore, #tpu.memory_space<semaphore_mem>>) src(%dma_wait3A_36 : memref<10240xf32, #tpu.memory_space<hbm>>) dst(%arg11 : memref<128xf32, #tpu.memory_space<vmem>>)
        tpu.yield
      }) : () -> ()
      %scan3A = arith.constant 0 : i32
      %scan3A_30 = arith.constant 8 : i32
      %scan3A_31 = arith.addi %scan3A, %scan3A_30 : i32
      %scan3A_32 = arith.constant 1 : i32
      %scan3A_33:2 = scf.for %scan3A_35 = %scan3A to %scan3A_31 step %scan3A_32 iter_args(%scan3A_36 = %while3A_23, %scan3A_37 = %while3A_24) -> (vector<16xf32>, vector<16xf32>)  : i32 {
        %mul3A_38 = arith.constant 16 : i32
        %mul3A_39 = arith.muli %scan3A_35, %mul3A_38 : i32
        %get3A = arith.index_cast %mul3A_39 : i32 to index
        %get3A_40 = tpu.vector_load %arg10[%get3A] {strides = array<i32>} : memref<128xf32, #tpu.memory_space<vmem>>, vector<16xf32>,
        %mul3A_41 = arith.constant 16 : i32
        %mul3A_42 = arith.muli %scan3A_35, %mul3A_41 : i32
        %get3A_43 = arith.index_cast %mul3A_42 : i32 to index
        %get3A_44 = tpu.vector_load %arg11[%get3A_43] {strides = array<i32>} : memref<128xf32, #tpu.memory_space<vmem>>, vector<16xf32>,
        %add3A_45 = arith.addf %get3A_40, %get3A_44 : vector<16xf32>
        %mul3A_46 = arith.constant 2.000000e-01 : f32
        %mul3A_47 = vector.broadcast %mul3A_46 : f32 to vector<16xf32>
        %mul3A_48 = arith.mulf %mul3A_47, %add3A_45 : vector<16xf32>
        %max3A = arith.maximumf %add3A_45, %mul3A_48 : vector<16xf32>
        %mul3A_49 = arith.constant 16 : i32
        %mul3A_50 = arith.muli %scan3A_35, %mul3A_49 : i32
        %swap3A = arith.index_cast %mul3A_50 : i32 to index
        %swap3A_51 = tpu.vector_load %arg12[%swap3A] {strides = array<i32>} : memref<128xf32, #tpu.memory_space<vmem>>, vector<16xf32>,
        tpu.vector_store %arg12[%swap3A], %max3A {strides = array<i32>} : memref<128xf32, #tpu.memory_space<vmem>>, vector<16xf32>,
        %max3A_52 = arith.maximumf %scan3A_36, %max3A : vector<16xf32>
        %sub3A = arith.subf %scan3A_36, %max3A_52 : vector<16xf32>
        %exp3A = math.exp %sub3A : vector<16xf32>
        %mul3A_53 = arith.mulf %scan3A_37, %exp3A : vector<16xf32>
        %sub3A_54 = arith.subf %max3A, %max3A_52 : vector<16xf32>
        %exp3A_55 = math.exp %sub3A_54 : vector<16xf32>
        %add3A_56 = arith.addf %mul3A_53, %exp3A_55 : vector<16xf32>
        scf.yield %max3A_52, %add3A_56 : vector<16xf32>, vector<16xf32>
      }
      %scan3A_34 = arith.constant 8 : i32
      "tpu.region"() ({
        %run_scoped3A = tpu.sem_alloc : memref<!tpu.dma_semaphore, #tpu.memory_space<semaphore_mem>>
        %dma_start3A = tpu.memref_slice %arg6[%mul3A_29] : memref<320000xf32, #tpu.memory_space<hbm>> -> memref<128xf32, #tpu.memory_space<hbm>>
        %dma_start3A_35 = tpu.memref_slice %arg6[%mul3A_29] : memref<320000xf32, #tpu.memory_space<hbm>> -> memref<128xf32, #tpu.memory_space<hbm>>
        tpu.enqueue_dma source(%arg12 : memref<128xf32, #tpu.memory_space<vmem>>) target(%dma_start3A_35 : memref<128xf32, #tpu.memory_space<hbm>>) target_semaphore(%run_scoped3A : memref<!tpu.dma_semaphore, #tpu.memory_space<semaphore_mem>>)
        %dma_wait3A = tpu.memref_slice %arg6[%mul3A_29] : memref<320000xf32, #tpu.memory_space<hbm>> -> memref<128xf32, #tpu.memory_space<hbm>>
        %dma_wait3A_36 = tpu.memref_slice %arg6[%mul3A_29] : memref<320000xf32, #tpu.memory_space<hbm>> -> memref<128xf32, #tpu.memory_space<hbm>>
        tpu.wait_dma2 semaphore(%run_scoped3A : memref<!tpu.dma_semaphore, #tpu.memory_space<semaphore_mem>>) src(%arg12 : memref<128xf32, #tpu.memory_space<vmem>>) dst(%dma_wait3A_36 : memref<128xf32, #tpu.memory_space<hbm>>)
        tpu.yield
      }) : () -> ()
      scf.yield %scan3A_33#0, %scan3A_33#1 : vector<16xf32>, vector<16xf32>
    }
    %while3A_16 = arith.constant 1 : i32
    %while3A_17:2 = scf.for %while3A_22 = %while3A_13 to %while3A_9 step %while3A_16 iter_args(%while3A_23 = %while3A_15#0, %while3A_24 = %while3A_15#1) -> (vector<16xf32>, vector<16xf32>)  : i32 {
      %mul3A_25 = arith.constant 32 : i32
      %mul3A_26 = arith.muli %while3A_22, %mul3A_25 : i32
      %add3A_27 = arith.addi %add3A, %mul3A_26 : i32
      %mul3A_28 = arith.constant 128 : i32
      %mul3A_29 = arith.muli %add3A_27, %mul3A_28 : i32
      "tpu.region"() ({
        %run_scoped3A = tpu.sem_alloc : memref<!tpu.dma_semaphore, #tpu.memory_space<semaphore_mem>>
        %dma_start3A = tpu.memref_slice %arg2[%mul3A_29] : memref<320000xi32, #tpu.memory_space<hbm>> -> memref<128xi32, #tpu.memory_space<hbm>>
        %dma_start3A_35 = tpu.memref_slice %arg2[%mul3A_29] : memref<320000xi32, #tpu.memory_space<hbm>> -> memref<128xi32, #tpu.memory_space<hbm>>
        tpu.enqueue_dma source(%dma_start3A_35 : memref<128xi32, #tpu.memory_space<hbm>>) target(%arg8 : memref<128xi32, #tpu.memory_space<vmem>>) target_semaphore(%run_scoped3A : memref<!tpu.dma_semaphore, #tpu.memory_space<semaphore_mem>>)
        %dma_wait3A = tpu.memref_slice %arg2[%mul3A_29] : memref<320000xi32, #tpu.memory_space<hbm>> -> memref<128xi32, #tpu.memory_space<hbm>>
        %dma_wait3A_36 = tpu.memref_slice %arg2[%mul3A_29] : memref<320000xi32, #tpu.memory_space<hbm>> -> memref<128xi32, #tpu.memory_space<hbm>>
        tpu.wait_dma2 semaphore(%run_scoped3A : memref<!tpu.dma_semaphore, #tpu.memory_space<semaphore_mem>>) src(%dma_wait3A_36 : memref<128xi32, #tpu.memory_space<hbm>>) dst(%arg8 : memref<128xi32, #tpu.memory_space<vmem>>)
        tpu.yield
      }) : () -> ()
      "tpu.region"() ({
        %run_scoped3A = tpu.sem_alloc : memref<!tpu.dma_semaphore, #tpu.memory_space<semaphore_mem>>
        %dma_start3A = tpu.memref_slice %arg3[%mul3A_29] : memref<320000xi32, #tpu.memory_space<hbm>> -> memref<128xi32, #tpu.memory_space<hbm>>
        %dma_start3A_35 = tpu.memref_slice %arg3[%mul3A_29] : memref<320000xi32, #tpu.memory_space<hbm>> -> memref<128xi32, #tpu.memory_space<hbm>>
        tpu.enqueue_dma source(%dma_start3A_35 : memref<128xi32, #tpu.memory_space<hbm>>) target(%arg9 : memref<128xi32, #tpu.memory_space<vmem>>) target_semaphore(%run_scoped3A : memref<!tpu.dma_semaphore, #tpu.memory_space<semaphore_mem>>)
        %dma_wait3A = tpu.memref_slice %arg3[%mul3A_29] : memref<320000xi32, #tpu.memory_space<hbm>> -> memref<128xi32, #tpu.memory_space<hbm>>
        %dma_wait3A_36 = tpu.memref_slice %arg3[%mul3A_29] : memref<320000xi32, #tpu.memory_space<hbm>> -> memref<128xi32, #tpu.memory_space<hbm>>
        tpu.wait_dma2 semaphore(%run_scoped3A : memref<!tpu.dma_semaphore, #tpu.memory_space<semaphore_mem>>) src(%dma_wait3A_36 : memref<128xi32, #tpu.memory_space<hbm>>) dst(%arg9 : memref<128xi32, #tpu.memory_space<vmem>>)
        tpu.yield
      }) : () -> ()
      "tpu.region"() ({
        %run_scoped3A = tpu.sem_alloc : memref<!tpu.dma_semaphore, #tpu.memory_space<semaphore_mem>>
        %dma_start3A = arith.constant 0 : i32
        %dma_start3A_35 = tpu.memref_slice %arg4[%dma_start3A] : memref<10240xf32, #tpu.memory_space<hbm>> -> memref<10240xf32, #tpu.memory_space<hbm>>
        tpu.enqueue_indirect_dma source(%dma_start3A_35 : memref<10240xf32, #tpu.memory_space<hbm>>) target(%arg10 : memref<128xf32, #tpu.memory_space<vmem>>) offsets(%arg8 : memref<128xi32, #tpu.memory_space<vmem>>) semaphore(%run_scoped3A : memref<!tpu.dma_semaphore, #tpu.memory_space<semaphore_mem>>)
        %dma_wait3A = arith.constant 0 : i32
        %dma_wait3A_36 = tpu.memref_slice %arg4[%dma_wait3A] : memref<10240xf32, #tpu.memory_space<hbm>> -> memref<10240xf32, #tpu.memory_space<hbm>>
        tpu.wait_indirect_dma semaphore(%run_scoped3A : memref<!tpu.dma_semaphore, #tpu.memory_space<semaphore_mem>>) src(%dma_wait3A_36 : memref<10240xf32, #tpu.memory_space<hbm>>) dst(%arg10 : memref<128xf32, #tpu.memory_space<vmem>>)
        tpu.yield
      }) : () -> ()
      "tpu.region"() ({
        %run_scoped3A = tpu.sem_alloc : memref<!tpu.dma_semaphore, #tpu.memory_space<semaphore_mem>>
        %dma_start3A = arith.constant 0 : i32
        %dma_start3A_35 = tpu.memref_slice %arg5[%dma_start3A] : memref<10240xf32, #tpu.memory_space<hbm>> -> memref<10240xf32, #tpu.memory_space<hbm>>
        tpu.enqueue_indirect_dma source(%dma_start3A_35 : memref<10240xf32, #tpu.memory_space<hbm>>) target(%arg11 : memref<128xf32, #tpu.memory_space<vmem>>) offsets(%arg9 : memref<128xi32, #tpu.memory_space<vmem>>) semaphore(%run_scoped3A : memref<!tpu.dma_semaphore, #tpu.memory_space<semaphore_mem>>)
        %dma_wait3A = arith.constant 0 : i32
        %dma_wait3A_36 = tpu.memref_slice %arg5[%dma_wait3A] : memref<10240xf32, #tpu.memory_space<hbm>> -> memref<10240xf32, #tpu.memory_space<hbm>>
        tpu.wait_indirect_dma semaphore(%run_scoped3A : memref<!tpu.dma_semaphore, #tpu.memory_space<semaphore_mem>>) src(%dma_wait3A_36 : memref<10240xf32, #tpu.memory_space<hbm>>) dst(%arg11 : memref<128xf32, #tpu.memory_space<vmem>>)
        tpu.yield
      }) : () -> ()
      %scan3A = arith.constant 0 : i32
      %scan3A_30 = arith.constant 8 : i32
      %scan3A_31 = arith.addi %scan3A, %scan3A_30 : i32
      %scan3A_32 = arith.constant 1 : i32
      %scan3A_33:2 = scf.for %scan3A_35 = %scan3A to %scan3A_31 step %scan3A_32 iter_args(%scan3A_36 = %while3A_23, %scan3A_37 = %while3A_24) -> (vector<16xf32>, vector<16xf32>)  : i32 {
        %mul3A_38 = arith.constant 16 : i32
        %mul3A_39 = arith.muli %scan3A_35, %mul3A_38 : i32
        %get3A = arith.index_cast %mul3A_39 : i32 to index
        %get3A_40 = tpu.vector_load %arg10[%get3A] {strides = array<i32>} : memref<128xf32, #tpu.memory_space<vmem>>, vector<16xf32>,
        %mul3A_41 = arith.constant 16 : i32
        %mul3A_42 = arith.muli %scan3A_35, %mul3A_41 : i32
        %get3A_43 = arith.index_cast %mul3A_42 : i32 to index
        %get3A_44 = tpu.vector_load %arg11[%get3A_43] {strides = array<i32>} : memref<128xf32, #tpu.memory_space<vmem>>, vector<16xf32>,
        %add3A_45 = arith.addf %get3A_40, %get3A_44 : vector<16xf32>
        %mul3A_46 = arith.constant 2.000000e-01 : f32
        %mul3A_47 = vector.broadcast %mul3A_46 : f32 to vector<16xf32>
        %mul3A_48 = arith.mulf %mul3A_47, %add3A_45 : vector<16xf32>
        %max3A = arith.maximumf %add3A_45, %mul3A_48 : vector<16xf32>
        %mul3A_49 = arith.constant 16 : i32
        %mul3A_50 = arith.muli %scan3A_35, %mul3A_49 : i32
        %swap3A = arith.index_cast %mul3A_50 : i32 to index
        %swap3A_51 = tpu.vector_load %arg12[%swap3A] {strides = array<i32>} : memref<128xf32, #tpu.memory_space<vmem>>, vector<16xf32>,
        tpu.vector_store %arg12[%swap3A], %max3A {strides = array<i32>} : memref<128xf32, #tpu.memory_space<vmem>>, vector<16xf32>,
        %max3A_52 = arith.maximumf %scan3A_36, %max3A : vector<16xf32>
        %sub3A = arith.subf %scan3A_36, %max3A_52 : vector<16xf32>
        %exp3A = math.exp %sub3A : vector<16xf32>
        %mul3A_53 = arith.mulf %scan3A_37, %exp3A : vector<16xf32>
        %sub3A_54 = arith.subf %max3A, %max3A_52 : vector<16xf32>
        %exp3A_55 = math.exp %sub3A_54 : vector<16xf32>
        %add3A_56 = arith.addf %mul3A_53, %exp3A_55 : vector<16xf32>
        scf.yield %max3A_52, %add3A_56 : vector<16xf32>, vector<16xf32>
      }
      %scan3A_34 = arith.constant 8 : i32
      "tpu.region"() ({
        %run_scoped3A = tpu.sem_alloc : memref<!tpu.dma_semaphore, #tpu.memory_space<semaphore_mem>>
        %dma_start3A = tpu.memref_slice %arg6[%mul3A_29] : memref<320000xf32, #tpu.memory_space<hbm>> -> memref<128xf32, #tpu.memory_space<hbm>>
        %dma_start3A_35 = tpu.memref_slice %arg6[%mul3A_29] : memref<320000xf32, #tpu.memory_space<hbm>> -> memref<128xf32, #tpu.memory_space<hbm>>
        tpu.enqueue_dma source(%arg12 : memref<128xf32, #tpu.memory_space<vmem>>) target(%dma_start3A_35 : memref<128xf32, #tpu.memory_space<hbm>>) target_semaphore(%run_scoped3A : memref<!tpu.dma_semaphore, #tpu.memory_space<semaphore_mem>>)
        %dma_wait3A = tpu.memref_slice %arg6[%mul3A_29] : memref<320000xf32, #tpu.memory_space<hbm>> -> memref<128xf32, #tpu.memory_space<hbm>>
        %dma_wait3A_36 = tpu.memref_slice %arg6[%mul3A_29] : memref<320000xf32, #tpu.memory_space<hbm>> -> memref<128xf32, #tpu.memory_space<hbm>>
        tpu.wait_dma2 semaphore(%run_scoped3A : memref<!tpu.dma_semaphore, #tpu.memory_space<semaphore_mem>>) src(%arg12 : memref<128xf32, #tpu.memory_space<vmem>>) dst(%dma_wait3A_36 : memref<128xf32, #tpu.memory_space<hbm>>)
        tpu.yield
      }) : () -> ()
      scf.yield %scan3A_33#0, %scan3A_33#1 : vector<16xf32>, vector<16xf32>
    }
    %broadcast_in_dim3A_18 = arith.constant 0 : i32
    %broadcast_in_dim3A_19 = vector.broadcast %broadcast_in_dim3A_18 : i32 to vector<16xi32>
    tpu.vector_store_idx %arg13[%broadcast_in_dim3A_19, %iota3A], %while3A_17#0 : memref<2x16xf32, #tpu.memory_space<vmem>>[vector<16xi32>, vector<16xi32>], vector<16xf32>,
    %broadcast_in_dim3A_20 = arith.constant 1 : i32
    %broadcast_in_dim3A_21 = vector.broadcast %broadcast_in_dim3A_20 : i32 to vector<16xi32>
    tpu.vector_store_idx %arg13[%broadcast_in_dim3A_21, %iota3A], %while3A_17#1 : memref<2x16xf32, #tpu.memory_space<vmem>>[vector<16xi32>, vector<16xi32>], vector<16xf32>,
    "tpu.region"() ({
      %run_scoped3A = tpu.sem_alloc : memref<!tpu.dma_semaphore, #tpu.memory_space<semaphore_mem>>
      %dma_start3A = arith.constant 0 : i32
      %dma_start3A_22 = arith.constant 0 : i32
      %dma_start3A_23 = tpu.memref_slice %arg7[%add3A, %dma_start3A, %dma_start3A_22] : memref<32x2x16xf32, #tpu.memory_space<hbm>> -> memref<1x2x16xf32, #tpu.memory_space<hbm>>
      %dma_start3A_24 = tpu.memref_squeeze %dma_start3A_23 : memref<1x2x16xf32, #tpu.memory_space<hbm>> -> memref<2x16xf32, #tpu.memory_space<hbm>>
      %dma_start3A_25 = arith.constant 0 : i32
      %dma_start3A_26 = arith.constant 0 : i32
      %dma_start3A_27 = tpu.memref_slice %arg7[%add3A, %dma_start3A_25, %dma_start3A_26] : memref<32x2x16xf32, #tpu.memory_space<hbm>> -> memref<1x2x16xf32, #tpu.memory_space<hbm>>
      %dma_start3A_28 = tpu.memref_squeeze %dma_start3A_27 : memref<1x2x16xf32, #tpu.memory_space<hbm>> -> memref<2x16xf32, #tpu.memory_space<hbm>>
      tpu.enqueue_dma source(%arg13 : memref<2x16xf32, #tpu.memory_space<vmem>>) target(%dma_start3A_28 : memref<2x16xf32, #tpu.memory_space<hbm>>) target_semaphore(%run_scoped3A : memref<!tpu.dma_semaphore, #tpu.memory_space<semaphore_mem>>)
      %dma_wait3A = arith.constant 0 : i32
      %dma_wait3A_29 = arith.constant 0 : i32
      %dma_wait3A_30 = tpu.memref_slice %arg7[%add3A, %dma_wait3A, %dma_wait3A_29] : memref<32x2x16xf32, #tpu.memory_space<hbm>> -> memref<1x2x16xf32, #tpu.memory_space<hbm>>
      %dma_wait3A_31 = tpu.memref_squeeze %dma_wait3A_30 : memref<1x2x16xf32, #tpu.memory_space<hbm>> -> memref<2x16xf32, #tpu.memory_space<hbm>>
      %dma_wait3A_32 = arith.constant 0 : i32
      %dma_wait3A_33 = arith.constant 0 : i32
      %dma_wait3A_34 = tpu.memref_slice %arg7[%add3A, %dma_wait3A_32, %dma_wait3A_33] : memref<32x2x16xf32, #tpu.memory_space<hbm>> -> memref<1x2x16xf32, #tpu.memory_space<hbm>>
      %dma_wait3A_35 = tpu.memref_squeeze %dma_wait3A_34 : memref<1x2x16xf32, #tpu.memory_space<hbm>> -> memref<2x16xf32, #tpu.memory_space<hbm>>
      tpu.wait_dma2 semaphore(%run_scoped3A : memref<!tpu.dma_semaphore, #tpu.memory_space<semaphore_mem>>) src(%arg13 : memref<2x16xf32, #tpu.memory_space<vmem>>) dst(%dma_wait3A_35 : memref<2x16xf32, #tpu.memory_space<hbm>>)
      tpu.yield
    }) : () -> ()
    return
  }
}

#map = affine_map<(d0, d1) -> (0)>
#map1 = affine_map<(d0, d1) -> (0, 0)>
module attributes {stable_mosaic.version = 14 : i64} {
  func.func @_sc_a_body(%arg0: i32, %arg1: i32, %arg2: memref<1920000xi32, #tpu.memory_space<hbm>>, %arg3: memref<10000xi32, #tpu.memory_space<hbm>>, %arg4: memref<10000x128xf32, #tpu.memory_space<hbm>>, %arg5: memref<10240x128xf32, #tpu.memory_space<hbm>>, %arg6: memref<10240x128xf32, #tpu.memory_space<hbm>>, %arg7: memref<10000x128xf32, #tpu.memory_space<hbm>>, %arg8: memref<10240x128xf32, #tpu.memory_space<hbm>>, %arg9: memref<320000x128xf32, #tpu.memory_space<hbm>>, %arg10: memref<320000x128xf32, #tpu.memory_space<hbm>>, %arg11: memref<320000xi32, #tpu.memory_space<hbm>>, %arg12: memref<320000xi32, #tpu.memory_space<hbm>>, %arg13: memref<768xi32, #tpu.memory_space<vmem>>, %arg14: memref<10000xi32, #tpu.memory_space<vmem>>, %arg15: memref<128xi32, #tpu.memory_space<vmem>>, %arg16: memref<128xi32, #tpu.memory_space<vmem>>, %arg17: memref<128xi32, #tpu.memory_space<vmem>>, %arg18: memref<128xi32, #tpu.memory_space<vmem>>, %arg19: memref<128x128xf32, #tpu.memory_space<vmem>>, %arg20: memref<128x128xf32, #tpu.memory_space<vmem>>, %arg21: memref<128x128xf32, #tpu.memory_space<vmem>>) attributes {dimension_semantics = [#tpu.dimension_semantics<core_parallel>, #tpu.dimension_semantics<subcore_parallel>], iteration_bounds = array<i64: 2, 16>, scalar_prefetch = 0 : i64, scratch_operands = 9 : i64, tpu.core_type = #tpu.core_type<sc_vector_subcore>, window_params = [{transform_indices = #map}, {transform_indices = #map}, {transform_indices = #map1}, {transform_indices = #map1}, {transform_indices = #map1}, {transform_indices = #map1}, {transform_indices = #map1}, {transform_indices = #map1}, {transform_indices = #map1}, {transform_indices = #map}, {transform_indices = #map}]} {
    %mul3A = arith.constant 2 : i32
    %mul3A_0 = arith.muli %arg1, %mul3A : i32
    %add3A = arith.addi %mul3A_0, %arg0 : i32
    %iota3A = tpu.iota {dimensions = array<i32: 0>} : vector<16xi32>
    "tpu.region"() ({
      %run_scoped3A = tpu.sem_alloc : memref<!tpu.dma_semaphore, #tpu.memory_space<semaphore_mem>>
      tpu.enqueue_dma source(%arg3 : memref<10000xi32, #tpu.memory_space<hbm>>) target(%arg14 : memref<10000xi32, #tpu.memory_space<vmem>>) target_semaphore(%run_scoped3A : memref<!tpu.dma_semaphore, #tpu.memory_space<semaphore_mem>>)
      tpu.wait_dma2 semaphore(%run_scoped3A : memref<!tpu.dma_semaphore, #tpu.memory_space<semaphore_mem>>) src(%arg3 : memref<10000xi32, #tpu.memory_space<hbm>>) dst(%arg14 : memref<10000xi32, #tpu.memory_space<vmem>>)
      tpu.yield
    }) : () -> ()
    %lt3A = arith.constant 4 : i32
    %lt3A_1 = arith.cmpi slt, %add3A, %lt3A : i32
    %jit3A = arith.constant 1 : i32
    %jit3A_2 = arith.constant 0 : i32
    %select_n3A = arith.select %lt3A_1, %jit3A, %jit3A_2 : i32
    %add3A_3 = arith.constant 78 : i32
    %add3A_4 = arith.addi %add3A_3, %select_n3A : i32
    %while3A = arith.constant 0 : i32
    %while3A_5 = arith.constant 0 : i32
    %while3A_6 = arith.subi %add3A_4, %while3A_5 : i32
    %while3A_7 = arith.addi %while3A_5, %while3A_6 : i32
    %while3A_8 = arith.constant 1 : i32
    %while3A_9 = arith.divsi %while3A_6, %while3A_8 : i32
    %while3A_10 = arith.muli %while3A_9, %while3A_8 : i32
    %while3A_11 = arith.addi %while3A_5, %while3A_10 : i32
    %while3A_12 = arith.constant 1 : i32
    scf.for %while3A_14 = %while3A_5 to %while3A_11 step %while3A_12  : i32 {
      %mul3A_15 = arith.constant 32 : i32
      %mul3A_16 = arith.muli %while3A_14, %mul3A_15 : i32
      %add3A_17 = arith.addi %add3A, %mul3A_16 : i32
      %mul3A_18 = arith.constant 128 : i32
      %mul3A_19 = arith.muli %add3A_17, %mul3A_18 : i32
      %mul3A_20 = arith.constant 6 : i32
      %mul3A_21 = arith.muli %mul3A_19, %mul3A_20 : i32
      "tpu.region"() ({
        %run_scoped3A = tpu.sem_alloc : memref<!tpu.dma_semaphore, #tpu.memory_space<semaphore_mem>>
        %dma_start3A = tpu.memref_slice %arg2[%mul3A_21] : memref<1920000xi32, #tpu.memory_space<hbm>> -> memref<768xi32, #tpu.memory_space<hbm>>
        %dma_start3A_39 = tpu.memref_slice %arg2[%mul3A_21] : memref<1920000xi32, #tpu.memory_space<hbm>> -> memref<768xi32, #tpu.memory_space<hbm>>
        tpu.enqueue_dma source(%dma_start3A_39 : memref<768xi32, #tpu.memory_space<hbm>>) target(%arg13 : memref<768xi32, #tpu.memory_space<vmem>>) target_semaphore(%run_scoped3A : memref<!tpu.dma_semaphore, #tpu.memory_space<semaphore_mem>>)
        %dma_wait3A = tpu.memref_slice %arg2[%mul3A_21] : memref<1920000xi32, #tpu.memory_space<hbm>> -> memref<768xi32, #tpu.memory_space<hbm>>
        %dma_wait3A_40 = tpu.memref_slice %arg2[%mul3A_21] : memref<1920000xi32, #tpu.memory_space<hbm>> -> memref<768xi32, #tpu.memory_space<hbm>>
        tpu.wait_dma2 semaphore(%run_scoped3A : memref<!tpu.dma_semaphore, #tpu.memory_space<semaphore_mem>>) src(%dma_wait3A_40 : memref<768xi32, #tpu.memory_space<hbm>>) dst(%arg13 : memref<768xi32, #tpu.memory_space<vmem>>)
        tpu.yield
      }) : () -> ()
      %scan3A = arith.constant 0 : i32
      %scan3A_22 = arith.constant 0 : i32
      %scan3A_23 = arith.constant 8 : i32
      %scan3A_24 = arith.addi %scan3A_22, %scan3A_23 : i32
      %scan3A_25 = arith.constant 1 : i32
      scf.for %scan3A_39 = %scan3A_22 to %scan3A_24 step %scan3A_25  : i32 {
        %mul3A_40 = arith.constant 16 : i32
        %mul3A_41 = arith.muli %scan3A_39, %mul3A_40 : i32
        %add3A_42 = vector.broadcast %mul3A_41 : i32 to vector<16xi32>
        %add3A_43 = arith.addi %add3A_42, %iota3A : vector<16xi32>
        %mul3A_44 = arith.constant 6 : i32
        %mul3A_45 = vector.broadcast %mul3A_44 : i32 to vector<16xi32>
        %mul3A_46 = arith.muli %add3A_43, %mul3A_45 : vector<16xi32>
        %gather3A = tpu.vector_load_idx %arg13[%mul3A_46] : memref<768xi32, #tpu.memory_space<vmem>>[vector<16xi32>], vector<16xi32>,
        %add3A_47 = arith.constant 2 : i32
        %add3A_48 = vector.broadcast %add3A_47 : i32 to vector<16xi32>
        %add3A_49 = arith.addi %mul3A_46, %add3A_48 : vector<16xi32>
        %gather3A_50 = tpu.vector_load_idx %arg13[%add3A_49] : memref<768xi32, #tpu.memory_space<vmem>>[vector<16xi32>], vector<16xi32>,
        %add3A_51 = arith.constant 4 : i32
        %add3A_52 = vector.broadcast %add3A_51 : i32 to vector<16xi32>
        %add3A_53 = arith.addi %mul3A_46, %add3A_52 : vector<16xi32>
        %gather3A_54 = tpu.vector_load_idx %arg13[%add3A_53] : memref<768xi32, #tpu.memory_space<vmem>>[vector<16xi32>], vector<16xi32>,
        %add3A_55 = arith.constant 5 : i32
        %add3A_56 = vector.broadcast %add3A_55 : i32 to vector<16xi32>
        %add3A_57 = arith.addi %mul3A_46, %add3A_56 : vector<16xi32>
        %gather3A_58 = tpu.vector_load_idx %arg13[%add3A_57] : memref<768xi32, #tpu.memory_space<vmem>>[vector<16xi32>], vector<16xi32>,
        %gather3A_59 = tpu.vector_load_idx %arg14[%gather3A] : memref<10000xi32, #tpu.memory_space<vmem>>[vector<16xi32>], vector<16xi32>,
        %mul3A_60 = arith.constant 16 : i32
        %mul3A_61 = arith.muli %scan3A_39, %mul3A_60 : i32
        %swap3A = arith.index_cast %mul3A_61 : i32 to index
        %swap3A_62 = tpu.vector_load %arg15[%swap3A] {strides = array<i32>} : memref<128xi32, #tpu.memory_space<vmem>>, vector<16xi32>,
        tpu.vector_store %arg15[%swap3A], %gather3A_54 {strides = array<i32>} : memref<128xi32, #tpu.memory_space<vmem>>, vector<16xi32>,
        %mul3A_63 = arith.constant 16 : i32
        %mul3A_64 = arith.muli %scan3A_39, %mul3A_63 : i32
        %swap3A_65 = arith.index_cast %mul3A_64 : i32 to index
        %swap3A_66 = tpu.vector_load %arg16[%swap3A_65] {strides = array<i32>} : memref<128xi32, #tpu.memory_space<vmem>>, vector<16xi32>,
        tpu.vector_store %arg16[%swap3A_65], %gather3A_50 {strides = array<i32>} : memref<128xi32, #tpu.memory_space<vmem>>, vector<16xi32>,
        %mul3A_67 = arith.constant 16 : i32
        %mul3A_68 = arith.muli %scan3A_39, %mul3A_67 : i32
        %swap3A_69 = arith.index_cast %mul3A_68 : i32 to index
        %swap3A_70 = tpu.vector_load %arg17[%swap3A_69] {strides = array<i32>} : memref<128xi32, #tpu.memory_space<vmem>>, vector<16xi32>,
        tpu.vector_store %arg17[%swap3A_69], %gather3A_59 {strides = array<i32>} : memref<128xi32, #tpu.memory_space<vmem>>, vector<16xi32>,
        %mul3A_71 = arith.constant 16 : i32
        %mul3A_72 = arith.muli %scan3A_39, %mul3A_71 : i32
        %swap3A_73 = arith.index_cast %mul3A_72 : i32 to index
        %swap3A_74 = tpu.vector_load %arg18[%swap3A_73] {strides = array<i32>} : memref<128xi32, #tpu.memory_space<vmem>>, vector<16xi32>,
        tpu.vector_store %arg18[%swap3A_73], %gather3A_58 {strides = array<i32>} : memref<128xi32, #tpu.memory_space<vmem>>, vector<16xi32>,
      }
      %scan3A_26 = arith.constant 8 : i32
      "tpu.region"() ({
        %run_scoped3A = tpu.sem_alloc : memref<!tpu.dma_semaphore, #tpu.memory_space<semaphore_mem>>
        %dma_start3A = arith.constant 0 : i32
        %dma_start3A_39 = arith.constant 0 : i32
        %dma_start3A_40 = tpu.memref_slice %arg4[%dma_start3A, %dma_start3A_39] : memref<10000x128xf32, #tpu.memory_space<hbm>> -> memref<10000x128xf32, #tpu.memory_space<hbm>>
        tpu.enqueue_indirect_dma source(%dma_start3A_40 : memref<10000x128xf32, #tpu.memory_space<hbm>>) target(%arg19 : memref<128x128xf32, #tpu.memory_space<vmem>>) offsets(%arg15 : memref<128xi32, #tpu.memory_space<vmem>>) semaphore(%run_scoped3A : memref<!tpu.dma_semaphore, #tpu.memory_space<semaphore_mem>>)
        %dma_wait3A = arith.constant 0 : i32
        %dma_wait3A_41 = arith.constant 0 : i32
        %dma_wait3A_42 = tpu.memref_slice %arg4[%dma_wait3A, %dma_wait3A_41] : memref<10000x128xf32, #tpu.memory_space<hbm>> -> memref<10000x128xf32, #tpu.memory_space<hbm>>
        tpu.wait_indirect_dma semaphore(%run_scoped3A : memref<!tpu.dma_semaphore, #tpu.memory_space<semaphore_mem>>) src(%dma_wait3A_42 : memref<10000x128xf32, #tpu.memory_space<hbm>>) dst(%arg19 : memref<128x128xf32, #tpu.memory_space<vmem>>)
        tpu.yield
      }) : () -> ()
      "tpu.region"() ({
        %run_scoped3A = tpu.sem_alloc : memref<!tpu.dma_semaphore, #tpu.memory_space<semaphore_mem>>
        %dma_start3A = arith.constant 0 : i32
        %dma_start3A_39 = arith.constant 0 : i32
        %dma_start3A_40 = tpu.memref_slice %arg5[%dma_start3A, %dma_start3A_39] : memref<10240x128xf32, #tpu.memory_space<hbm>> -> memref<10240x128xf32, #tpu.memory_space<hbm>>
        tpu.enqueue_indirect_dma source(%dma_start3A_40 : memref<10240x128xf32, #tpu.memory_space<hbm>>) target(%arg20 : memref<128x128xf32, #tpu.memory_space<vmem>>) offsets(%arg16 : memref<128xi32, #tpu.memory_space<vmem>>) semaphore(%run_scoped3A : memref<!tpu.dma_semaphore, #tpu.memory_space<semaphore_mem>>)
        %dma_wait3A = arith.constant 0 : i32
        %dma_wait3A_41 = arith.constant 0 : i32
        %dma_wait3A_42 = tpu.memref_slice %arg5[%dma_wait3A, %dma_wait3A_41] : memref<10240x128xf32, #tpu.memory_space<hbm>> -> memref<10240x128xf32, #tpu.memory_space<hbm>>
        tpu.wait_indirect_dma semaphore(%run_scoped3A : memref<!tpu.dma_semaphore, #tpu.memory_space<semaphore_mem>>) src(%dma_wait3A_42 : memref<10240x128xf32, #tpu.memory_space<hbm>>) dst(%arg20 : memref<128x128xf32, #tpu.memory_space<vmem>>)
        tpu.yield
      }) : () -> ()
      "tpu.region"() ({
        %run_scoped3A = tpu.sem_alloc : memref<!tpu.dma_semaphore, #tpu.memory_space<semaphore_mem>>
        %dma_start3A = arith.constant 0 : i32
        %dma_start3A_39 = arith.constant 0 : i32
        %dma_start3A_40 = tpu.memref_slice %arg6[%dma_start3A, %dma_start3A_39] : memref<10240x128xf32, #tpu.memory_space<hbm>> -> memref<10240x128xf32, #tpu.memory_space<hbm>>
        tpu.enqueue_indirect_dma source(%dma_start3A_40 : memref<10240x128xf32, #tpu.memory_space<hbm>>) target(%arg21 : memref<128x128xf32, #tpu.memory_space<vmem>>) offsets(%arg17 : memref<128xi32, #tpu.memory_space<vmem>>) semaphore(%run_scoped3A : memref<!tpu.dma_semaphore, #tpu.memory_space<semaphore_mem>>)
        %dma_wait3A = arith.constant 0 : i32
        %dma_wait3A_41 = arith.constant 0 : i32
        %dma_wait3A_42 = tpu.memref_slice %arg6[%dma_wait3A, %dma_wait3A_41] : memref<10240x128xf32, #tpu.memory_space<hbm>> -> memref<10240x128xf32, #tpu.memory_space<hbm>>
        tpu.wait_indirect_dma semaphore(%run_scoped3A : memref<!tpu.dma_semaphore, #tpu.memory_space<semaphore_mem>>) src(%dma_wait3A_42 : memref<10240x128xf32, #tpu.memory_space<hbm>>) dst(%arg21 : memref<128x128xf32, #tpu.memory_space<vmem>>)
        tpu.yield
      }) : () -> ()
      %scan3A_27 = arith.constant 0 : i32
      %scan3A_28 = arith.constant 0 : i32
      %scan3A_29 = arith.constant 128 : i32
      %scan3A_30 = arith.addi %scan3A_28, %scan3A_29 : i32
      %scan3A_31 = arith.constant 1 : i32
      scf.for %scan3A_39 = %scan3A_28 to %scan3A_30 step %scan3A_31  : i32 {
        %get3A = arith.index_cast %scan3A_39 : i32 to index
        %get3A_40 = arith.constant 0 : index
        %get3A_41 = tpu.vector_load %arg19[%get3A, %get3A_40] {strides = array<i32>} : memref<128x128xf32, #tpu.memory_space<vmem>>, vector<16xf32>,
        %get3A_42 = arith.index_cast %scan3A_39 : i32 to index
        %get3A_43 = arith.constant 0 : index
        %get3A_44 = tpu.vector_load %arg20[%get3A_42, %get3A_43] {strides = array<i32>} : memref<128x128xf32, #tpu.memory_space<vmem>>, vector<16xf32>,
        %add3A_45 = arith.addf %get3A_41, %get3A_44 : vector<16xf32>
        %get3A_46 = arith.index_cast %scan3A_39 : i32 to index
        %get3A_47 = arith.constant 0 : index
        %get3A_48 = tpu.vector_load %arg21[%get3A_46, %get3A_47] {strides = array<i32>} : memref<128x128xf32, #tpu.memory_space<vmem>>, vector<16xf32>,
        %add3A_49 = arith.addf %add3A_45, %get3A_48 : vector<16xf32>
        %swap3A = arith.index_cast %scan3A_39 : i32 to index
        %swap3A_50 = arith.constant 0 : index
        %swap3A_51 = tpu.vector_load %arg19[%swap3A, %swap3A_50] {strides = array<i32>} : memref<128x128xf32, #tpu.memory_space<vmem>>, vector<16xf32>,
        tpu.vector_store %arg19[%swap3A, %swap3A_50], %add3A_49 {strides = array<i32>} : memref<128x128xf32, #tpu.memory_space<vmem>>, vector<16xf32>,
        %get3A_52 = arith.index_cast %scan3A_39 : i32 to index
        %get3A_53 = arith.constant 16 : index
        %get3A_54 = tpu.vector_load %arg19[%get3A_52, %get3A_53] {strides = array<i32>} : memref<128x128xf32, #tpu.memory_space<vmem>>, vector<16xf32>,
        %get3A_55 = arith.index_cast %scan3A_39 : i32 to index
        %get3A_56 = arith.constant 16 : index
        %get3A_57 = tpu.vector_load %arg20[%get3A_55, %get3A_56] {strides = array<i32>} : memref<128x128xf32, #tpu.memory_space<vmem>>, vector<16xf32>,
        %add3A_58 = arith.addf %get3A_54, %get3A_57 : vector<16xf32>
        %get3A_59 = arith.index_cast %scan3A_39 : i32 to index
        %get3A_60 = arith.constant 16 : index
        %get3A_61 = tpu.vector_load %arg21[%get3A_59, %get3A_60] {strides = array<i32>} : memref<128x128xf32, #tpu.memory_space<vmem>>, vector<16xf32>,
        %add3A_62 = arith.addf %add3A_58, %get3A_61 : vector<16xf32>
        %swap3A_63 = arith.index_cast %scan3A_39 : i32 to index
        %swap3A_64 = arith.constant 16 : index
        %swap3A_65 = tpu.vector_load %arg19[%swap3A_63, %swap3A_64] {strides = array<i32>} : memref<128x128xf32, #tpu.memory_space<vmem>>, vector<16xf32>,
        tpu.vector_store %arg19[%swap3A_63, %swap3A_64], %add3A_62 {strides = array<i32>} : memref<128x128xf32, #tpu.memory_space<vmem>>, vector<16xf32>,
        %get3A_66 = arith.index_cast %scan3A_39 : i32 to index
        %get3A_67 = arith.constant 32 : index
        %get3A_68 = tpu.vector_load %arg19[%get3A_66, %get3A_67] {strides = array<i32>} : memref<128x128xf32, #tpu.memory_space<vmem>>, vector<16xf32>,
        %get3A_69 = arith.index_cast %scan3A_39 : i32 to index
        %get3A_70 = arith.constant 32 : index
        %get3A_71 = tpu.vector_load %arg20[%get3A_69, %get3A_70] {strides = array<i32>} : memref<128x128xf32, #tpu.memory_space<vmem>>, vector<16xf32>,
        %add3A_72 = arith.addf %get3A_68, %get3A_71 : vector<16xf32>
        %get3A_73 = arith.index_cast %scan3A_39 : i32 to index
        %get3A_74 = arith.constant 32 : index
        %get3A_75 = tpu.vector_load %arg21[%get3A_73, %get3A_74] {strides = array<i32>} : memref<128x128xf32, #tpu.memory_space<vmem>>, vector<16xf32>,
        %add3A_76 = arith.addf %add3A_72, %get3A_75 : vector<16xf32>
        %swap3A_77 = arith.index_cast %scan3A_39 : i32 to index
        %swap3A_78 = arith.constant 32 : index
        %swap3A_79 = tpu.vector_load %arg19[%swap3A_77, %swap3A_78] {strides = array<i32>} : memref<128x128xf32, #tpu.memory_space<vmem>>, vector<16xf32>,
        tpu.vector_store %arg19[%swap3A_77, %swap3A_78], %add3A_76 {strides = array<i32>} : memref<128x128xf32, #tpu.memory_space<vmem>>, vector<16xf32>,
        %get3A_80 = arith.index_cast %scan3A_39 : i32 to index
        %get3A_81 = arith.constant 48 : index
        %get3A_82 = tpu.vector_load %arg19[%get3A_80, %get3A_81] {strides = array<i32>} : memref<128x128xf32, #tpu.memory_space<vmem>>, vector<16xf32>,
        %get3A_83 = arith.index_cast %scan3A_39 : i32 to index
        %get3A_84 = arith.constant 48 : index
        %get3A_85 = tpu.vector_load %arg20[%get3A_83, %get3A_84] {strides = array<i32>} : memref<128x128xf32, #tpu.memory_space<vmem>>, vector<16xf32>,
        %add3A_86 = arith.addf %get3A_82, %get3A_85 : vector<16xf32>
        %get3A_87 = arith.index_cast %scan3A_39 : i32 to index
        %get3A_88 = arith.constant 48 : index
        %get3A_89 = tpu.vector_load %arg21[%get3A_87, %get3A_88] {strides = array<i32>} : memref<128x128xf32, #tpu.memory_space<vmem>>, vector<16xf32>,
        %add3A_90 = arith.addf %add3A_86, %get3A_89 : vector<16xf32>
        %swap3A_91 = arith.index_cast %scan3A_39 : i32 to index
        %swap3A_92 = arith.constant 48 : index
        %swap3A_93 = tpu.vector_load %arg19[%swap3A_91, %swap3A_92] {strides = array<i32>} : memref<128x128xf32, #tpu.memory_space<vmem>>, vector<16xf32>,
        tpu.vector_store %arg19[%swap3A_91, %swap3A_92], %add3A_90 {strides = array<i32>} : memref<128x128xf32, #tpu.memory_space<vmem>>, vector<16xf32>,
        %get3A_94 = arith.index_cast %scan3A_39 : i32 to index
        %get3A_95 = arith.constant 64 : index
        %get3A_96 = tpu.vector_load %arg19[%get3A_94, %get3A_95] {strides = array<i32>} : memref<128x128xf32, #tpu.memory_space<vmem>>, vector<16xf32>,
        %get3A_97 = arith.index_cast %scan3A_39 : i32 to index
        %get3A_98 = arith.constant 64 : index
        %get3A_99 = tpu.vector_load %arg20[%get3A_97, %get3A_98] {strides = array<i32>} : memref<128x128xf32, #tpu.memory_space<vmem>>, vector<16xf32>,
        %add3A_100 = arith.addf %get3A_96, %get3A_99 : vector<16xf32>
        %get3A_101 = arith.index_cast %scan3A_39 : i32 to index
        %get3A_102 = arith.constant 64 : index
        %get3A_103 = tpu.vector_load %arg21[%get3A_101, %get3A_102] {strides = array<i32>} : memref<128x128xf32, #tpu.memory_space<vmem>>, vector<16xf32>,
        %add3A_104 = arith.addf %add3A_100, %get3A_103 : vector<16xf32>
        %swap3A_105 = arith.index_cast %scan3A_39 : i32 to index
        %swap3A_106 = arith.constant 64 : index
        %swap3A_107 = tpu.vector_load %arg19[%swap3A_105, %swap3A_106] {strides = array<i32>} : memref<128x128xf32, #tpu.memory_space<vmem>>, vector<16xf32>,
        tpu.vector_store %arg19[%swap3A_105, %swap3A_106], %add3A_104 {strides = array<i32>} : memref<128x128xf32, #tpu.memory_space<vmem>>, vector<16xf32>,
        %get3A_108 = arith.index_cast %scan3A_39 : i32 to index
        %get3A_109 = arith.constant 80 : index
        %get3A_110 = tpu.vector_load %arg19[%get3A_108, %get3A_109] {strides = array<i32>} : memref<128x128xf32, #tpu.memory_space<vmem>>, vector<16xf32>,
        %get3A_111 = arith.index_cast %scan3A_39 : i32 to index
        %get3A_112 = arith.constant 80 : index
        %get3A_113 = tpu.vector_load %arg20[%get3A_111, %get3A_112] {strides = array<i32>} : memref<128x128xf32, #tpu.memory_space<vmem>>, vector<16xf32>,
        %add3A_114 = arith.addf %get3A_110, %get3A_113 : vector<16xf32>
        %get3A_115 = arith.index_cast %scan3A_39 : i32 to index
        %get3A_116 = arith.constant 80 : index
        %get3A_117 = tpu.vector_load %arg21[%get3A_115, %get3A_116] {strides = array<i32>} : memref<128x128xf32, #tpu.memory_space<vmem>>, vector<16xf32>,
        %add3A_118 = arith.addf %add3A_114, %get3A_117 : vector<16xf32>
        %swap3A_119 = arith.index_cast %scan3A_39 : i32 to index
        %swap3A_120 = arith.constant 80 : index
        %swap3A_121 = tpu.vector_load %arg19[%swap3A_119, %swap3A_120] {strides = array<i32>} : memref<128x128xf32, #tpu.memory_space<vmem>>, vector<16xf32>,
        tpu.vector_store %arg19[%swap3A_119, %swap3A_120], %add3A_118 {strides = array<i32>} : memref<128x128xf32, #tpu.memory_space<vmem>>, vector<16xf32>,
        %get3A_122 = arith.index_cast %scan3A_39 : i32 to index
        %get3A_123 = arith.constant 96 : index
        %get3A_124 = tpu.vector_load %arg19[%get3A_122, %get3A_123] {strides = array<i32>} : memref<128x128xf32, #tpu.memory_space<vmem>>, vector<16xf32>,
        %get3A_125 = arith.index_cast %scan3A_39 : i32 to index
        %get3A_126 = arith.constant 96 : index
        %get3A_127 = tpu.vector_load %arg20[%get3A_125, %get3A_126] {strides = array<i32>} : memref<128x128xf32, #tpu.memory_space<vmem>>, vector<16xf32>,
        %add3A_128 = arith.addf %get3A_124, %get3A_127 : vector<16xf32>
        %get3A_129 = arith.index_cast %scan3A_39 : i32 to index
        %get3A_130 = arith.constant 96 : index
        %get3A_131 = tpu.vector_load %arg21[%get3A_129, %get3A_130] {strides = array<i32>} : memref<128x128xf32, #tpu.memory_space<vmem>>, vector<16xf32>,
        %add3A_132 = arith.addf %add3A_128, %get3A_131 : vector<16xf32>
        %swap3A_133 = arith.index_cast %scan3A_39 : i32 to index
        %swap3A_134 = arith.constant 96 : index
        %swap3A_135 = tpu.vector_load %arg19[%swap3A_133, %swap3A_134] {strides = array<i32>} : memref<128x128xf32, #tpu.memory_space<vmem>>, vector<16xf32>,
        tpu.vector_store %arg19[%swap3A_133, %swap3A_134], %add3A_132 {strides = array<i32>} : memref<128x128xf32, #tpu.memory_space<vmem>>, vector<16xf32>,
        %get3A_136 = arith.index_cast %scan3A_39 : i32 to index
        %get3A_137 = arith.constant 112 : index
        %get3A_138 = tpu.vector_load %arg19[%get3A_136, %get3A_137] {strides = array<i32>} : memref<128x128xf32, #tpu.memory_space<vmem>>, vector<16xf32>,
        %get3A_139 = arith.index_cast %scan3A_39 : i32 to index
        %get3A_140 = arith.constant 112 : index
        %get3A_141 = tpu.vector_load %arg20[%get3A_139, %get3A_140] {strides = array<i32>} : memref<128x128xf32, #tpu.memory_space<vmem>>, vector<16xf32>,
        %add3A_142 = arith.addf %get3A_138, %get3A_141 : vector<16xf32>
        %get3A_143 = arith.index_cast %scan3A_39 : i32 to index
        %get3A_144 = arith.constant 112 : index
        %get3A_145 = tpu.vector_load %arg21[%get3A_143, %get3A_144] {strides = array<i32>} : memref<128x128xf32, #tpu.memory_space<vmem>>, vector<16xf32>,
        %add3A_146 = arith.addf %add3A_142, %get3A_145 : vector<16xf32>
        %swap3A_147 = arith.index_cast %scan3A_39 : i32 to index
        %swap3A_148 = arith.constant 112 : index
        %swap3A_149 = tpu.vector_load %arg19[%swap3A_147, %swap3A_148] {strides = array<i32>} : memref<128x128xf32, #tpu.memory_space<vmem>>, vector<16xf32>,
        tpu.vector_store %arg19[%swap3A_147, %swap3A_148], %add3A_146 {strides = array<i32>} : memref<128x128xf32, #tpu.memory_space<vmem>>, vector<16xf32>,
      }
      %scan3A_32 = arith.constant 128 : i32
      "tpu.region"() ({
        %run_scoped3A = tpu.sem_alloc : memref<!tpu.dma_semaphore, #tpu.memory_space<semaphore_mem>>
        %dma_start3A = arith.constant 0 : i32
        %dma_start3A_39 = tpu.memref_slice %arg9[%mul3A_19, %dma_start3A] : memref<320000x128xf32, #tpu.memory_space<hbm>> -> memref<128x128xf32, #tpu.memory_space<hbm>>
        %dma_start3A_40 = arith.constant 0 : i32
        %dma_start3A_41 = tpu.memref_slice %arg9[%mul3A_19, %dma_start3A_40] : memref<320000x128xf32, #tpu.memory_space<hbm>> -> memref<128x128xf32, #tpu.memory_space<hbm>>
        tpu.enqueue_dma source(%arg19 : memref<128x128xf32, #tpu.memory_space<vmem>>) target(%dma_start3A_41 : memref<128x128xf32, #tpu.memory_space<hbm>>) target_semaphore(%run_scoped3A : memref<!tpu.dma_semaphore, #tpu.memory_space<semaphore_mem>>)
        %dma_wait3A = arith.constant 0 : i32
        %dma_wait3A_42 = tpu.memref_slice %arg9[%mul3A_19, %dma_wait3A] : memref<320000x128xf32, #tpu.memory_space<hbm>> -> memref<128x128xf32, #tpu.memory_space<hbm>>
        %dma_wait3A_43 = arith.constant 0 : i32
        %dma_wait3A_44 = tpu.memref_slice %arg9[%mul3A_19, %dma_wait3A_43] : memref<320000x128xf32, #tpu.memory_space<hbm>> -> memref<128x128xf32, #tpu.memory_space<hbm>>
        tpu.wait_dma2 semaphore(%run_scoped3A : memref<!tpu.dma_semaphore, #tpu.memory_space<semaphore_mem>>) src(%arg19 : memref<128x128xf32, #tpu.memory_space<vmem>>) dst(%dma_wait3A_44 : memref<128x128xf32, #tpu.memory_space<hbm>>)
        tpu.yield
      }) : () -> ()
      "tpu.region"() ({
        %run_scoped3A = tpu.sem_alloc : memref<!tpu.dma_semaphore, #tpu.memory_space<semaphore_mem>>
        %dma_start3A = arith.constant 0 : i32
        %dma_start3A_39 = arith.constant 0 : i32
        %dma_start3A_40 = tpu.memref_slice %arg7[%dma_start3A, %dma_start3A_39] : memref<10000x128xf32, #tpu.memory_space<hbm>> -> memref<10000x128xf32, #tpu.memory_space<hbm>>
        tpu.enqueue_indirect_dma source(%dma_start3A_40 : memref<10000x128xf32, #tpu.memory_space<hbm>>) target(%arg20 : memref<128x128xf32, #tpu.memory_space<vmem>>) offsets(%arg15 : memref<128xi32, #tpu.memory_space<vmem>>) semaphore(%run_scoped3A : memref<!tpu.dma_semaphore, #tpu.memory_space<semaphore_mem>>)
        %dma_wait3A = arith.constant 0 : i32
        %dma_wait3A_41 = arith.constant 0 : i32
        %dma_wait3A_42 = tpu.memref_slice %arg7[%dma_wait3A, %dma_wait3A_41] : memref<10000x128xf32, #tpu.memory_space<hbm>> -> memref<10000x128xf32, #tpu.memory_space<hbm>>
        tpu.wait_indirect_dma semaphore(%run_scoped3A : memref<!tpu.dma_semaphore, #tpu.memory_space<semaphore_mem>>) src(%dma_wait3A_42 : memref<10000x128xf32, #tpu.memory_space<hbm>>) dst(%arg20 : memref<128x128xf32, #tpu.memory_space<vmem>>)
        tpu.yield
      }) : () -> ()
      "tpu.region"() ({
        %run_scoped3A = tpu.sem_alloc : memref<!tpu.dma_semaphore, #tpu.memory_space<semaphore_mem>>
        %dma_start3A = arith.constant 0 : i32
        %dma_start3A_39 = arith.constant 0 : i32
        %dma_start3A_40 = tpu.memref_slice %arg8[%dma_start3A, %dma_start3A_39] : memref<10240x128xf32, #tpu.memory_space<hbm>> -> memref<10240x128xf32, #tpu.memory_space<hbm>>
        tpu.enqueue_indirect_dma source(%dma_start3A_40 : memref<10240x128xf32, #tpu.memory_space<hbm>>) target(%arg21 : memref<128x128xf32, #tpu.memory_space<vmem>>) offsets(%arg16 : memref<128xi32, #tpu.memory_space<vmem>>) semaphore(%run_scoped3A : memref<!tpu.dma_semaphore, #tpu.memory_space<semaphore_mem>>)
        %dma_wait3A = arith.constant 0 : i32
        %dma_wait3A_41 = arith.constant 0 : i32
        %dma_wait3A_42 = tpu.memref_slice %arg8[%dma_wait3A, %dma_wait3A_41] : memref<10240x128xf32, #tpu.memory_space<hbm>> -> memref<10240x128xf32, #tpu.memory_space<hbm>>
        tpu.wait_indirect_dma semaphore(%run_scoped3A : memref<!tpu.dma_semaphore, #tpu.memory_space<semaphore_mem>>) src(%dma_wait3A_42 : memref<10240x128xf32, #tpu.memory_space<hbm>>) dst(%arg21 : memref<128x128xf32, #tpu.memory_space<vmem>>)
        tpu.yield
      }) : () -> ()
      %scan3A_33 = arith.constant 0 : i32
      %scan3A_34 = arith.constant 0 : i32
      %scan3A_35 = arith.constant 128 : i32
      %scan3A_36 = arith.addi %scan3A_34, %scan3A_35 : i32
      %scan3A_37 = arith.constant 1 : i32
      scf.for %scan3A_39 = %scan3A_34 to %scan3A_36 step %scan3A_37  : i32 {
        %get3A = arith.index_cast %scan3A_39 : i32 to index
        %get3A_40 = arith.constant 0 : index
        %get3A_41 = tpu.vector_load %arg20[%get3A, %get3A_40] {strides = array<i32>} : memref<128x128xf32, #tpu.memory_space<vmem>>, vector<16xf32>,
        %get3A_42 = arith.index_cast %scan3A_39 : i32 to index
        %get3A_43 = arith.constant 0 : index
        %get3A_44 = tpu.vector_load %arg21[%get3A_42, %get3A_43] {strides = array<i32>} : memref<128x128xf32, #tpu.memory_space<vmem>>, vector<16xf32>,
        %add3A_45 = arith.addf %get3A_41, %get3A_44 : vector<16xf32>
        %swap3A = arith.index_cast %scan3A_39 : i32 to index
        %swap3A_46 = arith.constant 0 : index
        %swap3A_47 = tpu.vector_load %arg20[%swap3A, %swap3A_46] {strides = array<i32>} : memref<128x128xf32, #tpu.memory_space<vmem>>, vector<16xf32>,
        tpu.vector_store %arg20[%swap3A, %swap3A_46], %add3A_45 {strides = array<i32>} : memref<128x128xf32, #tpu.memory_space<vmem>>, vector<16xf32>,
        %get3A_48 = arith.index_cast %scan3A_39 : i32 to index
        %get3A_49 = arith.constant 16 : index
        %get3A_50 = tpu.vector_load %arg20[%get3A_48, %get3A_49] {strides = array<i32>} : memref<128x128xf32, #tpu.memory_space<vmem>>, vector<16xf32>,
        %get3A_51 = arith.index_cast %scan3A_39 : i32 to index
        %get3A_52 = arith.constant 16 : index
        %get3A_53 = tpu.vector_load %arg21[%get3A_51, %get3A_52] {strides = array<i32>} : memref<128x128xf32, #tpu.memory_space<vmem>>, vector<16xf32>,
        %add3A_54 = arith.addf %get3A_50, %get3A_53 : vector<16xf32>
        %swap3A_55 = arith.index_cast %scan3A_39 : i32 to index
        %swap3A_56 = arith.constant 16 : index
        %swap3A_57 = tpu.vector_load %arg20[%swap3A_55, %swap3A_56] {strides = array<i32>} : memref<128x128xf32, #tpu.memory_space<vmem>>, vector<16xf32>,
        tpu.vector_store %arg20[%swap3A_55, %swap3A_56], %add3A_54 {strides = array<i32>} : memref<128x128xf32, #tpu.memory_space<vmem>>, vector<16xf32>,
        %get3A_58 = arith.index_cast %scan3A_39 : i32 to index
        %get3A_59 = arith.constant 32 : index
        %get3A_60 = tpu.vector_load %arg20[%get3A_58, %get3A_59] {strides = array<i32>} : memref<128x128xf32, #tpu.memory_space<vmem>>, vector<16xf32>,
        %get3A_61 = arith.index_cast %scan3A_39 : i32 to index
        %get3A_62 = arith.constant 32 : index
        %get3A_63 = tpu.vector_load %arg21[%get3A_61, %get3A_62] {strides = array<i32>} : memref<128x128xf32, #tpu.memory_space<vmem>>, vector<16xf32>,
        %add3A_64 = arith.addf %get3A_60, %get3A_63 : vector<16xf32>
        %swap3A_65 = arith.index_cast %scan3A_39 : i32 to index
        %swap3A_66 = arith.constant 32 : index
        %swap3A_67 = tpu.vector_load %arg20[%swap3A_65, %swap3A_66] {strides = array<i32>} : memref<128x128xf32, #tpu.memory_space<vmem>>, vector<16xf32>,
        tpu.vector_store %arg20[%swap3A_65, %swap3A_66], %add3A_64 {strides = array<i32>} : memref<128x128xf32, #tpu.memory_space<vmem>>, vector<16xf32>,
        %get3A_68 = arith.index_cast %scan3A_39 : i32 to index
        %get3A_69 = arith.constant 48 : index
        %get3A_70 = tpu.vector_load %arg20[%get3A_68, %get3A_69] {strides = array<i32>} : memref<128x128xf32, #tpu.memory_space<vmem>>, vector<16xf32>,
        %get3A_71 = arith.index_cast %scan3A_39 : i32 to index
        %get3A_72 = arith.constant 48 : index
        %get3A_73 = tpu.vector_load %arg21[%get3A_71, %get3A_72] {strides = array<i32>} : memref<128x128xf32, #tpu.memory_space<vmem>>, vector<16xf32>,
        %add3A_74 = arith.addf %get3A_70, %get3A_73 : vector<16xf32>
        %swap3A_75 = arith.index_cast %scan3A_39 : i32 to index
        %swap3A_76 = arith.constant 48 : index
        %swap3A_77 = tpu.vector_load %arg20[%swap3A_75, %swap3A_76] {strides = array<i32>} : memref<128x128xf32, #tpu.memory_space<vmem>>, vector<16xf32>,
        tpu.vector_store %arg20[%swap3A_75, %swap3A_76], %add3A_74 {strides = array<i32>} : memref<128x128xf32, #tpu.memory_space<vmem>>, vector<16xf32>,
        %get3A_78 = arith.index_cast %scan3A_39 : i32 to index
        %get3A_79 = arith.constant 64 : index
        %get3A_80 = tpu.vector_load %arg20[%get3A_78, %get3A_79] {strides = array<i32>} : memref<128x128xf32, #tpu.memory_space<vmem>>, vector<16xf32>,
        %get3A_81 = arith.index_cast %scan3A_39 : i32 to index
        %get3A_82 = arith.constant 64 : index
        %get3A_83 = tpu.vector_load %arg21[%get3A_81, %get3A_82] {strides = array<i32>} : memref<128x128xf32, #tpu.memory_space<vmem>>, vector<16xf32>,
        %add3A_84 = arith.addf %get3A_80, %get3A_83 : vector<16xf32>
        %swap3A_85 = arith.index_cast %scan3A_39 : i32 to index
        %swap3A_86 = arith.constant 64 : index
        %swap3A_87 = tpu.vector_load %arg20[%swap3A_85, %swap3A_86] {strides = array<i32>} : memref<128x128xf32, #tpu.memory_space<vmem>>, vector<16xf32>,
        tpu.vector_store %arg20[%swap3A_85, %swap3A_86], %add3A_84 {strides = array<i32>} : memref<128x128xf32, #tpu.memory_space<vmem>>, vector<16xf32>,
        %get3A_88 = arith.index_cast %scan3A_39 : i32 to index
        %get3A_89 = arith.constant 80 : index
        %get3A_90 = tpu.vector_load %arg20[%get3A_88, %get3A_89] {strides = array<i32>} : memref<128x128xf32, #tpu.memory_space<vmem>>, vector<16xf32>,
        %get3A_91 = arith.index_cast %scan3A_39 : i32 to index
        %get3A_92 = arith.constant 80 : index
        %get3A_93 = tpu.vector_load %arg21[%get3A_91, %get3A_92] {strides = array<i32>} : memref<128x128xf32, #tpu.memory_space<vmem>>, vector<16xf32>,
        %add3A_94 = arith.addf %get3A_90, %get3A_93 : vector<16xf32>
        %swap3A_95 = arith.index_cast %scan3A_39 : i32 to index
        %swap3A_96 = arith.constant 80 : index
        %swap3A_97 = tpu.vector_load %arg20[%swap3A_95, %swap3A_96] {strides = array<i32>} : memref<128x128xf32, #tpu.memory_space<vmem>>, vector<16xf32>,
        tpu.vector_store %arg20[%swap3A_95, %swap3A_96], %add3A_94 {strides = array<i32>} : memref<128x128xf32, #tpu.memory_space<vmem>>, vector<16xf32>,
        %get3A_98 = arith.index_cast %scan3A_39 : i32 to index
        %get3A_99 = arith.constant 96 : index
        %get3A_100 = tpu.vector_load %arg20[%get3A_98, %get3A_99] {strides = array<i32>} : memref<128x128xf32, #tpu.memory_space<vmem>>, vector<16xf32>,
        %get3A_101 = arith.index_cast %scan3A_39 : i32 to index
        %get3A_102 = arith.constant 96 : index
        %get3A_103 = tpu.vector_load %arg21[%get3A_101, %get3A_102] {strides = array<i32>} : memref<128x128xf32, #tpu.memory_space<vmem>>, vector<16xf32>,
        %add3A_104 = arith.addf %get3A_100, %get3A_103 : vector<16xf32>
        %swap3A_105 = arith.index_cast %scan3A_39 : i32 to index
        %swap3A_106 = arith.constant 96 : index
        %swap3A_107 = tpu.vector_load %arg20[%swap3A_105, %swap3A_106] {strides = array<i32>} : memref<128x128xf32, #tpu.memory_space<vmem>>, vector<16xf32>,
        tpu.vector_store %arg20[%swap3A_105, %swap3A_106], %add3A_104 {strides = array<i32>} : memref<128x128xf32, #tpu.memory_space<vmem>>, vector<16xf32>,
        %get3A_108 = arith.index_cast %scan3A_39 : i32 to index
        %get3A_109 = arith.constant 112 : index
        %get3A_110 = tpu.vector_load %arg20[%get3A_108, %get3A_109] {strides = array<i32>} : memref<128x128xf32, #tpu.memory_space<vmem>>, vector<16xf32>,
        %get3A_111 = arith.index_cast %scan3A_39 : i32 to index
        %get3A_112 = arith.constant 112 : index
        %get3A_113 = tpu.vector_load %arg21[%get3A_111, %get3A_112] {strides = array<i32>} : memref<128x128xf32, #tpu.memory_space<vmem>>, vector<16xf32>,
        %add3A_114 = arith.addf %get3A_110, %get3A_113 : vector<16xf32>
        %swap3A_115 = arith.index_cast %scan3A_39 : i32 to index
        %swap3A_116 = arith.constant 112 : index
        %swap3A_117 = tpu.vector_load %arg20[%swap3A_115, %swap3A_116] {strides = array<i32>} : memref<128x128xf32, #tpu.memory_space<vmem>>, vector<16xf32>,
        tpu.vector_store %arg20[%swap3A_115, %swap3A_116], %add3A_114 {strides = array<i32>} : memref<128x128xf32, #tpu.memory_space<vmem>>, vector<16xf32>,
      }
      %scan3A_38 = arith.constant 128 : i32
      "tpu.region"() ({
        %run_scoped3A = tpu.sem_alloc : memref<!tpu.dma_semaphore, #tpu.memory_space<semaphore_mem>>
        %dma_start3A = arith.constant 0 : i32
        %dma_start3A_39 = tpu.memref_slice %arg10[%mul3A_19, %dma_start3A] : memref<320000x128xf32, #tpu.memory_space<hbm>> -> memref<128x128xf32, #tpu.memory_space<hbm>>
        %dma_start3A_40 = arith.constant 0 : i32
        %dma_start3A_41 = tpu.memref_slice %arg10[%mul3A_19, %dma_start3A_40] : memref<320000x128xf32, #tpu.memory_space<hbm>> -> memref<128x128xf32, #tpu.memory_space<hbm>>
        tpu.enqueue_dma source(%arg20 : memref<128x128xf32, #tpu.memory_space<vmem>>) target(%dma_start3A_41 : memref<128x128xf32, #tpu.memory_space<hbm>>) target_semaphore(%run_scoped3A : memref<!tpu.dma_semaphore, #tpu.memory_space<semaphore_mem>>)
        %dma_wait3A = arith.constant 0 : i32
        %dma_wait3A_42 = tpu.memref_slice %arg10[%mul3A_19, %dma_wait3A] : memref<320000x128xf32, #tpu.memory_space<hbm>> -> memref<128x128xf32, #tpu.memory_space<hbm>>
        %dma_wait3A_43 = arith.constant 0 : i32
        %dma_wait3A_44 = tpu.memref_slice %arg10[%mul3A_19, %dma_wait3A_43] : memref<320000x128xf32, #tpu.memory_space<hbm>> -> memref<128x128xf32, #tpu.memory_space<hbm>>
        tpu.wait_dma2 semaphore(%run_scoped3A : memref<!tpu.dma_semaphore, #tpu.memory_space<semaphore_mem>>) src(%arg20 : memref<128x128xf32, #tpu.memory_space<vmem>>) dst(%dma_wait3A_44 : memref<128x128xf32, #tpu.memory_space<hbm>>)
        tpu.yield
      }) : () -> ()
      "tpu.region"() ({
        %run_scoped3A = tpu.sem_alloc : memref<!tpu.dma_semaphore, #tpu.memory_space<semaphore_mem>>
        %dma_start3A = tpu.memref_slice %arg11[%mul3A_19] : memref<320000xi32, #tpu.memory_space<hbm>> -> memref<128xi32, #tpu.memory_space<hbm>>
        %dma_start3A_39 = tpu.memref_slice %arg11[%mul3A_19] : memref<320000xi32, #tpu.memory_space<hbm>> -> memref<128xi32, #tpu.memory_space<hbm>>
        tpu.enqueue_dma source(%arg15 : memref<128xi32, #tpu.memory_space<vmem>>) target(%dma_start3A_39 : memref<128xi32, #tpu.memory_space<hbm>>) target_semaphore(%run_scoped3A : memref<!tpu.dma_semaphore, #tpu.memory_space<semaphore_mem>>)
        %dma_wait3A = tpu.memref_slice %arg11[%mul3A_19] : memref<320000xi32, #tpu.memory_space<hbm>> -> memref<128xi32, #tpu.memory_space<hbm>>
        %dma_wait3A_40 = tpu.memref_slice %arg11[%mul3A_19] : memref<320000xi32, #tpu.memory_space<hbm>> -> memref<128xi32, #tpu.memory_space<hbm>>
        tpu.wait_dma2 semaphore(%run_scoped3A : memref<!tpu.dma_semaphore, #tpu.memory_space<semaphore_mem>>) src(%arg15 : memref<128xi32, #tpu.memory_space<vmem>>) dst(%dma_wait3A_40 : memref<128xi32, #tpu.memory_space<hbm>>)
        tpu.yield
      }) : () -> ()
      "tpu.region"() ({
        %run_scoped3A = tpu.sem_alloc : memref<!tpu.dma_semaphore, #tpu.memory_space<semaphore_mem>>
        %dma_start3A = tpu.memref_slice %arg12[%mul3A_19] : memref<320000xi32, #tpu.memory_space<hbm>> -> memref<128xi32, #tpu.memory_space<hbm>>
        %dma_start3A_39 = tpu.memref_slice %arg12[%mul3A_19] : memref<320000xi32, #tpu.memory_space<hbm>> -> memref<128xi32, #tpu.memory_space<hbm>>
        tpu.enqueue_dma source(%arg18 : memref<128xi32, #tpu.memory_space<vmem>>) target(%dma_start3A_39 : memref<128xi32, #tpu.memory_space<hbm>>) target_semaphore(%run_scoped3A : memref<!tpu.dma_semaphore, #tpu.memory_space<semaphore_mem>>)
        %dma_wait3A = tpu.memref_slice %arg12[%mul3A_19] : memref<320000xi32, #tpu.memory_space<hbm>> -> memref<128xi32, #tpu.memory_space<hbm>>
        %dma_wait3A_40 = tpu.memref_slice %arg12[%mul3A_19] : memref<320000xi32, #tpu.memory_space<hbm>> -> memref<128xi32, #tpu.memory_space<hbm>>
        tpu.wait_dma2 semaphore(%run_scoped3A : memref<!tpu.dma_semaphore, #tpu.memory_space<semaphore_mem>>) src(%arg18 : memref<128xi32, #tpu.memory_space<vmem>>) dst(%dma_wait3A_40 : memref<128xi32, #tpu.memory_space<hbm>>)
        tpu.yield
      }) : () -> ()
    }
    %while3A_13 = arith.constant 1 : i32
    scf.for %while3A_14 = %while3A_11 to %while3A_7 step %while3A_13  : i32 {
      %mul3A_15 = arith.constant 32 : i32
      %mul3A_16 = arith.muli %while3A_14, %mul3A_15 : i32
      %add3A_17 = arith.addi %add3A, %mul3A_16 : i32
      %mul3A_18 = arith.constant 128 : i32
      %mul3A_19 = arith.muli %add3A_17, %mul3A_18 : i32
      %mul3A_20 = arith.constant 6 : i32
      %mul3A_21 = arith.muli %mul3A_19, %mul3A_20 : i32
      "tpu.region"() ({
        %run_scoped3A = tpu.sem_alloc : memref<!tpu.dma_semaphore, #tpu.memory_space<semaphore_mem>>
        %dma_start3A = tpu.memref_slice %arg2[%mul3A_21] : memref<1920000xi32, #tpu.memory_space<hbm>> -> memref<768xi32, #tpu.memory_space<hbm>>
        %dma_start3A_39 = tpu.memref_slice %arg2[%mul3A_21] : memref<1920000xi32, #tpu.memory_space<hbm>> -> memref<768xi32, #tpu.memory_space<hbm>>
        tpu.enqueue_dma source(%dma_start3A_39 : memref<768xi32, #tpu.memory_space<hbm>>) target(%arg13 : memref<768xi32, #tpu.memory_space<vmem>>) target_semaphore(%run_scoped3A : memref<!tpu.dma_semaphore, #tpu.memory_space<semaphore_mem>>)
        %dma_wait3A = tpu.memref_slice %arg2[%mul3A_21] : memref<1920000xi32, #tpu.memory_space<hbm>> -> memref<768xi32, #tpu.memory_space<hbm>>
        %dma_wait3A_40 = tpu.memref_slice %arg2[%mul3A_21] : memref<1920000xi32, #tpu.memory_space<hbm>> -> memref<768xi32, #tpu.memory_space<hbm>>
        tpu.wait_dma2 semaphore(%run_scoped3A : memref<!tpu.dma_semaphore, #tpu.memory_space<semaphore_mem>>) src(%dma_wait3A_40 : memref<768xi32, #tpu.memory_space<hbm>>) dst(%arg13 : memref<768xi32, #tpu.memory_space<vmem>>)
        tpu.yield
      }) : () -> ()
      %scan3A = arith.constant 0 : i32
      %scan3A_22 = arith.constant 0 : i32
      %scan3A_23 = arith.constant 8 : i32
      %scan3A_24 = arith.addi %scan3A_22, %scan3A_23 : i32
      %scan3A_25 = arith.constant 1 : i32
      scf.for %scan3A_39 = %scan3A_22 to %scan3A_24 step %scan3A_25  : i32 {
        %mul3A_40 = arith.constant 16 : i32
        %mul3A_41 = arith.muli %scan3A_39, %mul3A_40 : i32
        %add3A_42 = vector.broadcast %mul3A_41 : i32 to vector<16xi32>
        %add3A_43 = arith.addi %add3A_42, %iota3A : vector<16xi32>
        %mul3A_44 = arith.constant 6 : i32
        %mul3A_45 = vector.broadcast %mul3A_44 : i32 to vector<16xi32>
        %mul3A_46 = arith.muli %add3A_43, %mul3A_45 : vector<16xi32>
        %gather3A = tpu.vector_load_idx %arg13[%mul3A_46] : memref<768xi32, #tpu.memory_space<vmem>>[vector<16xi32>], vector<16xi32>,
        %add3A_47 = arith.constant 2 : i32
        %add3A_48 = vector.broadcast %add3A_47 : i32 to vector<16xi32>
        %add3A_49 = arith.addi %mul3A_46, %add3A_48 : vector<16xi32>
        %gather3A_50 = tpu.vector_load_idx %arg13[%add3A_49] : memref<768xi32, #tpu.memory_space<vmem>>[vector<16xi32>], vector<16xi32>,
        %add3A_51 = arith.constant 4 : i32
        %add3A_52 = vector.broadcast %add3A_51 : i32 to vector<16xi32>
        %add3A_53 = arith.addi %mul3A_46, %add3A_52 : vector<16xi32>
        %gather3A_54 = tpu.vector_load_idx %arg13[%add3A_53] : memref<768xi32, #tpu.memory_space<vmem>>[vector<16xi32>], vector<16xi32>,
        %add3A_55 = arith.constant 5 : i32
        %add3A_56 = vector.broadcast %add3A_55 : i32 to vector<16xi32>
        %add3A_57 = arith.addi %mul3A_46, %add3A_56 : vector<16xi32>
        %gather3A_58 = tpu.vector_load_idx %arg13[%add3A_57] : memref<768xi32, #tpu.memory_space<vmem>>[vector<16xi32>], vector<16xi32>,
        %gather3A_59 = tpu.vector_load_idx %arg14[%gather3A] : memref<10000xi32, #tpu.memory_space<vmem>>[vector<16xi32>], vector<16xi32>,
        %mul3A_60 = arith.constant 16 : i32
        %mul3A_61 = arith.muli %scan3A_39, %mul3A_60 : i32
        %swap3A = arith.index_cast %mul3A_61 : i32 to index
        %swap3A_62 = tpu.vector_load %arg15[%swap3A] {strides = array<i32>} : memref<128xi32, #tpu.memory_space<vmem>>, vector<16xi32>,
        tpu.vector_store %arg15[%swap3A], %gather3A_54 {strides = array<i32>} : memref<128xi32, #tpu.memory_space<vmem>>, vector<16xi32>,
        %mul3A_63 = arith.constant 16 : i32
        %mul3A_64 = arith.muli %scan3A_39, %mul3A_63 : i32
        %swap3A_65 = arith.index_cast %mul3A_64 : i32 to index
        %swap3A_66 = tpu.vector_load %arg16[%swap3A_65] {strides = array<i32>} : memref<128xi32, #tpu.memory_space<vmem>>, vector<16xi32>,
        tpu.vector_store %arg16[%swap3A_65], %gather3A_50 {strides = array<i32>} : memref<128xi32, #tpu.memory_space<vmem>>, vector<16xi32>,
        %mul3A_67 = arith.constant 16 : i32
        %mul3A_68 = arith.muli %scan3A_39, %mul3A_67 : i32
        %swap3A_69 = arith.index_cast %mul3A_68 : i32 to index
        %swap3A_70 = tpu.vector_load %arg17[%swap3A_69] {strides = array<i32>} : memref<128xi32, #tpu.memory_space<vmem>>, vector<16xi32>,
        tpu.vector_store %arg17[%swap3A_69], %gather3A_59 {strides = array<i32>} : memref<128xi32, #tpu.memory_space<vmem>>, vector<16xi32>,
        %mul3A_71 = arith.constant 16 : i32
        %mul3A_72 = arith.muli %scan3A_39, %mul3A_71 : i32
        %swap3A_73 = arith.index_cast %mul3A_72 : i32 to index
        %swap3A_74 = tpu.vector_load %arg18[%swap3A_73] {strides = array<i32>} : memref<128xi32, #tpu.memory_space<vmem>>, vector<16xi32>,
        tpu.vector_store %arg18[%swap3A_73], %gather3A_58 {strides = array<i32>} : memref<128xi32, #tpu.memory_space<vmem>>, vector<16xi32>,
      }
      %scan3A_26 = arith.constant 8 : i32
      "tpu.region"() ({
        %run_scoped3A = tpu.sem_alloc : memref<!tpu.dma_semaphore, #tpu.memory_space<semaphore_mem>>
        %dma_start3A = arith.constant 0 : i32
        %dma_start3A_39 = arith.constant 0 : i32
        %dma_start3A_40 = tpu.memref_slice %arg4[%dma_start3A, %dma_start3A_39] : memref<10000x128xf32, #tpu.memory_space<hbm>> -> memref<10000x128xf32, #tpu.memory_space<hbm>>
        tpu.enqueue_indirect_dma source(%dma_start3A_40 : memref<10000x128xf32, #tpu.memory_space<hbm>>) target(%arg19 : memref<128x128xf32, #tpu.memory_space<vmem>>) offsets(%arg15 : memref<128xi32, #tpu.memory_space<vmem>>) semaphore(%run_scoped3A : memref<!tpu.dma_semaphore, #tpu.memory_space<semaphore_mem>>)
        %dma_wait3A = arith.constant 0 : i32
        %dma_wait3A_41 = arith.constant 0 : i32
        %dma_wait3A_42 = tpu.memref_slice %arg4[%dma_wait3A, %dma_wait3A_41] : memref<10000x128xf32, #tpu.memory_space<hbm>> -> memref<10000x128xf32, #tpu.memory_space<hbm>>
        tpu.wait_indirect_dma semaphore(%run_scoped3A : memref<!tpu.dma_semaphore, #tpu.memory_space<semaphore_mem>>) src(%dma_wait3A_42 : memref<10000x128xf32, #tpu.memory_space<hbm>>) dst(%arg19 : memref<128x128xf32, #tpu.memory_space<vmem>>)
        tpu.yield
      }) : () -> ()
      "tpu.region"() ({
        %run_scoped3A = tpu.sem_alloc : memref<!tpu.dma_semaphore, #tpu.memory_space<semaphore_mem>>
        %dma_start3A = arith.constant 0 : i32
        %dma_start3A_39 = arith.constant 0 : i32
        %dma_start3A_40 = tpu.memref_slice %arg5[%dma_start3A, %dma_start3A_39] : memref<10240x128xf32, #tpu.memory_space<hbm>> -> memref<10240x128xf32, #tpu.memory_space<hbm>>
        tpu.enqueue_indirect_dma source(%dma_start3A_40 : memref<10240x128xf32, #tpu.memory_space<hbm>>) target(%arg20 : memref<128x128xf32, #tpu.memory_space<vmem>>) offsets(%arg16 : memref<128xi32, #tpu.memory_space<vmem>>) semaphore(%run_scoped3A : memref<!tpu.dma_semaphore, #tpu.memory_space<semaphore_mem>>)
        %dma_wait3A = arith.constant 0 : i32
        %dma_wait3A_41 = arith.constant 0 : i32
        %dma_wait3A_42 = tpu.memref_slice %arg5[%dma_wait3A, %dma_wait3A_41] : memref<10240x128xf32, #tpu.memory_space<hbm>> -> memref<10240x128xf32, #tpu.memory_space<hbm>>
        tpu.wait_indirect_dma semaphore(%run_scoped3A : memref<!tpu.dma_semaphore, #tpu.memory_space<semaphore_mem>>) src(%dma_wait3A_42 : memref<10240x128xf32, #tpu.memory_space<hbm>>) dst(%arg20 : memref<128x128xf32, #tpu.memory_space<vmem>>)
        tpu.yield
      }) : () -> ()
      "tpu.region"() ({
        %run_scoped3A = tpu.sem_alloc : memref<!tpu.dma_semaphore, #tpu.memory_space<semaphore_mem>>
        %dma_start3A = arith.constant 0 : i32
        %dma_start3A_39 = arith.constant 0 : i32
        %dma_start3A_40 = tpu.memref_slice %arg6[%dma_start3A, %dma_start3A_39] : memref<10240x128xf32, #tpu.memory_space<hbm>> -> memref<10240x128xf32, #tpu.memory_space<hbm>>
        tpu.enqueue_indirect_dma source(%dma_start3A_40 : memref<10240x128xf32, #tpu.memory_space<hbm>>) target(%arg21 : memref<128x128xf32, #tpu.memory_space<vmem>>) offsets(%arg17 : memref<128xi32, #tpu.memory_space<vmem>>) semaphore(%run_scoped3A : memref<!tpu.dma_semaphore, #tpu.memory_space<semaphore_mem>>)
        %dma_wait3A = arith.constant 0 : i32
        %dma_wait3A_41 = arith.constant 0 : i32
        %dma_wait3A_42 = tpu.memref_slice %arg6[%dma_wait3A, %dma_wait3A_41] : memref<10240x128xf32, #tpu.memory_space<hbm>> -> memref<10240x128xf32, #tpu.memory_space<hbm>>
        tpu.wait_indirect_dma semaphore(%run_scoped3A : memref<!tpu.dma_semaphore, #tpu.memory_space<semaphore_mem>>) src(%dma_wait3A_42 : memref<10240x128xf32, #tpu.memory_space<hbm>>) dst(%arg21 : memref<128x128xf32, #tpu.memory_space<vmem>>)
        tpu.yield
      }) : () -> ()
      %scan3A_27 = arith.constant 0 : i32
      %scan3A_28 = arith.constant 0 : i32
      %scan3A_29 = arith.constant 128 : i32
      %scan3A_30 = arith.addi %scan3A_28, %scan3A_29 : i32
      %scan3A_31 = arith.constant 1 : i32
      scf.for %scan3A_39 = %scan3A_28 to %scan3A_30 step %scan3A_31  : i32 {
        %get3A = arith.index_cast %scan3A_39 : i32 to index
        %get3A_40 = arith.constant 0 : index
        %get3A_41 = tpu.vector_load %arg19[%get3A, %get3A_40] {strides = array<i32>} : memref<128x128xf32, #tpu.memory_space<vmem>>, vector<16xf32>,
        %get3A_42 = arith.index_cast %scan3A_39 : i32 to index
        %get3A_43 = arith.constant 0 : index
        %get3A_44 = tpu.vector_load %arg20[%get3A_42, %get3A_43] {strides = array<i32>} : memref<128x128xf32, #tpu.memory_space<vmem>>, vector<16xf32>,
        %add3A_45 = arith.addf %get3A_41, %get3A_44 : vector<16xf32>
        %get3A_46 = arith.index_cast %scan3A_39 : i32 to index
        %get3A_47 = arith.constant 0 : index
        %get3A_48 = tpu.vector_load %arg21[%get3A_46, %get3A_47] {strides = array<i32>} : memref<128x128xf32, #tpu.memory_space<vmem>>, vector<16xf32>,
        %add3A_49 = arith.addf %add3A_45, %get3A_48 : vector<16xf32>
        %swap3A = arith.index_cast %scan3A_39 : i32 to index
        %swap3A_50 = arith.constant 0 : index
        %swap3A_51 = tpu.vector_load %arg19[%swap3A, %swap3A_50] {strides = array<i32>} : memref<128x128xf32, #tpu.memory_space<vmem>>, vector<16xf32>,
        tpu.vector_store %arg19[%swap3A, %swap3A_50], %add3A_49 {strides = array<i32>} : memref<128x128xf32, #tpu.memory_space<vmem>>, vector<16xf32>,
        %get3A_52 = arith.index_cast %scan3A_39 : i32 to index
        %get3A_53 = arith.constant 16 : index
        %get3A_54 = tpu.vector_load %arg19[%get3A_52, %get3A_53] {strides = array<i32>} : memref<128x128xf32, #tpu.memory_space<vmem>>, vector<16xf32>,
        %get3A_55 = arith.index_cast %scan3A_39 : i32 to index
        %get3A_56 = arith.constant 16 : index
        %get3A_57 = tpu.vector_load %arg20[%get3A_55, %get3A_56] {strides = array<i32>} : memref<128x128xf32, #tpu.memory_space<vmem>>, vector<16xf32>,
        %add3A_58 = arith.addf %get3A_54, %get3A_57 : vector<16xf32>
        %get3A_59 = arith.index_cast %scan3A_39 : i32 to index
        %get3A_60 = arith.constant 16 : index
        %get3A_61 = tpu.vector_load %arg21[%get3A_59, %get3A_60] {strides = array<i32>} : memref<128x128xf32, #tpu.memory_space<vmem>>, vector<16xf32>,
        %add3A_62 = arith.addf %add3A_58, %get3A_61 : vector<16xf32>
        %swap3A_63 = arith.index_cast %scan3A_39 : i32 to index
        %swap3A_64 = arith.constant 16 : index
        %swap3A_65 = tpu.vector_load %arg19[%swap3A_63, %swap3A_64] {strides = array<i32>} : memref<128x128xf32, #tpu.memory_space<vmem>>, vector<16xf32>,
        tpu.vector_store %arg19[%swap3A_63, %swap3A_64], %add3A_62 {strides = array<i32>} : memref<128x128xf32, #tpu.memory_space<vmem>>, vector<16xf32>,
        %get3A_66 = arith.index_cast %scan3A_39 : i32 to index
        %get3A_67 = arith.constant 32 : index
        %get3A_68 = tpu.vector_load %arg19[%get3A_66, %get3A_67] {strides = array<i32>} : memref<128x128xf32, #tpu.memory_space<vmem>>, vector<16xf32>,
        %get3A_69 = arith.index_cast %scan3A_39 : i32 to index
        %get3A_70 = arith.constant 32 : index
        %get3A_71 = tpu.vector_load %arg20[%get3A_69, %get3A_70] {strides = array<i32>} : memref<128x128xf32, #tpu.memory_space<vmem>>, vector<16xf32>,
        %add3A_72 = arith.addf %get3A_68, %get3A_71 : vector<16xf32>
        %get3A_73 = arith.index_cast %scan3A_39 : i32 to index
        %get3A_74 = arith.constant 32 : index
        %get3A_75 = tpu.vector_load %arg21[%get3A_73, %get3A_74] {strides = array<i32>} : memref<128x128xf32, #tpu.memory_space<vmem>>, vector<16xf32>,
        %add3A_76 = arith.addf %add3A_72, %get3A_75 : vector<16xf32>
        %swap3A_77 = arith.index_cast %scan3A_39 : i32 to index
        %swap3A_78 = arith.constant 32 : index
        %swap3A_79 = tpu.vector_load %arg19[%swap3A_77, %swap3A_78] {strides = array<i32>} : memref<128x128xf32, #tpu.memory_space<vmem>>, vector<16xf32>,
        tpu.vector_store %arg19[%swap3A_77, %swap3A_78], %add3A_76 {strides = array<i32>} : memref<128x128xf32, #tpu.memory_space<vmem>>, vector<16xf32>,
        %get3A_80 = arith.index_cast %scan3A_39 : i32 to index
        %get3A_81 = arith.constant 48 : index
        %get3A_82 = tpu.vector_load %arg19[%get3A_80, %get3A_81] {strides = array<i32>} : memref<128x128xf32, #tpu.memory_space<vmem>>, vector<16xf32>,
        %get3A_83 = arith.index_cast %scan3A_39 : i32 to index
        %get3A_84 = arith.constant 48 : index
        %get3A_85 = tpu.vector_load %arg20[%get3A_83, %get3A_84] {strides = array<i32>} : memref<128x128xf32, #tpu.memory_space<vmem>>, vector<16xf32>,
        %add3A_86 = arith.addf %get3A_82, %get3A_85 : vector<16xf32>
        %get3A_87 = arith.index_cast %scan3A_39 : i32 to index
        %get3A_88 = arith.constant 48 : index
        %get3A_89 = tpu.vector_load %arg21[%get3A_87, %get3A_88] {strides = array<i32>} : memref<128x128xf32, #tpu.memory_space<vmem>>, vector<16xf32>,
        %add3A_90 = arith.addf %add3A_86, %get3A_89 : vector<16xf32>
        %swap3A_91 = arith.index_cast %scan3A_39 : i32 to index
        %swap3A_92 = arith.constant 48 : index
        %swap3A_93 = tpu.vector_load %arg19[%swap3A_91, %swap3A_92] {strides = array<i32>} : memref<128x128xf32, #tpu.memory_space<vmem>>, vector<16xf32>,
        tpu.vector_store %arg19[%swap3A_91, %swap3A_92], %add3A_90 {strides = array<i32>} : memref<128x128xf32, #tpu.memory_space<vmem>>, vector<16xf32>,
        %get3A_94 = arith.index_cast %scan3A_39 : i32 to index
        %get3A_95 = arith.constant 64 : index
        %get3A_96 = tpu.vector_load %arg19[%get3A_94, %get3A_95] {strides = array<i32>} : memref<128x128xf32, #tpu.memory_space<vmem>>, vector<16xf32>,
        %get3A_97 = arith.index_cast %scan3A_39 : i32 to index
        %get3A_98 = arith.constant 64 : index
        %get3A_99 = tpu.vector_load %arg20[%get3A_97, %get3A_98] {strides = array<i32>} : memref<128x128xf32, #tpu.memory_space<vmem>>, vector<16xf32>,
        %add3A_100 = arith.addf %get3A_96, %get3A_99 : vector<16xf32>
        %get3A_101 = arith.index_cast %scan3A_39 : i32 to index
        %get3A_102 = arith.constant 64 : index
        %get3A_103 = tpu.vector_load %arg21[%get3A_101, %get3A_102] {strides = array<i32>} : memref<128x128xf32, #tpu.memory_space<vmem>>, vector<16xf32>,
        %add3A_104 = arith.addf %add3A_100, %get3A_103 : vector<16xf32>
        %swap3A_105 = arith.index_cast %scan3A_39 : i32 to index
        %swap3A_106 = arith.constant 64 : index
        %swap3A_107 = tpu.vector_load %arg19[%swap3A_105, %swap3A_106] {strides = array<i32>} : memref<128x128xf32, #tpu.memory_space<vmem>>, vector<16xf32>,
        tpu.vector_store %arg19[%swap3A_105, %swap3A_106], %add3A_104 {strides = array<i32>} : memref<128x128xf32, #tpu.memory_space<vmem>>, vector<16xf32>,
        %get3A_108 = arith.index_cast %scan3A_39 : i32 to index
        %get3A_109 = arith.constant 80 : index
        %get3A_110 = tpu.vector_load %arg19[%get3A_108, %get3A_109] {strides = array<i32>} : memref<128x128xf32, #tpu.memory_space<vmem>>, vector<16xf32>,
        %get3A_111 = arith.index_cast %scan3A_39 : i32 to index
        %get3A_112 = arith.constant 80 : index
        %get3A_113 = tpu.vector_load %arg20[%get3A_111, %get3A_112] {strides = array<i32>} : memref<128x128xf32, #tpu.memory_space<vmem>>, vector<16xf32>,
        %add3A_114 = arith.addf %get3A_110, %get3A_113 : vector<16xf32>
        %get3A_115 = arith.index_cast %scan3A_39 : i32 to index
        %get3A_116 = arith.constant 80 : index
        %get3A_117 = tpu.vector_load %arg21[%get3A_115, %get3A_116] {strides = array<i32>} : memref<128x128xf32, #tpu.memory_space<vmem>>, vector<16xf32>,
        %add3A_118 = arith.addf %add3A_114, %get3A_117 : vector<16xf32>
        %swap3A_119 = arith.index_cast %scan3A_39 : i32 to index
        %swap3A_120 = arith.constant 80 : index
        %swap3A_121 = tpu.vector_load %arg19[%swap3A_119, %swap3A_120] {strides = array<i32>} : memref<128x128xf32, #tpu.memory_space<vmem>>, vector<16xf32>,
        tpu.vector_store %arg19[%swap3A_119, %swap3A_120], %add3A_118 {strides = array<i32>} : memref<128x128xf32, #tpu.memory_space<vmem>>, vector<16xf32>,
        %get3A_122 = arith.index_cast %scan3A_39 : i32 to index
        %get3A_123 = arith.constant 96 : index
        %get3A_124 = tpu.vector_load %arg19[%get3A_122, %get3A_123] {strides = array<i32>} : memref<128x128xf32, #tpu.memory_space<vmem>>, vector<16xf32>,
        %get3A_125 = arith.index_cast %scan3A_39 : i32 to index
        %get3A_126 = arith.constant 96 : index
        %get3A_127 = tpu.vector_load %arg20[%get3A_125, %get3A_126] {strides = array<i32>} : memref<128x128xf32, #tpu.memory_space<vmem>>, vector<16xf32>,
        %add3A_128 = arith.addf %get3A_124, %get3A_127 : vector<16xf32>
        %get3A_129 = arith.index_cast %scan3A_39 : i32 to index
        %get3A_130 = arith.constant 96 : index
        %get3A_131 = tpu.vector_load %arg21[%get3A_129, %get3A_130] {strides = array<i32>} : memref<128x128xf32, #tpu.memory_space<vmem>>, vector<16xf32>,
        %add3A_132 = arith.addf %add3A_128, %get3A_131 : vector<16xf32>
        %swap3A_133 = arith.index_cast %scan3A_39 : i32 to index
        %swap3A_134 = arith.constant 96 : index
        %swap3A_135 = tpu.vector_load %arg19[%swap3A_133, %swap3A_134] {strides = array<i32>} : memref<128x128xf32, #tpu.memory_space<vmem>>, vector<16xf32>,
        tpu.vector_store %arg19[%swap3A_133, %swap3A_134], %add3A_132 {strides = array<i32>} : memref<128x128xf32, #tpu.memory_space<vmem>>, vector<16xf32>,
        %get3A_136 = arith.index_cast %scan3A_39 : i32 to index
        %get3A_137 = arith.constant 112 : index
        %get3A_138 = tpu.vector_load %arg19[%get3A_136, %get3A_137] {strides = array<i32>} : memref<128x128xf32, #tpu.memory_space<vmem>>, vector<16xf32>,
        %get3A_139 = arith.index_cast %scan3A_39 : i32 to index
        %get3A_140 = arith.constant 112 : index
        %get3A_141 = tpu.vector_load %arg20[%get3A_139, %get3A_140] {strides = array<i32>} : memref<128x128xf32, #tpu.memory_space<vmem>>, vector<16xf32>,
        %add3A_142 = arith.addf %get3A_138, %get3A_141 : vector<16xf32>
        %get3A_143 = arith.index_cast %scan3A_39 : i32 to index
        %get3A_144 = arith.constant 112 : index
        %get3A_145 = tpu.vector_load %arg21[%get3A_143, %get3A_144] {strides = array<i32>} : memref<128x128xf32, #tpu.memory_space<vmem>>, vector<16xf32>,
        %add3A_146 = arith.addf %add3A_142, %get3A_145 : vector<16xf32>
        %swap3A_147 = arith.index_cast %scan3A_39 : i32 to index
        %swap3A_148 = arith.constant 112 : index
        %swap3A_149 = tpu.vector_load %arg19[%swap3A_147, %swap3A_148] {strides = array<i32>} : memref<128x128xf32, #tpu.memory_space<vmem>>, vector<16xf32>,
        tpu.vector_store %arg19[%swap3A_147, %swap3A_148], %add3A_146 {strides = array<i32>} : memref<128x128xf32, #tpu.memory_space<vmem>>, vector<16xf32>,
      }
      %scan3A_32 = arith.constant 128 : i32
      "tpu.region"() ({
        %run_scoped3A = tpu.sem_alloc : memref<!tpu.dma_semaphore, #tpu.memory_space<semaphore_mem>>
        %dma_start3A = arith.constant 0 : i32
        %dma_start3A_39 = tpu.memref_slice %arg9[%mul3A_19, %dma_start3A] : memref<320000x128xf32, #tpu.memory_space<hbm>> -> memref<128x128xf32, #tpu.memory_space<hbm>>
        %dma_start3A_40 = arith.constant 0 : i32
        %dma_start3A_41 = tpu.memref_slice %arg9[%mul3A_19, %dma_start3A_40] : memref<320000x128xf32, #tpu.memory_space<hbm>> -> memref<128x128xf32, #tpu.memory_space<hbm>>
        tpu.enqueue_dma source(%arg19 : memref<128x128xf32, #tpu.memory_space<vmem>>) target(%dma_start3A_41 : memref<128x128xf32, #tpu.memory_space<hbm>>) target_semaphore(%run_scoped3A : memref<!tpu.dma_semaphore, #tpu.memory_space<semaphore_mem>>)
        %dma_wait3A = arith.constant 0 : i32
        %dma_wait3A_42 = tpu.memref_slice %arg9[%mul3A_19, %dma_wait3A] : memref<320000x128xf32, #tpu.memory_space<hbm>> -> memref<128x128xf32, #tpu.memory_space<hbm>>
        %dma_wait3A_43 = arith.constant 0 : i32
        %dma_wait3A_44 = tpu.memref_slice %arg9[%mul3A_19, %dma_wait3A_43] : memref<320000x128xf32, #tpu.memory_space<hbm>> -> memref<128x128xf32, #tpu.memory_space<hbm>>
        tpu.wait_dma2 semaphore(%run_scoped3A : memref<!tpu.dma_semaphore, #tpu.memory_space<semaphore_mem>>) src(%arg19 : memref<128x128xf32, #tpu.memory_space<vmem>>) dst(%dma_wait3A_44 : memref<128x128xf32, #tpu.memory_space<hbm>>)
        tpu.yield
      }) : () -> ()
      "tpu.region"() ({
        %run_scoped3A = tpu.sem_alloc : memref<!tpu.dma_semaphore, #tpu.memory_space<semaphore_mem>>
        %dma_start3A = arith.constant 0 : i32
        %dma_start3A_39 = arith.constant 0 : i32
        %dma_start3A_40 = tpu.memref_slice %arg7[%dma_start3A, %dma_start3A_39] : memref<10000x128xf32, #tpu.memory_space<hbm>> -> memref<10000x128xf32, #tpu.memory_space<hbm>>
        tpu.enqueue_indirect_dma source(%dma_start3A_40 : memref<10000x128xf32, #tpu.memory_space<hbm>>) target(%arg20 : memref<128x128xf32, #tpu.memory_space<vmem>>) offsets(%arg15 : memref<128xi32, #tpu.memory_space<vmem>>) semaphore(%run_scoped3A : memref<!tpu.dma_semaphore, #tpu.memory_space<semaphore_mem>>)
        %dma_wait3A = arith.constant 0 : i32
        %dma_wait3A_41 = arith.constant 0 : i32
        %dma_wait3A_42 = tpu.memref_slice %arg7[%dma_wait3A, %dma_wait3A_41] : memref<10000x128xf32, #tpu.memory_space<hbm>> -> memref<10000x128xf32, #tpu.memory_space<hbm>>
        tpu.wait_indirect_dma semaphore(%run_scoped3A : memref<!tpu.dma_semaphore, #tpu.memory_space<semaphore_mem>>) src(%dma_wait3A_42 : memref<10000x128xf32, #tpu.memory_space<hbm>>) dst(%arg20 : memref<128x128xf32, #tpu.memory_space<vmem>>)
        tpu.yield
      }) : () -> ()
      "tpu.region"() ({
        %run_scoped3A = tpu.sem_alloc : memref<!tpu.dma_semaphore, #tpu.memory_space<semaphore_mem>>
        %dma_start3A = arith.constant 0 : i32
        %dma_start3A_39 = arith.constant 0 : i32
        %dma_start3A_40 = tpu.memref_slice %arg8[%dma_start3A, %dma_start3A_39] : memref<10240x128xf32, #tpu.memory_space<hbm>> -> memref<10240x128xf32, #tpu.memory_space<hbm>>
        tpu.enqueue_indirect_dma source(%dma_start3A_40 : memref<10240x128xf32, #tpu.memory_space<hbm>>) target(%arg21 : memref<128x128xf32, #tpu.memory_space<vmem>>) offsets(%arg16 : memref<128xi32, #tpu.memory_space<vmem>>) semaphore(%run_scoped3A : memref<!tpu.dma_semaphore, #tpu.memory_space<semaphore_mem>>)
        %dma_wait3A = arith.constant 0 : i32
        %dma_wait3A_41 = arith.constant 0 : i32
        %dma_wait3A_42 = tpu.memref_slice %arg8[%dma_wait3A, %dma_wait3A_41] : memref<10240x128xf32, #tpu.memory_space<hbm>> -> memref<10240x128xf32, #tpu.memory_space<hbm>>
        tpu.wait_indirect_dma semaphore(%run_scoped3A : memref<!tpu.dma_semaphore, #tpu.memory_space<semaphore_mem>>) src(%dma_wait3A_42 : memref<10240x128xf32, #tpu.memory_space<hbm>>) dst(%arg21 : memref<128x128xf32, #tpu.memory_space<vmem>>)
        tpu.yield
      }) : () -> ()
      %scan3A_33 = arith.constant 0 : i32
      %scan3A_34 = arith.constant 0 : i32
      %scan3A_35 = arith.constant 128 : i32
      %scan3A_36 = arith.addi %scan3A_34, %scan3A_35 : i32
      %scan3A_37 = arith.constant 1 : i32
      scf.for %scan3A_39 = %scan3A_34 to %scan3A_36 step %scan3A_37  : i32 {
        %get3A = arith.index_cast %scan3A_39 : i32 to index
        %get3A_40 = arith.constant 0 : index
        %get3A_41 = tpu.vector_load %arg20[%get3A, %get3A_40] {strides = array<i32>} : memref<128x128xf32, #tpu.memory_space<vmem>>, vector<16xf32>,
        %get3A_42 = arith.index_cast %scan3A_39 : i32 to index
        %get3A_43 = arith.constant 0 : index
        %get3A_44 = tpu.vector_load %arg21[%get3A_42, %get3A_43] {strides = array<i32>} : memref<128x128xf32, #tpu.memory_space<vmem>>, vector<16xf32>,
        %add3A_45 = arith.addf %get3A_41, %get3A_44 : vector<16xf32>
        %swap3A = arith.index_cast %scan3A_39 : i32 to index
        %swap3A_46 = arith.constant 0 : index
        %swap3A_47 = tpu.vector_load %arg20[%swap3A, %swap3A_46] {strides = array<i32>} : memref<128x128xf32, #tpu.memory_space<vmem>>, vector<16xf32>,
        tpu.vector_store %arg20[%swap3A, %swap3A_46], %add3A_45 {strides = array<i32>} : memref<128x128xf32, #tpu.memory_space<vmem>>, vector<16xf32>,
        %get3A_48 = arith.index_cast %scan3A_39 : i32 to index
        %get3A_49 = arith.constant 16 : index
        %get3A_50 = tpu.vector_load %arg20[%get3A_48, %get3A_49] {strides = array<i32>} : memref<128x128xf32, #tpu.memory_space<vmem>>, vector<16xf32>,
        %get3A_51 = arith.index_cast %scan3A_39 : i32 to index
        %get3A_52 = arith.constant 16 : index
        %get3A_53 = tpu.vector_load %arg21[%get3A_51, %get3A_52] {strides = array<i32>} : memref<128x128xf32, #tpu.memory_space<vmem>>, vector<16xf32>,
        %add3A_54 = arith.addf %get3A_50, %get3A_53 : vector<16xf32>
        %swap3A_55 = arith.index_cast %scan3A_39 : i32 to index
        %swap3A_56 = arith.constant 16 : index
        %swap3A_57 = tpu.vector_load %arg20[%swap3A_55, %swap3A_56] {strides = array<i32>} : memref<128x128xf32, #tpu.memory_space<vmem>>, vector<16xf32>,
        tpu.vector_store %arg20[%swap3A_55, %swap3A_56], %add3A_54 {strides = array<i32>} : memref<128x128xf32, #tpu.memory_space<vmem>>, vector<16xf32>,
        %get3A_58 = arith.index_cast %scan3A_39 : i32 to index
        %get3A_59 = arith.constant 32 : index
        %get3A_60 = tpu.vector_load %arg20[%get3A_58, %get3A_59] {strides = array<i32>} : memref<128x128xf32, #tpu.memory_space<vmem>>, vector<16xf32>,
        %get3A_61 = arith.index_cast %scan3A_39 : i32 to index
        %get3A_62 = arith.constant 32 : index
        %get3A_63 = tpu.vector_load %arg21[%get3A_61, %get3A_62] {strides = array<i32>} : memref<128x128xf32, #tpu.memory_space<vmem>>, vector<16xf32>,
        %add3A_64 = arith.addf %get3A_60, %get3A_63 : vector<16xf32>
        %swap3A_65 = arith.index_cast %scan3A_39 : i32 to index
        %swap3A_66 = arith.constant 32 : index
        %swap3A_67 = tpu.vector_load %arg20[%swap3A_65, %swap3A_66] {strides = array<i32>} : memref<128x128xf32, #tpu.memory_space<vmem>>, vector<16xf32>,
        tpu.vector_store %arg20[%swap3A_65, %swap3A_66], %add3A_64 {strides = array<i32>} : memref<128x128xf32, #tpu.memory_space<vmem>>, vector<16xf32>,
        %get3A_68 = arith.index_cast %scan3A_39 : i32 to index
        %get3A_69 = arith.constant 48 : index
        %get3A_70 = tpu.vector_load %arg20[%get3A_68, %get3A_69] {strides = array<i32>} : memref<128x128xf32, #tpu.memory_space<vmem>>, vector<16xf32>,
        %get3A_71 = arith.index_cast %scan3A_39 : i32 to index
        %get3A_72 = arith.constant 48 : index
        %get3A_73 = tpu.vector_load %arg21[%get3A_71, %get3A_72] {strides = array<i32>} : memref<128x128xf32, #tpu.memory_space<vmem>>, vector<16xf32>,
        %add3A_74 = arith.addf %get3A_70, %get3A_73 : vector<16xf32>
        %swap3A_75 = arith.index_cast %scan3A_39 : i32 to index
        %swap3A_76 = arith.constant 48 : index
        %swap3A_77 = tpu.vector_load %arg20[%swap3A_75, %swap3A_76] {strides = array<i32>} : memref<128x128xf32, #tpu.memory_space<vmem>>, vector<16xf32>,
        tpu.vector_store %arg20[%swap3A_75, %swap3A_76], %add3A_74 {strides = array<i32>} : memref<128x128xf32, #tpu.memory_space<vmem>>, vector<16xf32>,
        %get3A_78 = arith.index_cast %scan3A_39 : i32 to index
        %get3A_79 = arith.constant 64 : index
        %get3A_80 = tpu.vector_load %arg20[%get3A_78, %get3A_79] {strides = array<i32>} : memref<128x128xf32, #tpu.memory_space<vmem>>, vector<16xf32>,
        %get3A_81 = arith.index_cast %scan3A_39 : i32 to index
        %get3A_82 = arith.constant 64 : index
        %get3A_83 = tpu.vector_load %arg21[%get3A_81, %get3A_82] {strides = array<i32>} : memref<128x128xf32, #tpu.memory_space<vmem>>, vector<16xf32>,
        %add3A_84 = arith.addf %get3A_80, %get3A_83 : vector<16xf32>
        %swap3A_85 = arith.index_cast %scan3A_39 : i32 to index
        %swap3A_86 = arith.constant 64 : index
        %swap3A_87 = tpu.vector_load %arg20[%swap3A_85, %swap3A_86] {strides = array<i32>} : memref<128x128xf32, #tpu.memory_space<vmem>>, vector<16xf32>,
        tpu.vector_store %arg20[%swap3A_85, %swap3A_86], %add3A_84 {strides = array<i32>} : memref<128x128xf32, #tpu.memory_space<vmem>>, vector<16xf32>,
        %get3A_88 = arith.index_cast %scan3A_39 : i32 to index
        %get3A_89 = arith.constant 80 : index
        %get3A_90 = tpu.vector_load %arg20[%get3A_88, %get3A_89] {strides = array<i32>} : memref<128x128xf32, #tpu.memory_space<vmem>>, vector<16xf32>,
        %get3A_91 = arith.index_cast %scan3A_39 : i32 to index
        %get3A_92 = arith.constant 80 : index
        %get3A_93 = tpu.vector_load %arg21[%get3A_91, %get3A_92] {strides = array<i32>} : memref<128x128xf32, #tpu.memory_space<vmem>>, vector<16xf32>,
        %add3A_94 = arith.addf %get3A_90, %get3A_93 : vector<16xf32>
        %swap3A_95 = arith.index_cast %scan3A_39 : i32 to index
        %swap3A_96 = arith.constant 80 : index
        %swap3A_97 = tpu.vector_load %arg20[%swap3A_95, %swap3A_96] {strides = array<i32>} : memref<128x128xf32, #tpu.memory_space<vmem>>, vector<16xf32>,
        tpu.vector_store %arg20[%swap3A_95, %swap3A_96], %add3A_94 {strides = array<i32>} : memref<128x128xf32, #tpu.memory_space<vmem>>, vector<16xf32>,
        %get3A_98 = arith.index_cast %scan3A_39 : i32 to index
        %get3A_99 = arith.constant 96 : index
        %get3A_100 = tpu.vector_load %arg20[%get3A_98, %get3A_99] {strides = array<i32>} : memref<128x128xf32, #tpu.memory_space<vmem>>, vector<16xf32>,
        %get3A_101 = arith.index_cast %scan3A_39 : i32 to index
        %get3A_102 = arith.constant 96 : index
        %get3A_103 = tpu.vector_load %arg21[%get3A_101, %get3A_102] {strides = array<i32>} : memref<128x128xf32, #tpu.memory_space<vmem>>, vector<16xf32>,
        %add3A_104 = arith.addf %get3A_100, %get3A_103 : vector<16xf32>
        %swap3A_105 = arith.index_cast %scan3A_39 : i32 to index
        %swap3A_106 = arith.constant 96 : index
        %swap3A_107 = tpu.vector_load %arg20[%swap3A_105, %swap3A_106] {strides = array<i32>} : memref<128x128xf32, #tpu.memory_space<vmem>>, vector<16xf32>,
        tpu.vector_store %arg20[%swap3A_105, %swap3A_106], %add3A_104 {strides = array<i32>} : memref<128x128xf32, #tpu.memory_space<vmem>>, vector<16xf32>,
        %get3A_108 = arith.index_cast %scan3A_39 : i32 to index
        %get3A_109 = arith.constant 112 : index
        %get3A_110 = tpu.vector_load %arg20[%get3A_108, %get3A_109] {strides = array<i32>} : memref<128x128xf32, #tpu.memory_space<vmem>>, vector<16xf32>,
        %get3A_111 = arith.index_cast %scan3A_39 : i32 to index
        %get3A_112 = arith.constant 112 : index
        %get3A_113 = tpu.vector_load %arg21[%get3A_111, %get3A_112] {strides = array<i32>} : memref<128x128xf32, #tpu.memory_space<vmem>>, vector<16xf32>,
        %add3A_114 = arith.addf %get3A_110, %get3A_113 : vector<16xf32>
        %swap3A_115 = arith.index_cast %scan3A_39 : i32 to index
        %swap3A_116 = arith.constant 112 : index
        %swap3A_117 = tpu.vector_load %arg20[%swap3A_115, %swap3A_116] {strides = array<i32>} : memref<128x128xf32, #tpu.memory_space<vmem>>, vector<16xf32>,
        tpu.vector_store %arg20[%swap3A_115, %swap3A_116], %add3A_114 {strides = array<i32>} : memref<128x128xf32, #tpu.memory_space<vmem>>, vector<16xf32>,
      }
      %scan3A_38 = arith.constant 128 : i32
      "tpu.region"() ({
        %run_scoped3A = tpu.sem_alloc : memref<!tpu.dma_semaphore, #tpu.memory_space<semaphore_mem>>
        %dma_start3A = arith.constant 0 : i32
        %dma_start3A_39 = tpu.memref_slice %arg10[%mul3A_19, %dma_start3A] : memref<320000x128xf32, #tpu.memory_space<hbm>> -> memref<128x128xf32, #tpu.memory_space<hbm>>
        %dma_start3A_40 = arith.constant 0 : i32
        %dma_start3A_41 = tpu.memref_slice %arg10[%mul3A_19, %dma_start3A_40] : memref<320000x128xf32, #tpu.memory_space<hbm>> -> memref<128x128xf32, #tpu.memory_space<hbm>>
        tpu.enqueue_dma source(%arg20 : memref<128x128xf32, #tpu.memory_space<vmem>>) target(%dma_start3A_41 : memref<128x128xf32, #tpu.memory_space<hbm>>) target_semaphore(%run_scoped3A : memref<!tpu.dma_semaphore, #tpu.memory_space<semaphore_mem>>)
        %dma_wait3A = arith.constant 0 : i32
        %dma_wait3A_42 = tpu.memref_slice %arg10[%mul3A_19, %dma_wait3A] : memref<320000x128xf32, #tpu.memory_space<hbm>> -> memref<128x128xf32, #tpu.memory_space<hbm>>
        %dma_wait3A_43 = arith.constant 0 : i32
        %dma_wait3A_44 = tpu.memref_slice %arg10[%mul3A_19, %dma_wait3A_43] : memref<320000x128xf32, #tpu.memory_space<hbm>> -> memref<128x128xf32, #tpu.memory_space<hbm>>
        tpu.wait_dma2 semaphore(%run_scoped3A : memref<!tpu.dma_semaphore, #tpu.memory_space<semaphore_mem>>) src(%arg20 : memref<128x128xf32, #tpu.memory_space<vmem>>) dst(%dma_wait3A_44 : memref<128x128xf32, #tpu.memory_space<hbm>>)
        tpu.yield
      }) : () -> ()
      "tpu.region"() ({
        %run_scoped3A = tpu.sem_alloc : memref<!tpu.dma_semaphore, #tpu.memory_space<semaphore_mem>>
        %dma_start3A = tpu.memref_slice %arg11[%mul3A_19] : memref<320000xi32, #tpu.memory_space<hbm>> -> memref<128xi32, #tpu.memory_space<hbm>>
        %dma_start3A_39 = tpu.memref_slice %arg11[%mul3A_19] : memref<320000xi32, #tpu.memory_space<hbm>> -> memref<128xi32, #tpu.memory_space<hbm>>
        tpu.enqueue_dma source(%arg15 : memref<128xi32, #tpu.memory_space<vmem>>) target(%dma_start3A_39 : memref<128xi32, #tpu.memory_space<hbm>>) target_semaphore(%run_scoped3A : memref<!tpu.dma_semaphore, #tpu.memory_space<semaphore_mem>>)
        %dma_wait3A = tpu.memref_slice %arg11[%mul3A_19] : memref<320000xi32, #tpu.memory_space<hbm>> -> memref<128xi32, #tpu.memory_space<hbm>>
        %dma_wait3A_40 = tpu.memref_slice %arg11[%mul3A_19] : memref<320000xi32, #tpu.memory_space<hbm>> -> memref<128xi32, #tpu.memory_space<hbm>>
        tpu.wait_dma2 semaphore(%run_scoped3A : memref<!tpu.dma_semaphore, #tpu.memory_space<semaphore_mem>>) src(%arg15 : memref<128xi32, #tpu.memory_space<vmem>>) dst(%dma_wait3A_40 : memref<128xi32, #tpu.memory_space<hbm>>)
        tpu.yield
      }) : () -> ()
      "tpu.region"() ({
        %run_scoped3A = tpu.sem_alloc : memref<!tpu.dma_semaphore, #tpu.memory_space<semaphore_mem>>
        %dma_start3A = tpu.memref_slice %arg12[%mul3A_19] : memref<320000xi32, #tpu.memory_space<hbm>> -> memref<128xi32, #tpu.memory_space<hbm>>
        %dma_start3A_39 = tpu.memref_slice %arg12[%mul3A_19] : memref<320000xi32, #tpu.memory_space<hbm>> -> memref<128xi32, #tpu.memory_space<hbm>>
        tpu.enqueue_dma source(%arg18 : memref<128xi32, #tpu.memory_space<vmem>>) target(%dma_start3A_39 : memref<128xi32, #tpu.memory_space<hbm>>) target_semaphore(%run_scoped3A : memref<!tpu.dma_semaphore, #tpu.memory_space<semaphore_mem>>)
        %dma_wait3A = tpu.memref_slice %arg12[%mul3A_19] : memref<320000xi32, #tpu.memory_space<hbm>> -> memref<128xi32, #tpu.memory_space<hbm>>
        %dma_wait3A_40 = tpu.memref_slice %arg12[%mul3A_19] : memref<320000xi32, #tpu.memory_space<hbm>> -> memref<128xi32, #tpu.memory_space<hbm>>
        tpu.wait_dma2 semaphore(%run_scoped3A : memref<!tpu.dma_semaphore, #tpu.memory_space<semaphore_mem>>) src(%arg18 : memref<128xi32, #tpu.memory_space<vmem>>) dst(%dma_wait3A_40 : memref<128xi32, #tpu.memory_space<hbm>>)
        tpu.yield
      }) : () -> ()
    }
    return
  }
}

#map = affine_map<(d0, d1) -> (0)>
#map1 = affine_map<(d0, d1) -> (0, 0, 0)>
#map2 = affine_map<(d0, d1) -> (0, 0)>
module attributes {stable_mosaic.version = 14 : i64} {
  func.func @_sc_c2_body(%arg0: i32, %arg1: i32, %arg2: memref<320000xi32, #tpu.memory_space<hbm>>, %arg3: memref<320000xi32, #tpu.memory_space<hbm>>, %arg4: memref<320000xf32, #tpu.memory_space<hbm>>, %arg5: memref<32x2x16xf32, #tpu.memory_space<hbm>>, %arg6: memref<10240x128xf32, #tpu.memory_space<hbm>>, %arg7: memref<2x10240x128xf32, #tpu.memory_space<hbm>>, %arg8: memref<128xi32, #tpu.memory_space<vmem>>, %arg9: memref<128xi32, #tpu.memory_space<vmem>>, %arg10: memref<128xf32, #tpu.memory_space<vmem>>, %arg11: memref<128xf32, #tpu.memory_space<vmem>>, %arg12: memref<128x128xf32, #tpu.memory_space<vmem>>, %arg13: memref<128x128xf32, #tpu.memory_space<vmem>>, %arg14: memref<32x2x16xf32, #tpu.memory_space<vmem>>, %arg15: memref<10240x128xf32, #tpu.memory_space<vmem_shared>>) attributes {dimension_semantics = [#tpu.dimension_semantics<core_parallel>, #tpu.dimension_semantics<subcore_parallel>], iteration_bounds = array<i64: 2, 16>, scalar_prefetch = 0 : i64, scratch_operands = 8 : i64, tpu.core_type = #tpu.core_type<sc_vector_subcore>, window_params = [{transform_indices = #map}, {transform_indices = #map}, {transform_indices = #map}, {transform_indices = #map1}, {transform_indices = #map2}, {transform_indices = #map1}]} {
    %mul3A = arith.constant 2 : i32
    %mul3A_0 = arith.muli %arg1, %mul3A : i32
    %add3A = arith.addi %mul3A_0, %arg0 : i32
    %iota3A = tpu.iota {dimensions = array<i32: 0>} : vector<16xi32>
    "tpu.region"() ({
      %run_scoped3A = tpu.sem_alloc : memref<!tpu.dma_semaphore, #tpu.memory_space<semaphore_mem>>
      tpu.enqueue_dma source(%arg5 : memref<32x2x16xf32, #tpu.memory_space<hbm>>) target(%arg14 : memref<32x2x16xf32, #tpu.memory_space<vmem>>) target_semaphore(%run_scoped3A : memref<!tpu.dma_semaphore, #tpu.memory_space<semaphore_mem>>)
      tpu.wait_dma2 semaphore(%run_scoped3A : memref<!tpu.dma_semaphore, #tpu.memory_space<semaphore_mem>>) src(%arg5 : memref<32x2x16xf32, #tpu.memory_space<hbm>>) dst(%arg14 : memref<32x2x16xf32, #tpu.memory_space<vmem>>)
      tpu.yield
    }) : () -> ()
    %broadcast_in_dim3A = arith.constant -3.000000e+38 : f32
    %broadcast_in_dim3A_1 = vector.broadcast %broadcast_in_dim3A : f32 to vector<16xf32>
    %broadcast_in_dim3A_2 = arith.constant 0.000000e+00 : f32
    %broadcast_in_dim3A_3 = vector.broadcast %broadcast_in_dim3A_2 : f32 to vector<16xf32>
    %scan3A = arith.constant 0 : i32
    %scan3A_4 = arith.constant 32 : i32
    %scan3A_5 = arith.addi %scan3A, %scan3A_4 : i32
    %scan3A_6 = arith.constant 1 : i32
    %scan3A_7:2 = scf.for %scan3A_100 = %scan3A to %scan3A_5 step %scan3A_6 iter_args(%scan3A_101 = %broadcast_in_dim3A_1, %scan3A_102 = %broadcast_in_dim3A_3) -> (vector<16xf32>, vector<16xf32>)  : i32 {
      %broadcast_in_dim3A_103 = vector.broadcast %scan3A_100 : i32 to vector<16xi32>
      %broadcast_in_dim3A_104 = arith.constant 0 : i32
      %broadcast_in_dim3A_105 = vector.broadcast %broadcast_in_dim3A_104 : i32 to vector<16xi32>
      %gather3A = tpu.vector_load_idx %arg14[%broadcast_in_dim3A_103, %broadcast_in_dim3A_105, %iota3A] : memref<32x2x16xf32, #tpu.memory_space<vmem>>[vector<16xi32>, vector<16xi32>, vector<16xi32>], vector<16xf32>,
      %broadcast_in_dim3A_106 = vector.broadcast %scan3A_100 : i32 to vector<16xi32>
      %broadcast_in_dim3A_107 = arith.constant 1 : i32
      %broadcast_in_dim3A_108 = vector.broadcast %broadcast_in_dim3A_107 : i32 to vector<16xi32>
      %gather3A_109 = tpu.vector_load_idx %arg14[%broadcast_in_dim3A_106, %broadcast_in_dim3A_108, %iota3A] : memref<32x2x16xf32, #tpu.memory_space<vmem>>[vector<16xi32>, vector<16xi32>, vector<16xi32>], vector<16xf32>,
      %max3A = arith.maximumf %scan3A_101, %gather3A : vector<16xf32>
      %sub3A_110 = arith.subf %scan3A_101, %max3A : vector<16xf32>
      %exp3A_111 = math.exp %sub3A_110 : vector<16xf32>
      %mul3A_112 = arith.mulf %scan3A_102, %exp3A_111 : vector<16xf32>
      %sub3A_113 = arith.subf %gather3A, %max3A : vector<16xf32>
      %exp3A_114 = math.exp %sub3A_113 : vector<16xf32>
      %mul3A_115 = arith.mulf %gather3A_109, %exp3A_114 : vector<16xf32>
      %add3A_116 = arith.addf %mul3A_112, %mul3A_115 : vector<16xf32>
      scf.yield %max3A, %add3A_116 : vector<16xf32>, vector<16xf32>
    }
    %scan3A_8 = arith.constant 32 : i32
    %reduce_max3A = arith.constant true
    %reduce_max3A_9 = vector.broadcast %reduce_max3A : i1 to vector<16xi1>
    %reduce_max3A_10 = tpu.scan <max>, %scan3A_7#0 masked %reduce_max3A_9 : vector<16xf32>, vector<16xi1> -> vector<16xf32>
    %reduce_max3A_11 = vector.extract %reduce_max3A_10[15] : f32 from vector<16xf32>
    %sub3A = vector.broadcast %reduce_max3A_11 : f32 to vector<16xf32>
    %sub3A_12 = arith.subf %scan3A_7#0, %sub3A : vector<16xf32>
    %exp3A = math.exp %sub3A_12 : vector<16xf32>
    %mul3A_13 = arith.mulf %scan3A_7#1, %exp3A : vector<16xf32>
    %reduce_sum3A = arith.constant true
    %reduce_sum3A_14 = vector.broadcast %reduce_sum3A : i1 to vector<16xi1>
    %reduce_sum3A_15 = tpu.scan <sum>, %mul3A_13 masked %reduce_sum3A_14 : vector<16xf32>, vector<16xi1> -> vector<16xf32>
    %reduce_sum3A_16 = vector.extract %reduce_sum3A_15[15] : f32 from vector<16xf32>
    %broadcast_in_dim3A_17 = arith.constant 1.000000e+00 : f32
    %broadcast_in_dim3A_18 = vector.broadcast %broadcast_in_dim3A_17 : f32 to vector<16xf32>
    %broadcast_in_dim3A_19 = vector.broadcast %reduce_sum3A_16 : f32 to vector<16xf32>
    %div3A = arith.divf %broadcast_in_dim3A_18, %broadcast_in_dim3A_19 : vector<16xf32>
    %scan3A_20 = arith.constant 0 : i32
    %scan3A_21 = arith.constant 0 : i32
    %scan3A_22 = arith.constant 128 : i32
    %scan3A_23 = arith.addi %scan3A_21, %scan3A_22 : i32
    %scan3A_24 = arith.constant 1 : i32
    scf.for %scan3A_100 = %scan3A_21 to %scan3A_23 step %scan3A_24  : i32 {
      %broadcast_in_dim3A_101 = arith.constant 0.000000e+00 : f32
      %broadcast_in_dim3A_102 = vector.broadcast %broadcast_in_dim3A_101 : f32 to vector<16xf32>
      %swap3A = arith.index_cast %scan3A_100 : i32 to index
      %swap3A_103 = arith.constant 0 : index
      %swap3A_104 = tpu.vector_load %arg13[%swap3A, %swap3A_103] {strides = array<i32>} : memref<128x128xf32, #tpu.memory_space<vmem>>, vector<16xf32>,
      tpu.vector_store %arg13[%swap3A, %swap3A_103], %broadcast_in_dim3A_102 {strides = array<i32>} : memref<128x128xf32, #tpu.memory_space<vmem>>, vector<16xf32>,
      %broadcast_in_dim3A_105 = arith.constant 0.000000e+00 : f32
      %broadcast_in_dim3A_106 = vector.broadcast %broadcast_in_dim3A_105 : f32 to vector<16xf32>
      %swap3A_107 = arith.index_cast %scan3A_100 : i32 to index
      %swap3A_108 = arith.constant 16 : index
      %swap3A_109 = tpu.vector_load %arg13[%swap3A_107, %swap3A_108] {strides = array<i32>} : memref<128x128xf32, #tpu.memory_space<vmem>>, vector<16xf32>,
      tpu.vector_store %arg13[%swap3A_107, %swap3A_108], %broadcast_in_dim3A_106 {strides = array<i32>} : memref<128x128xf32, #tpu.memory_space<vmem>>, vector<16xf32>,
      %broadcast_in_dim3A_110 = arith.constant 0.000000e+00 : f32
      %broadcast_in_dim3A_111 = vector.broadcast %broadcast_in_dim3A_110 : f32 to vector<16xf32>
      %swap3A_112 = arith.index_cast %scan3A_100 : i32 to index
      %swap3A_113 = arith.constant 32 : index
      %swap3A_114 = tpu.vector_load %arg13[%swap3A_112, %swap3A_113] {strides = array<i32>} : memref<128x128xf32, #tpu.memory_space<vmem>>, vector<16xf32>,
      tpu.vector_store %arg13[%swap3A_112, %swap3A_113], %broadcast_in_dim3A_111 {strides = array<i32>} : memref<128x128xf32, #tpu.memory_space<vmem>>, vector<16xf32>,
      %broadcast_in_dim3A_115 = arith.constant 0.000000e+00 : f32
      %broadcast_in_dim3A_116 = vector.broadcast %broadcast_in_dim3A_115 : f32 to vector<16xf32>
      %swap3A_117 = arith.index_cast %scan3A_100 : i32 to index
      %swap3A_118 = arith.constant 48 : index
      %swap3A_119 = tpu.vector_load %arg13[%swap3A_117, %swap3A_118] {strides = array<i32>} : memref<128x128xf32, #tpu.memory_space<vmem>>, vector<16xf32>,
      tpu.vector_store %arg13[%swap3A_117, %swap3A_118], %broadcast_in_dim3A_116 {strides = array<i32>} : memref<128x128xf32, #tpu.memory_space<vmem>>, vector<16xf32>,
      %broadcast_in_dim3A_120 = arith.constant 0.000000e+00 : f32
      %broadcast_in_dim3A_121 = vector.broadcast %broadcast_in_dim3A_120 : f32 to vector<16xf32>
      %swap3A_122 = arith.index_cast %scan3A_100 : i32 to index
      %swap3A_123 = arith.constant 64 : index
      %swap3A_124 = tpu.vector_load %arg13[%swap3A_122, %swap3A_123] {strides = array<i32>} : memref<128x128xf32, #tpu.memory_space<vmem>>, vector<16xf32>,
      tpu.vector_store %arg13[%swap3A_122, %swap3A_123], %broadcast_in_dim3A_121 {strides = array<i32>} : memref<128x128xf32, #tpu.memory_space<vmem>>, vector<16xf32>,
      %broadcast_in_dim3A_125 = arith.constant 0.000000e+00 : f32
      %broadcast_in_dim3A_126 = vector.broadcast %broadcast_in_dim3A_125 : f32 to vector<16xf32>
      %swap3A_127 = arith.index_cast %scan3A_100 : i32 to index
      %swap3A_128 = arith.constant 80 : index
      %swap3A_129 = tpu.vector_load %arg13[%swap3A_127, %swap3A_128] {strides = array<i32>} : memref<128x128xf32, #tpu.memory_space<vmem>>, vector<16xf32>,
      tpu.vector_store %arg13[%swap3A_127, %swap3A_128], %broadcast_in_dim3A_126 {strides = array<i32>} : memref<128x128xf32, #tpu.memory_space<vmem>>, vector<16xf32>,
      %broadcast_in_dim3A_130 = arith.constant 0.000000e+00 : f32
      %broadcast_in_dim3A_131 = vector.broadcast %broadcast_in_dim3A_130 : f32 to vector<16xf32>
      %swap3A_132 = arith.index_cast %scan3A_100 : i32 to index
      %swap3A_133 = arith.constant 96 : index
      %swap3A_134 = tpu.vector_load %arg13[%swap3A_132, %swap3A_133] {strides = array<i32>} : memref<128x128xf32, #tpu.memory_space<vmem>>, vector<16xf32>,
      tpu.vector_store %arg13[%swap3A_132, %swap3A_133], %broadcast_in_dim3A_131 {strides = array<i32>} : memref<128x128xf32, #tpu.memory_space<vmem>>, vector<16xf32>,
      %broadcast_in_dim3A_135 = arith.constant 0.000000e+00 : f32
      %broadcast_in_dim3A_136 = vector.broadcast %broadcast_in_dim3A_135 : f32 to vector<16xf32>
      %swap3A_137 = arith.index_cast %scan3A_100 : i32 to index
      %swap3A_138 = arith.constant 112 : index
      %swap3A_139 = tpu.vector_load %arg13[%swap3A_137, %swap3A_138] {strides = array<i32>} : memref<128x128xf32, #tpu.memory_space<vmem>>, vector<16xf32>,
      tpu.vector_store %arg13[%swap3A_137, %swap3A_138], %broadcast_in_dim3A_136 {strides = array<i32>} : memref<128x128xf32, #tpu.memory_space<vmem>>, vector<16xf32>,
    }
    %scan3A_25 = arith.constant 128 : i32
    %mul3A_26 = arith.constant 640 : i32
    %mul3A_27 = arith.muli %arg1, %mul3A_26 : i32
    %add3A_28 = arith.constant 0 : i32
    %add3A_29 = arith.addi %mul3A_27, %add3A_28 : i32
    "tpu.region"() ({
      %run_scoped3A = tpu.sem_alloc : memref<!tpu.dma_semaphore, #tpu.memory_space<semaphore_mem>>
      %dma_start3A = arith.constant 0 : i32
      %dma_start3A_100 = tpu.memref_slice %arg15[%add3A_29, %dma_start3A] : memref<10240x128xf32, #tpu.memory_space<vmem_shared>> -> memref<128x128xf32, #tpu.memory_space<vmem_shared>>
      %dma_start3A_101 = arith.constant 0 : i32
      %dma_start3A_102 = tpu.memref_slice %arg15[%add3A_29, %dma_start3A_101] : memref<10240x128xf32, #tpu.memory_space<vmem_shared>> -> memref<128x128xf32, #tpu.memory_space<vmem_shared>>
      tpu.enqueue_dma source(%arg13 : memref<128x128xf32, #tpu.memory_space<vmem>>) target(%dma_start3A_102 : memref<128x128xf32, #tpu.memory_space<vmem_shared>>) target_semaphore(%run_scoped3A : memref<!tpu.dma_semaphore, #tpu.memory_space<semaphore_mem>>)
      %dma_wait3A = arith.constant 0 : i32
      %dma_wait3A_103 = tpu.memref_slice %arg15[%add3A_29, %dma_wait3A] : memref<10240x128xf32, #tpu.memory_space<vmem_shared>> -> memref<128x128xf32, #tpu.memory_space<vmem_shared>>
      %dma_wait3A_104 = arith.constant 0 : i32
      %dma_wait3A_105 = tpu.memref_slice %arg15[%add3A_29, %dma_wait3A_104] : memref<10240x128xf32, #tpu.memory_space<vmem_shared>> -> memref<128x128xf32, #tpu.memory_space<vmem_shared>>
      tpu.wait_dma2 semaphore(%run_scoped3A : memref<!tpu.dma_semaphore, #tpu.memory_space<semaphore_mem>>) src(%arg13 : memref<128x128xf32, #tpu.memory_space<vmem>>) dst(%dma_wait3A_105 : memref<128x128xf32, #tpu.memory_space<vmem_shared>>)
      tpu.yield
    }) : () -> ()
    %mul3A_30 = arith.constant 640 : i32
    %mul3A_31 = arith.muli %arg1, %mul3A_30 : i32
    %add3A_32 = arith.constant 128 : i32
    %add3A_33 = arith.addi %mul3A_31, %add3A_32 : i32
    "tpu.region"() ({
      %run_scoped3A = tpu.sem_alloc : memref<!tpu.dma_semaphore, #tpu.memory_space<semaphore_mem>>
      %dma_start3A = arith.constant 0 : i32
      %dma_start3A_100 = tpu.memref_slice %arg15[%add3A_33, %dma_start3A] : memref<10240x128xf32, #tpu.memory_space<vmem_shared>> -> memref<128x128xf32, #tpu.memory_space<vmem_shared>>
      %dma_start3A_101 = arith.constant 0 : i32
      %dma_start3A_102 = tpu.memref_slice %arg15[%add3A_33, %dma_start3A_101] : memref<10240x128xf32, #tpu.memory_space<vmem_shared>> -> memref<128x128xf32, #tpu.memory_space<vmem_shared>>
      tpu.enqueue_dma source(%arg13 : memref<128x128xf32, #tpu.memory_space<vmem>>) target(%dma_start3A_102 : memref<128x128xf32, #tpu.memory_space<vmem_shared>>) target_semaphore(%run_scoped3A : memref<!tpu.dma_semaphore, #tpu.memory_space<semaphore_mem>>)
      %dma_wait3A = arith.constant 0 : i32
      %dma_wait3A_103 = tpu.memref_slice %arg15[%add3A_33, %dma_wait3A] : memref<10240x128xf32, #tpu.memory_space<vmem_shared>> -> memref<128x128xf32, #tpu.memory_space<vmem_shared>>
      %dma_wait3A_104 = arith.constant 0 : i32
      %dma_wait3A_105 = tpu.memref_slice %arg15[%add3A_33, %dma_wait3A_104] : memref<10240x128xf32, #tpu.memory_space<vmem_shared>> -> memref<128x128xf32, #tpu.memory_space<vmem_shared>>
      tpu.wait_dma2 semaphore(%run_scoped3A : memref<!tpu.dma_semaphore, #tpu.memory_space<semaphore_mem>>) src(%arg13 : memref<128x128xf32, #tpu.memory_space<vmem>>) dst(%dma_wait3A_105 : memref<128x128xf32, #tpu.memory_space<vmem_shared>>)
      tpu.yield
    }) : () -> ()
    %mul3A_34 = arith.constant 640 : i32
    %mul3A_35 = arith.muli %arg1, %mul3A_34 : i32
    %add3A_36 = arith.constant 256 : i32
    %add3A_37 = arith.addi %mul3A_35, %add3A_36 : i32
    "tpu.region"() ({
      %run_scoped3A = tpu.sem_alloc : memref<!tpu.dma_semaphore, #tpu.memory_space<semaphore_mem>>
      %dma_start3A = arith.constant 0 : i32
      %dma_start3A_100 = tpu.memref_slice %arg15[%add3A_37, %dma_start3A] : memref<10240x128xf32, #tpu.memory_space<vmem_shared>> -> memref<128x128xf32, #tpu.memory_space<vmem_shared>>
      %dma_start3A_101 = arith.constant 0 : i32
      %dma_start3A_102 = tpu.memref_slice %arg15[%add3A_37, %dma_start3A_101] : memref<10240x128xf32, #tpu.memory_space<vmem_shared>> -> memref<128x128xf32, #tpu.memory_space<vmem_shared>>
      tpu.enqueue_dma source(%arg13 : memref<128x128xf32, #tpu.memory_space<vmem>>) target(%dma_start3A_102 : memref<128x128xf32, #tpu.memory_space<vmem_shared>>) target_semaphore(%run_scoped3A : memref<!tpu.dma_semaphore, #tpu.memory_space<semaphore_mem>>)
      %dma_wait3A = arith.constant 0 : i32
      %dma_wait3A_103 = tpu.memref_slice %arg15[%add3A_37, %dma_wait3A] : memref<10240x128xf32, #tpu.memory_space<vmem_shared>> -> memref<128x128xf32, #tpu.memory_space<vmem_shared>>
      %dma_wait3A_104 = arith.constant 0 : i32
      %dma_wait3A_105 = tpu.memref_slice %arg15[%add3A_37, %dma_wait3A_104] : memref<10240x128xf32, #tpu.memory_space<vmem_shared>> -> memref<128x128xf32, #tpu.memory_space<vmem_shared>>
      tpu.wait_dma2 semaphore(%run_scoped3A : memref<!tpu.dma_semaphore, #tpu.memory_space<semaphore_mem>>) src(%arg13 : memref<128x128xf32, #tpu.memory_space<vmem>>) dst(%dma_wait3A_105 : memref<128x128xf32, #tpu.memory_space<vmem_shared>>)
      tpu.yield
    }) : () -> ()
    %mul3A_38 = arith.constant 640 : i32
    %mul3A_39 = arith.muli %arg1, %mul3A_38 : i32
    %add3A_40 = arith.constant 384 : i32
    %add3A_41 = arith.addi %mul3A_39, %add3A_40 : i32
    "tpu.region"() ({
      %run_scoped3A = tpu.sem_alloc : memref<!tpu.dma_semaphore, #tpu.memory_space<semaphore_mem>>
      %dma_start3A = arith.constant 0 : i32
      %dma_start3A_100 = tpu.memref_slice %arg15[%add3A_41, %dma_start3A] : memref<10240x128xf32, #tpu.memory_space<vmem_shared>> -> memref<128x128xf32, #tpu.memory_space<vmem_shared>>
      %dma_start3A_101 = arith.constant 0 : i32
      %dma_start3A_102 = tpu.memref_slice %arg15[%add3A_41, %dma_start3A_101] : memref<10240x128xf32, #tpu.memory_space<vmem_shared>> -> memref<128x128xf32, #tpu.memory_space<vmem_shared>>
      tpu.enqueue_dma source(%arg13 : memref<128x128xf32, #tpu.memory_space<vmem>>) target(%dma_start3A_102 : memref<128x128xf32, #tpu.memory_space<vmem_shared>>) target_semaphore(%run_scoped3A : memref<!tpu.dma_semaphore, #tpu.memory_space<semaphore_mem>>)
      %dma_wait3A = arith.constant 0 : i32
      %dma_wait3A_103 = tpu.memref_slice %arg15[%add3A_41, %dma_wait3A] : memref<10240x128xf32, #tpu.memory_space<vmem_shared>> -> memref<128x128xf32, #tpu.memory_space<vmem_shared>>
      %dma_wait3A_104 = arith.constant 0 : i32
      %dma_wait3A_105 = tpu.memref_slice %arg15[%add3A_41, %dma_wait3A_104] : memref<10240x128xf32, #tpu.memory_space<vmem_shared>> -> memref<128x128xf32, #tpu.memory_space<vmem_shared>>
      tpu.wait_dma2 semaphore(%run_scoped3A : memref<!tpu.dma_semaphore, #tpu.memory_space<semaphore_mem>>) src(%arg13 : memref<128x128xf32, #tpu.memory_space<vmem>>) dst(%dma_wait3A_105 : memref<128x128xf32, #tpu.memory_space<vmem_shared>>)
      tpu.yield
    }) : () -> ()
    %mul3A_42 = arith.constant 640 : i32
    %mul3A_43 = arith.muli %arg1, %mul3A_42 : i32
    %add3A_44 = arith.constant 512 : i32
    %add3A_45 = arith.addi %mul3A_43, %add3A_44 : i32
    "tpu.region"() ({
      %run_scoped3A = tpu.sem_alloc : memref<!tpu.dma_semaphore, #tpu.memory_space<semaphore_mem>>
      %dma_start3A = arith.constant 0 : i32
      %dma_start3A_100 = tpu.memref_slice %arg15[%add3A_45, %dma_start3A] : memref<10240x128xf32, #tpu.memory_space<vmem_shared>> -> memref<128x128xf32, #tpu.memory_space<vmem_shared>>
      %dma_start3A_101 = arith.constant 0 : i32
      %dma_start3A_102 = tpu.memref_slice %arg15[%add3A_45, %dma_start3A_101] : memref<10240x128xf32, #tpu.memory_space<vmem_shared>> -> memref<128x128xf32, #tpu.memory_space<vmem_shared>>
      tpu.enqueue_dma source(%arg13 : memref<128x128xf32, #tpu.memory_space<vmem>>) target(%dma_start3A_102 : memref<128x128xf32, #tpu.memory_space<vmem_shared>>) target_semaphore(%run_scoped3A : memref<!tpu.dma_semaphore, #tpu.memory_space<semaphore_mem>>)
      %dma_wait3A = arith.constant 0 : i32
      %dma_wait3A_103 = tpu.memref_slice %arg15[%add3A_45, %dma_wait3A] : memref<10240x128xf32, #tpu.memory_space<vmem_shared>> -> memref<128x128xf32, #tpu.memory_space<vmem_shared>>
      %dma_wait3A_104 = arith.constant 0 : i32
      %dma_wait3A_105 = tpu.memref_slice %arg15[%add3A_45, %dma_wait3A_104] : memref<10240x128xf32, #tpu.memory_space<vmem_shared>> -> memref<128x128xf32, #tpu.memory_space<vmem_shared>>
      tpu.wait_dma2 semaphore(%run_scoped3A : memref<!tpu.dma_semaphore, #tpu.memory_space<semaphore_mem>>) src(%arg13 : memref<128x128xf32, #tpu.memory_space<vmem>>) dst(%dma_wait3A_105 : memref<128x128xf32, #tpu.memory_space<vmem_shared>>)
      tpu.yield
    }) : () -> ()
    %barrier3A = arith.constant 0 : index
    tpu.barrier barrier_id(%barrier3A)
    %lt3A = arith.constant 4 : i32
    %lt3A_46 = arith.cmpi slt, %add3A, %lt3A : i32
    %jit3A = arith.constant 1 : i32
    %jit3A_47 = arith.constant 0 : i32
    %select_n3A = arith.select %lt3A_46, %jit3A, %jit3A_47 : i32
    %add3A_48 = arith.constant 78 : i32
    %add3A_49 = arith.addi %add3A_48, %select_n3A : i32
    %while3A = arith.constant 0 : i32
    %while3A_50 = arith.constant 0 : i32
    %while3A_51 = arith.subi %add3A_49, %while3A_50 : i32
    %while3A_52 = arith.addi %while3A_50, %while3A_51 : i32
    %while3A_53 = arith.constant 1 : i32
    %while3A_54 = arith.divsi %while3A_51, %while3A_53 : i32
    %while3A_55 = arith.muli %while3A_54, %while3A_53 : i32
    %while3A_56 = arith.addi %while3A_50, %while3A_55 : i32
    %while3A_57 = arith.constant 1 : i32
    scf.for %while3A_100 = %while3A_50 to %while3A_56 step %while3A_57  : i32 {
      %mul3A_101 = arith.constant 32 : i32
      %mul3A_102 = arith.muli %while3A_100, %mul3A_101 : i32
      %add3A_103 = arith.addi %add3A, %mul3A_102 : i32
      %mul3A_104 = arith.constant 128 : i32
      %mul3A_105 = arith.muli %add3A_103, %mul3A_104 : i32
      "tpu.region"() ({
        %run_scoped3A = tpu.sem_alloc : memref<!tpu.dma_semaphore, #tpu.memory_space<semaphore_mem>>
        %dma_start3A = tpu.memref_slice %arg2[%mul3A_105] : memref<320000xi32, #tpu.memory_space<hbm>> -> memref<128xi32, #tpu.memory_space<hbm>>
        %dma_start3A_118 = tpu.memref_slice %arg2[%mul3A_105] : memref<320000xi32, #tpu.memory_space<hbm>> -> memref<128xi32, #tpu.memory_space<hbm>>
        tpu.enqueue_dma source(%dma_start3A_118 : memref<128xi32, #tpu.memory_space<hbm>>) target(%arg8 : memref<128xi32, #tpu.memory_space<vmem>>) target_semaphore(%run_scoped3A : memref<!tpu.dma_semaphore, #tpu.memory_space<semaphore_mem>>)
        %dma_wait3A = tpu.memref_slice %arg2[%mul3A_105] : memref<320000xi32, #tpu.memory_space<hbm>> -> memref<128xi32, #tpu.memory_space<hbm>>
        %dma_wait3A_119 = tpu.memref_slice %arg2[%mul3A_105] : memref<320000xi32, #tpu.memory_space<hbm>> -> memref<128xi32, #tpu.memory_space<hbm>>
        tpu.wait_dma2 semaphore(%run_scoped3A : memref<!tpu.dma_semaphore, #tpu.memory_space<semaphore_mem>>) src(%dma_wait3A_119 : memref<128xi32, #tpu.memory_space<hbm>>) dst(%arg8 : memref<128xi32, #tpu.memory_space<vmem>>)
        tpu.yield
      }) : () -> ()
      "tpu.region"() ({
        %run_scoped3A = tpu.sem_alloc : memref<!tpu.dma_semaphore, #tpu.memory_space<semaphore_mem>>
        %dma_start3A = tpu.memref_slice %arg3[%mul3A_105] : memref<320000xi32, #tpu.memory_space<hbm>> -> memref<128xi32, #tpu.memory_space<hbm>>
        %dma_start3A_118 = tpu.memref_slice %arg3[%mul3A_105] : memref<320000xi32, #tpu.memory_space<hbm>> -> memref<128xi32, #tpu.memory_space<hbm>>
        tpu.enqueue_dma source(%dma_start3A_118 : memref<128xi32, #tpu.memory_space<hbm>>) target(%arg9 : memref<128xi32, #tpu.memory_space<vmem>>) target_semaphore(%run_scoped3A : memref<!tpu.dma_semaphore, #tpu.memory_space<semaphore_mem>>)
        %dma_wait3A = tpu.memref_slice %arg3[%mul3A_105] : memref<320000xi32, #tpu.memory_space<hbm>> -> memref<128xi32, #tpu.memory_space<hbm>>
        %dma_wait3A_119 = tpu.memref_slice %arg3[%mul3A_105] : memref<320000xi32, #tpu.memory_space<hbm>> -> memref<128xi32, #tpu.memory_space<hbm>>
        tpu.wait_dma2 semaphore(%run_scoped3A : memref<!tpu.dma_semaphore, #tpu.memory_space<semaphore_mem>>) src(%dma_wait3A_119 : memref<128xi32, #tpu.memory_space<hbm>>) dst(%arg9 : memref<128xi32, #tpu.memory_space<vmem>>)
        tpu.yield
      }) : () -> ()
      "tpu.region"() ({
        %run_scoped3A = tpu.sem_alloc : memref<!tpu.dma_semaphore, #tpu.memory_space<semaphore_mem>>
        %dma_start3A = tpu.memref_slice %arg4[%mul3A_105] : memref<320000xf32, #tpu.memory_space<hbm>> -> memref<128xf32, #tpu.memory_space<hbm>>
        %dma_start3A_118 = tpu.memref_slice %arg4[%mul3A_105] : memref<320000xf32, #tpu.memory_space<hbm>> -> memref<128xf32, #tpu.memory_space<hbm>>
        tpu.enqueue_dma source(%dma_start3A_118 : memref<128xf32, #tpu.memory_space<hbm>>) target(%arg10 : memref<128xf32, #tpu.memory_space<vmem>>) target_semaphore(%run_scoped3A : memref<!tpu.dma_semaphore, #tpu.memory_space<semaphore_mem>>)
        %dma_wait3A = tpu.memref_slice %arg4[%mul3A_105] : memref<320000xf32, #tpu.memory_space<hbm>> -> memref<128xf32, #tpu.memory_space<hbm>>
        %dma_wait3A_119 = tpu.memref_slice %arg4[%mul3A_105] : memref<320000xf32, #tpu.memory_space<hbm>> -> memref<128xf32, #tpu.memory_space<hbm>>
        tpu.wait_dma2 semaphore(%run_scoped3A : memref<!tpu.dma_semaphore, #tpu.memory_space<semaphore_mem>>) src(%dma_wait3A_119 : memref<128xf32, #tpu.memory_space<hbm>>) dst(%arg10 : memref<128xf32, #tpu.memory_space<vmem>>)
        tpu.yield
      }) : () -> ()
      "tpu.region"() ({
        %run_scoped3A = tpu.sem_alloc : memref<!tpu.dma_semaphore, #tpu.memory_space<semaphore_mem>>
        %dma_start3A = arith.constant 0 : i32
        %dma_start3A_118 = arith.constant 0 : i32
        %dma_start3A_119 = tpu.memref_slice %arg6[%dma_start3A, %dma_start3A_118] : memref<10240x128xf32, #tpu.memory_space<hbm>> -> memref<10240x128xf32, #tpu.memory_space<hbm>>
        tpu.enqueue_indirect_dma source(%dma_start3A_119 : memref<10240x128xf32, #tpu.memory_space<hbm>>) target(%arg12 : memref<128x128xf32, #tpu.memory_space<vmem>>) offsets(%arg9 : memref<128xi32, #tpu.memory_space<vmem>>) semaphore(%run_scoped3A : memref<!tpu.dma_semaphore, #tpu.memory_space<semaphore_mem>>)
        %dma_wait3A = arith.constant 0 : i32
        %dma_wait3A_120 = arith.constant 0 : i32
        %dma_wait3A_121 = tpu.memref_slice %arg6[%dma_wait3A, %dma_wait3A_120] : memref<10240x128xf32, #tpu.memory_space<hbm>> -> memref<10240x128xf32, #tpu.memory_space<hbm>>
        tpu.wait_indirect_dma semaphore(%run_scoped3A : memref<!tpu.dma_semaphore, #tpu.memory_space<semaphore_mem>>) src(%dma_wait3A_121 : memref<10240x128xf32, #tpu.memory_space<hbm>>) dst(%arg12 : memref<128x128xf32, #tpu.memory_space<vmem>>)
        tpu.yield
      }) : () -> ()
      %scan3A_106 = arith.constant 0 : i32
      %scan3A_107 = arith.constant 0 : i32
      %scan3A_108 = arith.constant 8 : i32
      %scan3A_109 = arith.addi %scan3A_107, %scan3A_108 : i32
      %scan3A_110 = arith.constant 1 : i32
      scf.for %scan3A_118 = %scan3A_107 to %scan3A_109 step %scan3A_110  : i32 {
        %mul3A_119 = arith.constant 16 : i32
        %mul3A_120 = arith.muli %scan3A_118, %mul3A_119 : i32
        %get3A = arith.index_cast %mul3A_120 : i32 to index
        %get3A_121 = tpu.vector_load %arg10[%get3A] {strides = array<i32>} : memref<128xf32, #tpu.memory_space<vmem>>, vector<16xf32>,
        %sub3A_122 = vector.broadcast %reduce_max3A_11 : f32 to vector<16xf32>
        %sub3A_123 = arith.subf %get3A_121, %sub3A_122 : vector<16xf32>
        %exp3A_124 = math.exp %sub3A_123 : vector<16xf32>
        %mul3A_125 = arith.mulf %exp3A_124, %div3A : vector<16xf32>
        %mul3A_126 = arith.constant 16 : i32
        %mul3A_127 = arith.muli %scan3A_118, %mul3A_126 : i32
        %swap3A = arith.index_cast %mul3A_127 : i32 to index
        %swap3A_128 = tpu.vector_load %arg11[%swap3A] {strides = array<i32>} : memref<128xf32, #tpu.memory_space<vmem>>, vector<16xf32>,
        tpu.vector_store %arg11[%swap3A], %mul3A_125 {strides = array<i32>} : memref<128xf32, #tpu.memory_space<vmem>>, vector<16xf32>,
      }
      %scan3A_111 = arith.constant 8 : i32
      %scan3A_112 = arith.constant 0 : i32
      %scan3A_113 = arith.constant 0 : i32
      %scan3A_114 = arith.constant 128 : i32
      %scan3A_115 = arith.addi %scan3A_113, %scan3A_114 : i32
      %scan3A_116 = arith.constant 1 : i32
      scf.for %scan3A_118 = %scan3A_113 to %scan3A_115 step %scan3A_116  : i32 {
        %broadcast_in_dim3A_119 = vector.broadcast %scan3A_118 : i32 to vector<16xi32>
        %gather3A = tpu.vector_load_idx %arg11[%broadcast_in_dim3A_119] : memref<128xf32, #tpu.memory_space<vmem>>[vector<16xi32>], vector<16xf32>,
        %get3A = arith.index_cast %scan3A_118 : i32 to index
        %get3A_120 = arith.constant 0 : index
        %get3A_121 = tpu.vector_load %arg12[%get3A, %get3A_120] {strides = array<i32>} : memref<128x128xf32, #tpu.memory_space<vmem>>, vector<16xf32>,
        %mul3A_122 = arith.mulf %get3A_121, %gather3A : vector<16xf32>
        %swap3A = arith.index_cast %scan3A_118 : i32 to index
        %swap3A_123 = arith.constant 0 : index
        %swap3A_124 = tpu.vector_load %arg12[%swap3A, %swap3A_123] {strides = array<i32>} : memref<128x128xf32, #tpu.memory_space<vmem>>, vector<16xf32>,
        tpu.vector_store %arg12[%swap3A, %swap3A_123], %mul3A_122 {strides = array<i32>} : memref<128x128xf32, #tpu.memory_space<vmem>>, vector<16xf32>,
        %get3A_125 = arith.index_cast %scan3A_118 : i32 to index
        %get3A_126 = arith.constant 16 : index
        %get3A_127 = tpu.vector_load %arg12[%get3A_125, %get3A_126] {strides = array<i32>} : memref<128x128xf32, #tpu.memory_space<vmem>>, vector<16xf32>,
        %mul3A_128 = arith.mulf %get3A_127, %gather3A : vector<16xf32>
        %swap3A_129 = arith.index_cast %scan3A_118 : i32 to index
        %swap3A_130 = arith.constant 16 : index
        %swap3A_131 = tpu.vector_load %arg12[%swap3A_129, %swap3A_130] {strides = array<i32>} : memref<128x128xf32, #tpu.memory_space<vmem>>, vector<16xf32>,
        tpu.vector_store %arg12[%swap3A_129, %swap3A_130], %mul3A_128 {strides = array<i32>} : memref<128x128xf32, #tpu.memory_space<vmem>>, vector<16xf32>,
        %get3A_132 = arith.index_cast %scan3A_118 : i32 to index
        %get3A_133 = arith.constant 32 : index
        %get3A_134 = tpu.vector_load %arg12[%get3A_132, %get3A_133] {strides = array<i32>} : memref<128x128xf32, #tpu.memory_space<vmem>>, vector<16xf32>,
        %mul3A_135 = arith.mulf %get3A_134, %gather3A : vector<16xf32>
        %swap3A_136 = arith.index_cast %scan3A_118 : i32 to index
        %swap3A_137 = arith.constant 32 : index
        %swap3A_138 = tpu.vector_load %arg12[%swap3A_136, %swap3A_137] {strides = array<i32>} : memref<128x128xf32, #tpu.memory_space<vmem>>, vector<16xf32>,
        tpu.vector_store %arg12[%swap3A_136, %swap3A_137], %mul3A_135 {strides = array<i32>} : memref<128x128xf32, #tpu.memory_space<vmem>>, vector<16xf32>,
        %get3A_139 = arith.index_cast %scan3A_118 : i32 to index
        %get3A_140 = arith.constant 48 : index
        %get3A_141 = tpu.vector_load %arg12[%get3A_139, %get3A_140] {strides = array<i32>} : memref<128x128xf32, #tpu.memory_space<vmem>>, vector<16xf32>,
        %mul3A_142 = arith.mulf %get3A_141, %gather3A : vector<16xf32>
        %swap3A_143 = arith.index_cast %scan3A_118 : i32 to index
        %swap3A_144 = arith.constant 48 : index
        %swap3A_145 = tpu.vector_load %arg12[%swap3A_143, %swap3A_144] {strides = array<i32>} : memref<128x128xf32, #tpu.memory_space<vmem>>, vector<16xf32>,
        tpu.vector_store %arg12[%swap3A_143, %swap3A_144], %mul3A_142 {strides = array<i32>} : memref<128x128xf32, #tpu.memory_space<vmem>>, vector<16xf32>,
        %get3A_146 = arith.index_cast %scan3A_118 : i32 to index
        %get3A_147 = arith.constant 64 : index
        %get3A_148 = tpu.vector_load %arg12[%get3A_146, %get3A_147] {strides = array<i32>} : memref<128x128xf32, #tpu.memory_space<vmem>>, vector<16xf32>,
        %mul3A_149 = arith.mulf %get3A_148, %gather3A : vector<16xf32>
        %swap3A_150 = arith.index_cast %scan3A_118 : i32 to index
        %swap3A_151 = arith.constant 64 : index
        %swap3A_152 = tpu.vector_load %arg12[%swap3A_150, %swap3A_151] {strides = array<i32>} : memref<128x128xf32, #tpu.memory_space<vmem>>, vector<16xf32>,
        tpu.vector_store %arg12[%swap3A_150, %swap3A_151], %mul3A_149 {strides = array<i32>} : memref<128x128xf32, #tpu.memory_space<vmem>>, vector<16xf32>,
        %get3A_153 = arith.index_cast %scan3A_118 : i32 to index
        %get3A_154 = arith.constant 80 : index
        %get3A_155 = tpu.vector_load %arg12[%get3A_153, %get3A_154] {strides = array<i32>} : memref<128x128xf32, #tpu.memory_space<vmem>>, vector<16xf32>,
        %mul3A_156 = arith.mulf %get3A_155, %gather3A : vector<16xf32>
        %swap3A_157 = arith.index_cast %scan3A_118 : i32 to index
        %swap3A_158 = arith.constant 80 : index
        %swap3A_159 = tpu.vector_load %arg12[%swap3A_157, %swap3A_158] {strides = array<i32>} : memref<128x128xf32, #tpu.memory_space<vmem>>, vector<16xf32>,
        tpu.vector_store %arg12[%swap3A_157, %swap3A_158], %mul3A_156 {strides = array<i32>} : memref<128x128xf32, #tpu.memory_space<vmem>>, vector<16xf32>,
        %get3A_160 = arith.index_cast %scan3A_118 : i32 to index
        %get3A_161 = arith.constant 96 : index
        %get3A_162 = tpu.vector_load %arg12[%get3A_160, %get3A_161] {strides = array<i32>} : memref<128x128xf32, #tpu.memory_space<vmem>>, vector<16xf32>,
        %mul3A_163 = arith.mulf %get3A_162, %gather3A : vector<16xf32>
        %swap3A_164 = arith.index_cast %scan3A_118 : i32 to index
        %swap3A_165 = arith.constant 96 : index
        %swap3A_166 = tpu.vector_load %arg12[%swap3A_164, %swap3A_165] {strides = array<i32>} : memref<128x128xf32, #tpu.memory_space<vmem>>, vector<16xf32>,
        tpu.vector_store %arg12[%swap3A_164, %swap3A_165], %mul3A_163 {strides = array<i32>} : memref<128x128xf32, #tpu.memory_space<vmem>>, vector<16xf32>,
        %get3A_167 = arith.index_cast %scan3A_118 : i32 to index
        %get3A_168 = arith.constant 112 : index
        %get3A_169 = tpu.vector_load %arg12[%get3A_167, %get3A_168] {strides = array<i32>} : memref<128x128xf32, #tpu.memory_space<vmem>>, vector<16xf32>,
        %mul3A_170 = arith.mulf %get3A_169, %gather3A : vector<16xf32>
        %swap3A_171 = arith.index_cast %scan3A_118 : i32 to index
        %swap3A_172 = arith.constant 112 : index
        %swap3A_173 = tpu.vector_load %arg12[%swap3A_171, %swap3A_172] {strides = array<i32>} : memref<128x128xf32, #tpu.memory_space<vmem>>, vector<16xf32>,
        tpu.vector_store %arg12[%swap3A_171, %swap3A_172], %mul3A_170 {strides = array<i32>} : memref<128x128xf32, #tpu.memory_space<vmem>>, vector<16xf32>,
      }
      %scan3A_117 = arith.constant 128 : i32
      "tpu.region"() ({
        %run_scoped3A = tpu.sem_alloc : memref<!tpu.dma_semaphore, #tpu.memory_space<semaphore_mem>>
        %dma_start3A = arith.constant 0 : i32
        %dma_start3A_118 = arith.constant 0 : i32
        %dma_start3A_119 = tpu.memref_slice %arg15[%dma_start3A, %dma_start3A_118] : memref<10240x128xf32, #tpu.memory_space<vmem_shared>> -> memref<10240x128xf32, #tpu.memory_space<vmem_shared>>
        tpu.enqueue_indirect_dma source(%arg12 : memref<128x128xf32, #tpu.memory_space<vmem>>) target(%dma_start3A_119 : memref<10240x128xf32, #tpu.memory_space<vmem_shared>>) offsets(%arg8 : memref<128xi32, #tpu.memory_space<vmem>>) semaphore(%run_scoped3A : memref<!tpu.dma_semaphore, #tpu.memory_space<semaphore_mem>>) {add = true}
        %dma_wait3A = arith.constant 0 : i32
        %dma_wait3A_120 = arith.constant 0 : i32
        %dma_wait3A_121 = tpu.memref_slice %arg15[%dma_wait3A, %dma_wait3A_120] : memref<10240x128xf32, #tpu.memory_space<vmem_shared>> -> memref<10240x128xf32, #tpu.memory_space<vmem_shared>>
        tpu.wait_indirect_dma semaphore(%run_scoped3A : memref<!tpu.dma_semaphore, #tpu.memory_space<semaphore_mem>>) src(%arg12 : memref<128x128xf32, #tpu.memory_space<vmem>>) dst(%dma_wait3A_121 : memref<10240x128xf32, #tpu.memory_space<vmem_shared>>)
        tpu.yield
      }) : () -> ()
    }
    %while3A_58 = arith.constant 1 : i32
    scf.for %while3A_100 = %while3A_56 to %while3A_52 step %while3A_58  : i32 {
      %mul3A_101 = arith.constant 32 : i32
      %mul3A_102 = arith.muli %while3A_100, %mul3A_101 : i32
      %add3A_103 = arith.addi %add3A, %mul3A_102 : i32
      %mul3A_104 = arith.constant 128 : i32
      %mul3A_105 = arith.muli %add3A_103, %mul3A_104 : i32
      "tpu.region"() ({
        %run_scoped3A = tpu.sem_alloc : memref<!tpu.dma_semaphore, #tpu.memory_space<semaphore_mem>>
        %dma_start3A = tpu.memref_slice %arg2[%mul3A_105] : memref<320000xi32, #tpu.memory_space<hbm>> -> memref<128xi32, #tpu.memory_space<hbm>>
        %dma_start3A_118 = tpu.memref_slice %arg2[%mul3A_105] : memref<320000xi32, #tpu.memory_space<hbm>> -> memref<128xi32, #tpu.memory_space<hbm>>
        tpu.enqueue_dma source(%dma_start3A_118 : memref<128xi32, #tpu.memory_space<hbm>>) target(%arg8 : memref<128xi32, #tpu.memory_space<vmem>>) target_semaphore(%run_scoped3A : memref<!tpu.dma_semaphore, #tpu.memory_space<semaphore_mem>>)
        %dma_wait3A = tpu.memref_slice %arg2[%mul3A_105] : memref<320000xi32, #tpu.memory_space<hbm>> -> memref<128xi32, #tpu.memory_space<hbm>>
        %dma_wait3A_119 = tpu.memref_slice %arg2[%mul3A_105] : memref<320000xi32, #tpu.memory_space<hbm>> -> memref<128xi32, #tpu.memory_space<hbm>>
        tpu.wait_dma2 semaphore(%run_scoped3A : memref<!tpu.dma_semaphore, #tpu.memory_space<semaphore_mem>>) src(%dma_wait3A_119 : memref<128xi32, #tpu.memory_space<hbm>>) dst(%arg8 : memref<128xi32, #tpu.memory_space<vmem>>)
        tpu.yield
      }) : () -> ()
      "tpu.region"() ({
        %run_scoped3A = tpu.sem_alloc : memref<!tpu.dma_semaphore, #tpu.memory_space<semaphore_mem>>
        %dma_start3A = tpu.memref_slice %arg3[%mul3A_105] : memref<320000xi32, #tpu.memory_space<hbm>> -> memref<128xi32, #tpu.memory_space<hbm>>
        %dma_start3A_118 = tpu.memref_slice %arg3[%mul3A_105] : memref<320000xi32, #tpu.memory_space<hbm>> -> memref<128xi32, #tpu.memory_space<hbm>>
        tpu.enqueue_dma source(%dma_start3A_118 : memref<128xi32, #tpu.memory_space<hbm>>) target(%arg9 : memref<128xi32, #tpu.memory_space<vmem>>) target_semaphore(%run_scoped3A : memref<!tpu.dma_semaphore, #tpu.memory_space<semaphore_mem>>)
        %dma_wait3A = tpu.memref_slice %arg3[%mul3A_105] : memref<320000xi32, #tpu.memory_space<hbm>> -> memref<128xi32, #tpu.memory_space<hbm>>
        %dma_wait3A_119 = tpu.memref_slice %arg3[%mul3A_105] : memref<320000xi32, #tpu.memory_space<hbm>> -> memref<128xi32, #tpu.memory_space<hbm>>
        tpu.wait_dma2 semaphore(%run_scoped3A : memref<!tpu.dma_semaphore, #tpu.memory_space<semaphore_mem>>) src(%dma_wait3A_119 : memref<128xi32, #tpu.memory_space<hbm>>) dst(%arg9 : memref<128xi32, #tpu.memory_space<vmem>>)
        tpu.yield
      }) : () -> ()
      "tpu.region"() ({
        %run_scoped3A = tpu.sem_alloc : memref<!tpu.dma_semaphore, #tpu.memory_space<semaphore_mem>>
        %dma_start3A = tpu.memref_slice %arg4[%mul3A_105] : memref<320000xf32, #tpu.memory_space<hbm>> -> memref<128xf32, #tpu.memory_space<hbm>>
        %dma_start3A_118 = tpu.memref_slice %arg4[%mul3A_105] : memref<320000xf32, #tpu.memory_space<hbm>> -> memref<128xf32, #tpu.memory_space<hbm>>
        tpu.enqueue_dma source(%dma_start3A_118 : memref<128xf32, #tpu.memory_space<hbm>>) target(%arg10 : memref<128xf32, #tpu.memory_space<vmem>>) target_semaphore(%run_scoped3A : memref<!tpu.dma_semaphore, #tpu.memory_space<semaphore_mem>>)
        %dma_wait3A = tpu.memref_slice %arg4[%mul3A_105] : memref<320000xf32, #tpu.memory_space<hbm>> -> memref<128xf32, #tpu.memory_space<hbm>>
        %dma_wait3A_119 = tpu.memref_slice %arg4[%mul3A_105] : memref<320000xf32, #tpu.memory_space<hbm>> -> memref<128xf32, #tpu.memory_space<hbm>>
        tpu.wait_dma2 semaphore(%run_scoped3A : memref<!tpu.dma_semaphore, #tpu.memory_space<semaphore_mem>>) src(%dma_wait3A_119 : memref<128xf32, #tpu.memory_space<hbm>>) dst(%arg10 : memref<128xf32, #tpu.memory_space<vmem>>)
        tpu.yield
      }) : () -> ()
      "tpu.region"() ({
        %run_scoped3A = tpu.sem_alloc : memref<!tpu.dma_semaphore, #tpu.memory_space<semaphore_mem>>
        %dma_start3A = arith.constant 0 : i32
        %dma_start3A_118 = arith.constant 0 : i32
        %dma_start3A_119 = tpu.memref_slice %arg6[%dma_start3A, %dma_start3A_118] : memref<10240x128xf32, #tpu.memory_space<hbm>> -> memref<10240x128xf32, #tpu.memory_space<hbm>>
        tpu.enqueue_indirect_dma source(%dma_start3A_119 : memref<10240x128xf32, #tpu.memory_space<hbm>>) target(%arg12 : memref<128x128xf32, #tpu.memory_space<vmem>>) offsets(%arg9 : memref<128xi32, #tpu.memory_space<vmem>>) semaphore(%run_scoped3A : memref<!tpu.dma_semaphore, #tpu.memory_space<semaphore_mem>>)
        %dma_wait3A = arith.constant 0 : i32
        %dma_wait3A_120 = arith.constant 0 : i32
        %dma_wait3A_121 = tpu.memref_slice %arg6[%dma_wait3A, %dma_wait3A_120] : memref<10240x128xf32, #tpu.memory_space<hbm>> -> memref<10240x128xf32, #tpu.memory_space<hbm>>
        tpu.wait_indirect_dma semaphore(%run_scoped3A : memref<!tpu.dma_semaphore, #tpu.memory_space<semaphore_mem>>) src(%dma_wait3A_121 : memref<10240x128xf32, #tpu.memory_space<hbm>>) dst(%arg12 : memref<128x128xf32, #tpu.memory_space<vmem>>)
        tpu.yield
      }) : () -> ()
      %scan3A_106 = arith.constant 0 : i32
      %scan3A_107 = arith.constant 0 : i32
      %scan3A_108 = arith.constant 8 : i32
      %scan3A_109 = arith.addi %scan3A_107, %scan3A_108 : i32
      %scan3A_110 = arith.constant 1 : i32
      scf.for %scan3A_118 = %scan3A_107 to %scan3A_109 step %scan3A_110  : i32 {
        %mul3A_119 = arith.constant 16 : i32
        %mul3A_120 = arith.muli %scan3A_118, %mul3A_119 : i32
        %get3A = arith.index_cast %mul3A_120 : i32 to index
        %get3A_121 = tpu.vector_load %arg10[%get3A] {strides = array<i32>} : memref<128xf32, #tpu.memory_space<vmem>>, vector<16xf32>,
        %sub3A_122 = vector.broadcast %reduce_max3A_11 : f32 to vector<16xf32>
        %sub3A_123 = arith.subf %get3A_121, %sub3A_122 : vector<16xf32>
        %exp3A_124 = math.exp %sub3A_123 : vector<16xf32>
        %mul3A_125 = arith.mulf %exp3A_124, %div3A : vector<16xf32>
        %mul3A_126 = arith.constant 16 : i32
        %mul3A_127 = arith.muli %scan3A_118, %mul3A_126 : i32
        %swap3A = arith.index_cast %mul3A_127 : i32 to index
        %swap3A_128 = tpu.vector_load %arg11[%swap3A] {strides = array<i32>} : memref<128xf32, #tpu.memory_space<vmem>>, vector<16xf32>,
        tpu.vector_store %arg11[%swap3A], %mul3A_125 {strides = array<i32>} : memref<128xf32, #tpu.memory_space<vmem>>, vector<16xf32>,
      }
      %scan3A_111 = arith.constant 8 : i32
      %scan3A_112 = arith.constant 0 : i32
      %scan3A_113 = arith.constant 0 : i32
      %scan3A_114 = arith.constant 128 : i32
      %scan3A_115 = arith.addi %scan3A_113, %scan3A_114 : i32
      %scan3A_116 = arith.constant 1 : i32
      scf.for %scan3A_118 = %scan3A_113 to %scan3A_115 step %scan3A_116  : i32 {
        %broadcast_in_dim3A_119 = vector.broadcast %scan3A_118 : i32 to vector<16xi32>
        %gather3A = tpu.vector_load_idx %arg11[%broadcast_in_dim3A_119] : memref<128xf32, #tpu.memory_space<vmem>>[vector<16xi32>], vector<16xf32>,
        %get3A = arith.index_cast %scan3A_118 : i32 to index
        %get3A_120 = arith.constant 0 : index
        %get3A_121 = tpu.vector_load %arg12[%get3A, %get3A_120] {strides = array<i32>} : memref<128x128xf32, #tpu.memory_space<vmem>>, vector<16xf32>,
        %mul3A_122 = arith.mulf %get3A_121, %gather3A : vector<16xf32>
        %swap3A = arith.index_cast %scan3A_118 : i32 to index
        %swap3A_123 = arith.constant 0 : index
        %swap3A_124 = tpu.vector_load %arg12[%swap3A, %swap3A_123] {strides = array<i32>} : memref<128x128xf32, #tpu.memory_space<vmem>>, vector<16xf32>,
        tpu.vector_store %arg12[%swap3A, %swap3A_123], %mul3A_122 {strides = array<i32>} : memref<128x128xf32, #tpu.memory_space<vmem>>, vector<16xf32>,
        %get3A_125 = arith.index_cast %scan3A_118 : i32 to index
        %get3A_126 = arith.constant 16 : index
        %get3A_127 = tpu.vector_load %arg12[%get3A_125, %get3A_126] {strides = array<i32>} : memref<128x128xf32, #tpu.memory_space<vmem>>, vector<16xf32>,
        %mul3A_128 = arith.mulf %get3A_127, %gather3A : vector<16xf32>
        %swap3A_129 = arith.index_cast %scan3A_118 : i32 to index
        %swap3A_130 = arith.constant 16 : index
        %swap3A_131 = tpu.vector_load %arg12[%swap3A_129, %swap3A_130] {strides = array<i32>} : memref<128x128xf32, #tpu.memory_space<vmem>>, vector<16xf32>,
        tpu.vector_store %arg12[%swap3A_129, %swap3A_130], %mul3A_128 {strides = array<i32>} : memref<128x128xf32, #tpu.memory_space<vmem>>, vector<16xf32>,
        %get3A_132 = arith.index_cast %scan3A_118 : i32 to index
        %get3A_133 = arith.constant 32 : index
        %get3A_134 = tpu.vector_load %arg12[%get3A_132, %get3A_133] {strides = array<i32>} : memref<128x128xf32, #tpu.memory_space<vmem>>, vector<16xf32>,
        %mul3A_135 = arith.mulf %get3A_134, %gather3A : vector<16xf32>
        %swap3A_136 = arith.index_cast %scan3A_118 : i32 to index
        %swap3A_137 = arith.constant 32 : index
        %swap3A_138 = tpu.vector_load %arg12[%swap3A_136, %swap3A_137] {strides = array<i32>} : memref<128x128xf32, #tpu.memory_space<vmem>>, vector<16xf32>,
        tpu.vector_store %arg12[%swap3A_136, %swap3A_137], %mul3A_135 {strides = array<i32>} : memref<128x128xf32, #tpu.memory_space<vmem>>, vector<16xf32>,
        %get3A_139 = arith.index_cast %scan3A_118 : i32 to index
        %get3A_140 = arith.constant 48 : index
        %get3A_141 = tpu.vector_load %arg12[%get3A_139, %get3A_140] {strides = array<i32>} : memref<128x128xf32, #tpu.memory_space<vmem>>, vector<16xf32>,
        %mul3A_142 = arith.mulf %get3A_141, %gather3A : vector<16xf32>
        %swap3A_143 = arith.index_cast %scan3A_118 : i32 to index
        %swap3A_144 = arith.constant 48 : index
        %swap3A_145 = tpu.vector_load %arg12[%swap3A_143, %swap3A_144] {strides = array<i32>} : memref<128x128xf32, #tpu.memory_space<vmem>>, vector<16xf32>,
        tpu.vector_store %arg12[%swap3A_143, %swap3A_144], %mul3A_142 {strides = array<i32>} : memref<128x128xf32, #tpu.memory_space<vmem>>, vector<16xf32>,
        %get3A_146 = arith.index_cast %scan3A_118 : i32 to index
        %get3A_147 = arith.constant 64 : index
        %get3A_148 = tpu.vector_load %arg12[%get3A_146, %get3A_147] {strides = array<i32>} : memref<128x128xf32, #tpu.memory_space<vmem>>, vector<16xf32>,
        %mul3A_149 = arith.mulf %get3A_148, %gather3A : vector<16xf32>
        %swap3A_150 = arith.index_cast %scan3A_118 : i32 to index
        %swap3A_151 = arith.constant 64 : index
        %swap3A_152 = tpu.vector_load %arg12[%swap3A_150, %swap3A_151] {strides = array<i32>} : memref<128x128xf32, #tpu.memory_space<vmem>>, vector<16xf32>,
        tpu.vector_store %arg12[%swap3A_150, %swap3A_151], %mul3A_149 {strides = array<i32>} : memref<128x128xf32, #tpu.memory_space<vmem>>, vector<16xf32>,
        %get3A_153 = arith.index_cast %scan3A_118 : i32 to index
        %get3A_154 = arith.constant 80 : index
        %get3A_155 = tpu.vector_load %arg12[%get3A_153, %get3A_154] {strides = array<i32>} : memref<128x128xf32, #tpu.memory_space<vmem>>, vector<16xf32>,
        %mul3A_156 = arith.mulf %get3A_155, %gather3A : vector<16xf32>
        %swap3A_157 = arith.index_cast %scan3A_118 : i32 to index
        %swap3A_158 = arith.constant 80 : index
        %swap3A_159 = tpu.vector_load %arg12[%swap3A_157, %swap3A_158] {strides = array<i32>} : memref<128x128xf32, #tpu.memory_space<vmem>>, vector<16xf32>,
        tpu.vector_store %arg12[%swap3A_157, %swap3A_158], %mul3A_156 {strides = array<i32>} : memref<128x128xf32, #tpu.memory_space<vmem>>, vector<16xf32>,
        %get3A_160 = arith.index_cast %scan3A_118 : i32 to index
        %get3A_161 = arith.constant 96 : index
        %get3A_162 = tpu.vector_load %arg12[%get3A_160, %get3A_161] {strides = array<i32>} : memref<128x128xf32, #tpu.memory_space<vmem>>, vector<16xf32>,
        %mul3A_163 = arith.mulf %get3A_162, %gather3A : vector<16xf32>
        %swap3A_164 = arith.index_cast %scan3A_118 : i32 to index
        %swap3A_165 = arith.constant 96 : index
        %swap3A_166 = tpu.vector_load %arg12[%swap3A_164, %swap3A_165] {strides = array<i32>} : memref<128x128xf32, #tpu.memory_space<vmem>>, vector<16xf32>,
        tpu.vector_store %arg12[%swap3A_164, %swap3A_165], %mul3A_163 {strides = array<i32>} : memref<128x128xf32, #tpu.memory_space<vmem>>, vector<16xf32>,
        %get3A_167 = arith.index_cast %scan3A_118 : i32 to index
        %get3A_168 = arith.constant 112 : index
        %get3A_169 = tpu.vector_load %arg12[%get3A_167, %get3A_168] {strides = array<i32>} : memref<128x128xf32, #tpu.memory_space<vmem>>, vector<16xf32>,
        %mul3A_170 = arith.mulf %get3A_169, %gather3A : vector<16xf32>
        %swap3A_171 = arith.index_cast %scan3A_118 : i32 to index
        %swap3A_172 = arith.constant 112 : index
        %swap3A_173 = tpu.vector_load %arg12[%swap3A_171, %swap3A_172] {strides = array<i32>} : memref<128x128xf32, #tpu.memory_space<vmem>>, vector<16xf32>,
        tpu.vector_store %arg12[%swap3A_171, %swap3A_172], %mul3A_170 {strides = array<i32>} : memref<128x128xf32, #tpu.memory_space<vmem>>, vector<16xf32>,
      }
      %scan3A_117 = arith.constant 128 : i32
      "tpu.region"() ({
        %run_scoped3A = tpu.sem_alloc : memref<!tpu.dma_semaphore, #tpu.memory_space<semaphore_mem>>
        %dma_start3A = arith.constant 0 : i32
        %dma_start3A_118 = arith.constant 0 : i32
        %dma_start3A_119 = tpu.memref_slice %arg15[%dma_start3A, %dma_start3A_118] : memref<10240x128xf32, #tpu.memory_space<vmem_shared>> -> memref<10240x128xf32, #tpu.memory_space<vmem_shared>>
        tpu.enqueue_indirect_dma source(%arg12 : memref<128x128xf32, #tpu.memory_space<vmem>>) target(%dma_start3A_119 : memref<10240x128xf32, #tpu.memory_space<vmem_shared>>) offsets(%arg8 : memref<128xi32, #tpu.memory_space<vmem>>) semaphore(%run_scoped3A : memref<!tpu.dma_semaphore, #tpu.memory_space<semaphore_mem>>) {add = true}
        %dma_wait3A = arith.constant 0 : i32
        %dma_wait3A_120 = arith.constant 0 : i32
        %dma_wait3A_121 = tpu.memref_slice %arg15[%dma_wait3A, %dma_wait3A_120] : memref<10240x128xf32, #tpu.memory_space<vmem_shared>> -> memref<10240x128xf32, #tpu.memory_space<vmem_shared>>
        tpu.wait_indirect_dma semaphore(%run_scoped3A : memref<!tpu.dma_semaphore, #tpu.memory_space<semaphore_mem>>) src(%arg12 : memref<128x128xf32, #tpu.memory_space<vmem>>) dst(%dma_wait3A_121 : memref<10240x128xf32, #tpu.memory_space<vmem_shared>>)
        tpu.yield
      }) : () -> ()
    }
    %barrier3A_59 = arith.constant 0 : index
    tpu.barrier barrier_id(%barrier3A_59)
    %mul3A_60 = arith.constant 640 : i32
    %mul3A_61 = arith.muli %arg1, %mul3A_60 : i32
    %add3A_62 = arith.constant 0 : i32
    %add3A_63 = arith.addi %mul3A_61, %add3A_62 : i32
    %mul3A_64 = arith.constant 640 : i32
    %mul3A_65 = arith.muli %arg1, %mul3A_64 : i32
    %add3A_66 = arith.constant 0 : i32
    %add3A_67 = arith.addi %mul3A_65, %add3A_66 : i32
    "tpu.region"() ({
      %run_scoped3A = tpu.sem_alloc : memref<!tpu.dma_semaphore, #tpu.memory_space<semaphore_mem>>
      %dma_start3A = arith.constant 0 : i32
      %dma_start3A_100 = tpu.memref_slice %arg7[%arg0, %add3A_67, %dma_start3A] : memref<2x10240x128xf32, #tpu.memory_space<hbm>> -> memref<1x128x128xf32, #tpu.memory_space<hbm>>
      %dma_start3A_101 = tpu.memref_squeeze %dma_start3A_100 : memref<1x128x128xf32, #tpu.memory_space<hbm>> -> memref<128x128xf32, #tpu.memory_space<hbm>>
      %dma_start3A_102 = arith.constant 0 : i32
      %dma_start3A_103 = tpu.memref_slice %arg15[%add3A_63, %dma_start3A_102] : memref<10240x128xf32, #tpu.memory_space<vmem_shared>> -> memref<128x128xf32, #tpu.memory_space<vmem_shared>>
      tpu.enqueue_dma source(%dma_start3A_103 : memref<128x128xf32, #tpu.memory_space<vmem_shared>>) target(%dma_start3A_101 : memref<128x128xf32, #tpu.memory_space<hbm>>) target_semaphore(%run_scoped3A : memref<!tpu.dma_semaphore, #tpu.memory_space<semaphore_mem>>)
      %dma_wait3A = arith.constant 0 : i32
      %dma_wait3A_104 = tpu.memref_slice %arg7[%arg0, %add3A_67, %dma_wait3A] : memref<2x10240x128xf32, #tpu.memory_space<hbm>> -> memref<1x128x128xf32, #tpu.memory_space<hbm>>
      %dma_wait3A_105 = tpu.memref_squeeze %dma_wait3A_104 : memref<1x128x128xf32, #tpu.memory_space<hbm>> -> memref<128x128xf32, #tpu.memory_space<hbm>>
      %dma_wait3A_106 = arith.constant 0 : i32
      %dma_wait3A_107 = tpu.memref_slice %arg15[%add3A_63, %dma_wait3A_106] : memref<10240x128xf32, #tpu.memory_space<vmem_shared>> -> memref<128x128xf32, #tpu.memory_space<vmem_shared>>
      tpu.wait_dma2 semaphore(%run_scoped3A : memref<!tpu.dma_semaphore, #tpu.memory_space<semaphore_mem>>) src(%dma_wait3A_107 : memref<128x128xf32, #tpu.memory_space<vmem_shared>>) dst(%dma_wait3A_105 : memref<128x128xf32, #tpu.memory_space<hbm>>)
      tpu.yield
    }) : () -> ()
    %mul3A_68 = arith.constant 640 : i32
    %mul3A_69 = arith.muli %arg1, %mul3A_68 : i32
    %add3A_70 = arith.constant 128 : i32
    %add3A_71 = arith.addi %mul3A_69, %add3A_70 : i32
    %mul3A_72 = arith.constant 640 : i32
    %mul3A_73 = arith.muli %arg1, %mul3A_72 : i32
    %add3A_74 = arith.constant 128 : i32
    %add3A_75 = arith.addi %mul3A_73, %add3A_74 : i32
    "tpu.region"() ({
      %run_scoped3A = tpu.sem_alloc : memref<!tpu.dma_semaphore, #tpu.memory_space<semaphore_mem>>
      %dma_start3A = arith.constant 0 : i32
      %dma_start3A_100 = tpu.memref_slice %arg7[%arg0, %add3A_75, %dma_start3A] : memref<2x10240x128xf32, #tpu.memory_space<hbm>> -> memref<1x128x128xf32, #tpu.memory_space<hbm>>
      %dma_start3A_101 = tpu.memref_squeeze %dma_start3A_100 : memref<1x128x128xf32, #tpu.memory_space<hbm>> -> memref<128x128xf32, #tpu.memory_space<hbm>>
      %dma_start3A_102 = arith.constant 0 : i32
      %dma_start3A_103 = tpu.memref_slice %arg15[%add3A_71, %dma_start3A_102] : memref<10240x128xf32, #tpu.memory_space<vmem_shared>> -> memref<128x128xf32, #tpu.memory_space<vmem_shared>>
      tpu.enqueue_dma source(%dma_start3A_103 : memref<128x128xf32, #tpu.memory_space<vmem_shared>>) target(%dma_start3A_101 : memref<128x128xf32, #tpu.memory_space<hbm>>) target_semaphore(%run_scoped3A : memref<!tpu.dma_semaphore, #tpu.memory_space<semaphore_mem>>)
      %dma_wait3A = arith.constant 0 : i32
      %dma_wait3A_104 = tpu.memref_slice %arg7[%arg0, %add3A_75, %dma_wait3A] : memref<2x10240x128xf32, #tpu.memory_space<hbm>> -> memref<1x128x128xf32, #tpu.memory_space<hbm>>
      %dma_wait3A_105 = tpu.memref_squeeze %dma_wait3A_104 : memref<1x128x128xf32, #tpu.memory_space<hbm>> -> memref<128x128xf32, #tpu.memory_space<hbm>>
      %dma_wait3A_106 = arith.constant 0 : i32
      %dma_wait3A_107 = tpu.memref_slice %arg15[%add3A_71, %dma_wait3A_106] : memref<10240x128xf32, #tpu.memory_space<vmem_shared>> -> memref<128x128xf32, #tpu.memory_space<vmem_shared>>
      tpu.wait_dma2 semaphore(%run_scoped3A : memref<!tpu.dma_semaphore, #tpu.memory_space<semaphore_mem>>) src(%dma_wait3A_107 : memref<128x128xf32, #tpu.memory_space<vmem_shared>>) dst(%dma_wait3A_105 : memref<128x128xf32, #tpu.memory_space<hbm>>)
      tpu.yield
    }) : () -> ()
    %mul3A_76 = arith.constant 640 : i32
    %mul3A_77 = arith.muli %arg1, %mul3A_76 : i32
    %add3A_78 = arith.constant 256 : i32
    %add3A_79 = arith.addi %mul3A_77, %add3A_78 : i32
    %mul3A_80 = arith.constant 640 : i32
    %mul3A_81 = arith.muli %arg1, %mul3A_80 : i32
    %add3A_82 = arith.constant 256 : i32
    %add3A_83 = arith.addi %mul3A_81, %add3A_82 : i32
    "tpu.region"() ({
      %run_scoped3A = tpu.sem_alloc : memref<!tpu.dma_semaphore, #tpu.memory_space<semaphore_mem>>
      %dma_start3A = arith.constant 0 : i32
      %dma_start3A_100 = tpu.memref_slice %arg7[%arg0, %add3A_83, %dma_start3A] : memref<2x10240x128xf32, #tpu.memory_space<hbm>> -> memref<1x128x128xf32, #tpu.memory_space<hbm>>
      %dma_start3A_101 = tpu.memref_squeeze %dma_start3A_100 : memref<1x128x128xf32, #tpu.memory_space<hbm>> -> memref<128x128xf32, #tpu.memory_space<hbm>>
      %dma_start3A_102 = arith.constant 0 : i32
      %dma_start3A_103 = tpu.memref_slice %arg15[%add3A_79, %dma_start3A_102] : memref<10240x128xf32, #tpu.memory_space<vmem_shared>> -> memref<128x128xf32, #tpu.memory_space<vmem_shared>>
      tpu.enqueue_dma source(%dma_start3A_103 : memref<128x128xf32, #tpu.memory_space<vmem_shared>>) target(%dma_start3A_101 : memref<128x128xf32, #tpu.memory_space<hbm>>) target_semaphore(%run_scoped3A : memref<!tpu.dma_semaphore, #tpu.memory_space<semaphore_mem>>)
      %dma_wait3A = arith.constant 0 : i32
      %dma_wait3A_104 = tpu.memref_slice %arg7[%arg0, %add3A_83, %dma_wait3A] : memref<2x10240x128xf32, #tpu.memory_space<hbm>> -> memref<1x128x128xf32, #tpu.memory_space<hbm>>
      %dma_wait3A_105 = tpu.memref_squeeze %dma_wait3A_104 : memref<1x128x128xf32, #tpu.memory_space<hbm>> -> memref<128x128xf32, #tpu.memory_space<hbm>>
      %dma_wait3A_106 = arith.constant 0 : i32
      %dma_wait3A_107 = tpu.memref_slice %arg15[%add3A_79, %dma_wait3A_106] : memref<10240x128xf32, #tpu.memory_space<vmem_shared>> -> memref<128x128xf32, #tpu.memory_space<vmem_shared>>
      tpu.wait_dma2 semaphore(%run_scoped3A : memref<!tpu.dma_semaphore, #tpu.memory_space<semaphore_mem>>) src(%dma_wait3A_107 : memref<128x128xf32, #tpu.memory_space<vmem_shared>>) dst(%dma_wait3A_105 : memref<128x128xf32, #tpu.memory_space<hbm>>)
      tpu.yield
    }) : () -> ()
    %mul3A_84 = arith.constant 640 : i32
    %mul3A_85 = arith.muli %arg1, %mul3A_84 : i32
    %add3A_86 = arith.constant 384 : i32
    %add3A_87 = arith.addi %mul3A_85, %add3A_86 : i32
    %mul3A_88 = arith.constant 640 : i32
    %mul3A_89 = arith.muli %arg1, %mul3A_88 : i32
    %add3A_90 = arith.constant 384 : i32
    %add3A_91 = arith.addi %mul3A_89, %add3A_90 : i32
    "tpu.region"() ({
      %run_scoped3A = tpu.sem_alloc : memref<!tpu.dma_semaphore, #tpu.memory_space<semaphore_mem>>
      %dma_start3A = arith.constant 0 : i32
      %dma_start3A_100 = tpu.memref_slice %arg7[%arg0, %add3A_91, %dma_start3A] : memref<2x10240x128xf32, #tpu.memory_space<hbm>> -> memref<1x128x128xf32, #tpu.memory_space<hbm>>
      %dma_start3A_101 = tpu.memref_squeeze %dma_start3A_100 : memref<1x128x128xf32, #tpu.memory_space<hbm>> -> memref<128x128xf32, #tpu.memory_space<hbm>>
      %dma_start3A_102 = arith.constant 0 : i32
      %dma_start3A_103 = tpu.memref_slice %arg15[%add3A_87, %dma_start3A_102] : memref<10240x128xf32, #tpu.memory_space<vmem_shared>> -> memref<128x128xf32, #tpu.memory_space<vmem_shared>>
      tpu.enqueue_dma source(%dma_start3A_103 : memref<128x128xf32, #tpu.memory_space<vmem_shared>>) target(%dma_start3A_101 : memref<128x128xf32, #tpu.memory_space<hbm>>) target_semaphore(%run_scoped3A : memref<!tpu.dma_semaphore, #tpu.memory_space<semaphore_mem>>)
      %dma_wait3A = arith.constant 0 : i32
      %dma_wait3A_104 = tpu.memref_slice %arg7[%arg0, %add3A_91, %dma_wait3A] : memref<2x10240x128xf32, #tpu.memory_space<hbm>> -> memref<1x128x128xf32, #tpu.memory_space<hbm>>
      %dma_wait3A_105 = tpu.memref_squeeze %dma_wait3A_104 : memref<1x128x128xf32, #tpu.memory_space<hbm>> -> memref<128x128xf32, #tpu.memory_space<hbm>>
      %dma_wait3A_106 = arith.constant 0 : i32
      %dma_wait3A_107 = tpu.memref_slice %arg15[%add3A_87, %dma_wait3A_106] : memref<10240x128xf32, #tpu.memory_space<vmem_shared>> -> memref<128x128xf32, #tpu.memory_space<vmem_shared>>
      tpu.wait_dma2 semaphore(%run_scoped3A : memref<!tpu.dma_semaphore, #tpu.memory_space<semaphore_mem>>) src(%dma_wait3A_107 : memref<128x128xf32, #tpu.memory_space<vmem_shared>>) dst(%dma_wait3A_105 : memref<128x128xf32, #tpu.memory_space<hbm>>)
      tpu.yield
    }) : () -> ()
    %mul3A_92 = arith.constant 640 : i32
    %mul3A_93 = arith.muli %arg1, %mul3A_92 : i32
    %add3A_94 = arith.constant 512 : i32
    %add3A_95 = arith.addi %mul3A_93, %add3A_94 : i32
    %mul3A_96 = arith.constant 640 : i32
    %mul3A_97 = arith.muli %arg1, %mul3A_96 : i32
    %add3A_98 = arith.constant 512 : i32
    %add3A_99 = arith.addi %mul3A_97, %add3A_98 : i32
    "tpu.region"() ({
      %run_scoped3A = tpu.sem_alloc : memref<!tpu.dma_semaphore, #tpu.memory_space<semaphore_mem>>
      %dma_start3A = arith.constant 0 : i32
      %dma_start3A_100 = tpu.memref_slice %arg7[%arg0, %add3A_99, %dma_start3A] : memref<2x10240x128xf32, #tpu.memory_space<hbm>> -> memref<1x128x128xf32, #tpu.memory_space<hbm>>
      %dma_start3A_101 = tpu.memref_squeeze %dma_start3A_100 : memref<1x128x128xf32, #tpu.memory_space<hbm>> -> memref<128x128xf32, #tpu.memory_space<hbm>>
      %dma_start3A_102 = arith.constant 0 : i32
      %dma_start3A_103 = tpu.memref_slice %arg15[%add3A_95, %dma_start3A_102] : memref<10240x128xf32, #tpu.memory_space<vmem_shared>> -> memref<128x128xf32, #tpu.memory_space<vmem_shared>>
      tpu.enqueue_dma source(%dma_start3A_103 : memref<128x128xf32, #tpu.memory_space<vmem_shared>>) target(%dma_start3A_101 : memref<128x128xf32, #tpu.memory_space<hbm>>) target_semaphore(%run_scoped3A : memref<!tpu.dma_semaphore, #tpu.memory_space<semaphore_mem>>)
      %dma_wait3A = arith.constant 0 : i32
      %dma_wait3A_104 = tpu.memref_slice %arg7[%arg0, %add3A_99, %dma_wait3A] : memref<2x10240x128xf32, #tpu.memory_space<hbm>> -> memref<1x128x128xf32, #tpu.memory_space<hbm>>
      %dma_wait3A_105 = tpu.memref_squeeze %dma_wait3A_104 : memref<1x128x128xf32, #tpu.memory_space<hbm>> -> memref<128x128xf32, #tpu.memory_space<hbm>>
      %dma_wait3A_106 = arith.constant 0 : i32
      %dma_wait3A_107 = tpu.memref_slice %arg15[%add3A_95, %dma_wait3A_106] : memref<10240x128xf32, #tpu.memory_space<vmem_shared>> -> memref<128x128xf32, #tpu.memory_space<vmem_shared>>
      tpu.wait_dma2 semaphore(%run_scoped3A : memref<!tpu.dma_semaphore, #tpu.memory_space<semaphore_mem>>) src(%dma_wait3A_107 : memref<128x128xf32, #tpu.memory_space<vmem_shared>>) dst(%dma_wait3A_105 : memref<128x128xf32, #tpu.memory_space<hbm>>)
      tpu.yield
    }) : () -> ()
    return
  }
}

module attributes {stable_mosaic.version = 14 : i64} {
  func.func @_tc0a_body(%arg0: i32, %arg1: memref<2000x128xf32, #tpu.memory_space<vmem>>, %arg2: memref<128x128xf32, #tpu.memory_space<vmem>>, %arg3: memref<2000x128xf32, #tpu.memory_space<vmem>>) attributes {dimension_semantics = [#tpu.dimension_semantics<arbitrary>], iteration_bounds = array<i64: 5>, scalar_prefetch = 0 : i64, scratch_operands = 0 : i64, tpu.core_type = #tpu.core_type<tc>, window_params = [{transform_indices = @transform_0, window_bounds = array<i64: 2000, 128>}, {pipeline_mode = #tpu.pipeline_mode<synchronous>, transform_indices = @transform_1, window_bounds = array<i64: 128, 128>}, {transform_indices = @transform_2, window_bounds = array<i64: 2000, 128>}]} {
    %get3A = arith.constant 0 : index
    %get3A_0 = arith.constant 0 : index
    %get3A_1 = vector.load %arg1[%get3A, %get3A_0] : memref<2000x128xf32, #tpu.memory_space<vmem>>, vector<2000x128xf32>
    %get3A_2 = arith.constant 0 : index
    %get3A_3 = arith.constant 0 : index
    %get3A_4 = vector.load %arg2[%get3A_2, %get3A_3] : memref<128x128xf32, #tpu.memory_space<vmem>>, vector<128x128xf32>
    %dot_general3A = arith.constant dense<0.000000e+00> : vector<2000x128xf32>
    %dot_general3A_5 = tpu.matmul %get3A_1, %get3A_4, %dot_general3A {dimension_numbers = #tpu.dot_dimension_numbers<[1], [0], [0], [1], [0, 0, 1, 1], [], []>, transpose_lhs_hint = false} : vector<2000x128xf32>, vector<128x128xf32>, vector<2000x128xf32> -> vector<2000x128xf32>
    %swap3A = arith.constant 0 : index
    %swap3A_6 = arith.constant 0 : index
    %swap3A_7 = vector.load %arg3[%swap3A, %swap3A_6] : memref<2000x128xf32, #tpu.memory_space<vmem>>, vector<2000x128xf32>
    tpu.vector_store %arg3[%swap3A, %swap3A_6], %dot_general3A_5 {strides = array<i32>} : memref<2000x128xf32, #tpu.memory_space<vmem>>, vector<2000x128xf32>,
    return
  }
  func.func @transform_0(%arg0: i32) -> (i32, i32) {
    %c0_i32 = arith.constant 0 : i32
    %c0_i32_0 = arith.constant 0 : i32
    return %arg0, %c0_i32 : i32, i32
  }
  func.func @transform_1(%arg0: i32) -> (i32, i32) {
    %c0_i32 = arith.constant 0 : i32
    %c0_i32_0 = arith.constant 0 : i32
    %c0_i32_1 = arith.constant 0 : i32
    return %c0_i32, %c0_i32_0 : i32, i32
  }
  func.func @transform_2(%arg0: i32) -> (i32, i32) {
    %c0_i32 = arith.constant 0 : i32
    %c0_i32_0 = arith.constant 0 : i32
    return %arg0, %c0_i32 : i32, i32
  }
}

module attributes {stable_mosaic.version = 14 : i64} {
  func.func @_tc0b_body(%arg0: i32, %arg1: memref<2048x128xf32, #tpu.memory_space<vmem>>, %arg2: memref<128x128xf32, #tpu.memory_space<vmem>>, %arg3: memref<128x128xf32, #tpu.memory_space<vmem>>, %arg4: memref<1x128xf32, #tpu.memory_space<vmem>>, %arg5: memref<2048x128xf32, #tpu.memory_space<vmem>>, %arg6: memref<2048x128xf32, #tpu.memory_space<vmem>>, %arg7: memref<2048x128xf32, #tpu.memory_space<vmem>>) attributes {dimension_semantics = [#tpu.dimension_semantics<arbitrary>], iteration_bounds = array<i64: 5>, scalar_prefetch = 0 : i64, scratch_operands = 0 : i64, tpu.core_type = #tpu.core_type<tc>, window_params = [{transform_indices = @transform_0, window_bounds = array<i64: 2048, 128>}, {pipeline_mode = #tpu.pipeline_mode<synchronous>, transform_indices = @transform_1, window_bounds = array<i64: 128, 128>}, {pipeline_mode = #tpu.pipeline_mode<synchronous>, transform_indices = @transform_2, window_bounds = array<i64: 128, 128>}, {pipeline_mode = #tpu.pipeline_mode<synchronous>, transform_indices = @transform_3, window_bounds = array<i64: 1, 128>}, {transform_indices = @transform_4, window_bounds = array<i64: 2048, 128>}, {transform_indices = @transform_5, window_bounds = array<i64: 2048, 128>}, {transform_indices = @transform_6, window_bounds = array<i64: 2048, 128>}]} {
    %get3A = arith.constant 0 : index
    %get3A_0 = arith.constant 0 : index
    %get3A_1 = vector.load %arg1[%get3A, %get3A_0] : memref<2048x128xf32, #tpu.memory_space<vmem>>, vector<2048x128xf32>
    %get3A_2 = arith.constant 0 : index
    %get3A_3 = arith.constant 0 : index
    %get3A_4 = vector.load %arg2[%get3A_2, %get3A_3] : memref<128x128xf32, #tpu.memory_space<vmem>>, vector<128x128xf32>
    %dot_general3A = arith.constant dense<0.000000e+00> : vector<2048x128xf32>
    %dot_general3A_5 = tpu.matmul %get3A_1, %get3A_4, %dot_general3A {dimension_numbers = #tpu.dot_dimension_numbers<[1], [0], [0], [1], [0, 0, 1, 1], [], []>, transpose_lhs_hint = false} : vector<2048x128xf32>, vector<128x128xf32>, vector<2048x128xf32> -> vector<2048x128xf32>
    %swap3A = arith.constant 0 : index
    %swap3A_6 = arith.constant 0 : index
    %swap3A_7 = vector.load %arg5[%swap3A, %swap3A_6] : memref<2048x128xf32, #tpu.memory_space<vmem>>, vector<2048x128xf32>
    tpu.vector_store %arg5[%swap3A, %swap3A_6], %dot_general3A_5 {strides = array<i32>} : memref<2048x128xf32, #tpu.memory_space<vmem>>, vector<2048x128xf32>,
    %get3A_8 = arith.constant 0 : index
    %get3A_9 = arith.constant 0 : index
    %get3A_10 = vector.load %arg3[%get3A_8, %get3A_9] : memref<128x128xf32, #tpu.memory_space<vmem>>, vector<128x128xf32>
    %dot_general3A_11 = arith.constant dense<0.000000e+00> : vector<2048x128xf32>
    %dot_general3A_12 = tpu.matmul %get3A_1, %get3A_10, %dot_general3A_11 {dimension_numbers = #tpu.dot_dimension_numbers<[1], [0], [0], [1], [0, 0, 1, 1], [], []>, transpose_lhs_hint = false} : vector<2048x128xf32>, vector<128x128xf32>, vector<2048x128xf32> -> vector<2048x128xf32>
    %get3A_13 = arith.constant 0 : index
    %get3A_14 = arith.constant 0 : index
    %get3A_15 = vector.load %arg4[%get3A_13, %get3A_14] : memref<1x128xf32, #tpu.memory_space<vmem>>, vector<1x128xf32>
    %get3A_16 = vector.shape_cast %get3A_15 : vector<1x128xf32> to vector<128xf32>
    %broadcast_in_dim3A = vector.shape_cast %get3A_16 : vector<128xf32> to vector<1x128xf32>
    %add3A = vector.broadcast %broadcast_in_dim3A : vector<1x128xf32> to vector<2048x128xf32>
    %add3A_17 = arith.addf %dot_general3A_12, %add3A : vector<2048x128xf32>
    %swap3A_18 = arith.constant 0 : index
    %swap3A_19 = arith.constant 0 : index
    %swap3A_20 = vector.load %arg6[%swap3A_18, %swap3A_19] : memref<2048x128xf32, #tpu.memory_space<vmem>>, vector<2048x128xf32>
    tpu.vector_store %arg6[%swap3A_18, %swap3A_19], %add3A_17 {strides = array<i32>} : memref<2048x128xf32, #tpu.memory_space<vmem>>, vector<2048x128xf32>,
    %neg3A = arith.constant 0.000000e+00 : f32
    %neg3A_21 = vector.broadcast %neg3A : f32 to vector<2048x128xf32>
    %neg3A_22 = arith.subf %neg3A_21, %get3A_1 : vector<2048x128xf32>
    %swap3A_23 = arith.constant 0 : index
    %swap3A_24 = arith.constant 0 : index
    %swap3A_25 = vector.load %arg7[%swap3A_23, %swap3A_24] : memref<2048x128xf32, #tpu.memory_space<vmem>>, vector<2048x128xf32>
    tpu.vector_store %arg7[%swap3A_23, %swap3A_24], %neg3A_22 {strides = array<i32>} : memref<2048x128xf32, #tpu.memory_space<vmem>>, vector<2048x128xf32>,
    return
  }
  func.func @transform_0(%arg0: i32) -> (i32, i32) {
    %c0_i32 = arith.constant 0 : i32
    %c0_i32_0 = arith.constant 0 : i32
    return %arg0, %c0_i32 : i32, i32
  }
  func.func @transform_1(%arg0: i32) -> (i32, i32) {
    %c0_i32 = arith.constant 0 : i32
    %c0_i32_0 = arith.constant 0 : i32
    %c0_i32_1 = arith.constant 0 : i32
    return %c0_i32, %c0_i32_0 : i32, i32
  }
  func.func @transform_2(%arg0: i32) -> (i32, i32) {
    %c0_i32 = arith.constant 0 : i32
    %c0_i32_0 = arith.constant 0 : i32
    %c0_i32_1 = arith.constant 0 : i32
    return %c0_i32, %c0_i32_0 : i32, i32
  }
  func.func @transform_3(%arg0: i32) -> (i32, i32) {
    %c0_i32 = arith.constant 0 : i32
    %c0_i32_0 = arith.constant 0 : i32
    %c0_i32_1 = arith.constant 0 : i32
    return %c0_i32, %c0_i32_0 : i32, i32
  }
  func.func @transform_4(%arg0: i32) -> (i32, i32) {
    %c0_i32 = arith.constant 0 : i32
    %c0_i32_0 = arith.constant 0 : i32
    return %arg0, %c0_i32 : i32, i32
  }
  func.func @transform_5(%arg0: i32) -> (i32, i32) {
    %c0_i32 = arith.constant 0 : i32
    %c0_i32_0 = arith.constant 0 : i32
    return %arg0, %c0_i32 : i32, i32
  }
  func.func @transform_6(%arg0: i32) -> (i32, i32) {
    %c0_i32 = arith.constant 0 : i32
    %c0_i32_0 = arith.constant 0 : i32
    return %arg0, %c0_i32 : i32, i32
  }
}

module attributes {stable_mosaic.version = 14 : i64} {
  func.func @_tc1_body(%arg0: i32, %arg1: memref<2560x128xf32, #tpu.memory_space<vmem>>, %arg2: memref<2560x128xf32, #tpu.memory_space<vmem>>, %arg3: memref<128x1xf32, #tpu.memory_space<vmem>>, %arg4: memref<1x1xf32, #tpu.memory_space<vmem>>, %arg5: memref<128x2560xf32, #tpu.memory_space<vmem>>) attributes {dimension_semantics = [#tpu.dimension_semantics<arbitrary>], iteration_bounds = array<i64: 125>, scalar_prefetch = 0 : i64, scratch_operands = 0 : i64, tpu.core_type = #tpu.core_type<tc>, window_params = [{transform_indices = @transform_0, window_bounds = array<i64: 2560, 128>}, {transform_indices = @transform_1, window_bounds = array<i64: 2560, 128>}, {pipeline_mode = #tpu.pipeline_mode<synchronous>, transform_indices = @transform_2, window_bounds = array<i64: 128, 1>}, {pipeline_mode = #tpu.pipeline_mode<synchronous>, transform_indices = @transform_3, window_bounds = array<i64: 1, 1>}, {transform_indices = @transform_4, window_bounds = array<i64: 128, 2560>}]} {
    %get3A = arith.constant 0 : index
    %get3A_0 = arith.constant 0 : index
    %get3A_1 = vector.load %arg1[%get3A, %get3A_0] : memref<2560x128xf32, #tpu.memory_space<vmem>>, vector<2560x128xf32>
    %max3A = arith.constant 0.000000e+00 : f32
    %max3A_2 = vector.broadcast %max3A : f32 to vector<2560x128xf32>
    %max3A_3 = arith.maximumf %get3A_1, %max3A_2 : vector<2560x128xf32>
    %get3A_4 = arith.constant 0 : index
    %get3A_5 = arith.constant 0 : index
    %get3A_6 = vector.load %arg3[%get3A_4, %get3A_5] : memref<128x1xf32, #tpu.memory_space<vmem>>, vector<128x1xf32>
    %dot_general3A = arith.constant dense<0.000000e+00> : vector<2560x1xf32>
    %dot_general3A_7 = tpu.matmul %max3A_3, %get3A_6, %dot_general3A {dimension_numbers = #tpu.dot_dimension_numbers<[1], [0], [0], [1], [0, 0, 1, 1], [], []>, transpose_lhs_hint = false} : vector<2560x128xf32>, vector<128x1xf32>, vector<2560x1xf32> -> vector<2560x1xf32>
    %get3A_8 = arith.constant 0 : index
    %get3A_9 = arith.constant 0 : index
    %get3A_10 = vector.load %arg4[%get3A_8, %get3A_9] : memref<1x1xf32, #tpu.memory_space<vmem>>, vector<1x1xf32>
    %get3A_11 = vector.extract %get3A_10[0, 0] : f32 from vector<1x1xf32>
    %add3A = vector.broadcast %get3A_11 : f32 to vector<2560x1xf32>
    %add3A_12 = arith.addf %dot_general3A_7, %add3A : vector<2560x1xf32>
    %logistic3A = arith.negf %add3A_12 : vector<2560x1xf32>
    %logistic3A_13 = math.exp %logistic3A : vector<2560x1xf32>
    %logistic3A_14 = arith.constant 1.000000e+00 : f32
    %logistic3A_15 = vector.broadcast %logistic3A_14 : f32 to vector<2560x1xf32>
    %logistic3A_16 = arith.addf %logistic3A_15, %logistic3A_13 : vector<2560x1xf32>
    %logistic3A_17 = arith.divf %logistic3A_15, %logistic3A_16 : vector<2560x1xf32>
    %get3A_18 = arith.constant 0 : index
    %get3A_19 = arith.constant 0 : index
    %get3A_20 = vector.load %arg2[%get3A_18, %get3A_19] : memref<2560x128xf32, #tpu.memory_space<vmem>>, vector<2560x128xf32>
    %mul3A = vector.broadcast %logistic3A_17 : vector<2560x1xf32> to vector<2560x128xf32>
    %mul3A_21 = arith.mulf %mul3A, %get3A_20 : vector<2560x128xf32>
    %transpose3A = tpu.transpose %mul3A_21, [1, 0] : vector<2560x128xf32> -> vector<128x2560xf32>
    %swap3A = arith.constant 0 : index
    %swap3A_22 = arith.constant 0 : index
    %swap3A_23 = vector.load %arg5[%swap3A, %swap3A_22] : memref<128x2560xf32, #tpu.memory_space<vmem>>, vector<128x2560xf32>
    tpu.vector_store %arg5[%swap3A, %swap3A_22], %transpose3A {strides = array<i32>} : memref<128x2560xf32, #tpu.memory_space<vmem>>, vector<128x2560xf32>,
    return
  }
  func.func @transform_0(%arg0: i32) -> (i32, i32) {
    %c0_i32 = arith.constant 0 : i32
    %c0_i32_0 = arith.constant 0 : i32
    return %arg0, %c0_i32 : i32, i32
  }
  func.func @transform_1(%arg0: i32) -> (i32, i32) {
    %c0_i32 = arith.constant 0 : i32
    %c0_i32_0 = arith.constant 0 : i32
    return %arg0, %c0_i32 : i32, i32
  }
  func.func @transform_2(%arg0: i32) -> (i32, i32) {
    %c0_i32 = arith.constant 0 : i32
    %c0_i32_0 = arith.constant 0 : i32
    %c0_i32_1 = arith.constant 0 : i32
    return %c0_i32, %c0_i32_0 : i32, i32
  }
  func.func @transform_3(%arg0: i32) -> (i32, i32) {
    %c0_i32 = arith.constant 0 : i32
    %c0_i32_0 = arith.constant 0 : i32
    %c0_i32_1 = arith.constant 0 : i32
    return %c0_i32, %c0_i32_0 : i32, i32
  }
  func.func @transform_4(%arg0: i32) -> (i32, i32) {
    %c0_i32 = arith.constant 0 : i32
    %c0_i32_0 = arith.constant 0 : i32
    return %c0_i32, %arg0 : i32, i32
  }
}

module attributes {stable_mosaic.version = 14 : i64} {
  func.func @_tc2_body(%arg0: i32, %arg1: memref<2x16x8x2048xf32, #tpu.memory_space<vmem>>, %arg2: memref<128x128xf32, #tpu.memory_space<vmem>>, %arg3: memref<128x1xf32, #tpu.memory_space<vmem>>, %arg4: memref<128x1xf32, #tpu.memory_space<vmem>>, %arg5: memref<1x1xf32, #tpu.memory_space<vmem>>, %arg6: memref<128x128xf32, #tpu.memory_space<vmem>>, %arg7: memref<1x128xf32, #tpu.memory_space<vmem>>, %arg8: memref<2048xf32, #tpu.memory_space<vmem>>, %arg9: memref<2048xf32, #tpu.memory_space<vmem>>, %arg10: memref<2048x128xf32, #tpu.memory_space<vmem>>) attributes {dimension_semantics = [#tpu.dimension_semantics<arbitrary>], iteration_bounds = array<i64: 5>, scalar_prefetch = 0 : i64, scratch_operands = 0 : i64, tpu.core_type = #tpu.core_type<tc>, window_params = [{transform_indices = @transform_0, window_bounds = array<i64: 2, 16, 8, 2048>}, {pipeline_mode = #tpu.pipeline_mode<synchronous>, transform_indices = @transform_1, window_bounds = array<i64: 128, 128>}, {pipeline_mode = #tpu.pipeline_mode<synchronous>, transform_indices = @transform_2, window_bounds = array<i64: 128, 1>}, {pipeline_mode = #tpu.pipeline_mode<synchronous>, transform_indices = @transform_3, window_bounds = array<i64: 128, 1>}, {pipeline_mode = #tpu.pipeline_mode<synchronous>, transform_indices = @transform_4, window_bounds = array<i64: 1, 1>}, {pipeline_mode = #tpu.pipeline_mode<synchronous>, transform_indices = @transform_5, window_bounds = array<i64: 128, 128>}, {pipeline_mode = #tpu.pipeline_mode<synchronous>, transform_indices = @transform_6, window_bounds = array<i64: 1, 128>}, {transform_indices = @transform_7, window_bounds = array<i64: 2048>}, {transform_indices = @transform_8, window_bounds = array<i64: 2048>}, {transform_indices = @transform_9, window_bounds = array<i64: 2048, 128>}]} {
    %get3A = arith.constant 0 : index
    %get3A_0 = arith.constant 0 : index
    %get3A_1 = arith.constant 0 : index
    %get3A_2 = arith.constant 0 : index
    %get3A_3 = vector.load %arg1[%get3A, %get3A_0, %get3A_1, %get3A_2] : memref<2x16x8x2048xf32, #tpu.memory_space<vmem>>, vector<2x16x8x2048xf32>
    %slice3A = vector.extract_strided_slice %get3A_3 {offsets = [0, 0, 0, 0], sizes = [1, 16, 8, 2048], strides = [1, 1, 1, 1]} : vector<2x16x8x2048xf32> to vector<1x16x8x2048xf32>
    %squeeze3A = vector.shape_cast %slice3A : vector<1x16x8x2048xf32> to vector<16x8x2048xf32>
    %slice3A_4 = vector.extract_strided_slice %get3A_3 {offsets = [1, 0, 0, 0], sizes = [1, 16, 8, 2048], strides = [1, 1, 1, 1]} : vector<2x16x8x2048xf32> to vector<1x16x8x2048xf32>
    %squeeze3A_5 = vector.shape_cast %slice3A_4 : vector<1x16x8x2048xf32> to vector<16x8x2048xf32>
    %max3A = arith.maximumf %squeeze3A, %squeeze3A_5 : vector<16x8x2048xf32>
    %gt3A = arith.constant -9.99999993E+36 : f32
    %gt3A_6 = vector.broadcast %gt3A : f32 to vector<16x8x2048xf32>
    %gt3A_7 = arith.cmpf ogt, %max3A, %gt3A_6 : vector<16x8x2048xf32>
    %jit3A = arith.constant 0.000000e+00 : f32
    %broadcast_in_dim3A = vector.broadcast %jit3A : f32 to vector<16x8x2048xf32>
    %select_n3A = arith.select %gt3A_7, %max3A, %broadcast_in_dim3A : vector<16x8x2048xi1>, vector<16x8x2048xf32>
    %reshape3A = vector.shape_cast %select_n3A : vector<16x8x2048xf32> to vector<128x2048xf32>
    %transpose3A = tpu.transpose %reshape3A, [1, 0] : vector<128x2048xf32> -> vector<2048x128xf32>
    %get3A_8 = arith.constant 0 : index
    %get3A_9 = arith.constant 0 : index
    %get3A_10 = vector.load %arg2[%get3A_8, %get3A_9] : memref<128x128xf32, #tpu.memory_space<vmem>>, vector<128x128xf32>
    %dot_general3A = arith.constant dense<0.000000e+00> : vector<2048x128xf32>
    %dot_general3A_11 = tpu.matmul %transpose3A, %get3A_10, %dot_general3A {dimension_numbers = #tpu.dot_dimension_numbers<[1], [0], [0], [1], [0, 0, 1, 1], [], []>, transpose_lhs_hint = false} : vector<2048x128xf32>, vector<128x128xf32>, vector<2048x128xf32> -> vector<2048x128xf32>
    %get3A_12 = arith.constant 0 : index
    %get3A_13 = arith.constant 0 : index
    %get3A_14 = vector.load %arg3[%get3A_12, %get3A_13] : memref<128x1xf32, #tpu.memory_space<vmem>>, vector<128x1xf32>
    %dot_general3A_15 = arith.constant dense<0.000000e+00> : vector<2048x1xf32>
    %dot_general3A_16 = tpu.matmul %dot_general3A_11, %get3A_14, %dot_general3A_15 {dimension_numbers = #tpu.dot_dimension_numbers<[1], [0], [0], [1], [0, 0, 1, 1], [], []>, transpose_lhs_hint = false} : vector<2048x128xf32>, vector<128x1xf32>, vector<2048x1xf32> -> vector<2048x1xf32>
    %get3A_17 = arith.constant 0 : index
    %get3A_18 = arith.constant 0 : index
    %get3A_19 = vector.load %arg5[%get3A_17, %get3A_18] : memref<1x1xf32, #tpu.memory_space<vmem>>, vector<1x1xf32>
    %get3A_20 = vector.extract %get3A_19[0, 0] : f32 from vector<1x1xf32>
    %add3A = vector.broadcast %get3A_20 : f32 to vector<2048x1xf32>
    %add3A_21 = arith.addf %dot_general3A_16, %add3A : vector<2048x1xf32>
    %get3A_22 = arith.constant 0 : index
    %get3A_23 = arith.constant 0 : index
    %get3A_24 = vector.load %arg4[%get3A_22, %get3A_23] : memref<128x1xf32, #tpu.memory_space<vmem>>, vector<128x1xf32>
    %dot_general3A_25 = arith.constant dense<0.000000e+00> : vector<2048x1xf32>
    %dot_general3A_26 = tpu.matmul %dot_general3A_11, %get3A_24, %dot_general3A_25 {dimension_numbers = #tpu.dot_dimension_numbers<[1], [0], [0], [1], [0, 0, 1, 1], [], []>, transpose_lhs_hint = false} : vector<2048x128xf32>, vector<128x1xf32>, vector<2048x1xf32> -> vector<2048x1xf32>
    %reshape3A_27 = vector.shape_cast %add3A_21 : vector<2048x1xf32> to vector<2048xf32>
    %swap3A = arith.constant 0 : index
    %swap3A_28 = vector.load %arg8[%swap3A] : memref<2048xf32, #tpu.memory_space<vmem>>, vector<2048xf32>
    tpu.vector_store %arg8[%swap3A], %reshape3A_27 {strides = array<i32>} : memref<2048xf32, #tpu.memory_space<vmem>>, vector<2048xf32>,
    %reshape3A_29 = vector.shape_cast %dot_general3A_26 : vector<2048x1xf32> to vector<2048xf32>
    %swap3A_30 = arith.constant 0 : index
    %swap3A_31 = vector.load %arg9[%swap3A_30] : memref<2048xf32, #tpu.memory_space<vmem>>, vector<2048xf32>
    tpu.vector_store %arg9[%swap3A_30], %reshape3A_29 {strides = array<i32>} : memref<2048xf32, #tpu.memory_space<vmem>>, vector<2048xf32>,
    %get3A_32 = arith.constant 0 : index
    %get3A_33 = arith.constant 0 : index
    %get3A_34 = vector.load %arg6[%get3A_32, %get3A_33] : memref<128x128xf32, #tpu.memory_space<vmem>>, vector<128x128xf32>
    %dot_general3A_35 = arith.constant dense<0.000000e+00> : vector<2048x128xf32>
    %dot_general3A_36 = tpu.matmul %dot_general3A_11, %get3A_34, %dot_general3A_35 {dimension_numbers = #tpu.dot_dimension_numbers<[1], [0], [0], [1], [0, 0, 1, 1], [], []>, transpose_lhs_hint = false} : vector<2048x128xf32>, vector<128x128xf32>, vector<2048x128xf32> -> vector<2048x128xf32>
    %get3A_37 = arith.constant 0 : index
    %get3A_38 = arith.constant 0 : index
    %get3A_39 = vector.load %arg7[%get3A_37, %get3A_38] : memref<1x128xf32, #tpu.memory_space<vmem>>, vector<1x128xf32>
    %get3A_40 = vector.shape_cast %get3A_39 : vector<1x128xf32> to vector<128xf32>
    %broadcast_in_dim3A_41 = vector.shape_cast %get3A_40 : vector<128xf32> to vector<1x128xf32>
    %add3A_42 = vector.broadcast %broadcast_in_dim3A_41 : vector<1x128xf32> to vector<2048x128xf32>
    %add3A_43 = arith.addf %dot_general3A_36, %add3A_42 : vector<2048x128xf32>
    %swap3A_44 = arith.constant 0 : index
    %swap3A_45 = arith.constant 0 : index
    %swap3A_46 = vector.load %arg10[%swap3A_44, %swap3A_45] : memref<2048x128xf32, #tpu.memory_space<vmem>>, vector<2048x128xf32>
    tpu.vector_store %arg10[%swap3A_44, %swap3A_45], %add3A_43 {strides = array<i32>} : memref<2048x128xf32, #tpu.memory_space<vmem>>, vector<2048x128xf32>,
    return
  }
  func.func @transform_0(%arg0: i32) -> (i32, i32, i32, i32) {
    %c0_i32 = arith.constant 0 : i32
    %c0_i32_0 = arith.constant 0 : i32
    %c0_i32_1 = arith.constant 0 : i32
    %c0_i32_2 = arith.constant 0 : i32
    return %c0_i32, %c0_i32_0, %c0_i32_1, %arg0 : i32, i32, i32, i32
  }
  func.func @transform_1(%arg0: i32) -> (i32, i32) {
    %c0_i32 = arith.constant 0 : i32
    %c0_i32_0 = arith.constant 0 : i32
    %c0_i32_1 = arith.constant 0 : i32
    return %c0_i32, %c0_i32_0 : i32, i32
  }
  func.func @transform_2(%arg0: i32) -> (i32, i32) {
    %c0_i32 = arith.constant 0 : i32
    %c0_i32_0 = arith.constant 0 : i32
    %c0_i32_1 = arith.constant 0 : i32
    return %c0_i32, %c0_i32_0 : i32, i32
  }
  func.func @transform_3(%arg0: i32) -> (i32, i32) {
    %c0_i32 = arith.constant 0 : i32
    %c0_i32_0 = arith.constant 0 : i32
    %c0_i32_1 = arith.constant 0 : i32
    return %c0_i32, %c0_i32_0 : i32, i32
  }
  func.func @transform_4(%arg0: i32) -> (i32, i32) {
    %c0_i32 = arith.constant 0 : i32
    %c0_i32_0 = arith.constant 0 : i32
    %c0_i32_1 = arith.constant 0 : i32
    return %c0_i32, %c0_i32_0 : i32, i32
  }
  func.func @transform_5(%arg0: i32) -> (i32, i32) {
    %c0_i32 = arith.constant 0 : i32
    %c0_i32_0 = arith.constant 0 : i32
    %c0_i32_1 = arith.constant 0 : i32
    return %c0_i32, %c0_i32_0 : i32, i32
  }
  func.func @transform_6(%arg0: i32) -> (i32, i32) {
    %c0_i32 = arith.constant 0 : i32
    %c0_i32_0 = arith.constant 0 : i32
    %c0_i32_1 = arith.constant 0 : i32
    return %c0_i32, %c0_i32_0 : i32, i32
  }
  func.func @transform_7(%arg0: i32) -> i32 {
    %c0_i32 = arith.constant 0 : i32
    return %arg0 : i32
  }
  func.func @transform_8(%arg0: i32) -> i32 {
    %c0_i32 = arith.constant 0 : i32
    return %arg0 : i32
  }
  func.func @transform_9(%arg0: i32) -> (i32, i32) {
    %c0_i32 = arith.constant 0 : i32
    %c0_i32_0 = arith.constant 0 : i32
    return %arg0, %c0_i32 : i32, i32
  }
}

module attributes {stable_mosaic.version = 14 : i64} {
  func.func @_tc3_body(%arg0: i32, %arg1: memref<2x2048x128xf32, #tpu.memory_space<vmem>>, %arg2: memref<2048x128xf32, #tpu.memory_space<vmem>>) attributes {dimension_semantics = [#tpu.dimension_semantics<arbitrary>], iteration_bounds = array<i64: 5>, scalar_prefetch = 0 : i64, scratch_operands = 0 : i64, tpu.core_type = #tpu.core_type<tc>, window_params = [{transform_indices = @transform_0, window_bounds = array<i64: 2, 2048, 128>}, {transform_indices = @transform_1, window_bounds = array<i64: 2048, 128>}]} {
    %get3A = arith.constant 0 : index
    %get3A_0 = arith.constant 0 : index
    %get3A_1 = arith.constant 0 : index
    %get3A_2 = vector.load %arg1[%get3A, %get3A_0, %get3A_1] : memref<2x2048x128xf32, #tpu.memory_space<vmem>>, vector<1x2048x128xf32>
    %get3A_3 = vector.shape_cast %get3A_2 : vector<1x2048x128xf32> to vector<2048x128xf32>
    %get3A_4 = arith.constant 1 : index
    %get3A_5 = arith.constant 0 : index
    %get3A_6 = arith.constant 0 : index
    %get3A_7 = vector.load %arg1[%get3A_4, %get3A_5, %get3A_6] : memref<2x2048x128xf32, #tpu.memory_space<vmem>>, vector<1x2048x128xf32>
    %get3A_8 = vector.shape_cast %get3A_7 : vector<1x2048x128xf32> to vector<2048x128xf32>
    %add3A = arith.addf %get3A_3, %get3A_8 : vector<2048x128xf32>
    %swap3A = arith.constant 0 : index
    %swap3A_9 = arith.constant 0 : index
    %swap3A_10 = vector.load %arg2[%swap3A, %swap3A_9] : memref<2048x128xf32, #tpu.memory_space<vmem>>, vector<2048x128xf32>
    tpu.vector_store %arg2[%swap3A, %swap3A_9], %add3A {strides = array<i32>} : memref<2048x128xf32, #tpu.memory_space<vmem>>, vector<2048x128xf32>,
    return
  }
  func.func @transform_0(%arg0: i32) -> (i32, i32, i32) {
    %c0_i32 = arith.constant 0 : i32
    %c0_i32_0 = arith.constant 0 : i32
    %c0_i32_1 = arith.constant 0 : i32
    return %c0_i32, %arg0, %c0_i32_0 : i32, i32, i32
  }
  func.func @transform_1(%arg0: i32) -> (i32, i32) {
    %c0_i32 = arith.constant 0 : i32
    %c0_i32_0 = arith.constant 0 : i32
    return %arg0, %c0_i32 : i32, i32
  }
}

</mosaic_0001>

<sc_bundles>
// kernel: kernel.11.cloned.1.call-start
scs
__scs_entry_jumppad:
0x0: {  	(pc) =	sbr.rel $0x88, $3  }
0x1: {  	(tag) =	ssettag $0x0;
	lr =	simm.s32 $0x1  }
0x2: {  	[smem:$0x3F92] =	sst lr;
	_ =	strace $0xD0000000  }
0x3: {  	_ = 	snop  }
0x4: {  	_ = 	snop  }
0x5: {  	_ = 	snop  }
0x6: {  	_ = 	snop  }
0x7: {  	_ = 	snop  }
__scs_overlays_trampoline_lowered:
0x8: {  	[smem:$0x3FA1] =	sst s0  }
0x9: {  	[smem:$0x3FA2] =	sst s1  }
0xa: {  	[smem:$0x3FA3] =	sst s2  }
0xb: {  	[smem:$0x3FA4] =	sst s3  }
0xc: {  	[smem:$0x3FA5] =	sst s4  }
0xd: {  	[smem:$0x3FA6] =	sst s5  }
0xe: {  	[smem:$0x3FA7] =	sst s6  }
0xf: {  	[smem:$0x3FA8] =	sst s7  }
0x10: {  	[smem:$0x3FA9] =	sst s8  }
0x11: {  	[smem:$0x3FAA] =	sst s9;
	s0 =	simm.s32 @!p0 $0x0  }
0x12: {  	s1 =	sld [smem:$0x3F90];
	s0 =	simm.s32 @p0 $0x1  }
0x13: {  	[smem:$0x3FAB] =	sst s0;
	s0 =	simm.s32 @!p1 $0x0  }
0x14: {  	s2 =	sld [smem:$0x3F8F];
	s0 =	simm.s32 @p1 $0x1  }
0x15: {  	[smem:$0x3FAC] =	sst s0;
	s0 =	simm.s32 @!p2 $0x0  }
0x16: {  	s3 =	sld [smem:$0x3FDB];
	s0 =	simm.s32 @p2 $0x1  }
0x17: {  	s4 =	simm.s32 $0x1BF5;
	[smem:$0x3FAE] =	sst s0  }
0x18: {  	s0 =	sld [smem:$0x3F91];
	_ =	swait.ge [sflag:s4], $0x0  }
0x19: {  	s7 =	sld [smem:$0x3F92]  }
0x1a: {  	s8 =	sadd.s32 $0xFFFFE003, lr  }
0x1b: {  	s9 =	sadd.s32 $0xFFFFFEF7, lr;
	s5 =	simm.s32 $0xFFFFFFFF;
	p2 =	slt.u32 s8, $0xFFFFF086  }
0x1c: {  	p1 =	slt.u32 s9, $0xF7A;
	s5 =	simm.s32 @!p2 $0x0  }
0x1d: {  	s5 =	simm.s32 @p1 $0x1;
	p0 =	seq.s32 s7, s2  }
0x1e: {  	s7 =	smul.u32 @!p0 $0xF7A, s2;
	p2 =	seq.s32 @!p0 s5, $0x0  }
0x1f: {  	s9 =	smul.u32 $0xF7A, s1;
	s8 =	simm.s32 @!p0 $0x1BF5;
	p2 =	por !p2, p0  }
0x20: {  	[sflag:s8] =	ssyncset.s32 @!p0 $0xFFFFF086;
	s6 =	sadd.s32 @!p0 s3, s7;
	s7 =	simm.s32 @!p0 $0x108  }
0x21: {  	s3 =	sadd.s32 s3, s9;
	s6 =	sadd.s32 @!p0 $0x88, s6;
	s7 =	simm.s32 @p2 $0x1082  }
0x22: {  	[simem:s7], [sflag:s8] =	dma.local @!p0 [hbm:s6], $0xF7A  }
0x23: {  	s9 =	sor.u32 $0xD0000000, s2;
	s6 =	simm.s32 $0x108;
	_ =	swait.ge @!p0 [sflag:s8], $0x0  }
0x24: {  	s3 =	sadd.s32 $0x88, s3;
	s6 =	simm.s32 @!p1 $0x1082;
	[sflag:s4] =	ssyncset.s32 $0xFFFFF086  }
0x25: {  	[simem:s6], [sflag:s4] =	dma.local [hbm:s3], $0xF7A  }
0x26: {  	[smem:$0x3F92] =	sst s1;
	(tag) =	ssettag s2;
	_ =	strace s9  }
0x27: {  	s1 =	sld [smem:$0x3FA2]  }
0x28: {  	s2 =	sld [smem:$0x3FA3]  }
0x29: {  	s4 =	sld [smem:$0x3FA5]  }
0x2a: {  	p0 =	seq.s32 s5, $0x0;
	s5 =	sld [smem:$0x3FA6]  }
0x2b: {  	s6 =	sld [smem:$0x3FA7]  }
0x2c: {  	s7 =	sld [smem:$0x3FA8]  }
0x2d: {  	s3 =	simm.s32 $0x108;
	s8 =	sld [smem:$0x3FA9]  }
0x2e: {  	s3 =	simm.s32 @!p0 $0x1082;
	s9 =	sld [smem:$0x3FAA]  }
0x2f: {  	lr =	sadd.s32 s0, s3;
	s0 =	sld [smem:$0x3FA1]  }
0x30: {  	s3 =	sld [smem:$0x3FA4]  }
0x31: {  	[smem:$0x3FAD] =	sst s10  }
0x32: {  	s10 =	sld [smem:$0x3FAB];
	_ =	sdelay $0x3  }
0x33: {  	p0 =	seq.s32 s10, $0x1;
	s10 =	sld [smem:$0x3FAD];
	_ =	sdelay $0x3  }
0x34: {  	[smem:$0x3FAD] =	sst s10  }
0x35: {  	s10 =	sld [smem:$0x3FAC];
	_ =	sdelay $0x3  }
0x36: {  	p1 =	seq.s32 s10, $0x1;
	s10 =	sld [smem:$0x3FAD];
	_ =	sdelay $0x3  }
0x37: {  	[smem:$0x3FAD] =	sst s10  }
0x38: {  	s10 =	sld [smem:$0x3FAE]  }
0x39: {  	_ = 	snop;
	(pc) =	sbr.ind lr, $3  }
0x3a: {  	_ = 	snop  }
0x3b: {  	_ = 	snop  }
0x3c: {  	p2 =	seq.s32 s10, $0x1;
	s10 =	sld [smem:$0x3FAD]  }
0x3d: {  	_ =	shalt  }
0x3e: {  	_ =	shalt  }
0x3f: {  	_ =	shalt  }
0x40: {  	_ =	shalt  }
0x41: {  	_ =	shalt  }
0x42: {  	_ =	shalt  }
0x43: {  	_ =	shalt  }
0x44: {  	_ =	shalt  }
0x45: {  	_ =	shalt  }
0x46: {  	_ =	shalt  }
0x47: {  	_ =	shalt  }
0x48: {  	_ =	shalt  }
0x49: {  	_ =	shalt  }
0x4a: {  	_ =	shalt  }
0x4b: {  	_ =	shalt  }
0x4c: {  	_ =	shalt  }
0x4d: {  	_ =	shalt  }
0x4e: {  	_ =	shalt  }
0x4f: {  	_ =	shalt  }
0x50: {  	_ =	shalt  }
0x51: {  	_ =	shalt  }
0x52: {  	_ =	shalt  }
0x53: {  	_ =	shalt  }
0x54: {  	_ =	shalt  }
0x55: {  	_ =	shalt  }
0x56: {  	_ =	shalt  }
0x57: {  	_ =	shalt  }
0x58: {  	_ =	shalt  }
0x59: {  	_ =	shalt  }
0x5a: {  	_ =	shalt  }
0x5b: {  	_ =	shalt  }
0x5c: {  	_ =	shalt  }
0x5d: {  	_ =	shalt  }
0x5e: {  	_ =	shalt  }
0x5f: {  	_ =	shalt  }
0x60: {  	_ =	shalt  }
0x61: {  	_ =	shalt  }
0x62: {  	_ =	shalt  }
0x63: {  	_ =	shalt  }
0x64: {  	_ =	shalt  }
0x65: {  	_ =	shalt  }
0x66: {  	_ =	shalt  }
0x67: {  	_ =	shalt  }
0x68: {  	_ =	shalt  }
0x69: {  	_ =	shalt  }
0x6a: {  	_ =	shalt  }
0x6b: {  	_ =	shalt  }
0x6c: {  	_ =	shalt  }
0x6d: {  	_ =	shalt  }
0x6e: {  	_ =	shalt  }
0x6f: {  	_ =	shalt  }
0x70: {  	_ =	shalt  }
0x71: {  	_ =	shalt  }
0x72: {  	_ =	shalt  }
0x73: {  	_ =	shalt  }
0x74: {  	_ =	shalt  }
0x75: {  	_ =	shalt  }
0x76: {  	_ =	shalt  }
0x77: {  	_ =	shalt  }
0x78: {  	_ =	shalt  }
0x79: {  	_ =	shalt  }
0x7a: {  	_ =	shalt  }
0x7b: {  	_ =	shalt  }
0x7c: {  	_ =	shalt  }
0x7d: {  	_ =	shalt  }
0x7e: {  	_ =	shalt  }
0x7f: {  	_ =	shalt  }
0x80: {  	_ =	shalt  }
0x81: {  	_ =	shalt  }
0x82: {  	_ =	shalt  }
0x83: {  	_ =	shalt  }
0x84: {  	_ =	shalt  }
0x85: {  	_ =	shalt  }
0x86: {  	_ =	shalt  }
0x87: {  	_ =	shalt  }
.Lfunc_end0:
.L_simem_size_0:
called_computation_lowered:
.L_overlay_start_0:
0x88: {  	s2 =	sld [smem:$0x3FD9]  }
0x89: {  	s3 =	sld [smem:$0x3FFE];
	_ =	sdelay $0x1  }
0x8a: {  	s1 =	srdreg.scid  }
0x8b: {  	s0 =	sand.u32 $0x1, s1  }
0x8c: {  	s17 =	sshll.u32 s0, $0xA;
	s2 =	sadd.s32 s3, s2  }
0x8d: {  	s2 =	sadd.s32 s2, s17  }
0x8e: {  	[smem:$0x3FB9] =	sst s2  }
0x8f: {  	_ = 	snop  }
0x90: {  	s2 =	sld [smem:$0x3FC9]  }
0x91: {  	s18 =	sld [smem:$0x3FC8]  }
0x92: {  	s4 =	sld [smem:$0x3FD0];
	(tm) =	ssettm $0x1  }
0x93: {  	s5 =	sld [smem:$0x3FFB];
	_ =	sdelay $0x3  }
0x94: {  	_ =	strace s5  }
0x95: {  	s5 =	sld [smem:$0x3FFC];
	_ =	sdelay $0x3  }
0x96: {  	_ =	strace s5  }
0x97: {  	s5 =	sld [smem:$0x3FFD];
	_ =	sdelay $0x3  }
0x98: {  	_ =	strace s5  }
0x99: {  	_ =	strace $0x8FFFFFFF  }
0x9a: {  	s19 =	sld [smem:$0x3FDB];
	_ =	sdelay $0x1  }
0x9b: {  	s6 =	simm.s32 $_scs_section_size  }
0x9c: {  	s7 =	simm.s32 $_size__tile_overlayer_lowered;
	s8 =	simm.s32 $_tile_overlayer_lowered  }
0x9d: {  	s22 =	simm.s32 $0x1BFF;
	s21 =	sshll.u32 s8, $0x1;
	s5 =	sadd.s32 s6, s19  }
0x9e: {  	s9 =	simm.s32 $0x0;
	s20 =	sshll.u32 s7, $0x1;
	s7 =	sadd.s32 s21, s5  }
0x9f: {  	[timem:s9], [sflag:s22] =	dma.local [hbm:s7], s20  }
0xa0: {  	_ =	swait.ge [sflag:s22], s20  }
0xa1: {  	s6 =	ssub.s32 $0x0, s20;
	[sflag:s22] =	ssyncset.done $0x0  }
0xa2: {  	[sflag:s22] =	ssyncadd.s32 s6;
	_ =	sdelay $0x1  }
0xa3: {  	s23 =	simm.s32 $0x1B8B  }
0xa4: {  	_ =	swait.ge [sflag:s23], $0x1  }
0xa5: {  	[sflag:s23] =	ssyncset.done $0x0  }
0xa6: {  	s25 =	simm.s32 $0x1B8E;
	s24 =	sld [smem:$0x3FFE];
	[sflag:s23] =	ssyncadd.s32 $0xFFFFFFFF  }
0xa7: {  	s26 =	simm.s32 $execute0_lowered;
	[smem:$0x3FD2] =	sst s25  }
0xa8: {  	s7 =	sshll.u32 s26, $0x1;
	_ =	strace $0x80000046;
	[dreg:$0x1] =	wrdreg $0xFFFFFFFF  }
0xa9: {  	s28 =	simm.s32 $_size_execute0_lowered;
	s5 =	sadd.s32 s5, s7;
	[dreg:$0x0] =	wrdreg $0x0  }
0xaa: {  	s7 =	sshll.u32 s28, $0x1;
	[dreg:$0x2] =	wrdreg s5  }
0xab: {  	[dreg:$0x3] =	wrdreg s7  }
0xac: {  	[dreg:$0x4] =	wrdreg $0xC0  }
0xad: {  	_ =	task [dreg:s9], $0x5FFFF  }
0xae: {  	[dreg:$0x1] =	wrdreg $0xFFFFFFFF  }
0xaf: {  	[dreg:$0x0] =	wrdreg $0x60  }
0xb0: {  	[dreg:$0x2] =	wrdreg s24  }
0xb1: {  	[dreg:$0x3] =	wrdreg s2  }
0xb2: {  	[dreg:$0x4] =	wrdreg s4  }
0xb3: {  	[dreg:$0x5] =	wrdreg s18  }
0xb4: {  	[dreg:$0x6] =	wrdreg $0x9  }
0xb5: {  	_ =	task.clear_ibuf [dreg:s9], $0x7FFFF;
	_ =	strace $0x90000046  }
0xb6: {  	s29 =	simm.s32 $0x9;
	_ =	strace $0x80000048  }
0xb7: {  	_ =	swait.ge [sflag:s29], $0x1  }
0xb8: {  	[sflag:s29] =	ssyncadd.s32 $0xFFFFFFFF  }
0xb9: {  	_ =	strace $0x90000048  }
0xba: {  	_ =	sfence  }
0xbb: {  	s30 =	sld [smem:$0x0];
	_ =	sdelay $0x2  }
0xbc: {  	s31 =	sshll.u32 s1, $0xD;
	s1 =	sshrl.u32 s1, $0x2  }
0xbd: {  	s3 =	sand.u32 $0x4000, s31;
	s1 =	sadd.s32 s1, s30  }
0xbe: {  	s0 =	sor.u32 s3, s0;
	s1 =	sshll.u32 s1, $0x11  }
0xbf: {  	s0 =	sor.u32 s1, s0  }
0xc0: {  	s0 =	sadd.s32 $0x8F2B, s0  }
0xc1: {  	[sflag:s0] =	ssyncadd.remote.s32 $0x1  }
0xc2: {  	_ =	sfence.sel $0xFFFF  }
0xc3: {  	[dreg:$0x0] =	wrdreg $0xFFFFFFFF;
	(pc) =	sbr.abs _section_cstart, $3  }
0xc4: {  	[dreg:$0x1] =	wrdreg $0xFFFFFFFF  }
0xc5: {  	_ =	task.clear_ibuf [dreg:s9], $0x2FFFF;
	_ =	strace $0x9FFFFFFF  }
0xc6: {  	(tm) =	ssettm $0x7FFFFFFF  }
0xc7: {  	_ =	shalt  }
tec
execute0_lowered:
.L_overlay_start_1:
0x0: {  	(tag) =	ssettag $0x1  }
0x1: {  	s0 =	rddreg [dreg:$0x0]  }
0x2: {  	s2 =	rddreg [dreg:$0x2]  }
0x3: {  	s3 =	rddreg [dreg:$0x3];
	s4 =	simm.s32 $0x0  }
0x4: {  	s1 =	srdreg.scid;
	s10 =	stileid.u32;
	s15 =	simm.s32 $0x4F  }
0x5: {  	s18 =	simm.s32 $0x300;
	s19 =	simm.s32 $0x1;
	s20 =	simm.s32 $0x80  }
0x6: {  	s21 =	simm.s32 $0x2A80;
	s22 =	simm.s32 $0x2C80;
	s23 =	simm.s32 $0x2B00  }
0x7: {  	s24 =	simm.s32 $0x6C80;
	s25 =	simm.s32 $0x2B80;
	s26 =	simm.s32 $0xAC80  }
0x8: {  	s28 =	simm.s32 $0x2C00;
	[smem:$0x7FF] =	sst s4;
	s5 =	sadd.s32 $0x4E6C00, s0  }
0x9: {  	s6 =	sadd.s32 $0x4C00, s0;
	s7 =	sadd.s32 $0x2CC00, s0;
	s13 =	sand.u32 $0x1, s1  }
0xa: {  	s8 =	sadd.s32 $0x54C00, s0;
	s9 =	sadd.s32 $0x521600, s0;
	s30 =	ssub.s32 $0x2, s13  }
0xb: {  	v0 =	vlaneseq.u32;
	s11 =	sadd.s32 $0xA03600, s0;
	s12 =	sadd.s32 $0x7CC00, s0;
	s31 =	sshrl.u32 s30, $0x1  }
0xc: {  	s14 =	sadd.s32 $0x86A00, s0;
	p0 =	slt.u32 s10, $0x2;
	v0 =	vmul.u32 $0x6, v0;
	s0 =	ssub.s32 s30, s31  }
0xd: {  	s16 =	sshll.u32 s10, $0x1;
	s1 =	simm.s32 $0x0;
	s0 =	smax.u32 s0, $0x1  }
0xe: {  	_ =	strace $0x80000047;
	s15 =	simm.s32 @!p0 $0x4E;
	v1 =	vadd.s32 $0x2, v0;
	v2 =	vadd.s32 $0x4, v0;
	v3 =	vadd.s32 $0x5, v0;
	[dreg:$0x5] =	wrdreg s0  }
.LBB2_1:
0xf: {  	[dreg:$0x6] =	wrdreg s1  }
0x10: {  	s0 =	rddreg [dreg:$0x1]  }
0x11: {  	[tilespmem:s18], [sflag:$0x1] =	stream.linear.gather [hbm4b:s0+s4], $0x2780, $0x38;
	[tilespmem:$0xEC80] =	vst v63  }
0x12: {  	_ =	swait.ge [sflag:s19], $0x2780  }
0x13: {  	[sflag:s19] =	ssyncset.done $0x0  }
0x14: {  	s30 =	simm.s32 $0x0;
	[sflag:s19] =	ssyncadd.s32 $0xFFFFD880  }
.LBB2_2:
0x15: {  	s0 =	sshll.u32 s30, $0x5;
	s1 =	simm.s32 $0x0  }
0x16: {  	s0 =	sor.u32 s0, s16;
	v4 =	vmov s1  }
0x17: {  	s31 =	sor.u32 s13, s0;
	v4 =	vmul.u32 $0x6, v4  }
0x18: {  	s0 =	smul.u32 $0x300, s31  }
0x19: {  	v4 =	vbroadcast v4, $0x0  }
0x1a: {  	s0 =	sshrl.u32 s0, $0x3  }
0x1b: {  	s0 =	sadd.s32 s5, s0;
	v5 =	vadd.s32 v0, v4  }
0x1c: {  	[tilespmem:s1], [sflag:$0x1] =	stream.linear.gather [hbm4b:s0+s1], $0x300, $0x38;
	[tilespmem:$0xEC80] =	vst v63  }
0x1d: {  	_ =	swait.ge [sflag:s19], $0x300  }
0x1e: {  	[sflag:s19] =	ssyncset.done $0x0  }
0x1f: {  	[sflag:s19] =	ssyncadd.s32 $0xFFFFFD00  }
0x20: {  	v5 =	vld.idx.msk [tilespmem:v5+s4+$0x0], $0xffff  }
0x21: {  	v6 =	vadd.s32 v2, v4  }
0x22: {  	v7 =	vadd.s32 v1, v4;
	_ =	sdelay $0x1  }
0x23: {  	s17 =	simm.s32 $0x10;
	v4 =	vadd.s32 v3, v4  }
0x24: {  	v8 =	vmov s17  }
0x25: {  	v8 =	vmul.u32 $0x6, v8;
	v6 =	vld.idx.msk [tilespmem:v6+s4+$0x0], $0xffff  }
0x26: {  	v7 =	vld.idx.msk [tilespmem:v7+s4+$0x0], $0xffff  }
0x27: {  	v8 =	vbroadcast v8, $0x0;
	v5 =	vld.idx.msk [tilespmem:v5+s18+$0x0], $0xffff  }
0x28: {  	v4 =	vld.idx.msk [tilespmem:v4+s4+$0x0], $0xffff  }
0x29: {  	v9 =	vadd.s32 v0, v8;
	s0 =	simm.s32 $0x2A80  }
0x2a: {  	s10 =	simm.s32 $0x2B00;
	[tilespmem:s0+$0x0] =	vst v6  }
0x2b: {  	s1 =	simm.s32 $0x2B80;
	[tilespmem:s10+$0x0] =	vst v7  }
0x2c: {  	s17 =	simm.s32 $0x2C00;
	[tilespmem:s1+$0x0] =	vst v5  }
0x2d: {  	[tilespmem:s17+$0x0] =	vst v4  }
0x2e: {  	v10 =	vadd.s32 v3, v8;
	v7 =	vld.idx.msk [tilespmem:v9+s4+$0x0], $0xffff  }
0x2f: {  	v6 =	vadd.s32 v2, v8  }
0x30: {  	v8 =	vadd.s32 v1, v8;
	_ =	sdelay $0x2  }
0x31: {  	s29 =	simm.s32 $0x20;
	v4 =	vld.idx.msk [tilespmem:v10+s4+$0x0], $0xffff  }
0x32: {  	v6 =	vld.idx.msk [tilespmem:v6+s4+$0x0], $0xffff;
	v9 =	vmov s29  }
0x33: {  	v5 =	vld.idx.msk [tilespmem:v8+s4+$0x0], $0xffff;
	s29 =	simm.s32 $0x30;
	v8 =	vmul.u32 $0x6, v9  }
.LBB2_3:
0x34: {  	p0 =	sne.s32 s29, $0x70;
	v7 =	vld.idx.msk [tilespmem:v7+s18+$0x0], $0xffff  }
0x35: {  	v8 =	vbroadcast v8, $0x0;
	_ =	sdelay $0x1  }
0x36: {  	s0 =	sadd.s32 $0x10, s0;
	v9 =	vadd.s32 v0, v8  }
0x37: {  	s10 =	sadd.s32 $0x10, s10;
	v10 =	vadd.s32 v3, v8;
	[tilespmem:s0+$0x0] =	vst v6  }
0x38: {  	s1 =	sadd.s32 $0x10, s1;
	v6 =	vadd.s32 v2, v8;
	[tilespmem:s10+$0x0] =	vst v5  }
0x39: {  	s17 =	sadd.s32 $0x10, s17;
	v5 =	vadd.s32 v1, v8;
	[tilespmem:s1+$0x0] =	vst v7  }
0x3a: {  	[tilespmem:s17+$0x0] =	vst v4  }
0x3b: {  	v7 =	vld.idx.msk [tilespmem:v9+s4+$0x0], $0xffff  }
0x3c: {  	v4 =	vld.idx.msk [tilespmem:v10+s4+$0x0], $0xffff  }
0x3d: {  	v6 =	vld.idx.msk [tilespmem:v6+s4+$0x0], $0xffff  }
.Ltmp0:
0x3e: {  	v5 =	vld.idx.msk [tilespmem:v5+s4+$0x0], $0xffff;
	(pc) =	sbr.rel @p0 .LBB2_3-.Ltmp0, $3  }
0x3f: {  	_ =	sdelay $0x1  }
0x40: {  	v8 =	vmov s29  }
0x41: {  	s29 =	sadd.s32 $0x10, s29;
	v8 =	vmul.u32 $0x6, v8  }
0x42: {  	_ =	sdelay $0x3  }
0x43: {  	v7 =	vld.idx.msk [tilespmem:v7+s18+$0x0], $0xffff;
	v8 =	vbroadcast v8, $0x0;
	_ =	sdelay $0x1  }
0x44: {  	s0 =	sadd.s32 $0x10, s0;
	v9 =	vadd.s32 v0, v8  }
0x45: {  	s10 =	sadd.s32 $0x10, s10;
	[tilespmem:s0+$0x0] =	vst v6  }
0x46: {  	s1 =	sadd.s32 $0x10, s1;
	[tilespmem:s10+$0x0] =	vst v5  }
0x47: {  	s17 =	sadd.s32 $0x10, s17;
	[tilespmem:s1+$0x0] =	vst v7  }
0x48: {  	[tilespmem:s17+$0x0] =	vst v4  }
0x49: {  	v4 =	vld.idx.msk [tilespmem:v9+s4+$0x0], $0xffff  }
0x4a: {  	v5 =	vadd.s32 v2, v8  }
0x4b: {  	v6 =	vadd.s32 v1, v8;
	_ =	sdelay $0x1  }
0x4c: {  	v7 =	vadd.s32 v3, v8;
	_ =	sdelay $0x1  }
0x4d: {  	v5 =	vld.idx.msk [tilespmem:v5+s4+$0x0], $0xffff  }
0x4e: {  	v6 =	vld.idx.msk [tilespmem:v6+s4+$0x0], $0xffff  }
0x4f: {  	v4 =	vld.idx.msk [tilespmem:v4+s18+$0x0], $0xffff  }
0x50: {  	v7 =	vld.idx.msk [tilespmem:v7+s4+$0x0], $0xffff  }
0x51: {  	s0 =	sadd.s32 $0x10, s0  }
0x52: {  	s29 =	sadd.s32 $0x10, s10;
	[tilespmem:s0+$0x0] =	vst v5  }
0x53: {  	s10 =	sadd.s32 $0x10, s1;
	[tilespmem:s29+$0x0] =	vst v6  }
0x54: {  	s29 =	sadd.s32 $0x10, s17;
	[tilespmem:s10+$0x0] =	vst v4  }
0x55: {  	[tilespmem:s29+$0x0] =	vst v7  }
0x56: {  	[tilespmem:s22], [sflag:$0x1] =	stream.indirect.gather [hbm4b:s2+s20], $0x80, s21, s20, $0xb8;
	[tilespmem:$0xEC80] =	vst v63  }
0x57: {  	_ =	swait.ge [sflag:s19], $0x4000  }
0x58: {  	[sflag:s19] =	ssyncset.done $0x0  }
0x59: {  	[sflag:s19] =	ssyncadd.s32 $0xFFFFC000  }
0x5a: {  	[tilespmem:s24], [sflag:$0x1] =	stream.indirect.gather [hbm4b:s6+s20], $0x80, s23, s20, $0xb8;
	[tilespmem:$0xEC80] =	vst v63  }
0x5b: {  	_ =	swait.ge [sflag:s19], $0x4000  }
0x5c: {  	[sflag:s19] =	ssyncset.done $0x0  }
0x5d: {  	[sflag:s19] =	ssyncadd.s32 $0xFFFFC000  }
0x5e: {  	[tilespmem:s26], [sflag:$0x1] =	stream.indirect.gather [hbm4b:s7+s20], $0x80, s25, s20, $0xb8;
	[tilespmem:$0xEC80] =	vst v63  }
0x5f: {  	_ =	swait.ge [sflag:s19], $0x4000  }
0x60: {  	[sflag:s19] =	ssyncset.done $0x0  }
0x61: {  	s0 =	simm.s32 $0x0;
	[sflag:s19] =	ssyncadd.s32 $0xFFFFC000  }
0x62: {  	v9 =	vld [tilespmem:s0+$0xAC80]  }
0x63: {  	v8 =	vld [tilespmem:s0+$0xAC90]  }
0x64: {  	v7 =	vld [tilespmem:s0+$0xACA0]  }
0x65: {  	v6 =	vld [tilespmem:s0+$0xACB0]  }
0x66: {  	v5 =	vld [tilespmem:s0+$0xACC0]  }
0x67: {  	v4 =	vld [tilespmem:s0+$0xACD0]  }
0x68: {  	v16 =	vld [tilespmem:s0+$0x6C80]  }
0x69: {  	v21 =	vld [tilespmem:s0+$0x6C90]  }
0x6a: {  	v15 =	vld [tilespmem:s0+$0x6CA0]  }
0x6b: {  	v14 =	vld [tilespmem:s0+$0x6CB0]  }
0x6c: {  	v13 =	vld [tilespmem:s0+$0x6CC0]  }
0x6d: {  	v12 =	vld [tilespmem:s0+$0x6CD0]  }
0x6e: {  	v11 =	vld [tilespmem:s0+$0x6CE0]  }
0x6f: {  	v10 =	vld [tilespmem:s0+$0x6CF0]  }
0x70: {  	v22 =	vld [tilespmem:s0+$0x2C80]  }
0x71: {  	v23 =	vld [tilespmem:s0+$0x2C90]  }
0x72: {  	v20 =	vld [tilespmem:s0+$0x2CA0]  }
0x73: {  	v19 =	vld [tilespmem:s0+$0x2CB0]  }
0x74: {  	v18 =	vld [tilespmem:s0+$0x2CC0]  }
0x75: {  	v17 =	vld [tilespmem:s0+$0x2CD0];
	v22 =	vadd.f32 v16, v22  }
0x76: {  	s10 =	simm.s32 $0x200;
	v21 =	vadd.f32 v21, v23;
	v16 =	vld [tilespmem:s0+$0x2CE0]  }
.LBB2_5:
0x77: {  	p0 =	sne.s32 s10, $0xFE00;
	v9 =	vadd.f32 v9, v22;
	v15 =	vadd.f32 v15, v20;
	v20 =	vld [tilespmem:s0+$0x2CF0]  }
0x78: {  	v8 =	vadd.f32 v8, v21;
	v14 =	vadd.f32 v14, v19;
	v19 =	vld [tilespmem:s0+$0xACE0]  }
0x79: {  	s1 =	sshra.s32 s10, $0x2;
	[tilespmem:s0+$0x2C80] =	vst v9;
	v7 =	vadd.f32 v7, v15;
	v13 =	vadd.f32 v13, v18;
	v15 =	vld [tilespmem:s0+$0xACF0]  }
0x7a: {  	v9 =	vld [tilespmem:s1+$0xAC80];
	[tilespmem:s0+$0x2C90] =	vst v8;
	v6 =	vadd.f32 v6, v14;
	v12 =	vadd.f32 v12, v17  }
0x7b: {  	v8 =	vld [tilespmem:s1+$0xAC90];
	[tilespmem:s0+$0x2CA0] =	vst v7;
	v5 =	vadd.f32 v5, v13;
	v11 =	vadd.f32 v11, v16  }
0x7c: {  	v7 =	vld [tilespmem:s1+$0xACA0];
	[tilespmem:s0+$0x2CB0] =	vst v6;
	v4 =	vadd.f32 v4, v12;
	v10 =	vadd.f32 v10, v20  }
0x7d: {  	v6 =	vld [tilespmem:s1+$0xACB0];
	[tilespmem:s0+$0x2CC0] =	vst v5;
	v11 =	vadd.f32 v19, v11  }
0x7e: {  	v5 =	vld [tilespmem:s1+$0xACC0];
	[tilespmem:s0+$0x2CD0] =	vst v4;
	v10 =	vadd.f32 v15, v10  }
0x7f: {  	v4 =	vld [tilespmem:s1+$0xACD0];
	[tilespmem:s0+$0x2CE0] =	vst v11  }
0x80: {  	v16 =	vld [tilespmem:s1+$0x6C80];
	[tilespmem:s0+$0x2CF0] =	vst v10;
	s0 =	smov.u32 s1  }
0x81: {  	v21 =	vld [tilespmem:s0+$0x6C90]  }
0x82: {  	v15 =	vld [tilespmem:s0+$0x6CA0]  }
0x83: {  	v14 =	vld [tilespmem:s0+$0x6CB0]  }
0x84: {  	v13 =	vld [tilespmem:s0+$0x6CC0]  }
0x85: {  	v12 =	vld [tilespmem:s0+$0x6CD0]  }
0x86: {  	v11 =	vld [tilespmem:s0+$0x6CE0]  }
0x87: {  	v10 =	vld [tilespmem:s0+$0x6CF0]  }
0x88: {  	v17 =	vld [tilespmem:s0+$0x2C80]  }
0x89: {  	v23 =	vld [tilespmem:s0+$0x2C90]  }
.Ltmp1:
0x8a: {  	v20 =	vld [tilespmem:s0+$0x2CA0];
	(pc) =	sbr.rel @p0 .LBB2_5-.Ltmp1, $4  }
0x8b: {  	v19 =	vld [tilespmem:s0+$0x2CB0]  }
0x8c: {  	v18 =	vld [tilespmem:s0+$0x2CC0]  }
0x8d: {  	v22 =	vadd.f32 v16, v17;
	v17 =	vld [tilespmem:s0+$0x2CD0]  }
0x8e: {  	s10 =	sadd.s32 $0x200, s10;
	v21 =	vadd.f32 v21, v23;
	v16 =	vld [tilespmem:s0+$0x2CE0]  }
0x8f: {  	v9 =	vadd.f32 v9, v22;
	v62 =	vld [tilespmem:s0+$0x2CF0];
	v15 =	vadd.f32 v15, v20  }
0x90: {  	v63 =	vld [tilespmem:s0+$0xACE0];
	v8 =	vadd.f32 v8, v21;
	v14 =	vadd.f32 v14, v19  }
0x91: {  	[tilespmem:s0+$0x2C80] =	vst v9;
	v7 =	vadd.f32 v7, v15;
	v9 =	vadd.f32 v13, v18;
	v13 =	vld [tilespmem:s0+$0xACF0]  }
0x92: {  	[tilespmem:s0+$0x2C90] =	vst v8;
	v6 =	vadd.f32 v6, v14;
	v8 =	vadd.f32 v12, v17  }
0x93: {  	[tilespmem:s0+$0x2CA0] =	vst v7;
	v5 =	vadd.f32 v5, v9;
	v7 =	vadd.f32 v11, v16  }
0x94: {  	[tilespmem:s0+$0x2CB0] =	vst v6;
	v4 =	vadd.f32 v4, v8;
	v6 =	vadd.f32 v10, v62  }
0x95: {  	[tilespmem:s0+$0x2CC0] =	vst v5;
	v5 =	vadd.f32 v63, v7  }
0x96: {  	[tilespmem:s0+$0x2CD0] =	vst v4;
	v4 =	vadd.f32 v13, v6  }
0x97: {  	s10 =	sshll.u32 s31, $0xB;
	[tilespmem:s0+$0x2CE0] =	vst v5  }
0x98: {  	s1 =	simm.s32 $0x0;
	s29 =	sadd.s32 s9, s10;
	[tilespmem:s0+$0x2CF0] =	vst v4  }
0x99: {  	[hbm4b:s29+s1] =	stream.linear.scatter [tilespmem:s22], [sflag:$0x1], $0x4000, $0x38;
	[tilespmem:$0xEC80] =	vst v63  }
0x9a: {  	_ =	swait.ge [sflag:s19], $0x4000  }
0x9b: {  	[sflag:s19] =	ssyncset.done $0x0  }
0x9c: {  	[sflag:s19] =	ssyncadd.s32 $0xFFFFC000  }
0x9d: {  	[tilespmem:s24], [sflag:$0x1] =	stream.indirect.gather [hbm4b:s3+s20], $0x80, s21, s20, $0xb8;
	[tilespmem:$0xEC80] =	vst v63  }
0x9e: {  	_ =	swait.ge [sflag:s19], $0x4000  }
0x9f: {  	[sflag:s19] =	ssyncset.done $0x0  }
0xa0: {  	[sflag:s19] =	ssyncadd.s32 $0xFFFFC000  }
0xa1: {  	[tilespmem:s26], [sflag:$0x1] =	stream.indirect.gather [hbm4b:s8+s20], $0x80, s23, s20, $0xb8;
	[tilespmem:$0xEC80] =	vst v63  }
0xa2: {  	_ =	swait.ge [sflag:s19], $0x4000  }
0xa3: {  	[sflag:s19] =	ssyncset.done $0x0  }
0xa4: {  	s0 =	simm.s32 $0x0;
	[sflag:s19] =	ssyncadd.s32 $0xFFFFC000  }
0xa5: {  	v11 =	vld [tilespmem:s0+$0xAC80]  }
0xa6: {  	v15 =	vld [tilespmem:s0+$0xAC90]  }
0xa7: {  	v9 =	vld [tilespmem:s0+$0xACA0]  }
0xa8: {  	v8 =	vld [tilespmem:s0+$0xACB0]  }
0xa9: {  	v7 =	vld [tilespmem:s0+$0xACC0]  }
0xaa: {  	v6 =	vld [tilespmem:s0+$0xACD0]  }
0xab: {  	v5 =	vld [tilespmem:s0+$0xACE0]  }
0xac: {  	v4 =	vld [tilespmem:s0+$0xACF0]  }
0xad: {  	v16 =	vld [tilespmem:s0+$0x6C80]  }
0xae: {  	v17 =	vld [tilespmem:s0+$0x6C90]  }
0xaf: {  	v14 =	vld [tilespmem:s0+$0x6CA0]  }
0xb0: {  	v13 =	vld [tilespmem:s0+$0x6CB0]  }
0xb1: {  	v12 =	vld [tilespmem:s0+$0x6CC0]  }
0xb2: {  	v10 =	vld [tilespmem:s0+$0x6CD0];
	v16 =	vadd.f32 v11, v16  }
0xb3: {  	s1 =	simm.s32 $0x200;
	v15 =	vadd.f32 v15, v17;
	v11 =	vld [tilespmem:s0+$0x6CE0]  }
.LBB2_7:
0xb4: {  	s17 =	sshra.s32 s1, $0x2;
	p0 =	sne.s32 s1, $0xFE00;
	[tilespmem:s0+$0x6C80] =	vst v16;
	v9 =	vadd.f32 v9, v14;
	v14 =	vld [tilespmem:s0+$0x6CF0]  }
0xb5: {  	v16 =	vld [tilespmem:s17+$0xAC80];
	[tilespmem:s0+$0x6C90] =	vst v15;
	v8 =	vadd.f32 v8, v13  }
0xb6: {  	v15 =	vld [tilespmem:s17+$0xAC90];
	[tilespmem:s0+$0x6CA0] =	vst v9;
	v7 =	vadd.f32 v7, v12  }
0xb7: {  	v9 =	vld [tilespmem:s17+$0xACA0];
	[tilespmem:s0+$0x6CB0] =	vst v8;
	v6 =	vadd.f32 v6, v10  }
0xb8: {  	v8 =	vld [tilespmem:s17+$0xACB0];
	[tilespmem:s0+$0x6CC0] =	vst v7;
	v5 =	vadd.f32 v5, v11  }
0xb9: {  	v7 =	vld [tilespmem:s17+$0xACC0];
	[tilespmem:s0+$0x6CD0] =	vst v6;
	v4 =	vadd.f32 v4, v14  }
0xba: {  	v6 =	vld [tilespmem:s17+$0xACD0];
	[tilespmem:s0+$0x6CE0] =	vst v5  }
0xbb: {  	v5 =	vld [tilespmem:s17+$0xACE0];
	[tilespmem:s0+$0x6CF0] =	vst v4;
	s0 =	smov.u32 s17  }
0xbc: {  	v4 =	vld [tilespmem:s0+$0xACF0]  }
0xbd: {  	v10 =	vld [tilespmem:s0+$0x6C80]  }
0xbe: {  	v11 =	vld [tilespmem:s0+$0x6C90]  }
.Ltmp2:
0xbf: {  	v14 =	vld [tilespmem:s0+$0x6CA0];
	(pc) =	sbr.rel @p0 .LBB2_7-.Ltmp2, $4  }
0xc0: {  	v13 =	vld [tilespmem:s0+$0x6CB0]  }
0xc1: {  	v12 =	vld [tilespmem:s0+$0x6CC0]  }
0xc2: {  	v16 =	vadd.f32 v16, v10;
	v10 =	vld [tilespmem:s0+$0x6CD0]  }
0xc3: {  	s1 =	sadd.s32 $0x200, s1;
	v15 =	vadd.f32 v15, v11;
	v11 =	vld [tilespmem:s0+$0x6CE0]  }
0xc4: {  	[tilespmem:s0+$0x6C80] =	vst v16;
	v9 =	vadd.f32 v9, v14;
	v63 =	vld [tilespmem:s0+$0x6CF0]  }
0xc5: {  	[tilespmem:s0+$0x6C90] =	vst v15;
	v8 =	vadd.f32 v8, v13  }
0xc6: {  	[tilespmem:s0+$0x6CA0] =	vst v9;
	v7 =	vadd.f32 v7, v12  }
0xc7: {  	[tilespmem:s0+$0x6CB0] =	vst v8;
	v6 =	vadd.f32 v6, v10  }
0xc8: {  	[tilespmem:s0+$0x6CC0] =	vst v7;
	v5 =	vadd.f32 v5, v11  }
0xc9: {  	[tilespmem:s0+$0x6CD0] =	vst v6;
	v4 =	vadd.f32 v4, v63  }
0xca: {  	[tilespmem:s0+$0x6CE0] =	vst v5  }
0xcb: {  	s29 =	sadd.s32 s11, s10;
	[tilespmem:s0+$0x6CF0] =	vst v4  }
0xcc: {  	[hbm4b:s29+s4] =	stream.linear.scatter [tilespmem:s24], [sflag:$0x1], $0x4000, $0x38;
	[tilespmem:$0xEC80] =	vst v63  }
0xcd: {  	_ =	swait.ge [sflag:s19], $0x4000  }
0xce: {  	s31 =	sshll.u32 s31, $0x4;
	[sflag:s19] =	ssyncset.done $0x0  }
0xcf: {  	s1 =	sadd.s32 s12, s31;
	[sflag:s19] =	ssyncadd.s32 $0xFFFFC000  }
0xd0: {  	[hbm4b:s1+s4] =	stream.linear.scatter [tilespmem:s21], [sflag:$0x1], $0x80, $0x38;
	[tilespmem:$0xEC80] =	vst v63  }
0xd1: {  	s30 =	sadd.s32 $0x1, s30;
	_ =	swait.ge [sflag:s19], $0x80  }
0xd2: {  	p0 =	sne.s32 s30, s15;
	[sflag:s19] =	ssyncset.done $0x0  }
.Ltmp3:
0xd3: {  	s0 =	sadd.s32 s14, s31;
	[sflag:s19] =	ssyncadd.s32 $0xFFFFFF80;
	(pc) =	sbr.rel @p0 .LBB2_2-.Ltmp3, $4  }
0xd4: {  	[hbm4b:s0+s4] =	stream.linear.scatter [tilespmem:s28], [sflag:$0x1], $0x80, $0x38;
	[tilespmem:$0xEC80] =	vst v63  }
0xd5: {  	_ =	swait.ge [sflag:s19], $0x80  }
0xd6: {  	[sflag:s19] =	ssyncset.done $0x0  }
0xd7: {  	[sflag:s19] =	ssyncadd.s32 $0xFFFFFF80  }
0xd8: {  	s1 =	rddreg [dreg:$0x6]  }
0xd9: {  	s0 =	rddreg [dreg:$0x5];
	s1 =	sadd.s32 $0x1, s1  }
0xda: {  	p0 =	sne.s32 s1, s0  }
.Ltmp4:
0xdb: {  	_ = 	snop;
	(pc) =	sbr.rel @p0 .LBB2_1-.Ltmp4, $1  }
0xdc: {  	_ =	sdelay $0x3  }
0xdd: {  	_ =	sfence.sel $0x180000  }
0xde: {  	[bflag:$0x0] =	sbarrier.arrive $0xFFFF  }
0xdf: {  	_ =	strace $0x90000047  }
0xe0: {  	s0 =	stileid.u32;
	[bflag:$0x2] =	sbarrier.arrive $0xFFFF  }
0xe1: {  	p0 =	sne.s32 s0, $0x0;
	s0 =	rddreg [dreg:$0x4]  }
0xe2: {  	s0 =	sadd.s32 @!p0 $0x100000, s0  }
0xe3: {  	[sflag:s0] =	ssyncadd.tile.s32 @!p0 $0x1;
	_ =	shalt  }
.Lfunc_end2:
_tile_overlayer_lowered:
.L_overlay_start_2:
0xe4: {  	(tag) =	ssettag $0x2  }
0xe5: {  	s0 =	rddreg [dreg:$0x0];
	s2 =	stileid.u32  }
0xe6: {  	s1 =	rddreg [dreg:$0x1];
	p0 =	sne.s32 s2, $0x0  }
0xe7: {  	s3 =	rddreg [dreg:$0x2];
	[bflag:$0x3] =	sbarrier.arrive $0xFFFF;
	s2 =	simm.s32 @!p0 $0x1C01  }
0xe8: {  	[timem:s3], [sflag:s2] =	dma.local @!p0 [hbm:s0], s1  }
0xe9: {  	s0 =	simm.s32 @!p0 $0x1  }
0xea: {  	_ =	swait.ge @!p0 [sflag:s0], s1  }
0xeb: {  	s1 =	ssub.s32 @!p0 $0x0, s1;
	[sflag:s0] =	ssyncset.done @!p0 $0x0  }
0xec: {  	[sflag:s0] =	ssyncadd.s32 @!p0 s1  }
0xed: {  	[bflag:$0x3] =	sbarrier.arrive $0xFFFF  }
0xee: {  	_ =	shalt  }

// kernel: kernel.14.cloned.1.call-start
scs
__scs_entry_jumppad:
0x0: {  	(pc) =	sbr.rel $0x88, $3  }
0x1: {  	(tag) =	ssettag $0x0;
	lr =	simm.s32 $0x1  }
0x2: {  	[smem:$0x3F92] =	sst lr;
	_ =	strace $0xD0000000  }
0x3: {  	_ = 	snop  }
0x4: {  	_ = 	snop  }
0x5: {  	_ = 	snop  }
0x6: {  	_ = 	snop  }
0x7: {  	_ = 	snop  }
__scs_overlays_trampoline_lowered:
0x8: {  	[smem:$0x3FA1] =	sst s0  }
0x9: {  	[smem:$0x3FA2] =	sst s1  }
0xa: {  	[smem:$0x3FA3] =	sst s2  }
0xb: {  	[smem:$0x3FA4] =	sst s3  }
0xc: {  	[smem:$0x3FA5] =	sst s4  }
0xd: {  	[smem:$0x3FA6] =	sst s5  }
0xe: {  	[smem:$0x3FA7] =	sst s6  }
0xf: {  	[smem:$0x3FA8] =	sst s7  }
0x10: {  	[smem:$0x3FA9] =	sst s8  }
0x11: {  	[smem:$0x3FAA] =	sst s9;
	s0 =	simm.s32 @!p0 $0x0  }
0x12: {  	s1 =	sld [smem:$0x3F90];
	s0 =	simm.s32 @p0 $0x1  }
0x13: {  	[smem:$0x3FAB] =	sst s0;
	s0 =	simm.s32 @!p1 $0x0  }
0x14: {  	s2 =	sld [smem:$0x3F8F];
	s0 =	simm.s32 @p1 $0x1  }
0x15: {  	[smem:$0x3FAC] =	sst s0;
	s0 =	simm.s32 @!p2 $0x0  }
0x16: {  	s3 =	sld [smem:$0x3FDB];
	s0 =	simm.s32 @p2 $0x1  }
0x17: {  	s4 =	simm.s32 $0x1BF5;
	[smem:$0x3FAE] =	sst s0  }
0x18: {  	s0 =	sld [smem:$0x3F91];
	_ =	swait.ge [sflag:s4], $0x0  }
0x19: {  	s7 =	sld [smem:$0x3F92]  }
0x1a: {  	s8 =	sadd.s32 $0xFFFFE003, lr  }
0x1b: {  	s9 =	sadd.s32 $0xFFFFFEF7, lr;
	s5 =	simm.s32 $0xFFFFFFFF;
	p2 =	slt.u32 s8, $0xFFFFF086  }
0x1c: {  	p1 =	slt.u32 s9, $0xF7A;
	s5 =	simm.s32 @!p2 $0x0  }
0x1d: {  	s5 =	simm.s32 @p1 $0x1;
	p0 =	seq.s32 s7, s2  }
0x1e: {  	s7 =	smul.u32 @!p0 $0xF7A, s2;
	p2 =	seq.s32 @!p0 s5, $0x0  }
0x1f: {  	s9 =	smul.u32 $0xF7A, s1;
	s8 =	simm.s32 @!p0 $0x1BF5;
	p2 =	por !p2, p0  }
0x20: {  	[sflag:s8] =	ssyncset.s32 @!p0 $0xFFFFF086;
	s6 =	sadd.s32 @!p0 s3, s7;
	s7 =	simm.s32 @!p0 $0x108  }
0x21: {  	s3 =	sadd.s32 s3, s9;
	s6 =	sadd.s32 @!p0 $0x88, s6;
	s7 =	simm.s32 @p2 $0x1082  }
0x22: {  	[simem:s7], [sflag:s8] =	dma.local @!p0 [hbm:s6], $0xF7A  }
0x23: {  	s9 =	sor.u32 $0xD0000000, s2;
	s6 =	simm.s32 $0x108;
	_ =	swait.ge @!p0 [sflag:s8], $0x0  }
0x24: {  	s3 =	sadd.s32 $0x88, s3;
	s6 =	simm.s32 @!p1 $0x1082;
	[sflag:s4] =	ssyncset.s32 $0xFFFFF086  }
0x25: {  	[simem:s6], [sflag:s4] =	dma.local [hbm:s3], $0xF7A  }
0x26: {  	[smem:$0x3F92] =	sst s1;
	(tag) =	ssettag s2;
	_ =	strace s9  }
0x27: {  	s1 =	sld [smem:$0x3FA2]  }
0x28: {  	s2 =	sld [smem:$0x3FA3]  }
0x29: {  	s4 =	sld [smem:$0x3FA5]  }
0x2a: {  	p0 =	seq.s32 s5, $0x0;
	s5 =	sld [smem:$0x3FA6]  }
0x2b: {  	s6 =	sld [smem:$0x3FA7]  }
0x2c: {  	s7 =	sld [smem:$0x3FA8]  }
0x2d: {  	s3 =	simm.s32 $0x108;
	s8 =	sld [smem:$0x3FA9]  }
0x2e: {  	s3 =	simm.s32 @!p0 $0x1082;
	s9 =	sld [smem:$0x3FAA]  }
0x2f: {  	lr =	sadd.s32 s0, s3;
	s0 =	sld [smem:$0x3FA1]  }
0x30: {  	s3 =	sld [smem:$0x3FA4]  }
0x31: {  	[smem:$0x3FAD] =	sst s10  }
0x32: {  	s10 =	sld [smem:$0x3FAB];
	_ =	sdelay $0x3  }
0x33: {  	p0 =	seq.s32 s10, $0x1;
	s10 =	sld [smem:$0x3FAD];
	_ =	sdelay $0x3  }
0x34: {  	[smem:$0x3FAD] =	sst s10  }
0x35: {  	s10 =	sld [smem:$0x3FAC];
	_ =	sdelay $0x3  }
0x36: {  	p1 =	seq.s32 s10, $0x1;
	s10 =	sld [smem:$0x3FAD];
	_ =	sdelay $0x3  }
0x37: {  	[smem:$0x3FAD] =	sst s10  }
0x38: {  	s10 =	sld [smem:$0x3FAE]  }
0x39: {  	_ = 	snop;
	(pc) =	sbr.ind lr, $3  }
0x3a: {  	_ = 	snop  }
0x3b: {  	_ = 	snop  }
0x3c: {  	p2 =	seq.s32 s10, $0x1;
	s10 =	sld [smem:$0x3FAD]  }
0x3d: {  	_ =	shalt  }
0x3e: {  	_ =	shalt  }
0x3f: {  	_ =	shalt  }
0x40: {  	_ =	shalt  }
0x41: {  	_ =	shalt  }
0x42: {  	_ =	shalt  }
0x43: {  	_ =	shalt  }
0x44: {  	_ =	shalt  }
0x45: {  	_ =	shalt  }
0x46: {  	_ =	shalt  }
0x47: {  	_ =	shalt  }
0x48: {  	_ =	shalt  }
0x49: {  	_ =	shalt  }
0x4a: {  	_ =	shalt  }
0x4b: {  	_ =	shalt  }
0x4c: {  	_ =	shalt  }
0x4d: {  	_ =	shalt  }
0x4e: {  	_ =	shalt  }
0x4f: {  	_ =	shalt  }
0x50: {  	_ =	shalt  }
0x51: {  	_ =	shalt  }
0x52: {  	_ =	shalt  }
0x53: {  	_ =	shalt  }
0x54: {  	_ =	shalt  }
0x55: {  	_ =	shalt  }
0x56: {  	_ =	shalt  }
0x57: {  	_ =	shalt  }
0x58: {  	_ =	shalt  }
0x59: {  	_ =	shalt  }
0x5a: {  	_ =	shalt  }
0x5b: {  	_ =	shalt  }
0x5c: {  	_ =	shalt  }
0x5d: {  	_ =	shalt  }
0x5e: {  	_ =	shalt  }
0x5f: {  	_ =	shalt  }
0x60: {  	_ =	shalt  }
0x61: {  	_ =	shalt  }
0x62: {  	_ =	shalt  }
0x63: {  	_ =	shalt  }
0x64: {  	_ =	shalt  }
0x65: {  	_ =	shalt  }
0x66: {  	_ =	shalt  }
0x67: {  	_ =	shalt  }
0x68: {  	_ =	shalt  }
0x69: {  	_ =	shalt  }
0x6a: {  	_ =	shalt  }
0x6b: {  	_ =	shalt  }
0x6c: {  	_ =	shalt  }
0x6d: {  	_ =	shalt  }
0x6e: {  	_ =	shalt  }
0x6f: {  	_ =	shalt  }
0x70: {  	_ =	shalt  }
0x71: {  	_ =	shalt  }
0x72: {  	_ =	shalt  }
0x73: {  	_ =	shalt  }
0x74: {  	_ =	shalt  }
0x75: {  	_ =	shalt  }
0x76: {  	_ =	shalt  }
0x77: {  	_ =	shalt  }
0x78: {  	_ =	shalt  }
0x79: {  	_ =	shalt  }
0x7a: {  	_ =	shalt  }
0x7b: {  	_ =	shalt  }
0x7c: {  	_ =	shalt  }
0x7d: {  	_ =	shalt  }
0x7e: {  	_ =	shalt  }
0x7f: {  	_ =	shalt  }
0x80: {  	_ =	shalt  }
0x81: {  	_ =	shalt  }
0x82: {  	_ =	shalt  }
0x83: {  	_ =	shalt  }
0x84: {  	_ =	shalt  }
0x85: {  	_ =	shalt  }
0x86: {  	_ =	shalt  }
0x87: {  	_ =	shalt  }
.Lfunc_end0:
.L_simem_size_0:
called_computation.1_lowered:
.L_overlay_start_0:
0x88: {  	s2 =	sld [smem:$0x3FD9]  }
0x89: {  	s3 =	sld [smem:$0x3FFE];
	_ =	sdelay $0x1  }
0x8a: {  	s1 =	srdreg.scid  }
0x8b: {  	s0 =	sand.u32 $0x1, s1  }
0x8c: {  	s16 =	sshll.u32 s0, $0xA;
	s2 =	sadd.s32 s3, s2  }
0x8d: {  	s2 =	sadd.s32 s2, s16  }
0x8e: {  	[smem:$0x3FB9] =	sst s2  }
0x8f: {  	_ = 	snop  }
0x90: {  	(tm) =	ssettm $0x1  }
0x91: {  	s17 =	sld [smem:$0x3FFB];
	_ =	sdelay $0x3  }
0x92: {  	_ =	strace s17  }
0x93: {  	s2 =	sld [smem:$0x3FFC];
	_ =	sdelay $0x3  }
0x94: {  	_ =	strace s2  }
0x95: {  	s2 =	sld [smem:$0x3FFD];
	_ =	sdelay $0x3  }
0x96: {  	_ =	strace s2  }
0x97: {  	_ =	strace $0x8FFFFFFF  }
0x98: {  	s18 =	sld [smem:$0x3FDB];
	_ =	sdelay $0x1  }
0x99: {  	s19 =	simm.s32 $_scs_section_size  }
0x9a: {  	s4 =	simm.s32 $_size__tile_overlayer_lowered;
	s5 =	simm.s32 $_tile_overlayer_lowered  }
0x9b: {  	s22 =	simm.s32 $0x1BFF;
	s21 =	sshll.u32 s5, $0x1;
	s2 =	sadd.s32 s19, s18  }
0x9c: {  	s6 =	simm.s32 $0x0;
	s20 =	sshll.u32 s4, $0x1;
	s4 =	sadd.s32 s21, s2  }
0x9d: {  	[timem:s6], [sflag:s22] =	dma.local [hbm:s4], s20  }
0x9e: {  	_ =	swait.ge [sflag:s22], s20  }
0x9f: {  	s3 =	ssub.s32 $0x0, s20;
	[sflag:s22] =	ssyncset.done $0x0  }
0xa0: {  	[sflag:s22] =	ssyncadd.s32 s3;
	_ =	sdelay $0x1  }
0xa1: {  	s23 =	simm.s32 $0x1B8B  }
0xa2: {  	_ =	swait.ge [sflag:s23], $0x1  }
0xa3: {  	[sflag:s23] =	ssyncset.done $0x0  }
0xa4: {  	s25 =	simm.s32 $0x1B8E;
	s24 =	sld [smem:$0x3FFE];
	[sflag:s23] =	ssyncadd.s32 $0xFFFFFFFF  }
0xa5: {  	s26 =	simm.s32 $execute0_lowered;
	[smem:$0x3FD2] =	sst s25  }
0xa6: {  	s4 =	sshll.u32 s26, $0x1;
	_ =	strace $0x80000049;
	[dreg:$0x1] =	wrdreg $0xFFFFFFFF  }
0xa7: {  	s28 =	simm.s32 $_size_execute0_lowered;
	s2 =	sadd.s32 s2, s4;
	[dreg:$0x0] =	wrdreg $0x0  }
0xa8: {  	s4 =	sshll.u32 s28, $0x1;
	[dreg:$0x2] =	wrdreg s2  }
0xa9: {  	[dreg:$0x3] =	wrdreg s4  }
0xaa: {  	[dreg:$0x4] =	wrdreg $0xC0  }
0xab: {  	_ =	task [dreg:s6], $0x5FFFF  }
0xac: {  	[dreg:$0x1] =	wrdreg $0xFFFFFFFF  }
0xad: {  	[dreg:$0x0] =	wrdreg $0x60  }
0xae: {  	[dreg:$0x2] =	wrdreg s24  }
0xaf: {  	[dreg:$0x3] =	wrdreg $0x9  }
0xb0: {  	_ =	task.clear_ibuf [dreg:s6], $0x4FFFF;
	_ =	strace $0x90000049  }
0xb1: {  	s29 =	simm.s32 $0x9;
	_ =	strace $0x8000004B  }
0xb2: {  	_ =	swait.ge [sflag:s29], $0x1  }
0xb3: {  	[sflag:s29] =	ssyncadd.s32 $0xFFFFFFFF  }
0xb4: {  	_ =	strace $0x9000004B  }
0xb5: {  	_ =	sfence  }
0xb6: {  	s30 =	sld [smem:$0x0];
	_ =	sdelay $0x2  }
0xb7: {  	s31 =	sshll.u32 s1, $0xD;
	s1 =	sshrl.u32 s1, $0x2  }
0xb8: {  	s3 =	sand.u32 $0x4000, s31;
	s1 =	sadd.s32 s1, s30  }
0xb9: {  	s0 =	sor.u32 s3, s0;
	s1 =	sshll.u32 s1, $0x11  }
0xba: {  	s0 =	sor.u32 s1, s0  }
0xbb: {  	s0 =	sadd.s32 $0x8F2B, s0  }
0xbc: {  	[sflag:s0] =	ssyncadd.remote.s32 $0x1  }
0xbd: {  	_ =	sfence.sel $0xFFFF  }
0xbe: {  	[dreg:$0x0] =	wrdreg $0xFFFFFFFF;
	(pc) =	sbr.abs _section_cstart, $3  }
0xbf: {  	[dreg:$0x1] =	wrdreg $0xFFFFFFFF  }
0xc0: {  	_ =	task.clear_ibuf [dreg:s6], $0x2FFFF;
	_ =	strace $0x9FFFFFFF  }
0xc1: {  	(tm) =	ssettm $0x7FFFFFFF  }
tec
execute0_lowered:
.L_overlay_start_1:
0x0: {  	(tag) =	ssettag $0x1  }
0x1: {  	s0 =	srdreg.scid  }
0x2: {  	s4 =	rddreg [dreg:$0x0];
	s1 =	stileid.u32  }
0x3: {  	s2 =	simm.s32 $0x0;
	s9 =	simm.s32 $0x1;
	s6 =	smul.u32 $0x14000, s1  }
0x4: {  	v0 =	vimm.s32 $0xFEDCBA98;
	s10 =	simm.s32 $0x500;
	s5 =	sand.u32 $0x1, s0;
	s7 =	smul.u32 $0x4E200, s1  }
0x5: {  	v1 =	vimm.s32 $0x76543210;
	s11 =	simm.s32 $0x0;
	[smem:$0x7FF] =	sst s2;
	v0 =	vunpack.c.l.s4.s8 v0;
	s3 =	smul.u32 $0x140000, s5  }
0x6: {  	s0 =	rddreg [dreg:$0x1];
	v1 =	vunpack.c.l.s4.s8 v1;
	_ =	strace $0x8000004A;
	s8 =	ssub.s32 $0x2, s5  }
0x7: {  	s7 =	sadd.s32 s7, s4;
	s31 =	sshrl.u32 s8, $0x1;
	v2 =	vunpack.c.0.s8.s32 v0;
	s6 =	sadd.s32 s6, s3  }
0x8: {  	v3 =	vlaneseq.u32;
	v4 =	vunpack.c.0.s8.s32 v1;
	s3 =	sadd.s32 $0x86A00, s4;
	s8 =	ssub.s32 s8, s31;
	s6 =	sshrl.u32 s6, $0x3  }
0x9: {  	v0 =	vshrl.u32 v3, $0x3;
	v1 =	vand.u32 $0x7, v3;
	v3 =	vand.u32 $0xF, v2;
	s6 =	sadd.s32 s6, s4;
	s4 =	smul.u32 $0x27100, s5;
	s5 =	sadd.s32 $0xEE5600, s7  }
0xa: {  	v1 =	vmul.u32 $0x80, v1;
	v2 =	vimm.f32 $-3.000000010e+38;
	s7 =	smax.u32 s8, $0x1;
	s8 =	simm.s32 $0x2D00;
	v3 =	vcombine.low v3, v4;
	s6 =	sadd.s32 $0x4C00, s6  }
.LBB2_1:
0xb: {  	v4 =	vmov s2  }
0xc: {  	v5 =	vor.u32 s2, v0;
	v4 =	vshll.u32 v4, $0x3  }
0xd: {  	v5 =	vand.u32 $0x7F, v5;
	v4 =	vand.u32 $0x1FC00, v4  }
0xe: {  	v4 =	vor.u32 v5, v4  }
0xf: {  	s12 =	simm.s32 $0x2;
	v4 =	vor.u32 v1, v4  }
.LBB2_2:
0x10: {  	p0 =	seq.s32 s12, $0x27FE  }
.Ltmp0:
0x11: {  	v5 =	vmov s12;
	s13 =	smov.u32 s12;
	s12 =	sadd.s32 $0x2, s12;
	(pc) =	sbr.rel @!p0 .LBB2_2-.Ltmp0, $4  }
0x12: {  	v6 =	vor.u32 s13, v0;
	v5 =	vshll.u32 v5, $0x3  }
0x13: {  	v6 =	vand.u32 $0x7F, v6;
	v5 =	vand.u32 $0x1FC00, v5  }
0x14: {  	v5 =	vor.u32 v6, v5;
	[tilespmem:v4+s8+$0x0] =	vst.idx.msk $0xffff, v2  }
0x15: {  	v4 =	vor.u32 v1, v5  }
0x16: {  	_ =	sdelay $0x3  }
0x17: {  	[tilespmem:v4+s8+$0x0] =	vst.idx.msk $0xffff, v2;
	s12 =	simm.s32 $0x0;
	s13 =	simm.s32 $0x0  }
.LBB2_4:
0x18: {  	s14 =	smul.u32 $0x500, s13;
	_ =	sdelay $0x1  }
0x19: {  	s14 =	sadd.s32 s4, s14  }
0x1a: {  	s15 =	sshrl.u32 s14, $0x3  }
0x1b: {  	s15 =	sadd.s32 s3, s15  }
0x1c: {  	[tilespmem:s12], [sflag:$0x1] =	stream.linear.gather [hbm4b:s15+s12], $0x500, $0x38;
	[tilespmem:$0x16D00] =	vst v63  }
0x1d: {  	_ =	swait.ge [sflag:s9], $0x500  }
0x1e: {  	[sflag:s9] =	ssyncset.done $0x0  }
0x1f: {  	v5 =	vor.u32 s12, v0;
	s14 =	sadd.s32 s14, s5;
	[sflag:s9] =	ssyncadd.s32 $0xFFFFFB00  }
0x20: {  	[tilespmem:s10], [sflag:$0x1] =	stream.linear.gather [hbm4b:s14+s12], $0x2800, $0x38;
	[tilespmem:$0x16D00] =	vst v63  }
0x21: {  	_ =	swait.ge [sflag:s9], $0x2800  }
0x22: {  	[sflag:s9] =	ssyncset.done $0x0  }
0x23: {  	[sflag:s9] =	ssyncadd.s32 $0xFFFFD800  }
0x24: {  	v6 =	vmov s12;
	v4 =	vld.idx.msk [tilespmem:v5+s2+$0x0], $0xffff  }
0x25: {  	v6 =	vshll.u32 v6, $0x3  }
0x26: {  	v6 =	vand.u32 $0x3C00, v6;
	v5 =	vand.u32 $0x7F, v5  }
0x27: {  	v5 =	vor.u32 v5, v6  }
0x28: {  	v6 =	vor.u32 v1, v5  }
0x29: {  	v5 =	vshll.u32 v4, $0x3  }
0x2a: {  	v7 =	vand.u32 $0x7F, v4;
	v5 =	vand.u32 $0xFFFFFC00, v5  }
0x2b: {  	v5 =	vor.u32 v5, v7  }
0x2c: {  	v5 =	vor.u32 v1, v5  }
0x2d: {  	v7 =	vld.idx.msk [tilespmem:v6+s10+$0x0], $0xffff;
	_ =	sdelay $0x3  }
0x2e: {  	v8 =	vld.idx.msk [tilespmem:v5+s8+$0x0], $0xffff  }
0x2f: {  	s14 =	simm.s32 $0x2;
	v9 =	vperm.xlane v4, v3;
	v10 =	vperm.xlane v7, v3  }
0x30: {  	s15 =	simm.s32 $0x4;
	v6 =	vor.u32 s14, v0  }
.LBB2_5:
0x31: {  	p0 =	sne.s32 s15, $0x4FE;
	vm0 =	veq.s32 v4, v9;
	v4 =	vmax.f32 v7, v10  }
0x32: {  	v4 =	vsel vm0, v4, v7  }
0x33: {  	v4 =	vmax.f32 v8, v4  }
0x34: {  	[tilespmem:v5+s8+$0x0] =	vst.idx.msk $0xffff, v4  }
0x35: {  	v4 =	vld.idx.msk [tilespmem:v6+s2+$0x0], $0xffff  }
0x36: {  	v5 =	vmov s14;
	s14 =	smov.u32 s15  }
0x37: {  	v5 =	vshll.u32 v5, $0x3  }
0x38: {  	v6 =	vand.u32 $0x7F, v6;
	v5 =	vand.u32 $0x3C00, v5  }
0x39: {  	v5 =	vor.u32 v6, v5  }
0x3a: {  	v6 =	vor.u32 v1, v5  }
0x3b: {  	v5 =	vshll.u32 v4, $0x3  }
0x3c: {  	v7 =	vand.u32 $0x7F, v4;
	v5 =	vand.u32 $0xFFFFFC00, v5  }
0x3d: {  	v5 =	vor.u32 v5, v7  }
0x3e: {  	v5 =	vor.u32 v1, v5  }
0x3f: {  	v7 =	vld.idx.msk [tilespmem:v6+s10+$0x0], $0xffff;
	_ =	sdelay $0x2  }
.Ltmp1:
0x40: {  	(pc) =	sbr.rel @p0 .LBB2_5-.Ltmp1, $3  }
0x41: {  	v8 =	vld.idx.msk [tilespmem:v5+s8+$0x0], $0xffff;
	_ =	sdelay $0x1  }
0x42: {  	v9 =	vperm.xlane v4, v3;
	v10 =	vperm.xlane v7, v3  }
0x43: {  	s15 =	sadd.s32 $0x2, s15;
	v6 =	vor.u32 s14, v0  }
0x44: {  	_ = 	snop  }
0x45: {  	vm0 =	veq.s32 v4, v9;
	v4 =	vmax.f32 v7, v10  }
0x46: {  	v4 =	vsel vm0, v4, v7  }
0x47: {  	v4 =	vmax.f32 v8, v4  }
0x48: {  	[tilespmem:v5+s8+$0x0] =	vst.idx.msk $0xffff, v4  }
0x49: {  	v5 =	vmov s14;
	v4 =	vld.idx.msk [tilespmem:v6+s2+$0x0], $0xffff  }
0x4a: {  	v5 =	vshll.u32 v5, $0x3  }
0x4b: {  	v58 =	vand.u32 $0x7F, v6;
	v5 =	vand.u32 $0x3C00, v5  }
0x4c: {  	v5 =	vor.u32 v58, v5  }
0x4d: {  	v5 =	vor.u32 v1, v5  }
0x4e: {  	v59 =	vshll.u32 v4, $0x3  }
0x4f: {  	v60 =	vand.u32 $0x7F, v4;
	v6 =	vand.u32 $0xFFFFFC00, v59  }
0x50: {  	v6 =	vor.u32 v6, v60  }
0x51: {  	v6 =	vor.u32 v1, v6  }
0x52: {  	v5 =	vld.idx.msk [tilespmem:v5+s10+$0x0], $0xffff;
	_ =	sdelay $0x3  }
0x53: {  	s13 =	sadd.s32 $0x1, s13;
	v61 =	vld.idx.msk [tilespmem:v6+s8+$0x0], $0xffff  }
0x54: {  	p0 =	sne.s32 s13, $0x7D;
	v62 =	vperm.xlane v4, v3;
	v63 =	vperm.xlane v5, v3  }
.Ltmp2:
0x55: {  	_ = 	snop;
	(pc) =	sbr.rel @p0 .LBB2_4-.Ltmp2, $4  }
0x56: {  	vm15 =	veq.s32 v4, v62;
	v4 =	vmax.f32 v5, v63  }
0x57: {  	v4 =	vsel vm15, v4, v5  }
0x58: {  	v4 =	vmax.f32 v61, v4  }
0x59: {  	[tilespmem:v6+s8+$0x0] =	vst.idx.msk $0xffff, v4  }
0x5a: {  	s11 =	sadd.s32 $0x1, s11  }
0x5b: {  	p0 =	sne.s32 s11, s7  }
.Ltmp3:
0x5c: {  	_ = 	snop;
	(pc) =	sbr.rel @p0 .LBB2_1-.Ltmp3, $4  }
0x5d: {  	[hbm4b:s6+s2] =	stream.linear.scatter [tilespmem:s8], [sflag:$0x1], $0x14000, $0x38;
	[tilespmem:$0x16D00] =	vst v63  }
0x5e: {  	_ =	swait.ge [sflag:s9], $0x14000  }
0x5f: {  	[sflag:s9] =	ssyncset.done $0x0  }
0x60: {  	[sflag:s9] =	ssyncadd.s32 $0xFFFEC000  }
0x61: {  	_ =	sfence.sel $0x180000  }
0x62: {  	[bflag:$0x0] =	sbarrier.arrive $0xFFFF  }
0x63: {  	p0 =	sne.s32 s1, $0x0;
	_ =	strace $0x9000004A  }
0x64: {  	s0 =	sadd.s32 @!p0 $0x100000, s0;
	[bflag:$0x2] =	sbarrier.arrive $0xFFFF  }
0x65: {  	[sflag:s0] =	ssyncadd.tile.s32 @!p0 $0x1;
	_ =	shalt  }
.Lfunc_end2:
_tile_overlayer_lowered:
.L_overlay_start_2:
0x66: {  	(tag) =	ssettag $0x2  }
0x67: {  	s0 =	rddreg [dreg:$0x0];
	s2 =	stileid.u32  }
0x68: {  	s1 =	rddreg [dreg:$0x1];
	p0 =	sne.s32 s2, $0x0  }
0x69: {  	s3 =	rddreg [dreg:$0x2];
	[bflag:$0x3] =	sbarrier.arrive $0xFFFF;
	s2 =	simm.s32 @!p0 $0x1C01  }
0x6a: {  	[timem:s3], [sflag:s2] =	dma.local @!p0 [hbm:s0], s1  }
0x6b: {  	s0 =	simm.s32 @!p0 $0x1  }
0x6c: {  	_ =	swait.ge @!p0 [sflag:s0], s1  }
0x6d: {  	s1 =	ssub.s32 @!p0 $0x0, s1;
	[sflag:s0] =	ssyncset.done @!p0 $0x0  }
0x6e: {  	[sflag:s0] =	ssyncadd.s32 @!p0 s1  }
0x6f: {  	[bflag:$0x3] =	sbarrier.arrive $0xFFFF  }
0x70: {  	_ =	shalt  }

// kernel: kernel.17.cloned.1.call-start
scs
__scs_entry_jumppad:
0x0: {  	(pc) =	sbr.rel $0x88, $3  }
0x1: {  	(tag) =	ssettag $0x0;
	lr =	simm.s32 $0x1  }
0x2: {  	[smem:$0x3F92] =	sst lr;
	_ =	strace $0xD0000000  }
0x3: {  	_ = 	snop  }
0x4: {  	_ = 	snop  }
0x5: {  	_ = 	snop  }
0x6: {  	_ = 	snop  }
0x7: {  	_ = 	snop  }
__scs_overlays_trampoline_lowered:
0x8: {  	[smem:$0x3FA1] =	sst s0  }
0x9: {  	[smem:$0x3FA2] =	sst s1  }
0xa: {  	[smem:$0x3FA3] =	sst s2  }
0xb: {  	[smem:$0x3FA4] =	sst s3  }
0xc: {  	[smem:$0x3FA5] =	sst s4  }
0xd: {  	[smem:$0x3FA6] =	sst s5  }
0xe: {  	[smem:$0x3FA7] =	sst s6  }
0xf: {  	[smem:$0x3FA8] =	sst s7  }
0x10: {  	[smem:$0x3FA9] =	sst s8  }
0x11: {  	[smem:$0x3FAA] =	sst s9;
	s0 =	simm.s32 @!p0 $0x0  }
0x12: {  	s1 =	sld [smem:$0x3F90];
	s0 =	simm.s32 @p0 $0x1  }
0x13: {  	[smem:$0x3FAB] =	sst s0;
	s0 =	simm.s32 @!p1 $0x0  }
0x14: {  	s2 =	sld [smem:$0x3F8F];
	s0 =	simm.s32 @p1 $0x1  }
0x15: {  	[smem:$0x3FAC] =	sst s0;
	s0 =	simm.s32 @!p2 $0x0  }
0x16: {  	s3 =	sld [smem:$0x3FDB];
	s0 =	simm.s32 @p2 $0x1  }
0x17: {  	s4 =	simm.s32 $0x1BF5;
	[smem:$0x3FAE] =	sst s0  }
0x18: {  	s0 =	sld [smem:$0x3F91];
	_ =	swait.ge [sflag:s4], $0x0  }
0x19: {  	s7 =	sld [smem:$0x3F92]  }
0x1a: {  	s8 =	sadd.s32 $0xFFFFE003, lr  }
0x1b: {  	s9 =	sadd.s32 $0xFFFFFEF7, lr;
	s5 =	simm.s32 $0xFFFFFFFF;
	p2 =	slt.u32 s8, $0xFFFFF086  }
0x1c: {  	p1 =	slt.u32 s9, $0xF7A;
	s5 =	simm.s32 @!p2 $0x0  }
0x1d: {  	s5 =	simm.s32 @p1 $0x1;
	p0 =	seq.s32 s7, s2  }
0x1e: {  	s7 =	smul.u32 @!p0 $0xF7A, s2;
	p2 =	seq.s32 @!p0 s5, $0x0  }
0x1f: {  	s9 =	smul.u32 $0xF7A, s1;
	s8 =	simm.s32 @!p0 $0x1BF5;
	p2 =	por !p2, p0  }
0x20: {  	[sflag:s8] =	ssyncset.s32 @!p0 $0xFFFFF086;
	s6 =	sadd.s32 @!p0 s3, s7;
	s7 =	simm.s32 @!p0 $0x108  }
0x21: {  	s3 =	sadd.s32 s3, s9;
	s6 =	sadd.s32 @!p0 $0x88, s6;
	s7 =	simm.s32 @p2 $0x1082  }
0x22: {  	[simem:s7], [sflag:s8] =	dma.local @!p0 [hbm:s6], $0xF7A  }
0x23: {  	s9 =	sor.u32 $0xD0000000, s2;
	s6 =	simm.s32 $0x108;
	_ =	swait.ge @!p0 [sflag:s8], $0x0  }
0x24: {  	s3 =	sadd.s32 $0x88, s3;
	s6 =	simm.s32 @!p1 $0x1082;
	[sflag:s4] =	ssyncset.s32 $0xFFFFF086  }
0x25: {  	[simem:s6], [sflag:s4] =	dma.local [hbm:s3], $0xF7A  }
0x26: {  	[smem:$0x3F92] =	sst s1;
	(tag) =	ssettag s2;
	_ =	strace s9  }
0x27: {  	s1 =	sld [smem:$0x3FA2]  }
0x28: {  	s2 =	sld [smem:$0x3FA3]  }
0x29: {  	s4 =	sld [smem:$0x3FA5]  }
0x2a: {  	p0 =	seq.s32 s5, $0x0;
	s5 =	sld [smem:$0x3FA6]  }
0x2b: {  	s6 =	sld [smem:$0x3FA7]  }
0x2c: {  	s7 =	sld [smem:$0x3FA8]  }
0x2d: {  	s3 =	simm.s32 $0x108;
	s8 =	sld [smem:$0x3FA9]  }
0x2e: {  	s3 =	simm.s32 @!p0 $0x1082;
	s9 =	sld [smem:$0x3FAA]  }
0x2f: {  	lr =	sadd.s32 s0, s3;
	s0 =	sld [smem:$0x3FA1]  }
0x30: {  	s3 =	sld [smem:$0x3FA4]  }
0x31: {  	[smem:$0x3FAD] =	sst s10  }
0x32: {  	s10 =	sld [smem:$0x3FAB];
	_ =	sdelay $0x3  }
0x33: {  	p0 =	seq.s32 s10, $0x1;
	s10 =	sld [smem:$0x3FAD];
	_ =	sdelay $0x3  }
0x34: {  	[smem:$0x3FAD] =	sst s10  }
0x35: {  	s10 =	sld [smem:$0x3FAC];
	_ =	sdelay $0x3  }
0x36: {  	p1 =	seq.s32 s10, $0x1;
	s10 =	sld [smem:$0x3FAD];
	_ =	sdelay $0x3  }
0x37: {  	[smem:$0x3FAD] =	sst s10  }
0x38: {  	s10 =	sld [smem:$0x3FAE]  }
0x39: {  	_ = 	snop;
	(pc) =	sbr.ind lr, $3  }
0x3a: {  	_ = 	snop  }
0x3b: {  	_ = 	snop  }
0x3c: {  	p2 =	seq.s32 s10, $0x1;
	s10 =	sld [smem:$0x3FAD]  }
0x3d: {  	_ =	shalt  }
0x3e: {  	_ =	shalt  }
0x3f: {  	_ =	shalt  }
0x40: {  	_ =	shalt  }
0x41: {  	_ =	shalt  }
0x42: {  	_ =	shalt  }
0x43: {  	_ =	shalt  }
0x44: {  	_ =	shalt  }
0x45: {  	_ =	shalt  }
0x46: {  	_ =	shalt  }
0x47: {  	_ =	shalt  }
0x48: {  	_ =	shalt  }
0x49: {  	_ =	shalt  }
0x4a: {  	_ =	shalt  }
0x4b: {  	_ =	shalt  }
0x4c: {  	_ =	shalt  }
0x4d: {  	_ =	shalt  }
0x4e: {  	_ =	shalt  }
0x4f: {  	_ =	shalt  }
0x50: {  	_ =	shalt  }
0x51: {  	_ =	shalt  }
0x52: {  	_ =	shalt  }
0x53: {  	_ =	shalt  }
0x54: {  	_ =	shalt  }
0x55: {  	_ =	shalt  }
0x56: {  	_ =	shalt  }
0x57: {  	_ =	shalt  }
0x58: {  	_ =	shalt  }
0x59: {  	_ =	shalt  }
0x5a: {  	_ =	shalt  }
0x5b: {  	_ =	shalt  }
0x5c: {  	_ =	shalt  }
0x5d: {  	_ =	shalt  }
0x5e: {  	_ =	shalt  }
0x5f: {  	_ =	shalt  }
0x60: {  	_ =	shalt  }
0x61: {  	_ =	shalt  }
0x62: {  	_ =	shalt  }
0x63: {  	_ =	shalt  }
0x64: {  	_ =	shalt  }
0x65: {  	_ =	shalt  }
0x66: {  	_ =	shalt  }
0x67: {  	_ =	shalt  }
0x68: {  	_ =	shalt  }
0x69: {  	_ =	shalt  }
0x6a: {  	_ =	shalt  }
0x6b: {  	_ =	shalt  }
0x6c: {  	_ =	shalt  }
0x6d: {  	_ =	shalt  }
0x6e: {  	_ =	shalt  }
0x6f: {  	_ =	shalt  }
0x70: {  	_ =	shalt  }
0x71: {  	_ =	shalt  }
0x72: {  	_ =	shalt  }
0x73: {  	_ =	shalt  }
0x74: {  	_ =	shalt  }
0x75: {  	_ =	shalt  }
0x76: {  	_ =	shalt  }
0x77: {  	_ =	shalt  }
0x78: {  	_ =	shalt  }
0x79: {  	_ =	shalt  }
0x7a: {  	_ =	shalt  }
0x7b: {  	_ =	shalt  }
0x7c: {  	_ =	shalt  }
0x7d: {  	_ =	shalt  }
0x7e: {  	_ =	shalt  }
0x7f: {  	_ =	shalt  }
0x80: {  	_ =	shalt  }
0x81: {  	_ =	shalt  }
0x82: {  	_ =	shalt  }
0x83: {  	_ =	shalt  }
0x84: {  	_ =	shalt  }
0x85: {  	_ =	shalt  }
0x86: {  	_ =	shalt  }
0x87: {  	_ =	shalt  }
.Lfunc_end0:
.L_simem_size_0:
called_computation.2_lowered:
.L_overlay_start_0:
0x88: {  	s2 =	sld [smem:$0x3FD9]  }
0x89: {  	s3 =	sld [smem:$0x3FFE];
	_ =	sdelay $0x1  }
0x8a: {  	s1 =	srdreg.scid  }
0x8b: {  	s0 =	sand.u32 $0x1, s1  }
0x8c: {  	s17 =	sshll.u32 s0, $0xA;
	s2 =	sadd.s32 s3, s2  }
0x8d: {  	s2 =	sadd.s32 s2, s17  }
0x8e: {  	[smem:$0x3FB9] =	sst s2  }
0x8f: {  	_ = 	snop  }
0x90: {  	s2 =	sld [smem:$0x3FD0];
	(tm) =	ssettm $0x1  }
0x91: {  	s18 =	sld [smem:$0x3FFB];
	_ =	sdelay $0x3  }
0x92: {  	_ =	strace s18  }
0x93: {  	s3 =	sld [smem:$0x3FFC];
	_ =	sdelay $0x3  }
0x94: {  	_ =	strace s3  }
0x95: {  	s3 =	sld [smem:$0x3FFD];
	_ =	sdelay $0x3  }
0x96: {  	_ =	strace s3  }
0x97: {  	_ =	strace $0x8FFFFFFF  }
0x98: {  	s19 =	sld [smem:$0x3FDB];
	_ =	sdelay $0x1  }
0x99: {  	s4 =	simm.s32 $_scs_section_size  }
0x9a: {  	s5 =	simm.s32 $_size__tile_overlayer_lowered;
	s6 =	simm.s32 $_tile_overlayer_lowered  }
0x9b: {  	s22 =	simm.s32 $0x1BFF;
	s21 =	sshll.u32 s6, $0x1;
	s3 =	sadd.s32 s4, s19  }
0x9c: {  	s7 =	simm.s32 $0x0;
	s20 =	sshll.u32 s5, $0x1;
	s5 =	sadd.s32 s21, s3  }
0x9d: {  	[timem:s7], [sflag:s22] =	dma.local [hbm:s5], s20  }
0x9e: {  	_ =	swait.ge [sflag:s22], s20  }
0x9f: {  	s4 =	ssub.s32 $0x0, s20;
	[sflag:s22] =	ssyncset.done $0x0  }
0xa0: {  	[sflag:s22] =	ssyncadd.s32 s4;
	_ =	sdelay $0x1  }
0xa1: {  	s23 =	simm.s32 $0x1B8B  }
0xa2: {  	_ =	swait.ge [sflag:s23], $0x1  }
0xa3: {  	[sflag:s23] =	ssyncset.done $0x0  }
0xa4: {  	s25 =	simm.s32 $0x1B8E;
	s24 =	sld [smem:$0x3FFE];
	[sflag:s23] =	ssyncadd.s32 $0xFFFFFFFF  }
0xa5: {  	s26 =	simm.s32 $execute0_lowered;
	[smem:$0x3FD2] =	sst s25  }
0xa6: {  	s5 =	sshll.u32 s26, $0x1;
	_ =	strace $0x8000004C;
	[dreg:$0x1] =	wrdreg $0xFFFFFFFF  }
0xa7: {  	s28 =	simm.s32 $_size_execute0_lowered;
	s3 =	sadd.s32 s3, s5;
	[dreg:$0x0] =	wrdreg $0x0  }
0xa8: {  	s5 =	sshll.u32 s28, $0x1;
	[dreg:$0x2] =	wrdreg s3  }
0xa9: {  	[dreg:$0x3] =	wrdreg s5  }
0xaa: {  	[dreg:$0x4] =	wrdreg $0xC0  }
0xab: {  	_ =	task [dreg:s7], $0x5FFFF  }
0xac: {  	[dreg:$0x1] =	wrdreg $0xFFFFFFFF  }
0xad: {  	[dreg:$0x0] =	wrdreg $0x60  }
0xae: {  	[dreg:$0x2] =	wrdreg s24  }
0xaf: {  	[dreg:$0x3] =	wrdreg s2  }
0xb0: {  	[dreg:$0x4] =	wrdreg $0x9  }
0xb1: {  	_ =	task.clear_ibuf [dreg:s7], $0x5FFFF;
	_ =	strace $0x9000004C  }
0xb2: {  	s29 =	simm.s32 $0x9;
	_ =	strace $0x8000004E  }
0xb3: {  	_ =	swait.ge [sflag:s29], $0x1  }
0xb4: {  	[sflag:s29] =	ssyncadd.s32 $0xFFFFFFFF  }
0xb5: {  	_ =	strace $0x9000004E  }
0xb6: {  	_ =	sfence  }
0xb7: {  	s30 =	sld [smem:$0x0];
	_ =	sdelay $0x2  }
0xb8: {  	s31 =	sshll.u32 s1, $0xD;
	s1 =	sshrl.u32 s1, $0x2  }
0xb9: {  	s3 =	sand.u32 $0x4000, s31;
	s1 =	sadd.s32 s1, s30  }
0xba: {  	s0 =	sor.u32 s3, s0;
	s1 =	sshll.u32 s1, $0x11  }
0xbb: {  	s0 =	sor.u32 s1, s0  }
0xbc: {  	s0 =	sadd.s32 $0x8F2B, s0  }
0xbd: {  	[sflag:s0] =	ssyncadd.remote.s32 $0x1  }
0xbe: {  	_ =	sfence.sel $0xFFFF  }
0xbf: {  	[dreg:$0x0] =	wrdreg $0xFFFFFFFF;
	(pc) =	sbr.abs _section_cstart, $3  }
0xc0: {  	[dreg:$0x1] =	wrdreg $0xFFFFFFFF  }
0xc1: {  	_ =	task.clear_ibuf [dreg:s7], $0x2FFFF;
	_ =	strace $0x9FFFFFFF  }
0xc2: {  	(tm) =	ssettm $0x7FFFFFFF  }
0xc3: {  	_ =	shalt  }
tec
execute0_lowered:
.L_overlay_start_1:
0x0: {  	(tag) =	ssettag $0x1  }
0x1: {  	s1 =	srdreg.scid;
	s6 =	rddreg [dreg:$0x0]  }
0x2: {  	s0 =	stileid.u32;
	s8 =	rddreg [dreg:$0x1];
	s2 =	simm.s32 $0x0  }
0x3: {  	s13 =	simm.s32 $0x100;
	s14 =	simm.s32 $0x180;
	s15 =	simm.s32 $0x200  }
0x4: {  	s16 =	simm.s32 $0x280;
	s5 =	sand.u32 $0x1, s1;
	s1 =	rddreg [dreg:$0x2]  }
0x5: {  	s17 =	simm.s32 $0x0;
	s3 =	sshll.u32 s0, $0x8;
	[smem:$0x7FF] =	sst s2  }
0x6: {  	s7 =	sshll.u32 s0, $0x6;
	p0 =	slt.u32 s0, $0x2;
	s4 =	sshll.u32 s5, $0x7  }
0x7: {  	_ =	strace $0x8000004D;
	s11 =	sshll.u32 s5, $0x5;
	s30 =	ssub.s32 $0x2, s5  }
0x8: {  	s5 =	simm.s32 $0x4F;
	s3 =	sor.u32 s4, s3;
	s4 =	sadd.s32 $0x5200, s6  }
0x9: {  	s7 =	sor.u32 s11, s7;
	s12 =	sshrl.u32 s30, $0x1;
	s5 =	simm.s32 @!p0 $0x4E  }
0xa: {  	s11 =	simm.s32 $0x1;
	s9 =	sshrl.u32 s3, $0x3;
	s3 =	sadd.s32 $0x4C00, s6  }
0xb: {  	s31 =	ssub.s32 s30, s12;
	s12 =	simm.s32 $0x80;
	s10 =	sadd.s32 s9, s6  }
0xc: {  	v0 =	vlaneseq.u32;
	s6 =	sadd.s32 s7, s6;
	s7 =	smax.u32 s31, $0x1;
	s8 =	sadd.s32 s9, s8  }
0xd: {  	v1 =	vor.u32 $0x80, v0;
	s6 =	sadd.s32 $0x2D800, s6;
	s9 =	sadd.s32 $0x86A00, s10;
	s10 =	sadd.s32 $0x7CC00, s10  }
.LBB2_1:
0xe: {  	[tilespmem:s2], [sflag:$0x1] =	stream.linear.gather [hbm4b:s10+s2], $0x80, $0x38;
	[tilespmem:$0x380] =	vst v63  }
0xf: {  	_ =	swait.ge [sflag:s11], $0x80  }
0x10: {  	[sflag:s11] =	ssyncset.done $0x0  }
0x11: {  	[sflag:s11] =	ssyncadd.s32 $0xFFFFFF80  }
0x12: {  	[tilespmem:s12], [sflag:$0x1] =	stream.linear.gather [hbm4b:s9+s2], $0x80, $0x38;
	[tilespmem:$0x380] =	vst v63  }
0x13: {  	_ =	swait.ge [sflag:s11], $0x80  }
0x14: {  	[sflag:s11] =	ssyncset.done $0x0  }
0x15: {  	[sflag:s11] =	ssyncadd.s32 $0xFFFFFF80  }
0x16: {  	[tilespmem:s13], [sflag:$0x1] =	stream.indirect.gather [hbm4b:s3+s12], $0x1, s2, s12, $0xb8;
	[tilespmem:$0x380] =	vst v63  }
0x17: {  	_ =	swait.ge [sflag:s11], $0x80  }
0x18: {  	[sflag:s11] =	ssyncset.done $0x0  }
0x19: {  	[sflag:s11] =	ssyncadd.s32 $0xFFFFFF80  }
0x1a: {  	[tilespmem:s14], [sflag:$0x1] =	stream.indirect.gather [hbm4b:s4+s12], $0x1, s12, s12, $0xb8;
	[tilespmem:$0x380] =	vst v63  }
0x1b: {  	_ =	swait.ge [sflag:s11], $0x80  }
0x1c: {  	[sflag:s11] =	ssyncset.done $0x0  }
0x1d: {  	[sflag:s11] =	ssyncadd.s32 $0xFFFFFF80  }
0x1e: {  	v4 =	vld [tilespmem:$0x160]  }
0x1f: {  	v6 =	vld [tilespmem:$0x1B0]  }
0x20: {  	p1 =	sne.s32 s5, $0x1;
	v7 =	vld [tilespmem:$0x1C0]  }
.Ltmp0:
0x21: {  	v9 =	vld [tilespmem:$0x140];
	(pc) =	sbr.rel @!p1 .LBB2_2-.Ltmp0, $4  }
0x22: {  	v10 =	vld [tilespmem:$0x120]  }
0x23: {  	v8 =	vld [tilespmem:$0x130]  }
0x24: {  	v12 =	vld [tilespmem:$0x1A0]  }
0x25: {  	v3 =	vimm.f32 $-3.000000010e+38;
	v2 =	vimm.f32 $0.0e+00;
	s20 =	sadd.s32 $0xFFFFFFFF, s5;
	p0 =	por $0x0, $0x0;
	v11 =	vld [tilespmem:$0x110]  }
0x26: {  	v5 =	vld [tilespmem:$0x100]  }
0x27: {  	v13 =	vld [tilespmem:$0x180]  }
0x28: {  	v14 =	vld [tilespmem:$0x190]  }
0x29: {  	v15 =	vld [tilespmem:$0x1D0]  }
0x2a: {  	v16 =	vld [tilespmem:$0x1E0]  }
0x2b: {  	v7 =	vadd.f32 v7, v9;
	v9 =	vld [tilespmem:$0x170];
	v10 =	vadd.f32 v12, v10  }
0x2c: {  	v6 =	vadd.f32 v6, v8;
	v12 =	vld [tilespmem:$0x1F0];
	v5 =	vadd.f32 v13, v5  }
0x2d: {  	v17 =	vmul.f32 $2.000000030e-01, v7;
	v13 =	vld [tilespmem:$0x150];
	v11 =	vadd.f32 v14, v11;
	v14 =	vmul.f32 $2.000000030e-01, v10  }
0x2e: {  	v63 =	vmul.f32 $2.000000030e-01, v6;
	v8 =	vmul.f32 $2.000000030e-01, v5  }
0x2f: {  	v7 =	vmax.f32 v7, v17;
	v10 =	vmax.f32 v10, v14;
	v14 =	vmul.f32 $2.000000030e-01, v11  }
0x30: {  	v4 =	vadd.f32 v16, v4;
	[tilespmem:$0x240] =	vst v7;
	v6 =	vmax.f32 v6, v63;
	v5 =	vmax.f32 v5, v8  }
0x31: {  	[tilespmem:$0x230] =	vst v6;
	v9 =	vadd.f32 v12, v9;
	v8 =	vmax.f32 v11, v14;
	v11 =	vmax.f32 v3, v5  }
0x32: {  	[tilespmem:$0x220] =	vst v10;
	v12 =	vadd.f32 v15, v13;
	v13 =	vmul.f32 $2.000000030e-01, v4;
	v3 =	vsub.f32 v3, v11  }
0x33: {  	[tilespmem:$0x200] =	vst v5;
	v14 =	vmul.f32 $2.000000030e-01, v9;
	v5 =	vsub.f32 v5, v11  }
0x34: {  	[tilespmem:$0x210] =	vst v8;
	v15 =	vmul.f32 $2.000000030e-01, v12;
	v13 =	vmax.f32 v4, v13;
	v3 =	vmul.f32 $1.442695020e+00, v3  }
0x35: {  	v4 =	vmul.f32 $1.442695020e+00, v5;
	[tilespmem:$0x260] =	vst v13;
	v5 =	vmax.f32 v9, v14;
	v9 =	vmax.f32 v11, v8  }
0x36: {  	v12 =	vmax.f32 v12, v15;
	[tilespmem:$0x270] =	vst v5;
	(erf) = vpow2.f32 v3;
	v3 =	vsub.f32 v11, v9  }
0x37: {  	[tilespmem:$0x250] =	vst v12;
	(erf) = vpow2.f32 v4;
	v4 =	vsub.f32 v8, v9  }
0x38: {  	[hbm4b:s8+s2] =	stream.linear.scatter [tilespmem:s15], [sflag:$0x1], $0x80, $0x38;
	v8 =	vmax.f32 v9, v10;
	v3 =	vmul.f32 $1.442695020e+00, v3;
	[tilespmem:$0x380] =	vst v63  }
0x39: {  	_ =	swait.ge [sflag:s11], $0x80;
	v9 =	vsub.f32 v9, v8;
	v4 =	vmul.f32 $1.442695020e+00, v4  }
0x3a: {  	[sflag:s11] =	ssyncset.done $0x0;
	(erf) = vpow2.f32 v3  }
0x3b: {  	s18 =	sadd.s32 $0x200, s10;
	[sflag:s11] =	ssyncadd.s32 $0xFFFFFF80;
	(erf) = vpow2.f32 v4;
	v4 =	vmul.f32 $1.442695020e+00, v9  }
0x3c: {  	v3 =	vsub.f32 v10, v8;
	[tilespmem:s2], [sflag:$0x1] =	stream.linear.gather [hbm4b:s18+s2], $0x80, $0x38;
	[tilespmem:$0x380] =	vst v63  }
0x3d: {  	v9 =	vmax.f32 v8, v6;
	_ =	swait.ge [sflag:s11], $0x80  }
0x3e: {  	v3 =	vmul.f32 $1.442695020e+00, v3;
	v8 =	vsub.f32 v8, v9;
	[sflag:s11] =	ssyncset.done $0x0  }
0x3f: {  	s19 =	sadd.s32 $0x200, s9;
	v10 =	vmax.f32 v9, v7;
	v6 =	vsub.f32 v6, v9;
	(erf) = vpow2.f32 v4;
	[sflag:s11] =	ssyncadd.s32 $0xFFFFFF80;
	v4 =	vpop (erf)  }
0x40: {  	v11 =	vmax.f32 v10, v12;
	v9 =	vsub.f32 v9, v10;
	(erf) = vpow2.f32 v3;
	[tilespmem:s12], [sflag:$0x1] =	stream.linear.gather [hbm4b:s19+s2], $0x80, $0x38;
	v14 =	vpop (erf);
	[tilespmem:$0x380] =	vst v63  }
0x41: {  	v8 =	vmul.f32 $1.442695020e+00, v8;
	v15 =	vmax.f32 v11, v13;
	v4 =	vmul.f32 v4, v2;
	_ =	swait.ge [sflag:s11], $0x80  }
0x42: {  	v7 =	vsub.f32 v7, v10;
	v6 =	vmul.f32 $1.442695020e+00, v6;
	v3 =	vmax.f32 v15, v5;
	[sflag:s11] =	ssyncset.done $0x0  }
0x43: {  	v5 =	vsub.f32 v5, v3;
	v4 =	vadd.f32 v4, v14;
	(erf) = vpow2.f32 v8;
	[sflag:s11] =	ssyncadd.s32 $0xFFFFFF80  }
0x44: {  	v8 =	vmul.f32 $1.442695020e+00, v9;
	v9 =	vpop (erf);
	(erf) = vpow2.f32 v6;
	v6 =	vsub.f32 v10, v11;
	[tilespmem:s13], [sflag:$0x1] =	stream.indirect.gather [hbm4b:s3+s12], $0x1, s2, s12, $0xb8;
	[tilespmem:$0x380] =	vst v63  }
0x45: {  	v5 =	vmul.f32 $1.442695020e+00, v5;
	v4 =	vmul.f32 v9, v4;
	_ =	swait.ge [sflag:s11], $0x80  }
0x46: {  	v7 =	vmul.f32 $1.442695020e+00, v7;
	v9 =	vpop (erf);
	[sflag:s11] =	ssyncset.done $0x0;
	(erf) = vpow2.f32 v8  }
0x47: {  	v4 =	vadd.f32 v4, v9;
	[sflag:s11] =	ssyncadd.s32 $0xFFFFFF80;
	(erf) = vpow2.f32 v5  }
0x48: {  	v5 =	vmul.f32 $1.442695020e+00, v6;
	v6 =	vpop (erf);
	[tilespmem:s14], [sflag:$0x1] =	stream.indirect.gather [hbm4b:s4+s12], $0x1, s12, s12, $0xb8;
	(erf) = vpow2.f32 v7;
	[tilespmem:$0x380] =	vst v63  }
0x49: {  	v4 =	vmul.f32 v6, v4;
	_ =	swait.ge [sflag:s11], $0x80  }
0x4a: {  	v6 =	vpop (erf)  }
0x4b: {  	v7 =	vsub.f32 v12, v11;
	(erf) = vpow2.f32 v5;
	v5 =	vadd.f32 v4, v6  }
0x4c: {  	v8 =	vsub.f32 v13, v15;
	v6 =	vpop (erf)  }
0x4d: {  	v9 =	vsub.f32 v11, v15;
	[sflag:s11] =	ssyncset.done $0x0;
	v10 =	vmul.f32 $1.442695020e+00, v7;
	v5 =	vmul.f32 v6, v5  }
0x4e: {  	v13 =	vmul.f32 $1.442695020e+00, v8;
	[sflag:s11] =	ssyncadd.s32 $0xFFFFFF80;
	v12 =	vpop (erf)  }
0x4f: {  	v8 =	vmul.f32 $1.442695020e+00, v9;
	v4 =	vld [tilespmem:$0x160];
	(erf) = vpow2.f32 v10;
	v5 =	vadd.f32 v5, v12  }
0x50: {  	v7 =	vld [tilespmem:$0x1C0]  }
0x51: {  	p1 =	sne.s32 s20, $0x1;
	v11 =	vsub.f32 v15, v3;
	v9 =	vld [tilespmem:$0x140];
	(erf) = vpow2.f32 v8;
	v12 =	vpop (erf)  }
.Ltmp1:
0x52: {  	v10 =	vld [tilespmem:$0x120];
	v14 =	vmul.f32 v12, v5;
	(pc) =	sbr.rel @!p1 .LBB2_4-.Ltmp1, $4  }
0x53: {  	v11 =	vmul.f32 $1.442695020e+00, v11;
	v6 =	vld [tilespmem:$0x1B0];
	(erf) = vpow2.f32 v13;
	v5 =	vpop (erf)  }
0x54: {  	v8 =	vld [tilespmem:$0x130];
	v13 =	vpop (erf)  }
0x55: {  	(erf) = vpow2.f32 v11;
	v12 =	vld [tilespmem:$0x1A0];
	v13 =	vadd.f32 v14, v13  }
0x56: {  	s21 =	sadd.s32 $0xFFFFFFFF, s20;
	p0 =	por $0x1, $0x1;
	s20 =	smov.u32 s8;
	v11 =	vld [tilespmem:$0x110];
	v14 =	vpop (erf)  }
.LBB2_5:
0x57: {  	p1 =	sne.s32 s21, $0x1;
	s21 =	sadd.s32 $0xFFFFFFFF, s21;
	v15 =	vld [tilespmem:$0x190];
	v13 =	vmul.f32 v14, v13;
	s20 =	sadd.s32 $0x200, s20  }
0x58: {  	v14 =	vld [tilespmem:$0x100];
	v16 =	vpop (erf)  }
0x59: {  	v17 =	vld [tilespmem:$0x180];
	v13 =	vadd.f32 v13, v16  }
0x5a: {  	v10 =	vadd.f32 v12, v10;
	v12 =	vld [tilespmem:$0x1D0];
	v16 =	vpop (erf)  }
0x5b: {  	v7 =	vadd.f32 v7, v9;
	v9 =	vld [tilespmem:$0x150];
	v13 =	vmul.f32 v16, v13  }
0x5c: {  	v11 =	vadd.f32 v15, v11;
	v15 =	vmul.f32 $2.000000030e-01, v10;
	v16 =	vld [tilespmem:$0x1E0];
	v18 =	vpop (erf)  }
0x5d: {  	v6 =	vadd.f32 v6, v8;
	v8 =	vmul.f32 $2.000000030e-01, v7;
	v19 =	vld [tilespmem:$0x170];
	v13 =	vadd.f32 v13, v18  }
0x5e: {  	v14 =	vadd.f32 v17, v14;
	v17 =	vmul.f32 $2.000000030e-01, v11;
	v10 =	vmax.f32 v10, v15;
	v15 =	vld [tilespmem:$0x1F0];
	v18 =	vpop (erf)  }
0x5f: {  	v20 =	vmul.f32 $2.000000030e-01, v6;
	v7 =	vmax.f32 v7, v8;
	[tilespmem:$0x220] =	vst v10;
	v8 =	vmul.f32 v18, v13  }
0x60: {  	v13 =	vmul.f32 $2.000000030e-01, v14;
	[tilespmem:$0x240] =	vst v7;
	v9 =	vadd.f32 v12, v9  }
0x61: {  	v6 =	vmax.f32 v6, v20;
	v11 =	vmax.f32 v11, v17;
	v5 =	vadd.f32 v8, v5  }
0x62: {  	v4 =	vadd.f32 v16, v4;
	v8 =	vmax.f32 v14, v13;
	[tilespmem:$0x210] =	vst v11;
	v12 =	vmul.f32 $2.000000030e-01, v9  }
0x63: {  	[tilespmem:$0x200] =	vst v8;
	v13 =	vmax.f32 v3, v8;
	v14 =	vadd.f32 v15, v19  }
0x64: {  	v15 =	vmul.f32 $2.000000030e-01, v4;
	v3 =	vsub.f32 v3, v13;
	v8 =	vsub.f32 v8, v13;
	[tilespmem:$0x230] =	vst v6  }
0x65: {  	v16 =	vmax.f32 v13, v11;
	v17 =	vmul.f32 $2.000000030e-01, v14  }
0x66: {  	v4 =	vmax.f32 v4, v15;
	v3 =	vmul.f32 $1.442695020e+00, v3;
	v8 =	vmul.f32 $1.442695020e+00, v8  }
0x67: {  	v13 =	vsub.f32 v13, v16;
	v11 =	vsub.f32 v11, v16;
	[tilespmem:$0x260] =	vst v4;
	v14 =	vmax.f32 v14, v17  }
0x68: {  	v9 =	vmax.f32 v9, v12;
	v15 =	vmax.f32 v16, v10;
	[tilespmem:$0x270] =	vst v14;
	(erf) = vpow2.f32 v3  }
0x69: {  	v12 =	vsub.f32 v16, v15;
	v3 =	vmul.f32 $1.442695020e+00, v13;
	[tilespmem:$0x250] =	vst v9;
	(erf) = vpow2.f32 v8  }
0x6a: {  	v10 =	vsub.f32 v10, v15;
	v8 =	vmul.f32 $1.442695020e+00, v11;
	v11 =	vmax.f32 v15, v6;
	[hbm4b:s20+s2] =	stream.linear.scatter [tilespmem:s15], [sflag:$0x1], $0x80, $0x38;
	[tilespmem:$0x380] =	vst v63  }
0x6b: {  	v12 =	vmul.f32 $1.442695020e+00, v12;
	v13 =	vsub.f32 v15, v11;
	v6 =	vsub.f32 v6, v11;
	_ =	swait.ge [sflag:s11], $0x80  }
0x6c: {  	v10 =	vmul.f32 $1.442695020e+00, v10;
	v15 =	vmax.f32 v11, v7;
	[sflag:s11] =	ssyncset.done $0x0;
	(erf) = vpow2.f32 v3  }
0x6d: {  	s18 =	sadd.s32 $0x200, s18;
	v13 =	vmul.f32 $1.442695020e+00, v13;
	v6 =	vmul.f32 $1.442695020e+00, v6;
	v3 =	vsub.f32 v11, v15;
	[sflag:s11] =	ssyncadd.s32 $0xFFFFFF80  }
0x6e: {  	v7 =	vsub.f32 v7, v15;
	v11 =	vmax.f32 v15, v9;
	[tilespmem:s2], [sflag:$0x1] =	stream.linear.gather [hbm4b:s18+s2], $0x80, $0x38;
	(erf) = vpow2.f32 v8;
	[tilespmem:$0x380] =	vst v63  }
0x6f: {  	v17 =	vsub.f32 v15, v11;
	v9 =	vsub.f32 v9, v11;
	v8 =	vmul.f32 $1.442695020e+00, v3;
	_ =	swait.ge [sflag:s11], $0x80  }
0x70: {  	v7 =	vmul.f32 $1.442695020e+00, v7;
	v15 =	vmax.f32 v11, v4;
	[sflag:s11] =	ssyncset.done $0x0;
	(erf) = vpow2.f32 v12  }
0x71: {  	s19 =	sadd.s32 $0x200, s19;
	v4 =	vsub.f32 v4, v15;
	v9 =	vmul.f32 $1.442695020e+00, v9;
	v12 =	vmul.f32 $1.442695020e+00, v17;
	[sflag:s11] =	ssyncadd.s32 $0xFFFFFF80;
	v3 =	vpop (erf)  }
0x72: {  	v11 =	vsub.f32 v11, v15;
	[tilespmem:s12], [sflag:$0x1] =	stream.linear.gather [hbm4b:s19+s2], $0x80, $0x38;
	v5 =	vmul.f32 v3, v5;
	v16 =	vpop (erf);
	(erf) = vpow2.f32 v10;
	[tilespmem:$0x380] =	vst v63  }
0x73: {  	v3 =	vmax.f32 v15, v14;
	_ =	swait.ge [sflag:s11], $0x80  }
0x74: {  	[sflag:s11] =	ssyncset.done $0x0;
	v5 =	vadd.f32 v5, v16;
	v16 =	vmul.f32 $1.442695020e+00, v4;
	(erf) = vpow2.f32 v13  }
0x75: {  	v10 =	vmul.f32 $1.442695020e+00, v11;
	v11 =	vsub.f32 v14, v3;
	v4 =	vsub.f32 v15, v3;
	[sflag:s11] =	ssyncadd.s32 $0xFFFFFF80;
	v13 =	vpop (erf)  }
0x76: {  	[tilespmem:s13], [sflag:$0x1] =	stream.indirect.gather [hbm4b:s3+s12], $0x1, s2, s12, $0xb8;
	v5 =	vmul.f32 v13, v5;
	(erf) = vpow2.f32 v6;
	[tilespmem:$0x380] =	vst v63  }
0x77: {  	_ =	swait.ge [sflag:s11], $0x80  }
0x78: {  	v14 =	vmul.f32 $1.442695020e+00, v4;
	v4 =	vmul.f32 $1.442695020e+00, v11;
	v6 =	vpop (erf)  }
0x79: {  	[sflag:s11] =	ssyncset.done $0x0;
	v11 =	vadd.f32 v5, v6;
	(erf) = vpow2.f32 v8  }
0x7a: {  	[sflag:s11] =	ssyncadd.s32 $0xFFFFFF80;
	v6 =	vpop (erf);
	(erf) = vpow2.f32 v4  }
0x7b: {  	[tilespmem:s14], [sflag:$0x1] =	stream.indirect.gather [hbm4b:s4+s12], $0x1, s12, s12, $0xb8;
	v4 =	vmul.f32 v6, v11;
	(erf) = vpow2.f32 v7;
	[tilespmem:$0x380] =	vst v63  }
0x7c: {  	_ =	swait.ge [sflag:s11], $0x80  }
0x7d: {  	v5 =	vpop (erf)  }
0x7e: {  	[sflag:s11] =	ssyncset.done $0x0;
	v5 =	vadd.f32 v4, v5;
	(erf) = vpow2.f32 v12  }
0x7f: {  	[sflag:s11] =	ssyncadd.s32 $0xFFFFFF80;
	v6 =	vpop (erf)  }
0x80: {  	v4 =	vld [tilespmem:$0x160];
	v5 =	vmul.f32 v6, v5;
	(erf) = vpow2.f32 v9  }
0x81: {  	v6 =	vld [tilespmem:$0x1B0];
	v8 =	vpop (erf)  }
0x82: {  	v7 =	vld [tilespmem:$0x1C0];
	v12 =	vadd.f32 v5, v8;
	(erf) = vpow2.f32 v10  }
.Ltmp2:
0x83: {  	v9 =	vld [tilespmem:$0x140];
	v8 =	vpop (erf);
	(pc) =	sbr.rel @p1 .LBB2_5-.Ltmp2, $4  }
0x84: {  	v10 =	vld [tilespmem:$0x120];
	v11 =	vmul.f32 v8, v12;
	(erf) = vpow2.f32 v16;
	v5 =	vpop (erf)  }
0x85: {  	v8 =	vld [tilespmem:$0x130];
	v13 =	vpop (erf)  }
0x86: {  	v12 =	vld [tilespmem:$0x1A0];
	v13 =	vadd.f32 v11, v13;
	(erf) = vpow2.f32 v14  }
0x87: {  	v11 =	vld [tilespmem:$0x110];
	v14 =	vpop (erf)  }
.LBB2_6:
0x88: {  	v15 =	vld [tilespmem:$0x100]  }
0x89: {  	v16 =	vld [tilespmem:$0x180]  }
0x8a: {  	v17 =	vld [tilespmem:$0x190]  }
0x8b: {  	v19 =	vld [tilespmem:$0x1E0]  }
0x8c: {  	v63 =	vld [tilespmem:$0x170]  }
0x8d: {  	v7 =	vadd.f32 v7, v9;
	v25 =	vld [tilespmem:$0x1F0]  }
0x8e: {  	v18 =	vld [tilespmem:$0x1D0];
	v6 =	vadd.f32 v6, v8  }
0x8f: {  	v26 =	vld [tilespmem:$0x150];
	v28 =	vmul.f32 $2.000000030e-01, v7;
	v24 =	vadd.f32 v16, v15  }
0x90: {  	v13 =	vmul.f32 @p0 v14, v13;
	v10 =	vadd.f32 v12, v10;
	v30 =	vmul.f32 $2.000000030e-01, v6  }
0x91: {  	v7 =	vmax.f32 v7, v28;
	v11 =	vadd.f32 v17, v11;
	v29 =	vmul.f32 $2.000000030e-01, v24  }
0x92: {  	v27 =	vmul.f32 $2.000000030e-01, v10;
	v4 =	vadd.f32 v19, v4;
	v12 =	vadd.f32 v25, v63  }
0x93: {  	[tilespmem:$0x240] =	vst v7;
	v6 =	vmax.f32 v6, v30;
	v20 =	vmul.f32 $2.000000030e-01, v11;
	v9 =	vmax.f32 v24, v29  }
0x94: {  	v32 =	vadd.f32 v18, v26;
	v10 =	vmax.f32 v10, v27;
	[tilespmem:$0x230] =	vst v6;
	v31 =	vmax.f32 v3, v9  }
0x95: {  	v15 =	vpop @p0 (erf);
	v33 =	vmul.f32 $2.000000030e-01, v4;
	[tilespmem:$0x220] =	vst v10;
	v11 =	vmax.f32 v11, v20;
	v3 =	vsub.f32 v3, v31  }
0x96: {  	v8 =	vadd.f32 @p0 v13, v15;
	v34 =	vmul.f32 $2.000000030e-01, v12;
	v35 =	vmul.f32 $2.000000030e-01, v32;
	[tilespmem:$0x210] =	vst v11  }
0x97: {  	v4 =	vmax.f32 v4, v33;
	[tilespmem:$0x200] =	vst v9;
	v9 =	vsub.f32 v9, v31;
	v3 =	vmul.f32 $1.442695020e+00, v3  }
0x98: {  	v12 =	vmax.f32 v12, v34;
	v14 =	vmax.f32 v32, v35;
	[tilespmem:$0x260] =	vst v4;
	v36 =	vmax.f32 v31, v11  }
0x99: {  	s18 =	sadd.s32 @p0 $0x200, s20;
	s19 =	smov.u32 s8;
	v16 =	vpop @p0 (erf);
	[tilespmem:$0x270] =	vst v12;
	v13 =	vsub.f32 v31, v36;
	v9 =	vmul.f32 $1.442695020e+00, v9;
	(erf) = vpow2.f32 v3  }
0x9a: {  	s19 =	smov.u32 @p0 s18;
	[tilespmem:$0x250] =	vst v14;
	v3 =	vmul.f32 @p0 v16, v8;
	v8 =	vpop @p0 (erf)  }
0x9b: {  	[hbm4b:s19+s2] =	stream.linear.scatter [tilespmem:s15], [sflag:$0x1], $0x80, $0x38;
	v11 =	vsub.f32 v11, v36;
	v13 =	vmul.f32 $1.442695020e+00, v13;
	v16 =	vpop @p0 (erf);
	(erf) = vpow2.f32 v9;
	[tilespmem:$0x380] =	vst v63  }
0x9c: {  	v37 =	vmax.f32 v36, v10;
	v3 =	vadd.f32 @p0 v3, v8;
	_ =	swait.ge [sflag:s11], $0x80  }
0x9d: {  	v38 =	vsub.f32 v36, v37;
	v11 =	vmul.f32 $1.442695020e+00, v11;
	(erf) = vpow2.f32 v13  }
0x9e: {  	v10 =	vsub.f32 v10, v37;
	v3 =	vmul.f32 @p0 v16, v3  }
0x9f: {  	v39 =	vmax.f32 v37, v6;
	v9 =	vmul.f32 $1.442695020e+00, v38;
	(erf) = vpow2.f32 v11  }
0xa0: {  	v40 =	vsub.f32 v37, v39;
	v3 =	vadd.f32 @p0 v3, v5  }
0xa1: {  	v6 =	vsub.f32 v6, v39;
	v41 =	vmul.f32 $1.442695020e+00, v10;
	(erf) = vpow2.f32 v9  }
0xa2: {  	v42 =	vmax.f32 v39, v7;
	v5 =	vmul.f32 $1.442695020e+00, v40;
	v2 =	vpsel p0, v3, v2;
	v43 =	vpop (erf)  }
0xa3: {  	v3 =	vmax.f32 v42, v14;
	(erf) = vpow2.f32 v41;
	v2 =	vmul.f32 v43, v2  }
0xa4: {  	v44 =	vsub.f32 v39, v42;
	v6 =	vmul.f32 $1.442695020e+00, v6;
	v45 =	vmax.f32 v3, v4;
	v46 =	vpop (erf)  }
0xa5: {  	v47 =	vmax.f32 v45, v12;
	(erf) = vpow2.f32 v5;
	v2 =	vadd.f32 v2, v46  }
0xa6: {  	v48 =	vmul.f32 $1.442695020e+00, v44;
	v49 =	vsub.f32 v12, v47;
	v50 =	vpop (erf)  }
0xa7: {  	v7 =	vsub.f32 v7, v42;
	(erf) = vpow2.f32 v6;
	v2 =	vmul.f32 v50, v2  }
0xa8: {  	v51 =	vsub.f32 v42, v3;
	v8 =	vmul.f32 $1.442695020e+00, v49;
	v52 =	vpop (erf)  }
0xa9: {  	v7 =	vmul.f32 $1.442695020e+00, v7;
	(erf) = vpow2.f32 v48;
	v2 =	vadd.f32 v2, v52  }
0xaa: {  	v53 =	vmul.f32 $1.442695020e+00, v51;
	v54 =	vpop (erf);
	(erf) = vpow2.f32 v8  }
0xab: {  	v55 =	vsub.f32 v14, v3;
	(erf) = vpow2.f32 v7;
	v2 =	vmul.f32 v54, v2  }
0xac: {  	v3 =	vsub.f32 v3, v45;
	v56 =	vpop (erf)  }
0xad: {  	v57 =	vmul.f32 $1.442695020e+00, v55;
	(erf) = vpow2.f32 v53;
	v2 =	vadd.f32 v2, v56  }
0xae: {  	v3 =	vmul.f32 $1.442695020e+00, v3;
	v58 =	vpop (erf)  }
0xaf: {  	v4 =	vsub.f32 v4, v45;
	(erf) = vpow2.f32 v57;
	v2 =	vmul.f32 v58, v2  }
0xb0: {  	v59 =	vsub.f32 v45, v47;
	v60 =	vpop (erf)  }
0xb1: {  	v4 =	vmul.f32 $1.442695020e+00, v4;
	(erf) = vpow2.f32 v3;
	v2 =	vadd.f32 v2, v60  }
0xb2: {  	v3 =	vmul.f32 $1.442695020e+00, v59;
	v61 =	vpop (erf)  }
0xb3: {  	(erf) = vpow2.f32 v4;
	v62 =	vpop (erf);
	v2 =	vmul.f32 v61, v2  }
0xb4: {  	v63 =	vpop (erf)  }
0xb5: {  	(erf) = vpow2.f32 v3;
	v2 =	vadd.f32 v2, v63  }
0xb6: {  	v3 =	vpop (erf)  }
0xb7: {  	v2 =	vmul.f32 v3, v2  }
0xb8: {  	v3 =	vpop (erf)  }
0xb9: {  	v2 =	vadd.f32 v2, v3  }
0xba: {  	v3 =	vpop (erf)  }
0xbb: {  	v2 =	vmul.f32 v3, v2  }
0xbc: {  	v3 =	vpop (erf)  }
0xbd: {  	v2 =	vadd.f32 v2, v3  }
0xbe: {  	v3 =	vpop (erf)  }
0xbf: {  	v2 =	vmul.f32 v3, v2  }
0xc0: {  	[sflag:s11] =	ssyncset.done $0x0  }
0xc1: {  	[sflag:s11] =	ssyncadd.s32 $0xFFFFFF80;
	v2 =	vadd.f32 v2, v62  }
0xc2: {  	s17 =	sadd.s32 $0x1, s17;
	[tilespmem:v0+s16+$0x0] =	vst.idx.msk $0xffff, v47  }
0xc3: {  	p0 =	sne.s32 s17, s7;
	[tilespmem:v1+s16+$0x0] =	vst.idx.msk $0xffff, v2  }
0xc4: {  	[hbm4b:s6+s2] =	stream.linear.scatter [tilespmem:s16], [sflag:$0x1], $0x100, $0x38;
	[tilespmem:$0x380] =	vst v63  }
.Ltmp3:
0xc5: {  	_ = 	snop;
	(pc) =	sbr.rel @p0 .LBB2_1-.Ltmp3, $4  }
.Ltmp4:
0xc6: {  	_ = 	snop;
	(pc) =	sbr.rel @!p0 .LBB2_7-.Ltmp4, $4  }
0xc7: {  	_ =	swait.ge [sflag:s11], $0x100  }
0xc8: {  	[sflag:s11] =	ssyncset.done $0x0  }
0xc9: {  	[sflag:s11] =	ssyncadd.s32 $0xFFFFFF00  }
0xca: {  	_ = 	snop  }
.LBB2_2:
.Ltmp5:
0xcb: {  	(pc) =	sbr.rel .LBB2_6-.Ltmp5, $2  }
0xcc: {  	_ =	sdelay $0x2  }
0xcd: {  	s20 =	smov.u32 s8  }
.LBB2_4:
.Ltmp6:
0xce: {  	(pc) =	sbr.rel .LBB2_6-.Ltmp6, $2  }
0xcf: {  	_ =	sdelay $0x2  }
0xd0: {  	s20 =	smov.u32 s8  }
.LBB2_7:
0xd1: {  	_ =	sfence.sel $0x180000  }
0xd2: {  	[bflag:$0x0] =	sbarrier.arrive $0xFFFF  }
0xd3: {  	p0 =	sne.s32 s0, $0x0;
	_ =	strace $0x9000004D  }
0xd4: {  	s0 =	sadd.s32 @!p0 $0x100000, s1;
	[bflag:$0x2] =	sbarrier.arrive $0xFFFF  }
0xd5: {  	[sflag:s0] =	ssyncadd.tile.s32 @!p0 $0x1;
	_ =	shalt  }
.Lfunc_end2:
_tile_overlayer_lowered:
.L_overlay_start_2:
0xd6: {  	(tag) =	ssettag $0x2  }
0xd7: {  	s0 =	rddreg [dreg:$0x0];
	s2 =	stileid.u32  }
0xd8: {  	s1 =	rddreg [dreg:$0x1];
	p0 =	sne.s32 s2, $0x0  }
0xd9: {  	s3 =	rddreg [dreg:$0x2];
	[bflag:$0x3] =	sbarrier.arrive $0xFFFF;
	s2 =	simm.s32 @!p0 $0x1C01  }
0xda: {  	[timem:s3], [sflag:s2] =	dma.local @!p0 [hbm:s0], s1  }
0xdb: {  	s0 =	simm.s32 @!p0 $0x1  }
0xdc: {  	_ =	swait.ge @!p0 [sflag:s0], s1  }
0xdd: {  	s1 =	ssub.s32 @!p0 $0x0, s1;
	[sflag:s0] =	ssyncset.done @!p0 $0x0  }
0xde: {  	[sflag:s0] =	ssyncadd.s32 @!p0 s1  }
0xdf: {  	[bflag:$0x3] =	sbarrier.arrive $0xFFFF  }
0xe0: {  	_ =	shalt  }

// kernel: kernel.20.cloned.1.call-start
scs
__scs_entry_jumppad:
0x0: {  	(pc) =	sbr.rel $0x88, $3  }
0x1: {  	(tag) =	ssettag $0x0;
	lr =	simm.s32 $0x1  }
0x2: {  	[smem:$0x3F92] =	sst lr;
	_ =	strace $0xD0000000  }
0x3: {  	_ = 	snop  }
0x4: {  	_ = 	snop  }
0x5: {  	_ = 	snop  }
0x6: {  	_ = 	snop  }
0x7: {  	_ = 	snop  }
__scs_overlays_trampoline_lowered:
0x8: {  	[smem:$0x3FA1] =	sst s0  }
0x9: {  	[smem:$0x3FA2] =	sst s1  }
0xa: {  	[smem:$0x3FA3] =	sst s2  }
0xb: {  	[smem:$0x3FA4] =	sst s3  }
0xc: {  	[smem:$0x3FA5] =	sst s4  }
0xd: {  	[smem:$0x3FA6] =	sst s5  }
0xe: {  	[smem:$0x3FA7] =	sst s6  }
0xf: {  	[smem:$0x3FA8] =	sst s7  }
0x10: {  	[smem:$0x3FA9] =	sst s8  }
0x11: {  	[smem:$0x3FAA] =	sst s9;
	s0 =	simm.s32 @!p0 $0x0  }
0x12: {  	s1 =	sld [smem:$0x3F90];
	s0 =	simm.s32 @p0 $0x1  }
0x13: {  	[smem:$0x3FAB] =	sst s0;
	s0 =	simm.s32 @!p1 $0x0  }
0x14: {  	s2 =	sld [smem:$0x3F8F];
	s0 =	simm.s32 @p1 $0x1  }
0x15: {  	[smem:$0x3FAC] =	sst s0;
	s0 =	simm.s32 @!p2 $0x0  }
0x16: {  	s3 =	sld [smem:$0x3FDB];
	s0 =	simm.s32 @p2 $0x1  }
0x17: {  	s4 =	simm.s32 $0x1BF5;
	[smem:$0x3FAE] =	sst s0  }
0x18: {  	s0 =	sld [smem:$0x3F91];
	_ =	swait.ge [sflag:s4], $0x0  }
0x19: {  	s7 =	sld [smem:$0x3F92]  }
0x1a: {  	s8 =	sadd.s32 $0xFFFFE003, lr  }
0x1b: {  	s9 =	sadd.s32 $0xFFFFFEF7, lr;
	s5 =	simm.s32 $0xFFFFFFFF;
	p2 =	slt.u32 s8, $0xFFFFF086  }
0x1c: {  	p1 =	slt.u32 s9, $0xF7A;
	s5 =	simm.s32 @!p2 $0x0  }
0x1d: {  	s5 =	simm.s32 @p1 $0x1;
	p0 =	seq.s32 s7, s2  }
0x1e: {  	s7 =	smul.u32 @!p0 $0xF7A, s2;
	p2 =	seq.s32 @!p0 s5, $0x0  }
0x1f: {  	s9 =	smul.u32 $0xF7A, s1;
	s8 =	simm.s32 @!p0 $0x1BF5;
	p2 =	por !p2, p0  }
0x20: {  	[sflag:s8] =	ssyncset.s32 @!p0 $0xFFFFF086;
	s6 =	sadd.s32 @!p0 s3, s7;
	s7 =	simm.s32 @!p0 $0x108  }
0x21: {  	s3 =	sadd.s32 s3, s9;
	s6 =	sadd.s32 @!p0 $0x88, s6;
	s7 =	simm.s32 @p2 $0x1082  }
0x22: {  	[simem:s7], [sflag:s8] =	dma.local @!p0 [hbm:s6], $0xF7A  }
0x23: {  	s9 =	sor.u32 $0xD0000000, s2;
	s6 =	simm.s32 $0x108;
	_ =	swait.ge @!p0 [sflag:s8], $0x0  }
0x24: {  	s3 =	sadd.s32 $0x88, s3;
	s6 =	simm.s32 @!p1 $0x1082;
	[sflag:s4] =	ssyncset.s32 $0xFFFFF086  }
0x25: {  	[simem:s6], [sflag:s4] =	dma.local [hbm:s3], $0xF7A  }
0x26: {  	[smem:$0x3F92] =	sst s1;
	(tag) =	ssettag s2;
	_ =	strace s9  }
0x27: {  	s1 =	sld [smem:$0x3FA2]  }
0x28: {  	s2 =	sld [smem:$0x3FA3]  }
0x29: {  	s4 =	sld [smem:$0x3FA5]  }
0x2a: {  	p0 =	seq.s32 s5, $0x0;
	s5 =	sld [smem:$0x3FA6]  }
0x2b: {  	s6 =	sld [smem:$0x3FA7]  }
0x2c: {  	s7 =	sld [smem:$0x3FA8]  }
0x2d: {  	s3 =	simm.s32 $0x108;
	s8 =	sld [smem:$0x3FA9]  }
0x2e: {  	s3 =	simm.s32 @!p0 $0x1082;
	s9 =	sld [smem:$0x3FAA]  }
0x2f: {  	lr =	sadd.s32 s0, s3;
	s0 =	sld [smem:$0x3FA1]  }
0x30: {  	s3 =	sld [smem:$0x3FA4]  }
0x31: {  	[smem:$0x3FAD] =	sst s10  }
0x32: {  	s10 =	sld [smem:$0x3FAB];
	_ =	sdelay $0x3  }
0x33: {  	p0 =	seq.s32 s10, $0x1;
	s10 =	sld [smem:$0x3FAD];
	_ =	sdelay $0x3  }
0x34: {  	[smem:$0x3FAD] =	sst s10  }
0x35: {  	s10 =	sld [smem:$0x3FAC];
	_ =	sdelay $0x3  }
0x36: {  	p1 =	seq.s32 s10, $0x1;
	s10 =	sld [smem:$0x3FAD];
	_ =	sdelay $0x3  }
0x37: {  	[smem:$0x3FAD] =	sst s10  }
0x38: {  	s10 =	sld [smem:$0x3FAE]  }
0x39: {  	_ = 	snop;
	(pc) =	sbr.ind lr, $3  }
0x3a: {  	_ = 	snop  }
0x3b: {  	_ = 	snop  }
0x3c: {  	p2 =	seq.s32 s10, $0x1;
	s10 =	sld [smem:$0x3FAD]  }
0x3d: {  	_ =	shalt  }
0x3e: {  	_ =	shalt  }
0x3f: {  	_ =	shalt  }
0x40: {  	_ =	shalt  }
0x41: {  	_ =	shalt  }
0x42: {  	_ =	shalt  }
0x43: {  	_ =	shalt  }
0x44: {  	_ =	shalt  }
0x45: {  	_ =	shalt  }
0x46: {  	_ =	shalt  }
0x47: {  	_ =	shalt  }
0x48: {  	_ =	shalt  }
0x49: {  	_ =	shalt  }
0x4a: {  	_ =	shalt  }
0x4b: {  	_ =	shalt  }
0x4c: {  	_ =	shalt  }
0x4d: {  	_ =	shalt  }
0x4e: {  	_ =	shalt  }
0x4f: {  	_ =	shalt  }
0x50: {  	_ =	shalt  }
0x51: {  	_ =	shalt  }
0x52: {  	_ =	shalt  }
0x53: {  	_ =	shalt  }
0x54: {  	_ =	shalt  }
0x55: {  	_ =	shalt  }
0x56: {  	_ =	shalt  }
0x57: {  	_ =	shalt  }
0x58: {  	_ =	shalt  }
0x59: {  	_ =	shalt  }
0x5a: {  	_ =	shalt  }
0x5b: {  	_ =	shalt  }
0x5c: {  	_ =	shalt  }
0x5d: {  	_ =	shalt  }
0x5e: {  	_ =	shalt  }
0x5f: {  	_ =	shalt  }
0x60: {  	_ =	shalt  }
0x61: {  	_ =	shalt  }
0x62: {  	_ =	shalt  }
0x63: {  	_ =	shalt  }
0x64: {  	_ =	shalt  }
0x65: {  	_ =	shalt  }
0x66: {  	_ =	shalt  }
0x67: {  	_ =	shalt  }
0x68: {  	_ =	shalt  }
0x69: {  	_ =	shalt  }
0x6a: {  	_ =	shalt  }
0x6b: {  	_ =	shalt  }
0x6c: {  	_ =	shalt  }
0x6d: {  	_ =	shalt  }
0x6e: {  	_ =	shalt  }
0x6f: {  	_ =	shalt  }
0x70: {  	_ =	shalt  }
0x71: {  	_ =	shalt  }
0x72: {  	_ =	shalt  }
0x73: {  	_ =	shalt  }
0x74: {  	_ =	shalt  }
0x75: {  	_ =	shalt  }
0x76: {  	_ =	shalt  }
0x77: {  	_ =	shalt  }
0x78: {  	_ =	shalt  }
0x79: {  	_ =	shalt  }
0x7a: {  	_ =	shalt  }
0x7b: {  	_ =	shalt  }
0x7c: {  	_ =	shalt  }
0x7d: {  	_ =	shalt  }
0x7e: {  	_ =	shalt  }
0x7f: {  	_ =	shalt  }
0x80: {  	_ =	shalt  }
0x81: {  	_ =	shalt  }
0x82: {  	_ =	shalt  }
0x83: {  	_ =	shalt  }
0x84: {  	_ =	shalt  }
0x85: {  	_ =	shalt  }
0x86: {  	_ =	shalt  }
0x87: {  	_ =	shalt  }
.Lfunc_end0:
.L_simem_size_0:
called_computation.3_lowered:
.L_overlay_start_0:
0x88: {  	s2 =	sld [smem:$0x3FD9]  }
0x89: {  	s3 =	sld [smem:$0x3FFE];
	_ =	sdelay $0x1  }
0x8a: {  	s1 =	srdreg.scid  }
0x8b: {  	s0 =	sand.u32 $0x1, s1  }
0x8c: {  	s17 =	sshll.u32 s0, $0xA;
	s2 =	sadd.s32 s3, s2  }
0x8d: {  	s2 =	sadd.s32 s2, s17  }
0x8e: {  	[smem:$0x3FB9] =	sst s2  }
0x8f: {  	_ = 	snop  }
0x90: {  	s2 =	sld [smem:$0x3FD0];
	(tm) =	ssettm $0x1  }
0x91: {  	s18 =	sld [smem:$0x3FFB];
	_ =	sdelay $0x3  }
0x92: {  	_ =	strace s18  }
0x93: {  	s3 =	sld [smem:$0x3FFC];
	_ =	sdelay $0x3  }
0x94: {  	_ =	strace s3  }
0x95: {  	s3 =	sld [smem:$0x3FFD];
	_ =	sdelay $0x3  }
0x96: {  	_ =	strace s3  }
0x97: {  	_ =	strace $0x8FFFFFFF  }
0x98: {  	s19 =	sld [smem:$0x3FDB];
	_ =	sdelay $0x1  }
0x99: {  	s4 =	simm.s32 $_scs_section_size  }
0x9a: {  	s5 =	simm.s32 $_size__tile_overlayer_lowered;
	s6 =	simm.s32 $_tile_overlayer_lowered  }
0x9b: {  	s22 =	simm.s32 $0x1BFF;
	s21 =	sshll.u32 s6, $0x1;
	s3 =	sadd.s32 s4, s19  }
0x9c: {  	s7 =	simm.s32 $0x0;
	s20 =	sshll.u32 s5, $0x1;
	s5 =	sadd.s32 s21, s3  }
0x9d: {  	[timem:s7], [sflag:s22] =	dma.local [hbm:s5], s20  }
0x9e: {  	_ =	swait.ge [sflag:s22], s20  }
0x9f: {  	s4 =	ssub.s32 $0x0, s20;
	[sflag:s22] =	ssyncset.done $0x0  }
0xa0: {  	[sflag:s22] =	ssyncadd.s32 s4;
	_ =	sdelay $0x1  }
0xa1: {  	s23 =	simm.s32 $0x1B8B  }
0xa2: {  	_ =	swait.ge [sflag:s23], $0x1  }
0xa3: {  	[sflag:s23] =	ssyncset.done $0x0  }
0xa4: {  	s25 =	simm.s32 $0x1B8E;
	s24 =	sld [smem:$0x3FFE];
	[sflag:s23] =	ssyncadd.s32 $0xFFFFFFFF  }
0xa5: {  	s26 =	simm.s32 $execute0_lowered;
	[smem:$0x3FD2] =	sst s25  }
0xa6: {  	s5 =	sshll.u32 s26, $0x1;
	_ =	strace $0x8000004F;
	[dreg:$0x1] =	wrdreg $0xFFFFFFFF  }
0xa7: {  	s28 =	simm.s32 $_size_execute0_lowered;
	s3 =	sadd.s32 s3, s5;
	[dreg:$0x0] =	wrdreg $0x0  }
0xa8: {  	s5 =	sshll.u32 s28, $0x1;
	[dreg:$0x2] =	wrdreg s3  }
0xa9: {  	[dreg:$0x3] =	wrdreg s5  }
0xaa: {  	[dreg:$0x4] =	wrdreg $0xC0  }
0xab: {  	_ =	task [dreg:s7], $0x5FFFF  }
0xac: {  	[dreg:$0x1] =	wrdreg $0xFFFFFFFF  }
0xad: {  	[dreg:$0x0] =	wrdreg $0x60  }
0xae: {  	[dreg:$0x2] =	wrdreg s24  }
0xaf: {  	[dreg:$0x3] =	wrdreg s2  }
0xb0: {  	[dreg:$0x4] =	wrdreg $0xA2000  }
0xb1: {  	[dreg:$0x5] =	wrdreg $0x9  }
0xb2: {  	_ =	task.clear_ibuf [dreg:s7], $0x6FFFF;
	_ =	strace $0x9000004F  }
0xb3: {  	s29 =	simm.s32 $0x9;
	_ =	strace $0x80000051  }
0xb4: {  	_ =	swait.ge [sflag:s29], $0x1  }
0xb5: {  	[sflag:s29] =	ssyncadd.s32 $0xFFFFFFFF  }
0xb6: {  	_ =	strace $0x90000051  }
0xb7: {  	_ =	sfence  }
0xb8: {  	s30 =	sld [smem:$0x0];
	_ =	sdelay $0x2  }
0xb9: {  	s31 =	sshll.u32 s1, $0xD;
	s1 =	sshrl.u32 s1, $0x2  }
0xba: {  	s3 =	sand.u32 $0x4000, s31;
	s1 =	sadd.s32 s1, s30  }
0xbb: {  	s0 =	sor.u32 s3, s0;
	s1 =	sshll.u32 s1, $0x11  }
0xbc: {  	s0 =	sor.u32 s1, s0  }
0xbd: {  	s0 =	sadd.s32 $0x8F2B, s0  }
0xbe: {  	[sflag:s0] =	ssyncadd.remote.s32 $0x1  }
0xbf: {  	_ =	sfence.sel $0xFFFF  }
0xc0: {  	[dreg:$0x0] =	wrdreg $0xFFFFFFFF;
	(pc) =	sbr.abs _section_cstart, $3  }
0xc1: {  	[dreg:$0x1] =	wrdreg $0xFFFFFFFF  }
0xc2: {  	_ =	task.clear_ibuf [dreg:s7], $0x2FFFF;
	_ =	strace $0x9FFFFFFF  }
0xc3: {  	(tm) =	ssettm $0x7FFFFFFF  }
tec
execute0_lowered:
.L_overlay_start_1:
0x0: {  	(tag) =	ssettag $0x1  }
0x1: {  	s0 =	rddreg [dreg:$0x0]  }
0x2: {  	s1 =	rddreg [dreg:$0x1]  }
0x3: {  	s2 =	rddreg [dreg:$0x2];
	s3 =	simm.s32 $0x0  }
0x4: {  	s4 =	srdreg.scid;
	s21 =	stileid.u32;
	s12 =	simm.s32 $0x4F  }
0x5: {  	s28 =	simm.s32 $0x200;
	s29 =	simm.s32 $0x180;
	s30 =	simm.s32 $0x0  }
0x6: {  	s31 =	simm.s32 $0x0;
	[smem:$0x7FF] =	sst s3;
	s5 =	sadd.s32 $0x7CC00, s0  }
0x7: {  	s6 =	sadd.s32 $0x86A00, s0;
	s4 =	sand.u32 $0x1, s4;
	s7 =	smul.u32 $0x50000, s21  }
0x8: {  	s8 =	sadd.s32 $0x2D800, s0;
	s15 =	smul.u32 $0x14000, s21;
	p0 =	slt.u32 s21, $0x2  }
0x9: {  	s21 =	sshll.u32 s21, $0x8;
	_ =	strace $0x80000050;
	[dreg:$0x4] =	wrdreg s8  }
0xa: {  	s9 =	ssub.s32 $0x2, s4;
	s8 =	sadd.s32 $0x5800, s0;
	s0 =	sadd.s32 $0x90800, s0  }
0xb: {  	s20 =	smul.u32 $0x140000, s4;
	s12 =	simm.s32 @!p0 $0x4E;
	s4 =	sshll.u32 s4, $0x7  }
0xc: {  	s10 =	sshrl.u32 s9, $0x1;
	s7 =	sshrl.u32 s7, $0x2;
	s17 =	sadd.s32 $0x4000, s15  }
0xd: {  	s26 =	sadd.s32 $0x8000, s15;
	s18 =	sadd.s32 $0xC000, s15;
	s19 =	sadd.s32 $0x10000, s15  }
0xe: {  	s16 =	ssub.s32 s9, s10;
	s9 =	sadd.s32 s7, s2;
	s10 =	sadd.s32 s17, s2  }
0xf: {  	s11 =	sadd.s32 s26, s2;
	s13 =	sadd.s32 s18, s2;
	s14 =	sadd.s32 s19, s2  }
0x10: {  	s15 =	sadd.s32 s15, s20;
	s17 =	sadd.s32 s20, s17;
	s24 =	sadd.s32 s20, s26  }
0x11: {  	s25 =	sadd.s32 s20, s18;
	s26 =	sadd.s32 s20, s19;
	s22 =	sshrl.u32 s15, $0x3  }
0x12: {  	s17 =	sshrl.u32 s17, $0x3;
	s15 =	sor.u32 s4, s21;
	s4 =	sshrl.u32 s24, $0x3  }
0x13: {  	s7 =	sshrl.u32 s25, $0x3;
	s20 =	sshrl.u32 s26, $0x3;
	s21 =	smax.u32 s16, $0x1  }
0x14: {  	s24 =	simm.s32 $0x4200;
	s25 =	simm.s32 $0x80;
	s26 =	simm.s32 $0x100  }
0x15: {  	s22 =	sadd.s32 s0, s22;
	s23 =	sadd.s32 s0, s17;
	s18 =	sadd.s32 s0, s4  }
0x16: {  	v0 =	vlaneseq.u32;
	s19 =	sadd.s32 s0, s7;
	s20 =	sadd.s32 s0, s20;
	[dreg:$0x5] =	wrdreg s22  }
0x17: {  	v2 =	vimm.f32 $0.0e+00;
	v1 =	vor.u32 $0x80, v0;
	[dreg:$0x6] =	wrdreg s23;
	s22 =	simm.s32 $0x8200;
	s23 =	simm.s32 $0x1  }
.LBB2_1:
0x18: {  	s0 =	simm.s32 $0x0  }
0x19: {  	s4 =	rddreg [dreg:$0x4];
	v3 =	vor.u32 s0, v0  }
0x1a: {  	[tilespmem:s22], [sflag:$0x1] =	stream.linear.gather [hbm4b:s4+s3], $0x2000, $0x38;
	[tilespmem:$0x1E200] =	vst v63  }
0x1b: {  	_ =	swait.ge [sflag:s23], $0x2000  }
0x1c: {  	[sflag:s23] =	ssyncset.done $0x0  }
0x1d: {  	[sflag:s23] =	ssyncadd.s32 $0xFFFFE000  }
0x1e: {  	s7 =	simm.s32 $0x100;
	v3 =	vld.idx.msk [tilespmem:v3+s22+$0x0], $0xffff  }
0x1f: {  	v4 =	vor.u32 s7, v0;
	_ =	sdelay $0x1  }
0x20: {  	s16 =	simm.s32 $0x200  }
0x21: {  	v5 =	vimm.f32 $-3.000000010e+38;
	v7 =	vor.u32 s16, v0  }
0x22: {  	v6 =	vmax.f32 v5, v3  }
0x23: {  	v4 =	vld.idx.msk [tilespmem:v4+s22+$0x0], $0xffff;
	v5 =	vsub.f32 v5, v6  }
0x24: {  	v3 =	vsub.f32 v3, v6  }
0x25: {  	v5 =	vmul.f32 $1.442695020e+00, v5  }
0x26: {  	v7 =	vld.idx.msk [tilespmem:v7+s22+$0x0], $0xffff;
	v3 =	vmul.f32 $1.442695020e+00, v3  }
0x27: {  	(erf) = vpow2.f32 v5  }
0x28: {  	v5 =	vor.u32 s0, v1;
	(erf) = vpow2.f32 v3;
	v3 =	vmax.f32 v6, v4  }
0x29: {  	s4 =	simm.s32 $0x300;
	v6 =	vsub.f32 v6, v3  }
0x2a: {  	v8 =	vor.u32 s4, v0;
	v9 =	vsub.f32 v4, v3  }
0x2b: {  	v4 =	vmax.f32 v3, v7;
	v6 =	vmul.f32 $1.442695020e+00, v6  }
0x2c: {  	v3 =	vsub.f32 v3, v4;
	v9 =	vmul.f32 $1.442695020e+00, v9  }
0x2d: {  	v11 =	vor.u32 s7, v1;
	v5 =	vld.idx.msk [tilespmem:v5+s22+$0x0], $0xffff;
	(erf) = vpow2.f32 v6  }
0x2e: {  	s0 =	simm.s32 $0x400;
	v12 =	vmul.f32 $1.442695020e+00, v3;
	(erf) = vpow2.f32 v9  }
0x2f: {  	v10 =	vsub.f32 v7, v4;
	v7 =	vor.u32 s0, v0;
	v6 =	vld.idx.msk [tilespmem:v8+s22+$0x0], $0xffff  }
0x30: {  	v9 =	vpop (erf);
	(erf) = vpow2.f32 v12  }
0x31: {  	v10 =	vmul.f32 $1.442695020e+00, v10;
	v8 =	vpop (erf)  }
0x32: {  	v3 =	vld.idx.msk [tilespmem:v11+s22+$0x0], $0xffff;
	v9 =	vmul.f32 v9, v2;
	v11 =	vmul.f32 v8, v5  }
0x33: {  	s7 =	simm.s32 $0x5;
	v5 =	vor.u32 s16, v1;
	v8 =	vmov v4  }
.LBB2_2:
0x34: {  	s16 =	sshll.u32 s7, $0x8;
	v4 =	vmax.f32 v4, v6;
	(erf) = vpow2.f32 v10;
	v9 =	vadd.f32 v11, v9;
	v10 =	vmovc v6;
	v6 =	vld.idx.msk [tilespmem:v7+s22+$0x0], $0xffff;
	p0 =	sne.s32 s7, $0x1F  }
.Ltmp0:
0x35: {  	s7 =	sadd.s32 $0x1, s7;
	v7 =	vor.u32 s16, v0;
	v14 =	vsub.f32 v8, v4;
	v10 =	vsub.f32 v10, v4;
	v8 =	vmovc v4;
	(pc) =	sbr.rel @p0 .LBB2_2-.Ltmp0, $4  }
0x36: {  	v12 =	vpop (erf)  }
0x37: {  	v13 =	vmul.f32 $1.442695020e+00, v14;
	v10 =	vmul.f32 $1.442695020e+00, v10;
	v11 =	vpop (erf)  }
0x38: {  	v9 =	vmul.f32 v12, v9;
	v11 =	vmul.f32 v11, v3;
	v3 =	vld.idx.msk [tilespmem:v5+s22+$0x0], $0xffff  }
0x39: {  	v5 =	vor.u32 s4, v1;
	s4 =	smov.u32 s0;
	s0 =	smov.u32 s16;
	(erf) = vpow2.f32 v13  }
0x3a: {  	_ =	sdelay $0x3  }
0x3b: {  	v7 =	vld.idx.msk [tilespmem:v7+s22+$0x0], $0xffff;
	v12 =	vmax.f32 v4, v6  }
0x3c: {  	v4 =	vsub.f32 v8, v12  }
0x3d: {  	v6 =	vsub.f32 v6, v12  }
0x3e: {  	(erf) = vpow2.f32 v10;
	v8 =	vmul.f32 $1.442695020e+00, v4  }
0x3f: {  	v6 =	vmul.f32 $1.442695020e+00, v6  }
0x40: {  	v4 =	vmax.f32 v12, v7;
	(erf) = vpow2.f32 v8  }
0x41: {  	v60 =	vpop (erf);
	(erf) = vpow2.f32 v6;
	v6 =	vsub.f32 v7, v4  }
0x42: {  	v59 =	vsub.f32 v12, v4  }
0x43: {  	v9 =	vadd.f32 v11, v9;
	v5 =	vld.idx.msk [tilespmem:v5+s22+$0x0], $0xffff;
	v6 =	vmul.f32 $1.442695020e+00, v6  }
0x44: {  	v61 =	vor.u32 s4, v1;
	v8 =	vmul.f32 $1.442695020e+00, v59  }
0x45: {  	v9 =	vmul.f32 v60, v9;
	v7 =	vpop (erf)  }
0x46: {  	v3 =	vmul.f32 v7, v3;
	v7 =	vpop (erf);
	(erf) = vpow2.f32 v8  }
0x47: {  	(erf) = vpow2.f32 v6;
	v6 =	vpop (erf)  }
0x48: {  	v3 =	vadd.f32 v3, v9;
	v5 =	vmul.f32 v6, v5  }
0x49: {  	v63 =	vld.idx.msk [tilespmem:v61+s22+$0x0], $0xffff  }
0x4a: {  	v62 =	vor.u32 s0, v1;
	v3 =	vmul.f32 v7, v3;
	_ =	sdelay $0x1  }
0x4b: {  	v3 =	vadd.f32 v5, v3;
	v5 =	vpop (erf)  }
0x4c: {  	v6 =	vpop (erf)  }
0x4d: {  	v3 =	vmul.f32 v5, v3;
	v5 =	vmul.f32 v6, v63  }
0x4e: {  	v7 =	vld.idx.msk [tilespmem:v62+s22+$0x0], $0xffff;
	_ =	sdelay $0x2  }
0x4f: {  	v3 =	vadd.f32 v5, v3;
	v5 =	vpop (erf)  }
0x50: {  	v6 =	vpop (erf)  }
0x51: {  	v3 =	vmul.f32 v5, v3;
	v5 =	vmul.f32 v6, v7;
	_ =	sdelay $0x1  }
0x52: {  	s0 =	simm.s32 $0x0;
	s4 =	simm.s32 $0x200;
	v5 =	vadd.f32 v5, v3  }
.LBB2_4:
0x53: {  	p0 =	sne.s32 s4, $0xFE00;
	[tilespmem:s0+$0x4270] =	vst v2  }
0x54: {  	[tilespmem:s0+$0x4200] =	vst v2  }
0x55: {  	[tilespmem:s0+$0x4210] =	vst v2  }
.Ltmp1:
0x56: {  	[tilespmem:s0+$0x4220] =	vst v2;
	(pc) =	sbr.rel @p0 .LBB2_4-.Ltmp1, $4  }
0x57: {  	[tilespmem:s0+$0x4230] =	vst v2  }
0x58: {  	[tilespmem:s0+$0x4240] =	vst v2  }
0x59: {  	[tilespmem:s0+$0x4250] =	vst v2  }
0x5a: {  	[tilespmem:s0+$0x4260] =	vst v2;
	s0 =	sshra.s32 s4, $0x2;
	s4 =	sadd.s32 $0x200, s4  }
0x5b: {  	(xrf0) =	vmax.scan.msk.f32 $0xffff, v4;
	_ =	sdelay $0x5  }
0x5c: {  	v3, _, _ =	vpop (xrf0)  }
0x5d: {  	v3 =	vbroadcast v3, $0xF;
	_ =	sdelay $0x1  }
0x5e: {  	v4 =	vsub.f32 v4, v3;
	_ =	sdelay $0x1  }
0x5f: {  	v4 =	vmul.f32 $1.442695020e+00, v4;
	_ =	sdelay $0x1  }
0x60: {  	(erf) = vpow2.f32 v4;
	_ =	sdelay $0x8  }
0x61: {  	v4 =	vpop (erf)  }
0x62: {  	v4 =	vmul.f32 v4, v5;
	_ =	sdelay $0x1  }
0x63: {  	(xrf2) =	vadd.scan.msk.f32 $0xffff, v4;
	_ =	sdelay $0x9  }
0x64: {  	v4, _, _ =	vpop (xrf2)  }
0x65: {  	v4 =	vbroadcast v4, $0xF;
	_ =	sdelay $0x1  }
0x66: {  	(erf) = vrcp.f32 v4  }
0x67: {  	[tilespmem:s0+$0x4270] =	vst v2  }
0x68: {  	[tilespmem:s0+$0x4200] =	vst v2  }
0x69: {  	[tilespmem:s0+$0x4210] =	vst v2  }
0x6a: {  	[tilespmem:s0+$0x4220] =	vst v2  }
0x6b: {  	[tilespmem:s0+$0x4230] =	vst v2  }
0x6c: {  	[tilespmem:s0+$0x4240] =	vst v2  }
0x6d: {  	[tilespmem:s0+$0x4250] =	vst v2  }
0x6e: {  	[tilespmem:s0+$0x4260] =	vst v2  }
0x6f: {  	[spmem:s9] =	stream.linear.scatter [tilespmem:s24], [sflag:$0x1], $0x4000, $0x38;
	v4 =	vpop (erf);
	[tilespmem:$0x1E200] =	vst v63  }
0x70: {  	_ =	swait.ge [sflag:s23], $0x4000  }
0x71: {  	[sflag:s23] =	ssyncset.done $0x0  }
0x72: {  	[sflag:s23] =	ssyncadd.s32 $0xFFFFC000  }
0x73: {  	[spmem:s10] =	stream.linear.scatter [tilespmem:s24], [sflag:$0x1], $0x4000, $0x38;
	[tilespmem:$0x1E200] =	vst v63  }
0x74: {  	_ =	swait.ge [sflag:s23], $0x4000  }
0x75: {  	[sflag:s23] =	ssyncset.done $0x0  }
0x76: {  	[sflag:s23] =	ssyncadd.s32 $0xFFFFC000  }
0x77: {  	[spmem:s11] =	stream.linear.scatter [tilespmem:s24], [sflag:$0x1], $0x4000, $0x38;
	[tilespmem:$0x1E200] =	vst v63  }
0x78: {  	_ =	swait.ge [sflag:s23], $0x4000  }
0x79: {  	[sflag:s23] =	ssyncset.done $0x0  }
0x7a: {  	[sflag:s23] =	ssyncadd.s32 $0xFFFFC000  }
0x7b: {  	[spmem:s13] =	stream.linear.scatter [tilespmem:s24], [sflag:$0x1], $0x4000, $0x38;
	[tilespmem:$0x1E200] =	vst v63  }
0x7c: {  	_ =	swait.ge [sflag:s23], $0x4000  }
0x7d: {  	[sflag:s23] =	ssyncset.done $0x0  }
0x7e: {  	[sflag:s23] =	ssyncadd.s32 $0xFFFFC000  }
0x7f: {  	[spmem:s14] =	stream.linear.scatter [tilespmem:s24], [sflag:$0x1], $0x4000, $0x38;
	[tilespmem:$0x1E200] =	vst v63  }
0x80: {  	_ =	swait.ge [sflag:s23], $0x4000  }
0x81: {  	[sflag:s23] =	ssyncset.done $0x0  }
0x82: {  	[sflag:s23] =	ssyncadd.s32 $0xFFFFC000  }
0x83: {  	s0 =	simm.s32 $0x0;
	[bflag:$0x0] =	sbarrier.arrive $0xFFFF  }
.LBB2_6:
0x84: {  	s4 =	sshll.u32 s0, $0xC  }
0x85: {  	s4 =	sor.u32 s15, s4  }
0x86: {  	s4 =	sshrl.u32 s4, $0x3  }
0x87: {  	s7 =	sadd.s32 s5, s4  }
0x88: {  	[tilespmem:s31], [sflag:$0x1] =	stream.linear.gather [hbm4b:s7+s31], $0x80, $0x38;
	[tilespmem:$0x1E200] =	vst v63  }
0x89: {  	_ =	swait.ge [sflag:s23], $0x80  }
0x8a: {  	[sflag:s23] =	ssyncset.done $0x0  }
0x8b: {  	s17 =	sadd.s32 s6, s4;
	[sflag:s23] =	ssyncadd.s32 $0xFFFFFF80  }
0x8c: {  	[tilespmem:s25], [sflag:$0x1] =	stream.linear.gather [hbm4b:s17+s31], $0x80, $0x38;
	[tilespmem:$0x1E200] =	vst v63  }
0x8d: {  	_ =	swait.ge [sflag:s23], $0x80  }
0x8e: {  	[sflag:s23] =	ssyncset.done $0x0  }
0x8f: {  	s4 =	sadd.s32 s1, s4;
	[sflag:s23] =	ssyncadd.s32 $0xFFFFFF80  }
0x90: {  	[tilespmem:s26], [sflag:$0x1] =	stream.linear.gather [hbm4b:s4+s31], $0x80, $0x38;
	[tilespmem:$0x1E200] =	vst v63  }
0x91: {  	_ =	swait.ge [sflag:s23], $0x80  }
0x92: {  	[sflag:s23] =	ssyncset.done $0x0  }
0x93: {  	[sflag:s23] =	ssyncadd.s32 $0xFFFFFF80  }
0x94: {  	[tilespmem:s28], [sflag:$0x1] =	stream.indirect.gather [hbm4b:s8+s25], $0x80, s25, s25, $0xb8;
	[tilespmem:$0x1E200] =	vst v63  }
0x95: {  	_ =	swait.ge [sflag:s23], $0x4000  }
0x96: {  	[sflag:s23] =	ssyncset.done $0x0  }
0x97: {  	[sflag:s23] =	ssyncadd.s32 $0xFFFFC000  }
0x98: {  	v5 =	vld [tilespmem:$0x100]  }
0x99: {  	v6 =	vld [tilespmem:$0x110]  }
0x9a: {  	v7 =	vld [tilespmem:$0x120]  }
0x9b: {  	v8 =	vld [tilespmem:$0x130]  }
0x9c: {  	v9 =	vld [tilespmem:$0x140]  }
0x9d: {  	v10 =	vld [tilespmem:$0x150];
	v5 =	vsub.f32 v5, v3  }
0x9e: {  	v11 =	vld [tilespmem:$0x160];
	v6 =	vsub.f32 v6, v3  }
0x9f: {  	v12 =	vld [tilespmem:$0x170];
	v7 =	vsub.f32 v7, v3;
	v5 =	vmul.f32 $1.442695020e+00, v5  }
0xa0: {  	v8 =	vsub.f32 v8, v3;
	v6 =	vmul.f32 $1.442695020e+00, v6  }
0xa1: {  	(erf) = vpow2.f32 v5;
	v5 =	vmul.f32 $1.442695020e+00, v7;
	v7 =	vsub.f32 v9, v3  }
0xa2: {  	(erf) = vpow2.f32 v6;
	v6 =	vmul.f32 $1.442695020e+00, v8;
	v8 =	vsub.f32 v10, v3  }
0xa3: {  	(erf) = vpow2.f32 v5;
	v5 =	vmul.f32 $1.442695020e+00, v7;
	v7 =	vsub.f32 v11, v3  }
0xa4: {  	(erf) = vpow2.f32 v6;
	v6 =	vmul.f32 $1.442695020e+00, v8;
	v8 =	vsub.f32 v12, v3  }
0xa5: {  	(erf) = vpow2.f32 v5;
	v5 =	vmul.f32 $1.442695020e+00, v7  }
0xa6: {  	(erf) = vpow2.f32 v6;
	v6 =	vmul.f32 $1.442695020e+00, v8  }
0xa7: {  	(erf) = vpow2.f32 v5  }
0xa8: {  	(erf) = vpow2.f32 v6;
	_ =	sdelay $0x1  }
0xa9: {  	v5 =	vpop (erf)  }
0xaa: {  	v6 =	vpop (erf);
	v5 =	vmul.f32 v5, v4  }
0xab: {  	v7 =	vpop (erf);
	v6 =	vmul.f32 v6, v4  }
0xac: {  	v8 =	vpop (erf);
	[tilespmem:$0x180] =	vst v5;
	v5 =	vmul.f32 v7, v4  }
0xad: {  	v7 =	vpop (erf);
	[tilespmem:$0x190] =	vst v6;
	v6 =	vmul.f32 v8, v4  }
0xae: {  	v8 =	vpop (erf);
	[tilespmem:$0x1A0] =	vst v5;
	v5 =	vmul.f32 v7, v4  }
0xaf: {  	v7 =	vpop (erf);
	[tilespmem:$0x1B0] =	vst v6;
	v6 =	vmul.f32 v8, v4  }
0xb0: {  	[tilespmem:$0x1C0] =	vst v5;
	v5 =	vmul.f32 v7, v4;
	v7 =	vpop (erf)  }
0xb1: {  	[tilespmem:$0x1D0] =	vst v6;
	v6 =	vmul.f32 v7, v4  }
0xb2: {  	[tilespmem:$0x1E0] =	vst v5;
	v5 =	vmov s31  }
0xb3: {  	s4 =	simm.s32 $0x240;
	[tilespmem:$0x1F0] =	vst v6  }
0xb4: {  	v9 =	vld [tilespmem:s4+$0x30]  }
0xb5: {  	v12 =	vld [tilespmem:s4+$0x10]  }
0xb6: {  	v10 =	vld [tilespmem:s4+$0xFFFFFFC0]  }
0xb7: {  	v6 =	vld.idx.msk [tilespmem:v5+s29+$0x0], $0xffff  }
0xb8: {  	v14 =	vld [tilespmem:s4+$0xFFFFFFE0]  }
0xb9: {  	v7 =	vld [tilespmem:s4+$0x20]  }
0xba: {  	v8 =	vld [tilespmem:s4+$0xFFFFFFD0]  }
0xbb: {  	v5 =	vld [tilespmem:s4+$0xFFFFFFF0]  }
0xbc: {  	v13 =	vmul.f32 v9, v6;
	v9 =	vld [tilespmem:s4+$0x0]  }
0xbd: {  	v11 =	vmul.f32 v10, v6  }
0xbe: {  	s16 =	simm.s32 $0x240;
	s7 =	simm.s32 $0x1;
	v10 =	vmul.f32 v14, v6;
	v12 =	vmul.f32 v12, v6  }
.LBB2_7:
0xbf: {  	p0 =	sne.s32 s7, $0x7F  }
0xc0: {  	v8 =	vmul.f32 v8, v6;
	v7 =	vmul.f32 v7, v6;
	[tilespmem:s4+$0x30] =	vst v13;
	s16 =	sadd.s32 $0x80, s16;
	s17 =	smov.u32 s7;
	s7 =	sadd.s32 $0x1, s7  }
0xc1: {  	[tilespmem:s4+$0xFFFFFFC0] =	vst v11;
	v11 =	vmul.f32 v5, v6;
	v6 =	vmul.f32 v9, v6  }
0xc2: {  	[tilespmem:s4+$0x10] =	vst v12  }
0xc3: {  	v9 =	vmov s17;
	[tilespmem:s4+$0xFFFFFFE0] =	vst v10  }
0xc4: {  	v5 =	vld [tilespmem:s16+$0xFFFFFFF0];
	[tilespmem:s4+$0xFFFFFFF0] =	vst v11  }
0xc5: {  	v10 =	vld [tilespmem:s16+$0x30];
	[tilespmem:s4+$0x0] =	vst v6  }
0xc6: {  	v12 =	vld [tilespmem:s16+$0x10];
	[tilespmem:s4+$0x20] =	vst v7  }
0xc7: {  	v11 =	vld [tilespmem:s16+$0xFFFFFFC0];
	[tilespmem:s4+$0xFFFFFFD0] =	vst v8;
	s4 =	smov.u32 s16  }
0xc8: {  	v6 =	vld.idx.msk [tilespmem:v9+s29+$0x0], $0xffff  }
0xc9: {  	v14 =	vld [tilespmem:s16+$0xFFFFFFE0]  }
0xca: {  	v7 =	vld [tilespmem:s16+$0x20]  }
.Ltmp2:
0xcb: {  	v8 =	vld [tilespmem:s16+$0xFFFFFFD0];
	(pc) =	sbr.rel @p0 .LBB2_7-.Ltmp2, $3  }
0xcc: {  	v9 =	vld [tilespmem:s16+$0x0];
	_ =	sdelay $0x1  }
0xcd: {  	v11 =	vmul.f32 v11, v6;
	v13 =	vmul.f32 v10, v6  }
0xce: {  	v12 =	vmul.f32 v12, v6;
	v10 =	vmul.f32 v14, v6  }
0xcf: {  	[tilespmem:s4+$0x30] =	vst v13  }
0xd0: {  	[tilespmem:s4+$0xFFFFFFC0] =	vst v11  }
0xd1: {  	v5 =	vmul.f32 v5, v6;
	[tilespmem:s4+$0x10] =	vst v12  }
0xd2: {  	v7 =	vmul.f32 v7, v6;
	[tilespmem:s4+$0xFFFFFFE0] =	vst v10  }
0xd3: {  	v9 =	vmul.f32 v9, v6;
	[tilespmem:s4+$0xFFFFFFF0] =	vst v5  }
0xd4: {  	s0 =	sadd.s32 $0x1, s0;
	v5 =	vmul.f32 v8, v6;
	[tilespmem:s4+$0x20] =	vst v7  }
0xd5: {  	p0 =	sne.s32 s0, s12;
	[tilespmem:s4+$0x0] =	vst v9  }
.Ltmp3:
0xd6: {  	[tilespmem:s4+$0xFFFFFFD0] =	vst v5;
	(pc) =	sbr.rel @p0 .LBB2_6-.Ltmp3, $4  }
0xd7: {  	[spmem:s2] =	stream.indirect.scatter.add.f32 [tilespmem:s28], [sflag:$0x1], $0x80, s3, s25, $0xb8;
	[tilespmem:$0x1E200] =	vst v63  }
0xd8: {  	_ =	swait.ge [sflag:s23], $0x4000  }
0xd9: {  	[sflag:s23] =	ssyncset.done $0x0  }
0xda: {  	[sflag:s23] =	ssyncadd.s32 $0xFFFFC000  }
0xdb: {  	s0 =	stileid.u32  }
0xdc: {  	[bflag:$0x0] =	sbarrier.arrive $0xFFFF;
	s0 =	sshll.u32 s0, $0x6  }
0xdd: {  	s4 =	sshrl.u32 s9, $0x3;
	s7 =	rddreg [dreg:$0x5];
	s0 =	sor.u32 $0x1C01, s0  }
0xde: {  	[hbm:s7], [sflag:s0] =	dma.local [spmem:s4], $0x800  }
0xdf: {  	_ =	swait.ge [sflag:s23], $0x800  }
0xe0: {  	[sflag:s23] =	ssyncset.done $0x0  }
0xe1: {  	s16 =	sshrl.u32 s10, $0x3;
	s17 =	rddreg [dreg:$0x6];
	[sflag:s23] =	ssyncadd.s32 $0xFFFFF800  }
0xe2: {  	[hbm:s17], [sflag:s0] =	dma.local [spmem:s16], $0x800  }
0xe3: {  	_ =	swait.ge [sflag:s23], $0x800  }
0xe4: {  	[sflag:s23] =	ssyncset.done $0x0  }
0xe5: {  	s7 =	sshrl.u32 s11, $0x3;
	[sflag:s23] =	ssyncadd.s32 $0xFFFFF800  }
0xe6: {  	[hbm:s18], [sflag:s0] =	dma.local [spmem:s7], $0x800  }
0xe7: {  	_ =	swait.ge [sflag:s23], $0x800  }
0xe8: {  	[sflag:s23] =	ssyncset.done $0x0  }
0xe9: {  	s16 =	sshrl.u32 s13, $0x3;
	[sflag:s23] =	ssyncadd.s32 $0xFFFFF800  }
0xea: {  	[hbm:s19], [sflag:s0] =	dma.local [spmem:s16], $0x800  }
0xeb: {  	s30 =	sadd.s32 $0x1, s30;
	_ =	swait.ge [sflag:s23], $0x800  }
0xec: {  	p0 =	sne.s32 s30, s21;
	[sflag:s23] =	ssyncset.done $0x0  }
.Ltmp4:
0xed: {  	s17 =	sshrl.u32 s14, $0x3;
	[sflag:s23] =	ssyncadd.s32 $0xFFFFF800;
	(pc) =	sbr.rel @p0 .LBB2_1-.Ltmp4, $4  }
0xee: {  	[hbm:s20], [sflag:s0] =	dma.local [spmem:s17], $0x800  }
0xef: {  	_ =	swait.ge [sflag:s23], $0x800  }
0xf0: {  	[sflag:s23] =	ssyncset.done $0x0  }
0xf1: {  	[sflag:s23] =	ssyncadd.s32 $0xFFFFF800  }
0xf2: {  	_ =	sfence.sel $0x180000  }
0xf3: {  	[bflag:$0x0] =	sbarrier.arrive $0xFFFF  }
0xf4: {  	_ =	strace $0x90000050  }
0xf5: {  	s0 =	stileid.u32;
	[bflag:$0x2] =	sbarrier.arrive $0xFFFF  }
0xf6: {  	p0 =	sne.s32 s0, $0x0;
	s0 =	rddreg [dreg:$0x3]  }
0xf7: {  	s0 =	sadd.s32 @!p0 $0x100000, s0  }
0xf8: {  	[sflag:s0] =	ssyncadd.tile.s32 @!p0 $0x1;
	_ =	shalt  }
.Lfunc_end2:
_tile_overlayer_lowered:
.L_overlay_start_2:
0xf9: {  	(tag) =	ssettag $0x2  }
0xfa: {  	s0 =	rddreg [dreg:$0x0];
	s2 =	stileid.u32  }
0xfb: {  	s1 =	rddreg [dreg:$0x1];
	p0 =	sne.s32 s2, $0x0  }
0xfc: {  	s3 =	rddreg [dreg:$0x2];
	[bflag:$0x3] =	sbarrier.arrive $0xFFFF;
	s2 =	simm.s32 @!p0 $0x1C01  }
0xfd: {  	[timem:s3], [sflag:s2] =	dma.local @!p0 [hbm:s0], s1  }
0xfe: {  	s0 =	simm.s32 @!p0 $0x1  }
0xff: {  	_ =	swait.ge @!p0 [sflag:s0], s1  }
0x100: {  	s1 =	ssub.s32 @!p0 $0x0, s1;
	[sflag:s0] =	ssyncset.done @!p0 $0x0  }
0x101: {  	[sflag:s0] =	ssyncadd.s32 @!p0 s1  }
0x102: {  	[bflag:$0x3] =	sbarrier.arrive $0xFFFF  }
0x103: {  	_ =	shalt  }

</sc_bundles>
